<compile_context>
chip_gen: v7x
topology: tpu7x:2x2x1
jax: 0.10.2.dev20260603
libtpu: 0.0.44.dev20260713+nightly
codegen_flags: <defaults>
</compile_context>

<pallas_src>
import functools

import jax
import jax.numpy as jnp
from jax import lax
from jax.experimental import pallas as pl
from jax.experimental.pallas import tpu as pltpu
from jax.experimental.pallas import tpu_sc as plsc

NC = 2
NS = 16
NW = NC * NS

_SC_MESH = dict(core_axis_name="c", subcore_axis_name="s",
                num_cores=NC, num_subcores=NS)



def _ln(h, g, b):
    mu = jnp.mean(h, axis=-1, keepdims=True)
    var = jnp.mean((h - mu) ** 2, axis=-1, keepdims=True)
    return (h - mu) / jnp.sqrt(var + 1e-5) * g + b


def _gelu(h):
    return 0.5 * h * (1.0 + lax.erf(h * 0.7071067811865476))


def _tc_first(x, nt2, emb, W, root, b1r, BN):
    N, D = x.shape
    R, _, H = W.shape
    NB = N // BN
    T = emb.shape[0]

    def body(x_ref, nt_ref, emb_ref, w_ref, root_ref, b_ref, h_ref, o_ref):
        r = pl.program_id(1)
        nt = nt_ref[...]
        onehot = (nt == lax.broadcasted_iota(jnp.int32, (BN, T), 1)
                  ).astype(jnp.float32)
        typed = x_ref[...] + jnp.dot(onehot, emb_ref[...],
                                     preferred_element_type=jnp.float32)
        h_ref[0] = jnp.dot(typed, w_ref[0],
                           preferred_element_type=jnp.float32)

        @pl.when(r == 0)
        def _():
            o_ref[...] = jnp.dot(typed, root_ref[...],
                                 preferred_element_type=jnp.float32) \
                         + b_ref[...]

    return pl.pallas_call(
        body,
        grid=(NB, R),
        in_specs=[
            pl.BlockSpec((BN, D), lambda i, r: (i, 0)),
            pl.BlockSpec((BN, 1), lambda i, r: (i, 0)),
            pl.BlockSpec((T, D), lambda i, r: (0, 0)),
            pl.BlockSpec((1, D, H), lambda i, r: (r, 0, 0)),
            pl.BlockSpec((D, H), lambda i, r: (0, 0)),
            pl.BlockSpec((1, H), lambda i, r: (0, 0)),
        ],
        out_specs=[
            pl.BlockSpec((1, BN, H), lambda i, r: (r, i, 0)),
            pl.BlockSpec((BN, H), lambda i, r: (i, 0)),
        ],
        out_shape=[
            jax.ShapeDtypeStruct((R, N, H), jnp.float32),
            jax.ShapeDtypeStruct((N, H), jnp.float32),
        ],
    )(x, nt2, emb, W, root, b1r)


def _tc_mid(out0, agg, g1r, be1r, W, root, b2r, BN):
    N, H = out0.shape
    R, _, D = W.shape
    NB = N // BN

    def body(o0_ref, agg_ref, g_ref, be_ref, w_ref, root_ref, b_ref,
             h_ref, o_ref):
        r = pl.program_id(1)
        s = o0_ref[...] + agg_ref[0] + agg_ref[1]
        act = _gelu(_ln(s, g_ref[...], be_ref[...]))
        h_ref[0] = jnp.dot(act, w_ref[0], preferred_element_type=jnp.float32)

        @pl.when(r == 0)
        def _():
            o_ref[...] = jnp.dot(act, root_ref[...],
                                 preferred_element_type=jnp.float32) \
                         + b_ref[...]

    return pl.pallas_call(
        body,
        grid=(NB, R),
        in_specs=[
            pl.BlockSpec((BN, H), lambda i, r: (i, 0)),
            pl.BlockSpec((2, BN, H), lambda i, r: (0, i, 0)),
            pl.BlockSpec((1, H), lambda i, r: (0, 0)),
            pl.BlockSpec((1, H), lambda i, r: (0, 0)),
            pl.BlockSpec((1, H, D), lambda i, r: (r, 0, 0)),
            pl.BlockSpec((H, D), lambda i, r: (0, 0)),
            pl.BlockSpec((1, D), lambda i, r: (0, 0)),
        ],
        out_specs=[
            pl.BlockSpec((1, BN, D), lambda i, r: (r, i, 0)),
            pl.BlockSpec((BN, D), lambda i, r: (i, 0)),
        ],
        out_shape=[
            jax.ShapeDtypeStruct((R, N, D), jnp.float32),
            jax.ShapeDtypeStruct((N, D), jnp.float32),
        ],
    )(out0, agg, g1r, be1r, W, root, b2r)


def _tc_final(x, out0, agg, g2r, be2r, BN):
    N, D = x.shape
    NB = N // BN

    def body(x_ref, o0_ref, agg_ref, g_ref, be_ref, out_ref):
        h = _ln(o0_ref[...] + agg_ref[0] + agg_ref[1], g_ref[...], be_ref[...])
        out = x_ref[...] + h
        nrm = jnp.sqrt(jnp.sum(out * out, axis=-1, keepdims=True))
        out_ref[...] = out / jnp.maximum(nrm, 1e-12)

    return pl.pallas_call(
        body,
        grid=(NB,),
        in_specs=[
            pl.BlockSpec((BN, D), lambda i: (i, 0)),
            pl.BlockSpec((BN, D), lambda i: (i, 0)),
            pl.BlockSpec((2, BN, D), lambda i: (0, i, 0)),
            pl.BlockSpec((1, D), lambda i: (0, 0)),
            pl.BlockSpec((1, D), lambda i: (0, 0)),
        ],
        out_specs=pl.BlockSpec((BN, D), lambda i: (i, 0)),
        out_shape=jax.ShapeDtypeStruct((N, D), jnp.float32),
    )(x, out0, agg, g2r, be2r)



_CH = 80


def _sc_prep(et, src, dst, N, R):
    E = et.shape[0]
    RN = R * N
    epw = E // NS
    nch = epw // _CH
    zcs = RN // NS
    ZB = 2000
    assert epw % _CH == 0 and zcs % ZB == 0

    mesh = plsc.VectorSubcoreMesh(**_SC_MESH)

    @functools.partial(
        pl.kernel, mesh=mesh,
        out_type=[
            jax.ShapeDtypeStruct((E,), jnp.int32),
            jax.ShapeDtypeStruct((E,), jnp.float32),
        ],
        scratch_types=[
            pltpu.VMEM((_CH,), jnp.int32),
            pltpu.VMEM((_CH,), jnp.int32),
            pltpu.VMEM((_CH,), jnp.int32),
            pltpu.VMEM((_CH,), jnp.int32),
            pltpu.VMEM((_CH,), jnp.int32),
            pltpu.VMEM((_CH,), jnp.float32),
            pltpu.VMEM((ZB,), jnp.float32),
            pltpu.VMEM_SHARED((RN,), jnp.float32),
        ],
    )
    def body(et_h, src_h, dst_h, gidx_h, w_h,
             et_v, src_v, dst_v, gidx_v, cidx_v, w_v, zb_v, cnt_sh):
        core = lax.axis_index("c")
        sub = lax.axis_index("s")

        @pl.when(core == 0)
        def _():
            def zb_zero(k, _):
                zb_v[pl.ds(k * 16, 16)] = jnp.zeros((16,), jnp.float32)
                return 0
            lax.fori_loop(0, ZB // 16, zb_zero, 0)
            for z in range(zcs // ZB):
                pltpu.sync_copy(zb_v, cnt_sh.at[pl.ds(sub * zcs + z * ZB, ZB)])
            def ones_fill(k, _):
                w_v[pl.ds(k * 16, 16)] = jnp.ones((16,), jnp.float32)
                return 0
            lax.fori_loop(0, _CH // 16, ones_fill, 0)
            plsc.subcore_barrier()

            def p1(c, _):
                base = sub * epw + c * _CH
                pltpu.sync_copy(et_h.at[pl.ds(base, _CH)], et_v)
                pltpu.sync_copy(src_h.at[pl.ds(base, _CH)], src_v)
                pltpu.sync_copy(dst_h.at[pl.ds(base, _CH)], dst_v)

                def ix(k, _):
                    sl = pl.ds(k * 16, 16)
                    e16 = et_v[sl] * N
                    gidx_v[sl] = e16 + src_v[sl]
                    cidx_v[sl] = e16 + dst_v[sl]
                    return 0
                lax.fori_loop(0, _CH // 16, ix, 0)
                pltpu.sync_copy(gidx_v, gidx_h.at[pl.ds(base, _CH)])
                pltpu.sync_copy(w_v, cnt_sh.at[cidx_v], add=True)
                return 0
            lax.fori_loop(0, nch, p1, 0)
            plsc.subcore_barrier()

            def inv(z, _):
                off = sub * zcs + z * ZB
                pltpu.sync_copy(cnt_sh.at[pl.ds(off, ZB)], zb_v)

                def iv(k, _):
                    sl = pl.ds(k * 16, 16)
                    zb_v[sl] = 1.0 / jnp.maximum(zb_v[sl], 1.0)
                    return 0
                lax.fori_loop(0, ZB // 16, iv, 0)
                pltpu.sync_copy(zb_v, cnt_sh.at[pl.ds(off, ZB)])
                return 0
            lax.fori_loop(0, zcs // ZB, inv, 0)
            plsc.subcore_barrier()

            def p2(c, _):
                base = sub * epw + c * _CH
                pltpu.sync_copy(et_h.at[pl.ds(base, _CH)], et_v)
                pltpu.sync_copy(dst_h.at[pl.ds(base, _CH)], dst_v)

                def ix(k, _):
                    sl = pl.ds(k * 16, 16)
                    cidx_v[sl] = et_v[sl] * N + dst_v[sl]
                    return 0
                lax.fori_loop(0, _CH // 16, ix, 0)
                pltpu.sync_copy(cnt_sh.at[cidx_v], w_v)
                pltpu.sync_copy(w_v, w_h.at[pl.ds(base, _CH)])
                return 0
            lax.fori_loop(0, nch, p2, 0)

    return body(et, src, dst)


def _sc_agg(h2d, gidx, dst, w, N):
    E = gidx.shape[0]
    H = h2d.shape[1]
    epw = E // NW
    nch = epw // _CH
    ZR = 200
    nzc = N // ZR
    nzi = (nzc + NS - 1) // NS
    assert epw % _CH == 0 and N % ZR == 0 and ZR % 8 == 0

    mesh = plsc.VectorSubcoreMesh(**_SC_MESH)

    @functools.partial(
        pl.kernel, mesh=mesh,
        out_type=jax.ShapeDtypeStruct((NC, N, H), jnp.float32),
        scratch_types=[
            pltpu.VMEM((_CH,), jnp.int32),
            pltpu.VMEM((_CH,), jnp.int32),
            pltpu.VMEM((_CH,), jnp.float32),
            pltpu.VMEM((_CH, 128), jnp.float32),
            pltpu.VMEM((ZR, 128), jnp.float32),
            pltpu.VMEM_SHARED((N, 128), jnp.float32),
        ],
    )
    def body(h_h, gidx_h, dst_h, w_h, agg_h,
             gidx_v, dst_v, w_v, rows_v, zb_v, acc_sh):
        core = lax.axis_index("c")
        sub = lax.axis_index("s")
        wid = sub * NC + core

        def zb_zero(j, _):
            for k in range(8):
                zb_v[j, pl.ds(k * 16, 16)] = jnp.zeros((16,), jnp.float32)
            return 0
        lax.fori_loop(0, ZR, zb_zero, 0)
        for z in range(nzi):
            zc = sub + z * NS

            @pl.when(zc < nzc)
            def _():
                pltpu.sync_copy(zb_v, acc_sh.at[pl.ds(zc * ZR, ZR)])
        plsc.subcore_barrier()

        def chunk(c, _):
            base = wid * epw + c * _CH
            pltpu.sync_copy(gidx_h.at[pl.ds(base, _CH)], gidx_v)
            pltpu.sync_copy(dst_h.at[pl.ds(base, _CH)], dst_v)
            pltpu.sync_copy(w_h.at[pl.ds(base, _CH)], w_v)
            pltpu.sync_copy(h_h.at[gidx_v], rows_v)

            def scale(jj, _):
                v16w = w_v[pl.ds(jj * 16, 16)]
                for lane in range(16):
                    wv = jnp.full((16,), v16w[lane])
                    j = jj * 16 + lane
                    for k in range(8):
                        sl = pl.ds(k * 16, 16)
                        rows_v[j, sl] = rows_v[j, sl] * wv
                return 0
            lax.fori_loop(0, _CH // 16, scale, 0)
            pltpu.sync_copy(rows_v, acc_sh.at[dst_v], add=True)
            return 0
        lax.fori_loop(0, nch, chunk, 0)
        plsc.subcore_barrier()

        for z in range(nzi):
            zc = sub + z * NS

            @pl.when(zc < nzc)
            def _():
                sl = pl.ds(zc * ZR, ZR)
                pltpu.sync_copy(acc_sh.at[sl], agg_h.at[core].at[sl])

    return body(h2d, gidx, dst, w)



def kernel(x, edge_index, edge_type, node_type, node_type_emb,
           W1, root1, b1, g1, be1, W2, root2, b2, g2, be2):
    N, D = x.shape
    R, _, H = W1.shape
    BN = 2000

    src = edge_index[0].astype(jnp.int32)
    dst = edge_index[1].astype(jnp.int32)
    et = edge_type.astype(jnp.int32)
    nt2 = node_type.reshape(N, 1).astype(jnp.int32)

    h1, out0_1 = _tc_first(x, nt2, node_type_emb, W1, root1,
                           b1.reshape(1, H), BN)
    gidx, w_e = _sc_prep(et, src, dst, N, R)
    agg1 = _sc_agg(h1.reshape(R * N, H), gidx, dst, w_e, N)
    h2, out0_2 = _tc_mid(out0_1, agg1, g1.reshape(1, H), be1.reshape(1, H),
                         W2, root2, b2.reshape(1, D), BN)
    agg2 = _sc_agg(h2.reshape(R * N, D), gidx, dst, w_e, N)
    return _tc_final(x, out0_2, agg2, g2.reshape(1, D), be2.reshape(1, D), BN)

# --- scband reference (transcript-rebuilt; emitter-appended) ---
"""Pipeline reference for scband-relation-aware-rgcnencoder-88467736363447 (READ-ONLY COPY).

The authoritative reference and input builder live on the scoring server;
editing this copy changes nothing except your own understanding.
"""

import jax, jax.numpy as jnp
import numpy as np

N = 10000
E = 320000
D = 128
H = 128
R = 16
T = 8

def _layer_norm(h, g, b):
    mu = jnp.mean(h, axis=-1, keepdims=True)
    var = jnp.mean((h - mu) ** 2, axis=-1, keepdims=True)
    return (h - mu) / jnp.sqrt(var + 1e-5) * g + b

def _rgcn_conv(x, edge_index, edge_type, W, root, bias):
    src = edge_index[0]
    dst = edge_index[1]
    out = x @ root + bias
    h_all = jnp.einsum('nd,rdh->rnh', x, W)
    for r in range(W.shape[0]):
        m = (edge_type == r).astype(x.dtype)
        msg = h_all[r][src] * m[:, None]
        summed = jnp.zeros((x.shape[0], W.shape[2]), x.dtype).at[dst].add(msg)
        count = jnp.zeros((x.shape[0],), x.dtype).at[dst].add(m)
        out = out + summed / jnp.maximum(count, 1.0)[:, None]
    return out

def setup_inputs(seed: int = 0):
    key = jax.random.key(seed)
    ks = jax.random.split(key, 16)
    x = jax.random.normal(ks[0], (N, D), dtype=jnp.float32)
    edge_index = jax.random.randint(ks[1], (2, E), 0, N)
    edge_type = jax.random.randint(ks[2], (E,), 0, R)
    node_type = jax.random.randint(ks[3], (N,), 0, T)
    s = 1.0 / np.sqrt(D)
    node_type_emb = jax.random.normal(ks[4], (T, D), jnp.float32) * s
    W1 = jax.random.normal(ks[5], (R, D, H), jnp.float32) * s
    root1 = jax.random.normal(ks[6], (D, H), jnp.float32) * s
    b1 = jnp.zeros((H,), jnp.float32)
    g1 = jnp.ones((H,), jnp.float32)
    be1 = jnp.zeros((H,), jnp.float32)
    W2 = jax.random.normal(ks[7], (R, H, D), jnp.float32) * s
    root2 = jax.random.normal(ks[8], (H, D), jnp.float32) * s
    b2 = jnp.zeros((D,), jnp.float32)
    g2 = jnp.ones((D,), jnp.float32)
    be2 = jnp.zeros((D,), jnp.float32)
    return {"x": x, "edge_index": edge_index, "edge_type": edge_type, "node_type": node_type, "node_type_emb": node_type_emb, "W1": W1, "root1": root1, "b1": b1, "g1": g1, "be1": be1, "W2": W2, "root2": root2, "b2": b2, "g2": g2, "be2": be2}

def reference(x, edge_index, edge_type, node_type, node_type_emb, W1, root1, b1, g1, be1, W2, root2, b2, g2, be2):
    typed = x + node_type_emb[node_type]
    h = _rgcn_conv(typed, edge_index, edge_type, W1, root1, b1)
    h = _layer_norm(h, g1, be1)
    h = jax.nn.gelu(h, approximate=False)
    # dropout is identity in eval mode
    h = _rgcn_conv(h, edge_index, edge_type, W2, root2, b2)
    h = _layer_norm(h, g2, be2)
    out = x + h
    return out / jnp.maximum(jnp.linalg.norm(out, axis=-1, keepdims=True), 1e-12)

if __name__ == "__main__":
    import jax
    _d = setup_inputs()
    print(jax.jit(kernel)(*tuple(_d.values())))

</pallas_src>

<mosaic_0001>
#map = affine_map<(d0, d1) -> (0, 0)>
#map1 = affine_map<(d0, d1) -> (0)>
#map2 = affine_map<(d0, d1) -> (0, 0, 0)>
module attributes {stable_mosaic.version = 14 : i64} {
  func.func @body(%arg0: i32, %arg1: i32, %arg2: memref<160000x128xf32, #tpu.memory_space<hbm>>, %arg3: memref<320000xi32, #tpu.memory_space<hbm>>, %arg4: memref<320000xi32, #tpu.memory_space<hbm>>, %arg5: memref<320000xf32, #tpu.memory_space<hbm>>, %arg6: memref<2x10000x128xf32, #tpu.memory_space<hbm>>, %arg7: memref<80xi32, #tpu.memory_space<vmem>>, %arg8: memref<80xi32, #tpu.memory_space<vmem>>, %arg9: memref<80xf32, #tpu.memory_space<vmem>>, %arg10: memref<80x128xf32, #tpu.memory_space<vmem>>, %arg11: memref<200x128xf32, #tpu.memory_space<vmem>>, %arg12: memref<10000x128xf32, #tpu.memory_space<vmem_shared>>) attributes {dimension_semantics = [#tpu.dimension_semantics<core_parallel>, #tpu.dimension_semantics<subcore_parallel>], iteration_bounds = array<i64: 2, 16>, scalar_prefetch = 0 : i64, scratch_operands = 6 : i64, tpu.core_type = #tpu.core_type<sc_vector_subcore>, window_params = [{transform_indices = #map}, {transform_indices = #map1}, {transform_indices = #map1}, {transform_indices = #map1}, {transform_indices = #map2}]} {
    %mul3A = arith.constant 2 : i32
    %mul3A_0 = arith.muli %arg1, %mul3A : i32
    %add3A = arith.addi %mul3A_0, %arg0 : i32
    %scan3A = arith.constant 0 : i32
    %scan3A_1 = arith.constant 0 : i32
    %scan3A_2 = arith.constant 200 : i32
    %scan3A_3 = arith.addi %scan3A_1, %scan3A_2 : i32
    %scan3A_4 = arith.constant 1 : i32
    %scan3A_5 = scf.for %scan3A_68 = %scan3A_1 to %scan3A_3 step %scan3A_4 iter_args(%scan3A_69 = %scan3A) -> (i32)  : i32 {
      %broadcast_in_dim3A = arith.constant 0.000000e+00 : f32
      %broadcast_in_dim3A_70 = vector.broadcast %broadcast_in_dim3A : f32 to vector<16xf32>
      %swap3A = arith.index_cast %scan3A_68 : i32 to index
      %swap3A_71 = arith.constant 0 : index
      %swap3A_72 = tpu.vector_load %arg11[%swap3A, %swap3A_71] {strides = array<i32>} : memref<200x128xf32, #tpu.memory_space<vmem>>, vector<1x16xf32>,
      %swap3A_73 = vector.shape_cast %swap3A_72 : vector<1x16xf32> to vector<16xf32>
      %swap3A_74 = vector.shape_cast %broadcast_in_dim3A_70 : vector<16xf32> to vector<1x16xf32>
      tpu.vector_store %arg11[%swap3A, %swap3A_71], %swap3A_74 {strides = array<i32>} : memref<200x128xf32, #tpu.memory_space<vmem>>, vector<1x16xf32>,
      %broadcast_in_dim3A_75 = arith.constant 0.000000e+00 : f32
      %broadcast_in_dim3A_76 = vector.broadcast %broadcast_in_dim3A_75 : f32 to vector<16xf32>
      %swap3A_77 = arith.index_cast %scan3A_68 : i32 to index
      %swap3A_78 = arith.constant 16 : index
      %swap3A_79 = tpu.vector_load %arg11[%swap3A_77, %swap3A_78] {strides = array<i32>} : memref<200x128xf32, #tpu.memory_space<vmem>>, vector<1x16xf32>,
      %swap3A_80 = vector.shape_cast %swap3A_79 : vector<1x16xf32> to vector<16xf32>
      %swap3A_81 = vector.shape_cast %broadcast_in_dim3A_76 : vector<16xf32> to vector<1x16xf32>
      tpu.vector_store %arg11[%swap3A_77, %swap3A_78], %swap3A_81 {strides = array<i32>} : memref<200x128xf32, #tpu.memory_space<vmem>>, vector<1x16xf32>,
      %broadcast_in_dim3A_82 = arith.constant 0.000000e+00 : f32
      %broadcast_in_dim3A_83 = vector.broadcast %broadcast_in_dim3A_82 : f32 to vector<16xf32>
      %swap3A_84 = arith.index_cast %scan3A_68 : i32 to index
      %swap3A_85 = arith.constant 32 : index
      %swap3A_86 = tpu.vector_load %arg11[%swap3A_84, %swap3A_85] {strides = array<i32>} : memref<200x128xf32, #tpu.memory_space<vmem>>, vector<1x16xf32>,
      %swap3A_87 = vector.shape_cast %swap3A_86 : vector<1x16xf32> to vector<16xf32>
      %swap3A_88 = vector.shape_cast %broadcast_in_dim3A_83 : vector<16xf32> to vector<1x16xf32>
      tpu.vector_store %arg11[%swap3A_84, %swap3A_85], %swap3A_88 {strides = array<i32>} : memref<200x128xf32, #tpu.memory_space<vmem>>, vector<1x16xf32>,
      %broadcast_in_dim3A_89 = arith.constant 0.000000e+00 : f32
      %broadcast_in_dim3A_90 = vector.broadcast %broadcast_in_dim3A_89 : f32 to vector<16xf32>
      %swap3A_91 = arith.index_cast %scan3A_68 : i32 to index
      %swap3A_92 = arith.constant 48 : index
      %swap3A_93 = tpu.vector_load %arg11[%swap3A_91, %swap3A_92] {strides = array<i32>} : memref<200x128xf32, #tpu.memory_space<vmem>>, vector<1x16xf32>,
      %swap3A_94 = vector.shape_cast %swap3A_93 : vector<1x16xf32> to vector<16xf32>
      %swap3A_95 = vector.shape_cast %broadcast_in_dim3A_90 : vector<16xf32> to vector<1x16xf32>
      tpu.vector_store %arg11[%swap3A_91, %swap3A_92], %swap3A_95 {strides = array<i32>} : memref<200x128xf32, #tpu.memory_space<vmem>>, vector<1x16xf32>,
      %broadcast_in_dim3A_96 = arith.constant 0.000000e+00 : f32
      %broadcast_in_dim3A_97 = vector.broadcast %broadcast_in_dim3A_96 : f32 to vector<16xf32>
      %swap3A_98 = arith.index_cast %scan3A_68 : i32 to index
      %swap3A_99 = arith.constant 64 : index
      %swap3A_100 = tpu.vector_load %arg11[%swap3A_98, %swap3A_99] {strides = array<i32>} : memref<200x128xf32, #tpu.memory_space<vmem>>, vector<1x16xf32>,
      %swap3A_101 = vector.shape_cast %swap3A_100 : vector<1x16xf32> to vector<16xf32>
      %swap3A_102 = vector.shape_cast %broadcast_in_dim3A_97 : vector<16xf32> to vector<1x16xf32>
      tpu.vector_store %arg11[%swap3A_98, %swap3A_99], %swap3A_102 {strides = array<i32>} : memref<200x128xf32, #tpu.memory_space<vmem>>, vector<1x16xf32>,
      %broadcast_in_dim3A_103 = arith.constant 0.000000e+00 : f32
      %broadcast_in_dim3A_104 = vector.broadcast %broadcast_in_dim3A_103 : f32 to vector<16xf32>
      %swap3A_105 = arith.index_cast %scan3A_68 : i32 to index
      %swap3A_106 = arith.constant 80 : index
      %swap3A_107 = tpu.vector_load %arg11[%swap3A_105, %swap3A_106] {strides = array<i32>} : memref<200x128xf32, #tpu.memory_space<vmem>>, vector<1x16xf32>,
      %swap3A_108 = vector.shape_cast %swap3A_107 : vector<1x16xf32> to vector<16xf32>
      %swap3A_109 = vector.shape_cast %broadcast_in_dim3A_104 : vector<16xf32> to vector<1x16xf32>
      tpu.vector_store %arg11[%swap3A_105, %swap3A_106], %swap3A_109 {strides = array<i32>} : memref<200x128xf32, #tpu.memory_space<vmem>>, vector<1x16xf32>,
      %broadcast_in_dim3A_110 = arith.constant 0.000000e+00 : f32
      %broadcast_in_dim3A_111 = vector.broadcast %broadcast_in_dim3A_110 : f32 to vector<16xf32>
      %swap3A_112 = arith.index_cast %scan3A_68 : i32 to index
      %swap3A_113 = arith.constant 96 : index
      %swap3A_114 = tpu.vector_load %arg11[%swap3A_112, %swap3A_113] {strides = array<i32>} : memref<200x128xf32, #tpu.memory_space<vmem>>, vector<1x16xf32>,
      %swap3A_115 = vector.shape_cast %swap3A_114 : vector<1x16xf32> to vector<16xf32>
      %swap3A_116 = vector.shape_cast %broadcast_in_dim3A_111 : vector<16xf32> to vector<1x16xf32>
      tpu.vector_store %arg11[%swap3A_112, %swap3A_113], %swap3A_116 {strides = array<i32>} : memref<200x128xf32, #tpu.memory_space<vmem>>, vector<1x16xf32>,
      %broadcast_in_dim3A_117 = arith.constant 0.000000e+00 : f32
      %broadcast_in_dim3A_118 = vector.broadcast %broadcast_in_dim3A_117 : f32 to vector<16xf32>
      %swap3A_119 = arith.index_cast %scan3A_68 : i32 to index
      %swap3A_120 = arith.constant 112 : index
      %swap3A_121 = tpu.vector_load %arg11[%swap3A_119, %swap3A_120] {strides = array<i32>} : memref<200x128xf32, #tpu.memory_space<vmem>>, vector<1x16xf32>,
      %swap3A_122 = vector.shape_cast %swap3A_121 : vector<1x16xf32> to vector<16xf32>
      %swap3A_123 = vector.shape_cast %broadcast_in_dim3A_118 : vector<16xf32> to vector<1x16xf32>
      tpu.vector_store %arg11[%swap3A_119, %swap3A_120], %swap3A_123 {strides = array<i32>} : memref<200x128xf32, #tpu.memory_space<vmem>>, vector<1x16xf32>,
      %scan3A_124 = arith.constant 0 : i32
      scf.yield %scan3A_124 : i32
    }
    %scan3A_6 = arith.constant 200 : i32
    %add3A_7 = arith.constant 0 : i32
    %add3A_8 = arith.addi %arg1, %add3A_7 : i32
    %lt3A = arith.constant 50 : i32
    %lt3A_9 = arith.cmpi slt, %add3A_8, %lt3A : i32
    %convert_element_type3A = arith.extui %lt3A_9 : i1 to i32
    %cond3A = arith.constant 0 : i32
    %cond3A_10 = arith.cmpi ne, %convert_element_type3A, %cond3A : i32
    scf.if %cond3A_10 {
      %mul3A_68 = arith.constant 200 : i32
      %mul3A_69 = arith.muli %add3A_8, %mul3A_68 : i32
      "tpu.region"() ({
        %run_scoped3A = tpu.sem_alloc : memref<!tpu.dma_semaphore, #tpu.memory_space<semaphore_mem>>
        %dma_start3A = arith.constant 0 : i32
        %dma_start3A_70 = tpu.memref_slice %arg12[%mul3A_69, %dma_start3A] : memref<10000x128xf32, #tpu.memory_space<vmem_shared>> -> memref<200x128xf32, #tpu.memory_space<vmem_shared>>
        %dma_start3A_71 = arith.constant 0 : i32
        %dma_start3A_72 = tpu.memref_slice %arg12[%mul3A_69, %dma_start3A_71] : memref<10000x128xf32, #tpu.memory_space<vmem_shared>> -> memref<200x128xf32, #tpu.memory_space<vmem_shared>>
        tpu.enqueue_dma source(%arg11 : memref<200x128xf32, #tpu.memory_space<vmem>>) target(%dma_start3A_72 : memref<200x128xf32, #tpu.memory_space<vmem_shared>>) target_semaphore(%run_scoped3A : memref<!tpu.dma_semaphore, #tpu.memory_space<semaphore_mem>>)
        %dma_wait3A = arith.constant 0 : i32
        %dma_wait3A_73 = tpu.memref_slice %arg12[%mul3A_69, %dma_wait3A] : memref<10000x128xf32, #tpu.memory_space<vmem_shared>> -> memref<200x128xf32, #tpu.memory_space<vmem_shared>>
        %dma_wait3A_74 = arith.constant 0 : i32
        %dma_wait3A_75 = tpu.memref_slice %arg12[%mul3A_69, %dma_wait3A_74] : memref<10000x128xf32, #tpu.memory_space<vmem_shared>> -> memref<200x128xf32, #tpu.memory_space<vmem_shared>>
        tpu.wait_dma2 semaphore(%run_scoped3A : memref<!tpu.dma_semaphore, #tpu.memory_space<semaphore_mem>>) src(%arg11 : memref<200x128xf32, #tpu.memory_space<vmem>>) dst(%dma_wait3A_75 : memref<200x128xf32, #tpu.memory_space<vmem_shared>>)
        tpu.yield
      }) : () -> ()
    } else {
    }
    %add3A_11 = arith.constant 16 : i32
    %add3A_12 = arith.addi %arg1, %add3A_11 : i32
    %lt3A_13 = arith.constant 50 : i32
    %lt3A_14 = arith.cmpi slt, %add3A_12, %lt3A_13 : i32
    %convert_element_type3A_15 = arith.extui %lt3A_14 : i1 to i32
    %cond3A_16 = arith.constant 0 : i32
    %cond3A_17 = arith.cmpi ne, %convert_element_type3A_15, %cond3A_16 : i32
    scf.if %cond3A_17 {
      %mul3A_68 = arith.constant 200 : i32
      %mul3A_69 = arith.muli %add3A_12, %mul3A_68 : i32
      "tpu.region"() ({
        %run_scoped3A = tpu.sem_alloc : memref<!tpu.dma_semaphore, #tpu.memory_space<semaphore_mem>>
        %dma_start3A = arith.constant 0 : i32
        %dma_start3A_70 = tpu.memref_slice %arg12[%mul3A_69, %dma_start3A] : memref<10000x128xf32, #tpu.memory_space<vmem_shared>> -> memref<200x128xf32, #tpu.memory_space<vmem_shared>>
        %dma_start3A_71 = arith.constant 0 : i32
        %dma_start3A_72 = tpu.memref_slice %arg12[%mul3A_69, %dma_start3A_71] : memref<10000x128xf32, #tpu.memory_space<vmem_shared>> -> memref<200x128xf32, #tpu.memory_space<vmem_shared>>
        tpu.enqueue_dma source(%arg11 : memref<200x128xf32, #tpu.memory_space<vmem>>) target(%dma_start3A_72 : memref<200x128xf32, #tpu.memory_space<vmem_shared>>) target_semaphore(%run_scoped3A : memref<!tpu.dma_semaphore, #tpu.memory_space<semaphore_mem>>)
        %dma_wait3A = arith.constant 0 : i32
        %dma_wait3A_73 = tpu.memref_slice %arg12[%mul3A_69, %dma_wait3A] : memref<10000x128xf32, #tpu.memory_space<vmem_shared>> -> memref<200x128xf32, #tpu.memory_space<vmem_shared>>
        %dma_wait3A_74 = arith.constant 0 : i32
        %dma_wait3A_75 = tpu.memref_slice %arg12[%mul3A_69, %dma_wait3A_74] : memref<10000x128xf32, #tpu.memory_space<vmem_shared>> -> memref<200x128xf32, #tpu.memory_space<vmem_shared>>
        tpu.wait_dma2 semaphore(%run_scoped3A : memref<!tpu.dma_semaphore, #tpu.memory_space<semaphore_mem>>) src(%arg11 : memref<200x128xf32, #tpu.memory_space<vmem>>) dst(%dma_wait3A_75 : memref<200x128xf32, #tpu.memory_space<vmem_shared>>)
        tpu.yield
      }) : () -> ()
    } else {
    }
    %add3A_18 = arith.constant 32 : i32
    %add3A_19 = arith.addi %arg1, %add3A_18 : i32
    %lt3A_20 = arith.constant 50 : i32
    %lt3A_21 = arith.cmpi slt, %add3A_19, %lt3A_20 : i32
    %convert_element_type3A_22 = arith.extui %lt3A_21 : i1 to i32
    %cond3A_23 = arith.constant 0 : i32
    %cond3A_24 = arith.cmpi ne, %convert_element_type3A_22, %cond3A_23 : i32
    scf.if %cond3A_24 {
      %mul3A_68 = arith.constant 200 : i32
      %mul3A_69 = arith.muli %add3A_19, %mul3A_68 : i32
      "tpu.region"() ({
        %run_scoped3A = tpu.sem_alloc : memref<!tpu.dma_semaphore, #tpu.memory_space<semaphore_mem>>
        %dma_start3A = arith.constant 0 : i32
        %dma_start3A_70 = tpu.memref_slice %arg12[%mul3A_69, %dma_start3A] : memref<10000x128xf32, #tpu.memory_space<vmem_shared>> -> memref<200x128xf32, #tpu.memory_space<vmem_shared>>
        %dma_start3A_71 = arith.constant 0 : i32
        %dma_start3A_72 = tpu.memref_slice %arg12[%mul3A_69, %dma_start3A_71] : memref<10000x128xf32, #tpu.memory_space<vmem_shared>> -> memref<200x128xf32, #tpu.memory_space<vmem_shared>>
        tpu.enqueue_dma source(%arg11 : memref<200x128xf32, #tpu.memory_space<vmem>>) target(%dma_start3A_72 : memref<200x128xf32, #tpu.memory_space<vmem_shared>>) target_semaphore(%run_scoped3A : memref<!tpu.dma_semaphore, #tpu.memory_space<semaphore_mem>>)
        %dma_wait3A = arith.constant 0 : i32
        %dma_wait3A_73 = tpu.memref_slice %arg12[%mul3A_69, %dma_wait3A] : memref<10000x128xf32, #tpu.memory_space<vmem_shared>> -> memref<200x128xf32, #tpu.memory_space<vmem_shared>>
        %dma_wait3A_74 = arith.constant 0 : i32
        %dma_wait3A_75 = tpu.memref_slice %arg12[%mul3A_69, %dma_wait3A_74] : memref<10000x128xf32, #tpu.memory_space<vmem_shared>> -> memref<200x128xf32, #tpu.memory_space<vmem_shared>>
        tpu.wait_dma2 semaphore(%run_scoped3A : memref<!tpu.dma_semaphore, #tpu.memory_space<semaphore_mem>>) src(%arg11 : memref<200x128xf32, #tpu.memory_space<vmem>>) dst(%dma_wait3A_75 : memref<200x128xf32, #tpu.memory_space<vmem_shared>>)
        tpu.yield
      }) : () -> ()
    } else {
    }
    %add3A_25 = arith.constant 48 : i32
    %add3A_26 = arith.addi %arg1, %add3A_25 : i32
    %lt3A_27 = arith.constant 50 : i32
    %lt3A_28 = arith.cmpi slt, %add3A_26, %lt3A_27 : i32
    %convert_element_type3A_29 = arith.extui %lt3A_28 : i1 to i32
    %cond3A_30 = arith.constant 0 : i32
    %cond3A_31 = arith.cmpi ne, %convert_element_type3A_29, %cond3A_30 : i32
    scf.if %cond3A_31 {
      %mul3A_68 = arith.constant 200 : i32
      %mul3A_69 = arith.muli %add3A_26, %mul3A_68 : i32
      "tpu.region"() ({
        %run_scoped3A = tpu.sem_alloc : memref<!tpu.dma_semaphore, #tpu.memory_space<semaphore_mem>>
        %dma_start3A = arith.constant 0 : i32
        %dma_start3A_70 = tpu.memref_slice %arg12[%mul3A_69, %dma_start3A] : memref<10000x128xf32, #tpu.memory_space<vmem_shared>> -> memref<200x128xf32, #tpu.memory_space<vmem_shared>>
        %dma_start3A_71 = arith.constant 0 : i32
        %dma_start3A_72 = tpu.memref_slice %arg12[%mul3A_69, %dma_start3A_71] : memref<10000x128xf32, #tpu.memory_space<vmem_shared>> -> memref<200x128xf32, #tpu.memory_space<vmem_shared>>
        tpu.enqueue_dma source(%arg11 : memref<200x128xf32, #tpu.memory_space<vmem>>) target(%dma_start3A_72 : memref<200x128xf32, #tpu.memory_space<vmem_shared>>) target_semaphore(%run_scoped3A : memref<!tpu.dma_semaphore, #tpu.memory_space<semaphore_mem>>)
        %dma_wait3A = arith.constant 0 : i32
        %dma_wait3A_73 = tpu.memref_slice %arg12[%mul3A_69, %dma_wait3A] : memref<10000x128xf32, #tpu.memory_space<vmem_shared>> -> memref<200x128xf32, #tpu.memory_space<vmem_shared>>
        %dma_wait3A_74 = arith.constant 0 : i32
        %dma_wait3A_75 = tpu.memref_slice %arg12[%mul3A_69, %dma_wait3A_74] : memref<10000x128xf32, #tpu.memory_space<vmem_shared>> -> memref<200x128xf32, #tpu.memory_space<vmem_shared>>
        tpu.wait_dma2 semaphore(%run_scoped3A : memref<!tpu.dma_semaphore, #tpu.memory_space<semaphore_mem>>) src(%arg11 : memref<200x128xf32, #tpu.memory_space<vmem>>) dst(%dma_wait3A_75 : memref<200x128xf32, #tpu.memory_space<vmem_shared>>)
        tpu.yield
      }) : () -> ()
    } else {
    }
    %barrier3A = arith.constant 0 : index
    tpu.barrier barrier_id(%barrier3A)
    %scan3A_32 = arith.constant 0 : i32
    %scan3A_33 = arith.constant 0 : i32
    %scan3A_34 = arith.constant 125 : i32
    %scan3A_35 = arith.addi %scan3A_33, %scan3A_34 : i32
    %scan3A_36 = arith.constant 1 : i32
    %scan3A_37 = scf.for %scan3A_68 = %scan3A_33 to %scan3A_35 step %scan3A_36 iter_args(%scan3A_69 = %scan3A_32) -> (i32)  : i32 {
      %mul3A_70 = arith.constant 10000 : i32
      %mul3A_71 = arith.muli %add3A, %mul3A_70 : i32
      %mul3A_72 = arith.constant 80 : i32
      %mul3A_73 = arith.muli %scan3A_68, %mul3A_72 : i32
      %add3A_74 = arith.addi %mul3A_71, %mul3A_73 : i32
      "tpu.region"() ({
        %run_scoped3A = tpu.sem_alloc : memref<!tpu.dma_semaphore, #tpu.memory_space<semaphore_mem>>
        %dma_start3A = tpu.memref_slice %arg3[%add3A_74] : memref<320000xi32, #tpu.memory_space<hbm>> -> memref<80xi32, #tpu.memory_space<hbm>>
        %dma_start3A_83 = tpu.memref_slice %arg3[%add3A_74] : memref<320000xi32, #tpu.memory_space<hbm>> -> memref<80xi32, #tpu.memory_space<hbm>>
        tpu.enqueue_dma source(%dma_start3A_83 : memref<80xi32, #tpu.memory_space<hbm>>) target(%arg7 : memref<80xi32, #tpu.memory_space<vmem>>) target_semaphore(%run_scoped3A : memref<!tpu.dma_semaphore, #tpu.memory_space<semaphore_mem>>)
        %dma_wait3A = tpu.memref_slice %arg3[%add3A_74] : memref<320000xi32, #tpu.memory_space<hbm>> -> memref<80xi32, #tpu.memory_space<hbm>>
        %dma_wait3A_84 = tpu.memref_slice %arg3[%add3A_74] : memref<320000xi32, #tpu.memory_space<hbm>> -> memref<80xi32, #tpu.memory_space<hbm>>
        tpu.wait_dma2 semaphore(%run_scoped3A : memref<!tpu.dma_semaphore, #tpu.memory_space<semaphore_mem>>) src(%dma_wait3A_84 : memref<80xi32, #tpu.memory_space<hbm>>) dst(%arg7 : memref<80xi32, #tpu.memory_space<vmem>>)
        tpu.yield
      }) : () -> ()
      "tpu.region"() ({
        %run_scoped3A = tpu.sem_alloc : memref<!tpu.dma_semaphore, #tpu.memory_space<semaphore_mem>>
        %dma_start3A = tpu.memref_slice %arg4[%add3A_74] : memref<320000xi32, #tpu.memory_space<hbm>> -> memref<80xi32, #tpu.memory_space<hbm>>
        %dma_start3A_83 = tpu.memref_slice %arg4[%add3A_74] : memref<320000xi32, #tpu.memory_space<hbm>> -> memref<80xi32, #tpu.memory_space<hbm>>
        tpu.enqueue_dma source(%dma_start3A_83 : memref<80xi32, #tpu.memory_space<hbm>>) target(%arg8 : memref<80xi32, #tpu.memory_space<vmem>>) target_semaphore(%run_scoped3A : memref<!tpu.dma_semaphore, #tpu.memory_space<semaphore_mem>>)
        %dma_wait3A = tpu.memref_slice %arg4[%add3A_74] : memref<320000xi32, #tpu.memory_space<hbm>> -> memref<80xi32, #tpu.memory_space<hbm>>
        %dma_wait3A_84 = tpu.memref_slice %arg4[%add3A_74] : memref<320000xi32, #tpu.memory_space<hbm>> -> memref<80xi32, #tpu.memory_space<hbm>>
        tpu.wait_dma2 semaphore(%run_scoped3A : memref<!tpu.dma_semaphore, #tpu.memory_space<semaphore_mem>>) src(%dma_wait3A_84 : memref<80xi32, #tpu.memory_space<hbm>>) dst(%arg8 : memref<80xi32, #tpu.memory_space<vmem>>)
        tpu.yield
      }) : () -> ()
      "tpu.region"() ({
        %run_scoped3A = tpu.sem_alloc : memref<!tpu.dma_semaphore, #tpu.memory_space<semaphore_mem>>
        %dma_start3A = tpu.memref_slice %arg5[%add3A_74] : memref<320000xf32, #tpu.memory_space<hbm>> -> memref<80xf32, #tpu.memory_space<hbm>>
        %dma_start3A_83 = tpu.memref_slice %arg5[%add3A_74] : memref<320000xf32, #tpu.memory_space<hbm>> -> memref<80xf32, #tpu.memory_space<hbm>>
        tpu.enqueue_dma source(%dma_start3A_83 : memref<80xf32, #tpu.memory_space<hbm>>) target(%arg9 : memref<80xf32, #tpu.memory_space<vmem>>) target_semaphore(%run_scoped3A : memref<!tpu.dma_semaphore, #tpu.memory_space<semaphore_mem>>)
        %dma_wait3A = tpu.memref_slice %arg5[%add3A_74] : memref<320000xf32, #tpu.memory_space<hbm>> -> memref<80xf32, #tpu.memory_space<hbm>>
        %dma_wait3A_84 = tpu.memref_slice %arg5[%add3A_74] : memref<320000xf32, #tpu.memory_space<hbm>> -> memref<80xf32, #tpu.memory_space<hbm>>
        tpu.wait_dma2 semaphore(%run_scoped3A : memref<!tpu.dma_semaphore, #tpu.memory_space<semaphore_mem>>) src(%dma_wait3A_84 : memref<80xf32, #tpu.memory_space<hbm>>) dst(%arg9 : memref<80xf32, #tpu.memory_space<vmem>>)
        tpu.yield
      }) : () -> ()
      "tpu.region"() ({
        %run_scoped3A = tpu.sem_alloc : memref<!tpu.dma_semaphore, #tpu.memory_space<semaphore_mem>>
        %dma_start3A = arith.constant 0 : i32
        %dma_start3A_83 = arith.constant 0 : i32
        %dma_start3A_84 = tpu.memref_slice %arg2[%dma_start3A, %dma_start3A_83] : memref<160000x128xf32, #tpu.memory_space<hbm>> -> memref<160000x128xf32, #tpu.memory_space<hbm>>
        tpu.enqueue_indirect_dma source(%dma_start3A_84 : memref<160000x128xf32, #tpu.memory_space<hbm>>) target(%arg10 : memref<80x128xf32, #tpu.memory_space<vmem>>) offsets(%arg7 : memref<80xi32, #tpu.memory_space<vmem>>) semaphore(%run_scoped3A : memref<!tpu.dma_semaphore, #tpu.memory_space<semaphore_mem>>)
        %dma_wait3A = arith.constant 0 : i32
        %dma_wait3A_85 = arith.constant 0 : i32
        %dma_wait3A_86 = tpu.memref_slice %arg2[%dma_wait3A, %dma_wait3A_85] : memref<160000x128xf32, #tpu.memory_space<hbm>> -> memref<160000x128xf32, #tpu.memory_space<hbm>>
        tpu.wait_indirect_dma semaphore(%run_scoped3A : memref<!tpu.dma_semaphore, #tpu.memory_space<semaphore_mem>>) src(%dma_wait3A_86 : memref<160000x128xf32, #tpu.memory_space<hbm>>) dst(%arg10 : memref<80x128xf32, #tpu.memory_space<vmem>>)
        tpu.yield
      }) : () -> ()
      %scan3A_75 = arith.constant 0 : i32
      %scan3A_76 = arith.constant 0 : i32
      %scan3A_77 = arith.constant 5 : i32
      %scan3A_78 = arith.addi %scan3A_76, %scan3A_77 : i32
      %scan3A_79 = arith.constant 1 : i32
      %scan3A_80 = scf.for %scan3A_83 = %scan3A_76 to %scan3A_78 step %scan3A_79 iter_args(%scan3A_84 = %scan3A_75) -> (i32)  : i32 {
        %mul3A_85 = arith.constant 16 : i32
        %mul3A_86 = arith.muli %scan3A_83, %mul3A_85 : i32
        %get3A = arith.index_cast %mul3A_86 : i32 to index
        %get3A_87 = tpu.vector_load %arg9[%get3A] {strides = array<i32>} : memref<80xf32, #tpu.memory_space<vmem>>, vector<16xf32>,
        %get3A_88 = vector.shape_cast %get3A_87 : vector<16xf32> to vector<16xf32>
        %slice3A = vector.extract_strided_slice %get3A_88 {offsets = [0], sizes = [1], strides = [1]} : vector<16xf32> to vector<1xf32>
        %squeeze3A = vector.extract %slice3A[0] : f32 from vector<1xf32>
        %broadcast_in_dim3A = vector.broadcast %squeeze3A : f32 to vector<16xf32>
        %mul3A_89 = arith.constant 16 : i32
        %mul3A_90 = arith.muli %scan3A_83, %mul3A_89 : i32
        %add3A_91 = arith.constant 0 : i32
        %add3A_92 = arith.addi %mul3A_90, %add3A_91 : i32
        %get3A_93 = arith.index_cast %add3A_92 : i32 to index
        %get3A_94 = arith.constant 0 : index
        %get3A_95 = tpu.vector_load %arg10[%get3A_93, %get3A_94] {strides = array<i32>} : memref<80x128xf32, #tpu.memory_space<vmem>>, vector<1x16xf32>,
        %get3A_96 = vector.shape_cast %get3A_95 : vector<1x16xf32> to vector<16xf32>
        %mul3A_97 = arith.mulf %get3A_96, %broadcast_in_dim3A : vector<16xf32>
        %swap3A = arith.index_cast %add3A_92 : i32 to index
        %swap3A_98 = arith.constant 0 : index
        %swap3A_99 = tpu.vector_load %arg10[%swap3A, %swap3A_98] {strides = array<i32>} : memref<80x128xf32, #tpu.memory_space<vmem>>, vector<1x16xf32>,
        %swap3A_100 = vector.shape_cast %swap3A_99 : vector<1x16xf32> to vector<16xf32>
        %swap3A_101 = vector.shape_cast %mul3A_97 : vector<16xf32> to vector<1x16xf32>
        tpu.vector_store %arg10[%swap3A, %swap3A_98], %swap3A_101 {strides = array<i32>} : memref<80x128xf32, #tpu.memory_space<vmem>>, vector<1x16xf32>,
        %get3A_102 = arith.index_cast %add3A_92 : i32 to index
        %get3A_103 = arith.constant 16 : index
        %get3A_104 = tpu.vector_load %arg10[%get3A_102, %get3A_103] {strides = array<i32>} : memref<80x128xf32, #tpu.memory_space<vmem>>, vector<1x16xf32>,
        %get3A_105 = vector.shape_cast %get3A_104 : vector<1x16xf32> to vector<16xf32>
        %mul3A_106 = arith.mulf %get3A_105, %broadcast_in_dim3A : vector<16xf32>
        %swap3A_107 = arith.index_cast %add3A_92 : i32 to index
        %swap3A_108 = arith.constant 16 : index
        %swap3A_109 = tpu.vector_load %arg10[%swap3A_107, %swap3A_108] {strides = array<i32>} : memref<80x128xf32, #tpu.memory_space<vmem>>, vector<1x16xf32>,
        %swap3A_110 = vector.shape_cast %swap3A_109 : vector<1x16xf32> to vector<16xf32>
        %swap3A_111 = vector.shape_cast %mul3A_106 : vector<16xf32> to vector<1x16xf32>
        tpu.vector_store %arg10[%swap3A_107, %swap3A_108], %swap3A_111 {strides = array<i32>} : memref<80x128xf32, #tpu.memory_space<vmem>>, vector<1x16xf32>,
        %get3A_112 = arith.index_cast %add3A_92 : i32 to index
        %get3A_113 = arith.constant 32 : index
        %get3A_114 = tpu.vector_load %arg10[%get3A_112, %get3A_113] {strides = array<i32>} : memref<80x128xf32, #tpu.memory_space<vmem>>, vector<1x16xf32>,
        %get3A_115 = vector.shape_cast %get3A_114 : vector<1x16xf32> to vector<16xf32>
        %mul3A_116 = arith.mulf %get3A_115, %broadcast_in_dim3A : vector<16xf32>
        %swap3A_117 = arith.index_cast %add3A_92 : i32 to index
        %swap3A_118 = arith.constant 32 : index
        %swap3A_119 = tpu.vector_load %arg10[%swap3A_117, %swap3A_118] {strides = array<i32>} : memref<80x128xf32, #tpu.memory_space<vmem>>, vector<1x16xf32>,
        %swap3A_120 = vector.shape_cast %swap3A_119 : vector<1x16xf32> to vector<16xf32>
        %swap3A_121 = vector.shape_cast %mul3A_116 : vector<16xf32> to vector<1x16xf32>
        tpu.vector_store %arg10[%swap3A_117, %swap3A_118], %swap3A_121 {strides = array<i32>} : memref<80x128xf32, #tpu.memory_space<vmem>>, vector<1x16xf32>,
        %get3A_122 = arith.index_cast %add3A_92 : i32 to index
        %get3A_123 = arith.constant 48 : index
        %get3A_124 = tpu.vector_load %arg10[%get3A_122, %get3A_123] {strides = array<i32>} : memref<80x128xf32, #tpu.memory_space<vmem>>, vector<1x16xf32>,
        %get3A_125 = vector.shape_cast %get3A_124 : vector<1x16xf32> to vector<16xf32>
        %mul3A_126 = arith.mulf %get3A_125, %broadcast_in_dim3A : vector<16xf32>
        %swap3A_127 = arith.index_cast %add3A_92 : i32 to index
        %swap3A_128 = arith.constant 48 : index
        %swap3A_129 = tpu.vector_load %arg10[%swap3A_127, %swap3A_128] {strides = array<i32>} : memref<80x128xf32, #tpu.memory_space<vmem>>, vector<1x16xf32>,
        %swap3A_130 = vector.shape_cast %swap3A_129 : vector<1x16xf32> to vector<16xf32>
        %swap3A_131 = vector.shape_cast %mul3A_126 : vector<16xf32> to vector<1x16xf32>
        tpu.vector_store %arg10[%swap3A_127, %swap3A_128], %swap3A_131 {strides = array<i32>} : memref<80x128xf32, #tpu.memory_space<vmem>>, vector<1x16xf32>,
        %get3A_132 = arith.index_cast %add3A_92 : i32 to index
        %get3A_133 = arith.constant 64 : index
        %get3A_134 = tpu.vector_load %arg10[%get3A_132, %get3A_133] {strides = array<i32>} : memref<80x128xf32, #tpu.memory_space<vmem>>, vector<1x16xf32>,
        %get3A_135 = vector.shape_cast %get3A_134 : vector<1x16xf32> to vector<16xf32>
        %mul3A_136 = arith.mulf %get3A_135, %broadcast_in_dim3A : vector<16xf32>
        %swap3A_137 = arith.index_cast %add3A_92 : i32 to index
        %swap3A_138 = arith.constant 64 : index
        %swap3A_139 = tpu.vector_load %arg10[%swap3A_137, %swap3A_138] {strides = array<i32>} : memref<80x128xf32, #tpu.memory_space<vmem>>, vector<1x16xf32>,
        %swap3A_140 = vector.shape_cast %swap3A_139 : vector<1x16xf32> to vector<16xf32>
        %swap3A_141 = vector.shape_cast %mul3A_136 : vector<16xf32> to vector<1x16xf32>
        tpu.vector_store %arg10[%swap3A_137, %swap3A_138], %swap3A_141 {strides = array<i32>} : memref<80x128xf32, #tpu.memory_space<vmem>>, vector<1x16xf32>,
        %get3A_142 = arith.index_cast %add3A_92 : i32 to index
        %get3A_143 = arith.constant 80 : index
        %get3A_144 = tpu.vector_load %arg10[%get3A_142, %get3A_143] {strides = array<i32>} : memref<80x128xf32, #tpu.memory_space<vmem>>, vector<1x16xf32>,
        %get3A_145 = vector.shape_cast %get3A_144 : vector<1x16xf32> to vector<16xf32>
        %mul3A_146 = arith.mulf %get3A_145, %broadcast_in_dim3A : vector<16xf32>
        %swap3A_147 = arith.index_cast %add3A_92 : i32 to index
        %swap3A_148 = arith.constant 80 : index
        %swap3A_149 = tpu.vector_load %arg10[%swap3A_147, %swap3A_148] {strides = array<i32>} : memref<80x128xf32, #tpu.memory_space<vmem>>, vector<1x16xf32>,
        %swap3A_150 = vector.shape_cast %swap3A_149 : vector<1x16xf32> to vector<16xf32>
        %swap3A_151 = vector.shape_cast %mul3A_146 : vector<16xf32> to vector<1x16xf32>
        tpu.vector_store %arg10[%swap3A_147, %swap3A_148], %swap3A_151 {strides = array<i32>} : memref<80x128xf32, #tpu.memory_space<vmem>>, vector<1x16xf32>,
        %get3A_152 = arith.index_cast %add3A_92 : i32 to index
        %get3A_153 = arith.constant 96 : index
        %get3A_154 = tpu.vector_load %arg10[%get3A_152, %get3A_153] {strides = array<i32>} : memref<80x128xf32, #tpu.memory_space<vmem>>, vector<1x16xf32>,
        %get3A_155 = vector.shape_cast %get3A_154 : vector<1x16xf32> to vector<16xf32>
        %mul3A_156 = arith.mulf %get3A_155, %broadcast_in_dim3A : vector<16xf32>
        %swap3A_157 = arith.index_cast %add3A_92 : i32 to index
        %swap3A_158 = arith.constant 96 : index
        %swap3A_159 = tpu.vector_load %arg10[%swap3A_157, %swap3A_158] {strides = array<i32>} : memref<80x128xf32, #tpu.memory_space<vmem>>, vector<1x16xf32>,
        %swap3A_160 = vector.shape_cast %swap3A_159 : vector<1x16xf32> to vector<16xf32>
        %swap3A_161 = vector.shape_cast %mul3A_156 : vector<16xf32> to vector<1x16xf32>
        tpu.vector_store %arg10[%swap3A_157, %swap3A_158], %swap3A_161 {strides = array<i32>} : memref<80x128xf32, #tpu.memory_space<vmem>>, vector<1x16xf32>,
        %get3A_162 = arith.index_cast %add3A_92 : i32 to index
        %get3A_163 = arith.constant 112 : index
        %get3A_164 = tpu.vector_load %arg10[%get3A_162, %get3A_163] {strides = array<i32>} : memref<80x128xf32, #tpu.memory_space<vmem>>, vector<1x16xf32>,
        %get3A_165 = vector.shape_cast %get3A_164 : vector<1x16xf32> to vector<16xf32>
        %mul3A_166 = arith.mulf %get3A_165, %broadcast_in_dim3A : vector<16xf32>
        %swap3A_167 = arith.index_cast %add3A_92 : i32 to index
        %swap3A_168 = arith.constant 112 : index
        %swap3A_169 = tpu.vector_load %arg10[%swap3A_167, %swap3A_168] {strides = array<i32>} : memref<80x128xf32, #tpu.memory_space<vmem>>, vector<1x16xf32>,
        %swap3A_170 = vector.shape_cast %swap3A_169 : vector<1x16xf32> to vector<16xf32>
        %swap3A_171 = vector.shape_cast %mul3A_166 : vector<16xf32> to vector<1x16xf32>
        tpu.vector_store %arg10[%swap3A_167, %swap3A_168], %swap3A_171 {strides = array<i32>} : memref<80x128xf32, #tpu.memory_space<vmem>>, vector<1x16xf32>,
        %slice3A_172 = vector.extract_strided_slice %get3A_88 {offsets = [1], sizes = [1], strides = [1]} : vector<16xf32> to vector<1xf32>
        %squeeze3A_173 = vector.extract %slice3A_172[0] : f32 from vector<1xf32>
        %broadcast_in_dim3A_174 = vector.broadcast %squeeze3A_173 : f32 to vector<16xf32>
        %mul3A_175 = arith.constant 16 : i32
        %mul3A_176 = arith.muli %scan3A_83, %mul3A_175 : i32
        %add3A_177 = arith.constant 1 : i32
        %add3A_178 = arith.addi %mul3A_176, %add3A_177 : i32
        %get3A_179 = arith.index_cast %add3A_178 : i32 to index
        %get3A_180 = arith.constant 0 : index
        %get3A_181 = tpu.vector_load %arg10[%get3A_179, %get3A_180] {strides = array<i32>} : memref<80x128xf32, #tpu.memory_space<vmem>>, vector<1x16xf32>,
        %get3A_182 = vector.shape_cast %get3A_181 : vector<1x16xf32> to vector<16xf32>
        %mul3A_183 = arith.mulf %get3A_182, %broadcast_in_dim3A_174 : vector<16xf32>
        %swap3A_184 = arith.index_cast %add3A_178 : i32 to index
        %swap3A_185 = arith.constant 0 : index
        %swap3A_186 = tpu.vector_load %arg10[%swap3A_184, %swap3A_185] {strides = array<i32>} : memref<80x128xf32, #tpu.memory_space<vmem>>, vector<1x16xf32>,
        %swap3A_187 = vector.shape_cast %swap3A_186 : vector<1x16xf32> to vector<16xf32>
        %swap3A_188 = vector.shape_cast %mul3A_183 : vector<16xf32> to vector<1x16xf32>
        tpu.vector_store %arg10[%swap3A_184, %swap3A_185], %swap3A_188 {strides = array<i32>} : memref<80x128xf32, #tpu.memory_space<vmem>>, vector<1x16xf32>,
        %get3A_189 = arith.index_cast %add3A_178 : i32 to index
        %get3A_190 = arith.constant 16 : index
        %get3A_191 = tpu.vector_load %arg10[%get3A_189, %get3A_190] {strides = array<i32>} : memref<80x128xf32, #tpu.memory_space<vmem>>, vector<1x16xf32>,
        %get3A_192 = vector.shape_cast %get3A_191 : vector<1x16xf32> to vector<16xf32>
        %mul3A_193 = arith.mulf %get3A_192, %broadcast_in_dim3A_174 : vector<16xf32>
        %swap3A_194 = arith.index_cast %add3A_178 : i32 to index
        %swap3A_195 = arith.constant 16 : index
        %swap3A_196 = tpu.vector_load %arg10[%swap3A_194, %swap3A_195] {strides = array<i32>} : memref<80x128xf32, #tpu.memory_space<vmem>>, vector<1x16xf32>,
        %swap3A_197 = vector.shape_cast %swap3A_196 : vector<1x16xf32> to vector<16xf32>
        %swap3A_198 = vector.shape_cast %mul3A_193 : vector<16xf32> to vector<1x16xf32>
        tpu.vector_store %arg10[%swap3A_194, %swap3A_195], %swap3A_198 {strides = array<i32>} : memref<80x128xf32, #tpu.memory_space<vmem>>, vector<1x16xf32>,
        %get3A_199 = arith.index_cast %add3A_178 : i32 to index
        %get3A_200 = arith.constant 32 : index
        %get3A_201 = tpu.vector_load %arg10[%get3A_199, %get3A_200] {strides = array<i32>} : memref<80x128xf32, #tpu.memory_space<vmem>>, vector<1x16xf32>,
        %get3A_202 = vector.shape_cast %get3A_201 : vector<1x16xf32> to vector<16xf32>
        %mul3A_203 = arith.mulf %get3A_202, %broadcast_in_dim3A_174 : vector<16xf32>
        %swap3A_204 = arith.index_cast %add3A_178 : i32 to index
        %swap3A_205 = arith.constant 32 : index
        %swap3A_206 = tpu.vector_load %arg10[%swap3A_204, %swap3A_205] {strides = array<i32>} : memref<80x128xf32, #tpu.memory_space<vmem>>, vector<1x16xf32>,
        %swap3A_207 = vector.shape_cast %swap3A_206 : vector<1x16xf32> to vector<16xf32>
        %swap3A_208 = vector.shape_cast %mul3A_203 : vector<16xf32> to vector<1x16xf32>
        tpu.vector_store %arg10[%swap3A_204, %swap3A_205], %swap3A_208 {strides = array<i32>} : memref<80x128xf32, #tpu.memory_space<vmem>>, vector<1x16xf32>,
        %get3A_209 = arith.index_cast %add3A_178 : i32 to index
        %get3A_210 = arith.constant 48 : index
        %get3A_211 = tpu.vector_load %arg10[%get3A_209, %get3A_210] {strides = array<i32>} : memref<80x128xf32, #tpu.memory_space<vmem>>, vector<1x16xf32>,
        %get3A_212 = vector.shape_cast %get3A_211 : vector<1x16xf32> to vector<16xf32>
        %mul3A_213 = arith.mulf %get3A_212, %broadcast_in_dim3A_174 : vector<16xf32>
        %swap3A_214 = arith.index_cast %add3A_178 : i32 to index
        %swap3A_215 = arith.constant 48 : index
        %swap3A_216 = tpu.vector_load %arg10[%swap3A_214, %swap3A_215] {strides = array<i32>} : memref<80x128xf32, #tpu.memory_space<vmem>>, vector<1x16xf32>,
        %swap3A_217 = vector.shape_cast %swap3A_216 : vector<1x16xf32> to vector<16xf32>
        %swap3A_218 = vector.shape_cast %mul3A_213 : vector<16xf32> to vector<1x16xf32>
        tpu.vector_store %arg10[%swap3A_214, %swap3A_215], %swap3A_218 {strides = array<i32>} : memref<80x128xf32, #tpu.memory_space<vmem>>, vector<1x16xf32>,
        %get3A_219 = arith.index_cast %add3A_178 : i32 to index
        %get3A_220 = arith.constant 64 : index
        %get3A_221 = tpu.vector_load %arg10[%get3A_219, %get3A_220] {strides = array<i32>} : memref<80x128xf32, #tpu.memory_space<vmem>>, vector<1x16xf32>,
        %get3A_222 = vector.shape_cast %get3A_221 : vector<1x16xf32> to vector<16xf32>
        %mul3A_223 = arith.mulf %get3A_222, %broadcast_in_dim3A_174 : vector<16xf32>
        %swap3A_224 = arith.index_cast %add3A_178 : i32 to index
        %swap3A_225 = arith.constant 64 : index
        %swap3A_226 = tpu.vector_load %arg10[%swap3A_224, %swap3A_225] {strides = array<i32>} : memref<80x128xf32, #tpu.memory_space<vmem>>, vector<1x16xf32>,
        %swap3A_227 = vector.shape_cast %swap3A_226 : vector<1x16xf32> to vector<16xf32>
        %swap3A_228 = vector.shape_cast %mul3A_223 : vector<16xf32> to vector<1x16xf32>
        tpu.vector_store %arg10[%swap3A_224, %swap3A_225], %swap3A_228 {strides = array<i32>} : memref<80x128xf32, #tpu.memory_space<vmem>>, vector<1x16xf32>,
        %get3A_229 = arith.index_cast %add3A_178 : i32 to index
        %get3A_230 = arith.constant 80 : index
        %get3A_231 = tpu.vector_load %arg10[%get3A_229, %get3A_230] {strides = array<i32>} : memref<80x128xf32, #tpu.memory_space<vmem>>, vector<1x16xf32>,
        %get3A_232 = vector.shape_cast %get3A_231 : vector<1x16xf32> to vector<16xf32>
        %mul3A_233 = arith.mulf %get3A_232, %broadcast_in_dim3A_174 : vector<16xf32>
        %swap3A_234 = arith.index_cast %add3A_178 : i32 to index
        %swap3A_235 = arith.constant 80 : index
        %swap3A_236 = tpu.vector_load %arg10[%swap3A_234, %swap3A_235] {strides = array<i32>} : memref<80x128xf32, #tpu.memory_space<vmem>>, vector<1x16xf32>,
        %swap3A_237 = vector.shape_cast %swap3A_236 : vector<1x16xf32> to vector<16xf32>
        %swap3A_238 = vector.shape_cast %mul3A_233 : vector<16xf32> to vector<1x16xf32>
        tpu.vector_store %arg10[%swap3A_234, %swap3A_235], %swap3A_238 {strides = array<i32>} : memref<80x128xf32, #tpu.memory_space<vmem>>, vector<1x16xf32>,
        %get3A_239 = arith.index_cast %add3A_178 : i32 to index
        %get3A_240 = arith.constant 96 : index
        %get3A_241 = tpu.vector_load %arg10[%get3A_239, %get3A_240] {strides = array<i32>} : memref<80x128xf32, #tpu.memory_space<vmem>>, vector<1x16xf32>,
        %get3A_242 = vector.shape_cast %get3A_241 : vector<1x16xf32> to vector<16xf32>
        %mul3A_243 = arith.mulf %get3A_242, %broadcast_in_dim3A_174 : vector<16xf32>
        %swap3A_244 = arith.index_cast %add3A_178 : i32 to index
        %swap3A_245 = arith.constant 96 : index
        %swap3A_246 = tpu.vector_load %arg10[%swap3A_244, %swap3A_245] {strides = array<i32>} : memref<80x128xf32, #tpu.memory_space<vmem>>, vector<1x16xf32>,
        %swap3A_247 = vector.shape_cast %swap3A_246 : vector<1x16xf32> to vector<16xf32>
        %swap3A_248 = vector.shape_cast %mul3A_243 : vector<16xf32> to vector<1x16xf32>
        tpu.vector_store %arg10[%swap3A_244, %swap3A_245], %swap3A_248 {strides = array<i32>} : memref<80x128xf32, #tpu.memory_space<vmem>>, vector<1x16xf32>,
        %get3A_249 = arith.index_cast %add3A_178 : i32 to index
        %get3A_250 = arith.constant 112 : index
        %get3A_251 = tpu.vector_load %arg10[%get3A_249, %get3A_250] {strides = array<i32>} : memref<80x128xf32, #tpu.memory_space<vmem>>, vector<1x16xf32>,
        %get3A_252 = vector.shape_cast %get3A_251 : vector<1x16xf32> to vector<16xf32>
        %mul3A_253 = arith.mulf %get3A_252, %broadcast_in_dim3A_174 : vector<16xf32>
        %swap3A_254 = arith.index_cast %add3A_178 : i32 to index
        %swap3A_255 = arith.constant 112 : index
        %swap3A_256 = tpu.vector_load %arg10[%swap3A_254, %swap3A_255] {strides = array<i32>} : memref<80x128xf32, #tpu.memory_space<vmem>>, vector<1x16xf32>,
        %swap3A_257 = vector.shape_cast %swap3A_256 : vector<1x16xf32> to vector<16xf32>
        %swap3A_258 = vector.shape_cast %mul3A_253 : vector<16xf32> to vector<1x16xf32>
        tpu.vector_store %arg10[%swap3A_254, %swap3A_255], %swap3A_258 {strides = array<i32>} : memref<80x128xf32, #tpu.memory_space<vmem>>, vector<1x16xf32>,
        %slice3A_259 = vector.extract_strided_slice %get3A_88 {offsets = [2], sizes = [1], strides = [1]} : vector<16xf32> to vector<1xf32>
        %squeeze3A_260 = vector.extract %slice3A_259[0] : f32 from vector<1xf32>
        %broadcast_in_dim3A_261 = vector.broadcast %squeeze3A_260 : f32 to vector<16xf32>
        %mul3A_262 = arith.constant 16 : i32
        %mul3A_263 = arith.muli %scan3A_83, %mul3A_262 : i32
        %add3A_264 = arith.constant 2 : i32
        %add3A_265 = arith.addi %mul3A_263, %add3A_264 : i32
        %get3A_266 = arith.index_cast %add3A_265 : i32 to index
        %get3A_267 = arith.constant 0 : index
        %get3A_268 = tpu.vector_load %arg10[%get3A_266, %get3A_267] {strides = array<i32>} : memref<80x128xf32, #tpu.memory_space<vmem>>, vector<1x16xf32>,
        %get3A_269 = vector.shape_cast %get3A_268 : vector<1x16xf32> to vector<16xf32>
        %mul3A_270 = arith.mulf %get3A_269, %broadcast_in_dim3A_261 : vector<16xf32>
        %swap3A_271 = arith.index_cast %add3A_265 : i32 to index
        %swap3A_272 = arith.constant 0 : index
        %swap3A_273 = tpu.vector_load %arg10[%swap3A_271, %swap3A_272] {strides = array<i32>} : memref<80x128xf32, #tpu.memory_space<vmem>>, vector<1x16xf32>,
        %swap3A_274 = vector.shape_cast %swap3A_273 : vector<1x16xf32> to vector<16xf32>
        %swap3A_275 = vector.shape_cast %mul3A_270 : vector<16xf32> to vector<1x16xf32>
        tpu.vector_store %arg10[%swap3A_271, %swap3A_272], %swap3A_275 {strides = array<i32>} : memref<80x128xf32, #tpu.memory_space<vmem>>, vector<1x16xf32>,
        %get3A_276 = arith.index_cast %add3A_265 : i32 to index
        %get3A_277 = arith.constant 16 : index
        %get3A_278 = tpu.vector_load %arg10[%get3A_276, %get3A_277] {strides = array<i32>} : memref<80x128xf32, #tpu.memory_space<vmem>>, vector<1x16xf32>,
        %get3A_279 = vector.shape_cast %get3A_278 : vector<1x16xf32> to vector<16xf32>
        %mul3A_280 = arith.mulf %get3A_279, %broadcast_in_dim3A_261 : vector<16xf32>
        %swap3A_281 = arith.index_cast %add3A_265 : i32 to index
        %swap3A_282 = arith.constant 16 : index
        %swap3A_283 = tpu.vector_load %arg10[%swap3A_281, %swap3A_282] {strides = array<i32>} : memref<80x128xf32, #tpu.memory_space<vmem>>, vector<1x16xf32>,
        %swap3A_284 = vector.shape_cast %swap3A_283 : vector<1x16xf32> to vector<16xf32>
        %swap3A_285 = vector.shape_cast %mul3A_280 : vector<16xf32> to vector<1x16xf32>
        tpu.vector_store %arg10[%swap3A_281, %swap3A_282], %swap3A_285 {strides = array<i32>} : memref<80x128xf32, #tpu.memory_space<vmem>>, vector<1x16xf32>,
        %get3A_286 = arith.index_cast %add3A_265 : i32 to index
        %get3A_287 = arith.constant 32 : index
        %get3A_288 = tpu.vector_load %arg10[%get3A_286, %get3A_287] {strides = array<i32>} : memref<80x128xf32, #tpu.memory_space<vmem>>, vector<1x16xf32>,
        %get3A_289 = vector.shape_cast %get3A_288 : vector<1x16xf32> to vector<16xf32>
        %mul3A_290 = arith.mulf %get3A_289, %broadcast_in_dim3A_261 : vector<16xf32>
        %swap3A_291 = arith.index_cast %add3A_265 : i32 to index
        %swap3A_292 = arith.constant 32 : index
        %swap3A_293 = tpu.vector_load %arg10[%swap3A_291, %swap3A_292] {strides = array<i32>} : memref<80x128xf32, #tpu.memory_space<vmem>>, vector<1x16xf32>,
        %swap3A_294 = vector.shape_cast %swap3A_293 : vector<1x16xf32> to vector<16xf32>
        %swap3A_295 = vector.shape_cast %mul3A_290 : vector<16xf32> to vector<1x16xf32>
        tpu.vector_store %arg10[%swap3A_291, %swap3A_292], %swap3A_295 {strides = array<i32>} : memref<80x128xf32, #tpu.memory_space<vmem>>, vector<1x16xf32>,
        %get3A_296 = arith.index_cast %add3A_265 : i32 to index
        %get3A_297 = arith.constant 48 : index
        %get3A_298 = tpu.vector_load %arg10[%get3A_296, %get3A_297] {strides = array<i32>} : memref<80x128xf32, #tpu.memory_space<vmem>>, vector<1x16xf32>,
        %get3A_299 = vector.shape_cast %get3A_298 : vector<1x16xf32> to vector<16xf32>
        %mul3A_300 = arith.mulf %get3A_299, %broadcast_in_dim3A_261 : vector<16xf32>
        %swap3A_301 = arith.index_cast %add3A_265 : i32 to index
        %swap3A_302 = arith.constant 48 : index
        %swap3A_303 = tpu.vector_load %arg10[%swap3A_301, %swap3A_302] {strides = array<i32>} : memref<80x128xf32, #tpu.memory_space<vmem>>, vector<1x16xf32>,
        %swap3A_304 = vector.shape_cast %swap3A_303 : vector<1x16xf32> to vector<16xf32>
        %swap3A_305 = vector.shape_cast %mul3A_300 : vector<16xf32> to vector<1x16xf32>
        tpu.vector_store %arg10[%swap3A_301, %swap3A_302], %swap3A_305 {strides = array<i32>} : memref<80x128xf32, #tpu.memory_space<vmem>>, vector<1x16xf32>,
        %get3A_306 = arith.index_cast %add3A_265 : i32 to index
        %get3A_307 = arith.constant 64 : index
        %get3A_308 = tpu.vector_load %arg10[%get3A_306, %get3A_307] {strides = array<i32>} : memref<80x128xf32, #tpu.memory_space<vmem>>, vector<1x16xf32>,
        %get3A_309 = vector.shape_cast %get3A_308 : vector<1x16xf32> to vector<16xf32>
        %mul3A_310 = arith.mulf %get3A_309, %broadcast_in_dim3A_261 : vector<16xf32>
        %swap3A_311 = arith.index_cast %add3A_265 : i32 to index
        %swap3A_312 = arith.constant 64 : index
        %swap3A_313 = tpu.vector_load %arg10[%swap3A_311, %swap3A_312] {strides = array<i32>} : memref<80x128xf32, #tpu.memory_space<vmem>>, vector<1x16xf32>,
        %swap3A_314 = vector.shape_cast %swap3A_313 : vector<1x16xf32> to vector<16xf32>
        %swap3A_315 = vector.shape_cast %mul3A_310 : vector<16xf32> to vector<1x16xf32>
        tpu.vector_store %arg10[%swap3A_311, %swap3A_312], %swap3A_315 {strides = array<i32>} : memref<80x128xf32, #tpu.memory_space<vmem>>, vector<1x16xf32>,
        %get3A_316 = arith.index_cast %add3A_265 : i32 to index
        %get3A_317 = arith.constant 80 : index
        %get3A_318 = tpu.vector_load %arg10[%get3A_316, %get3A_317] {strides = array<i32>} : memref<80x128xf32, #tpu.memory_space<vmem>>, vector<1x16xf32>,
        %get3A_319 = vector.shape_cast %get3A_318 : vector<1x16xf32> to vector<16xf32>
        %mul3A_320 = arith.mulf %get3A_319, %broadcast_in_dim3A_261 : vector<16xf32>
        %swap3A_321 = arith.index_cast %add3A_265 : i32 to index
        %swap3A_322 = arith.constant 80 : index
        %swap3A_323 = tpu.vector_load %arg10[%swap3A_321, %swap3A_322] {strides = array<i32>} : memref<80x128xf32, #tpu.memory_space<vmem>>, vector<1x16xf32>,
        %swap3A_324 = vector.shape_cast %swap3A_323 : vector<1x16xf32> to vector<16xf32>
        %swap3A_325 = vector.shape_cast %mul3A_320 : vector<16xf32> to vector<1x16xf32>
        tpu.vector_store %arg10[%swap3A_321, %swap3A_322], %swap3A_325 {strides = array<i32>} : memref<80x128xf32, #tpu.memory_space<vmem>>, vector<1x16xf32>,
        %get3A_326 = arith.index_cast %add3A_265 : i32 to index
        %get3A_327 = arith.constant 96 : index
        %get3A_328 = tpu.vector_load %arg10[%get3A_326, %get3A_327] {strides = array<i32>} : memref<80x128xf32, #tpu.memory_space<vmem>>, vector<1x16xf32>,
        %get3A_329 = vector.shape_cast %get3A_328 : vector<1x16xf32> to vector<16xf32>
        %mul3A_330 = arith.mulf %get3A_329, %broadcast_in_dim3A_261 : vector<16xf32>
        %swap3A_331 = arith.index_cast %add3A_265 : i32 to index
        %swap3A_332 = arith.constant 96 : index
        %swap3A_333 = tpu.vector_load %arg10[%swap3A_331, %swap3A_332] {strides = array<i32>} : memref<80x128xf32, #tpu.memory_space<vmem>>, vector<1x16xf32>,
        %swap3A_334 = vector.shape_cast %swap3A_333 : vector<1x16xf32> to vector<16xf32>
        %swap3A_335 = vector.shape_cast %mul3A_330 : vector<16xf32> to vector<1x16xf32>
        tpu.vector_store %arg10[%swap3A_331, %swap3A_332], %swap3A_335 {strides = array<i32>} : memref<80x128xf32, #tpu.memory_space<vmem>>, vector<1x16xf32>,
        %get3A_336 = arith.index_cast %add3A_265 : i32 to index
        %get3A_337 = arith.constant 112 : index
        %get3A_338 = tpu.vector_load %arg10[%get3A_336, %get3A_337] {strides = array<i32>} : memref<80x128xf32, #tpu.memory_space<vmem>>, vector<1x16xf32>,
        %get3A_339 = vector.shape_cast %get3A_338 : vector<1x16xf32> to vector<16xf32>
        %mul3A_340 = arith.mulf %get3A_339, %broadcast_in_dim3A_261 : vector<16xf32>
        %swap3A_341 = arith.index_cast %add3A_265 : i32 to index
        %swap3A_342 = arith.constant 112 : index
        %swap3A_343 = tpu.vector_load %arg10[%swap3A_341, %swap3A_342] {strides = array<i32>} : memref<80x128xf32, #tpu.memory_space<vmem>>, vector<1x16xf32>,
        %swap3A_344 = vector.shape_cast %swap3A_343 : vector<1x16xf32> to vector<16xf32>
        %swap3A_345 = vector.shape_cast %mul3A_340 : vector<16xf32> to vector<1x16xf32>
        tpu.vector_store %arg10[%swap3A_341, %swap3A_342], %swap3A_345 {strides = array<i32>} : memref<80x128xf32, #tpu.memory_space<vmem>>, vector<1x16xf32>,
        %slice3A_346 = vector.extract_strided_slice %get3A_88 {offsets = [3], sizes = [1], strides = [1]} : vector<16xf32> to vector<1xf32>
        %squeeze3A_347 = vector.extract %slice3A_346[0] : f32 from vector<1xf32>
        %broadcast_in_dim3A_348 = vector.broadcast %squeeze3A_347 : f32 to vector<16xf32>
        %mul3A_349 = arith.constant 16 : i32
        %mul3A_350 = arith.muli %scan3A_83, %mul3A_349 : i32
        %add3A_351 = arith.constant 3 : i32
        %add3A_352 = arith.addi %mul3A_350, %add3A_351 : i32
        %get3A_353 = arith.index_cast %add3A_352 : i32 to index
        %get3A_354 = arith.constant 0 : index
        %get3A_355 = tpu.vector_load %arg10[%get3A_353, %get3A_354] {strides = array<i32>} : memref<80x128xf32, #tpu.memory_space<vmem>>, vector<1x16xf32>,
        %get3A_356 = vector.shape_cast %get3A_355 : vector<1x16xf32> to vector<16xf32>
        %mul3A_357 = arith.mulf %get3A_356, %broadcast_in_dim3A_348 : vector<16xf32>
        %swap3A_358 = arith.index_cast %add3A_352 : i32 to index
        %swap3A_359 = arith.constant 0 : index
        %swap3A_360 = tpu.vector_load %arg10[%swap3A_358, %swap3A_359] {strides = array<i32>} : memref<80x128xf32, #tpu.memory_space<vmem>>, vector<1x16xf32>,
        %swap3A_361 = vector.shape_cast %swap3A_360 : vector<1x16xf32> to vector<16xf32>
        %swap3A_362 = vector.shape_cast %mul3A_357 : vector<16xf32> to vector<1x16xf32>
        tpu.vector_store %arg10[%swap3A_358, %swap3A_359], %swap3A_362 {strides = array<i32>} : memref<80x128xf32, #tpu.memory_space<vmem>>, vector<1x16xf32>,
        %get3A_363 = arith.index_cast %add3A_352 : i32 to index
        %get3A_364 = arith.constant 16 : index
        %get3A_365 = tpu.vector_load %arg10[%get3A_363, %get3A_364] {strides = array<i32>} : memref<80x128xf32, #tpu.memory_space<vmem>>, vector<1x16xf32>,
        %get3A_366 = vector.shape_cast %get3A_365 : vector<1x16xf32> to vector<16xf32>
        %mul3A_367 = arith.mulf %get3A_366, %broadcast_in_dim3A_348 : vector<16xf32>
        %swap3A_368 = arith.index_cast %add3A_352 : i32 to index
        %swap3A_369 = arith.constant 16 : index
        %swap3A_370 = tpu.vector_load %arg10[%swap3A_368, %swap3A_369] {strides = array<i32>} : memref<80x128xf32, #tpu.memory_space<vmem>>, vector<1x16xf32>,
        %swap3A_371 = vector.shape_cast %swap3A_370 : vector<1x16xf32> to vector<16xf32>
        %swap3A_372 = vector.shape_cast %mul3A_367 : vector<16xf32> to vector<1x16xf32>
        tpu.vector_store %arg10[%swap3A_368, %swap3A_369], %swap3A_372 {strides = array<i32>} : memref<80x128xf32, #tpu.memory_space<vmem>>, vector<1x16xf32>,
        %get3A_373 = arith.index_cast %add3A_352 : i32 to index
        %get3A_374 = arith.constant 32 : index
        %get3A_375 = tpu.vector_load %arg10[%get3A_373, %get3A_374] {strides = array<i32>} : memref<80x128xf32, #tpu.memory_space<vmem>>, vector<1x16xf32>,
        %get3A_376 = vector.shape_cast %get3A_375 : vector<1x16xf32> to vector<16xf32>
        %mul3A_377 = arith.mulf %get3A_376, %broadcast_in_dim3A_348 : vector<16xf32>
        %swap3A_378 = arith.index_cast %add3A_352 : i32 to index
        %swap3A_379 = arith.constant 32 : index
        %swap3A_380 = tpu.vector_load %arg10[%swap3A_378, %swap3A_379] {strides = array<i32>} : memref<80x128xf32, #tpu.memory_space<vmem>>, vector<1x16xf32>,
        %swap3A_381 = vector.shape_cast %swap3A_380 : vector<1x16xf32> to vector<16xf32>
        %swap3A_382 = vector.shape_cast %mul3A_377 : vector<16xf32> to vector<1x16xf32>
        tpu.vector_store %arg10[%swap3A_378, %swap3A_379], %swap3A_382 {strides = array<i32>} : memref<80x128xf32, #tpu.memory_space<vmem>>, vector<1x16xf32>,
        %get3A_383 = arith.index_cast %add3A_352 : i32 to index
        %get3A_384 = arith.constant 48 : index
        %get3A_385 = tpu.vector_load %arg10[%get3A_383, %get3A_384] {strides = array<i32>} : memref<80x128xf32, #tpu.memory_space<vmem>>, vector<1x16xf32>,
        %get3A_386 = vector.shape_cast %get3A_385 : vector<1x16xf32> to vector<16xf32>
        %mul3A_387 = arith.mulf %get3A_386, %broadcast_in_dim3A_348 : vector<16xf32>
        %swap3A_388 = arith.index_cast %add3A_352 : i32 to index
        %swap3A_389 = arith.constant 48 : index
        %swap3A_390 = tpu.vector_load %arg10[%swap3A_388, %swap3A_389] {strides = array<i32>} : memref<80x128xf32, #tpu.memory_space<vmem>>, vector<1x16xf32>,
        %swap3A_391 = vector.shape_cast %swap3A_390 : vector<1x16xf32> to vector<16xf32>
        %swap3A_392 = vector.shape_cast %mul3A_387 : vector<16xf32> to vector<1x16xf32>
        tpu.vector_store %arg10[%swap3A_388, %swap3A_389], %swap3A_392 {strides = array<i32>} : memref<80x128xf32, #tpu.memory_space<vmem>>, vector<1x16xf32>,
        %get3A_393 = arith.index_cast %add3A_352 : i32 to index
        %get3A_394 = arith.constant 64 : index
        %get3A_395 = tpu.vector_load %arg10[%get3A_393, %get3A_394] {strides = array<i32>} : memref<80x128xf32, #tpu.memory_space<vmem>>, vector<1x16xf32>,
        %get3A_396 = vector.shape_cast %get3A_395 : vector<1x16xf32> to vector<16xf32>
        %mul3A_397 = arith.mulf %get3A_396, %broadcast_in_dim3A_348 : vector<16xf32>
        %swap3A_398 = arith.index_cast %add3A_352 : i32 to index
        %swap3A_399 = arith.constant 64 : index
        %swap3A_400 = tpu.vector_load %arg10[%swap3A_398, %swap3A_399] {strides = array<i32>} : memref<80x128xf32, #tpu.memory_space<vmem>>, vector<1x16xf32>,
        %swap3A_401 = vector.shape_cast %swap3A_400 : vector<1x16xf32> to vector<16xf32>
        %swap3A_402 = vector.shape_cast %mul3A_397 : vector<16xf32> to vector<1x16xf32>
        tpu.vector_store %arg10[%swap3A_398, %swap3A_399], %swap3A_402 {strides = array<i32>} : memref<80x128xf32, #tpu.memory_space<vmem>>, vector<1x16xf32>,
        %get3A_403 = arith.index_cast %add3A_352 : i32 to index
        %get3A_404 = arith.constant 80 : index
        %get3A_405 = tpu.vector_load %arg10[%get3A_403, %get3A_404] {strides = array<i32>} : memref<80x128xf32, #tpu.memory_space<vmem>>, vector<1x16xf32>,
        %get3A_406 = vector.shape_cast %get3A_405 : vector<1x16xf32> to vector<16xf32>
        %mul3A_407 = arith.mulf %get3A_406, %broadcast_in_dim3A_348 : vector<16xf32>
        %swap3A_408 = arith.index_cast %add3A_352 : i32 to index
        %swap3A_409 = arith.constant 80 : index
        %swap3A_410 = tpu.vector_load %arg10[%swap3A_408, %swap3A_409] {strides = array<i32>} : memref<80x128xf32, #tpu.memory_space<vmem>>, vector<1x16xf32>,
        %swap3A_411 = vector.shape_cast %swap3A_410 : vector<1x16xf32> to vector<16xf32>
        %swap3A_412 = vector.shape_cast %mul3A_407 : vector<16xf32> to vector<1x16xf32>
        tpu.vector_store %arg10[%swap3A_408, %swap3A_409], %swap3A_412 {strides = array<i32>} : memref<80x128xf32, #tpu.memory_space<vmem>>, vector<1x16xf32>,
        %get3A_413 = arith.index_cast %add3A_352 : i32 to index
        %get3A_414 = arith.constant 96 : index
        %get3A_415 = tpu.vector_load %arg10[%get3A_413, %get3A_414] {strides = array<i32>} : memref<80x128xf32, #tpu.memory_space<vmem>>, vector<1x16xf32>,
        %get3A_416 = vector.shape_cast %get3A_415 : vector<1x16xf32> to vector<16xf32>
        %mul3A_417 = arith.mulf %get3A_416, %broadcast_in_dim3A_348 : vector<16xf32>
        %swap3A_418 = arith.index_cast %add3A_352 : i32 to index
        %swap3A_419 = arith.constant 96 : index
        %swap3A_420 = tpu.vector_load %arg10[%swap3A_418, %swap3A_419] {strides = array<i32>} : memref<80x128xf32, #tpu.memory_space<vmem>>, vector<1x16xf32>,
        %swap3A_421 = vector.shape_cast %swap3A_420 : vector<1x16xf32> to vector<16xf32>
        %swap3A_422 = vector.shape_cast %mul3A_417 : vector<16xf32> to vector<1x16xf32>
        tpu.vector_store %arg10[%swap3A_418, %swap3A_419], %swap3A_422 {strides = array<i32>} : memref<80x128xf32, #tpu.memory_space<vmem>>, vector<1x16xf32>,
        %get3A_423 = arith.index_cast %add3A_352 : i32 to index
        %get3A_424 = arith.constant 112 : index
        %get3A_425 = tpu.vector_load %arg10[%get3A_423, %get3A_424] {strides = array<i32>} : memref<80x128xf32, #tpu.memory_space<vmem>>, vector<1x16xf32>,
        %get3A_426 = vector.shape_cast %get3A_425 : vector<1x16xf32> to vector<16xf32>
        %mul3A_427 = arith.mulf %get3A_426, %broadcast_in_dim3A_348 : vector<16xf32>
        %swap3A_428 = arith.index_cast %add3A_352 : i32 to index
        %swap3A_429 = arith.constant 112 : index
        %swap3A_430 = tpu.vector_load %arg10[%swap3A_428, %swap3A_429] {strides = array<i32>} : memref<80x128xf32, #tpu.memory_space<vmem>>, vector<1x16xf32>,
        %swap3A_431 = vector.shape_cast %swap3A_430 : vector<1x16xf32> to vector<16xf32>
        %swap3A_432 = vector.shape_cast %mul3A_427 : vector<16xf32> to vector<1x16xf32>
        tpu.vector_store %arg10[%swap3A_428, %swap3A_429], %swap3A_432 {strides = array<i32>} : memref<80x128xf32, #tpu.memory_space<vmem>>, vector<1x16xf32>,
        %slice3A_433 = vector.extract_strided_slice %get3A_88 {offsets = [4], sizes = [1], strides = [1]} : vector<16xf32> to vector<1xf32>
        %squeeze3A_434 = vector.extract %slice3A_433[0] : f32 from vector<1xf32>
        %broadcast_in_dim3A_435 = vector.broadcast %squeeze3A_434 : f32 to vector<16xf32>
        %mul3A_436 = arith.constant 16 : i32
        %mul3A_437 = arith.muli %scan3A_83, %mul3A_436 : i32
        %add3A_438 = arith.constant 4 : i32
        %add3A_439 = arith.addi %mul3A_437, %add3A_438 : i32
        %get3A_440 = arith.index_cast %add3A_439 : i32 to index
        %get3A_441 = arith.constant 0 : index
        %get3A_442 = tpu.vector_load %arg10[%get3A_440, %get3A_441] {strides = array<i32>} : memref<80x128xf32, #tpu.memory_space<vmem>>, vector<1x16xf32>,
        %get3A_443 = vector.shape_cast %get3A_442 : vector<1x16xf32> to vector<16xf32>
        %mul3A_444 = arith.mulf %get3A_443, %broadcast_in_dim3A_435 : vector<16xf32>
        %swap3A_445 = arith.index_cast %add3A_439 : i32 to index
        %swap3A_446 = arith.constant 0 : index
        %swap3A_447 = tpu.vector_load %arg10[%swap3A_445, %swap3A_446] {strides = array<i32>} : memref<80x128xf32, #tpu.memory_space<vmem>>, vector<1x16xf32>,
        %swap3A_448 = vector.shape_cast %swap3A_447 : vector<1x16xf32> to vector<16xf32>
        %swap3A_449 = vector.shape_cast %mul3A_444 : vector<16xf32> to vector<1x16xf32>
        tpu.vector_store %arg10[%swap3A_445, %swap3A_446], %swap3A_449 {strides = array<i32>} : memref<80x128xf32, #tpu.memory_space<vmem>>, vector<1x16xf32>,
        %get3A_450 = arith.index_cast %add3A_439 : i32 to index
        %get3A_451 = arith.constant 16 : index
        %get3A_452 = tpu.vector_load %arg10[%get3A_450, %get3A_451] {strides = array<i32>} : memref<80x128xf32, #tpu.memory_space<vmem>>, vector<1x16xf32>,
        %get3A_453 = vector.shape_cast %get3A_452 : vector<1x16xf32> to vector<16xf32>
        %mul3A_454 = arith.mulf %get3A_453, %broadcast_in_dim3A_435 : vector<16xf32>
        %swap3A_455 = arith.index_cast %add3A_439 : i32 to index
        %swap3A_456 = arith.constant 16 : index
        %swap3A_457 = tpu.vector_load %arg10[%swap3A_455, %swap3A_456] {strides = array<i32>} : memref<80x128xf32, #tpu.memory_space<vmem>>, vector<1x16xf32>,
        %swap3A_458 = vector.shape_cast %swap3A_457 : vector<1x16xf32> to vector<16xf32>
        %swap3A_459 = vector.shape_cast %mul3A_454 : vector<16xf32> to vector<1x16xf32>
        tpu.vector_store %arg10[%swap3A_455, %swap3A_456], %swap3A_459 {strides = array<i32>} : memref<80x128xf32, #tpu.memory_space<vmem>>, vector<1x16xf32>,
        %get3A_460 = arith.index_cast %add3A_439 : i32 to index
        %get3A_461 = arith.constant 32 : index
        %get3A_462 = tpu.vector_load %arg10[%get3A_460, %get3A_461] {strides = array<i32>} : memref<80x128xf32, #tpu.memory_space<vmem>>, vector<1x16xf32>,
        %get3A_463 = vector.shape_cast %get3A_462 : vector<1x16xf32> to vector<16xf32>
        %mul3A_464 = arith.mulf %get3A_463, %broadcast_in_dim3A_435 : vector<16xf32>
        %swap3A_465 = arith.index_cast %add3A_439 : i32 to index
        %swap3A_466 = arith.constant 32 : index
        %swap3A_467 = tpu.vector_load %arg10[%swap3A_465, %swap3A_466] {strides = array<i32>} : memref<80x128xf32, #tpu.memory_space<vmem>>, vector<1x16xf32>,
        %swap3A_468 = vector.shape_cast %swap3A_467 : vector<1x16xf32> to vector<16xf32>
        %swap3A_469 = vector.shape_cast %mul3A_464 : vector<16xf32> to vector<1x16xf32>
        tpu.vector_store %arg10[%swap3A_465, %swap3A_466], %swap3A_469 {strides = array<i32>} : memref<80x128xf32, #tpu.memory_space<vmem>>, vector<1x16xf32>,
        %get3A_470 = arith.index_cast %add3A_439 : i32 to index
        %get3A_471 = arith.constant 48 : index
        %get3A_472 = tpu.vector_load %arg10[%get3A_470, %get3A_471] {strides = array<i32>} : memref<80x128xf32, #tpu.memory_space<vmem>>, vector<1x16xf32>,
        %get3A_473 = vector.shape_cast %get3A_472 : vector<1x16xf32> to vector<16xf32>
        %mul3A_474 = arith.mulf %get3A_473, %broadcast_in_dim3A_435 : vector<16xf32>
        %swap3A_475 = arith.index_cast %add3A_439 : i32 to index
        %swap3A_476 = arith.constant 48 : index
        %swap3A_477 = tpu.vector_load %arg10[%swap3A_475, %swap3A_476] {strides = array<i32>} : memref<80x128xf32, #tpu.memory_space<vmem>>, vector<1x16xf32>,
        %swap3A_478 = vector.shape_cast %swap3A_477 : vector<1x16xf32> to vector<16xf32>
        %swap3A_479 = vector.shape_cast %mul3A_474 : vector<16xf32> to vector<1x16xf32>
        tpu.vector_store %arg10[%swap3A_475, %swap3A_476], %swap3A_479 {strides = array<i32>} : memref<80x128xf32, #tpu.memory_space<vmem>>, vector<1x16xf32>,
        %get3A_480 = arith.index_cast %add3A_439 : i32 to index
        %get3A_481 = arith.constant 64 : index
        %get3A_482 = tpu.vector_load %arg10[%get3A_480, %get3A_481] {strides = array<i32>} : memref<80x128xf32, #tpu.memory_space<vmem>>, vector<1x16xf32>,
        %get3A_483 = vector.shape_cast %get3A_482 : vector<1x16xf32> to vector<16xf32>
        %mul3A_484 = arith.mulf %get3A_483, %broadcast_in_dim3A_435 : vector<16xf32>
        %swap3A_485 = arith.index_cast %add3A_439 : i32 to index
        %swap3A_486 = arith.constant 64 : index
        %swap3A_487 = tpu.vector_load %arg10[%swap3A_485, %swap3A_486] {strides = array<i32>} : memref<80x128xf32, #tpu.memory_space<vmem>>, vector<1x16xf32>,
        %swap3A_488 = vector.shape_cast %swap3A_487 : vector<1x16xf32> to vector<16xf32>
        %swap3A_489 = vector.shape_cast %mul3A_484 : vector<16xf32> to vector<1x16xf32>
        tpu.vector_store %arg10[%swap3A_485, %swap3A_486], %swap3A_489 {strides = array<i32>} : memref<80x128xf32, #tpu.memory_space<vmem>>, vector<1x16xf32>,
        %get3A_490 = arith.index_cast %add3A_439 : i32 to index
        %get3A_491 = arith.constant 80 : index
        %get3A_492 = tpu.vector_load %arg10[%get3A_490, %get3A_491] {strides = array<i32>} : memref<80x128xf32, #tpu.memory_space<vmem>>, vector<1x16xf32>,
        %get3A_493 = vector.shape_cast %get3A_492 : vector<1x16xf32> to vector<16xf32>
        %mul3A_494 = arith.mulf %get3A_493, %broadcast_in_dim3A_435 : vector<16xf32>
        %swap3A_495 = arith.index_cast %add3A_439 : i32 to index
        %swap3A_496 = arith.constant 80 : index
        %swap3A_497 = tpu.vector_load %arg10[%swap3A_495, %swap3A_496] {strides = array<i32>} : memref<80x128xf32, #tpu.memory_space<vmem>>, vector<1x16xf32>,
        %swap3A_498 = vector.shape_cast %swap3A_497 : vector<1x16xf32> to vector<16xf32>
        %swap3A_499 = vector.shape_cast %mul3A_494 : vector<16xf32> to vector<1x16xf32>
        tpu.vector_store %arg10[%swap3A_495, %swap3A_496], %swap3A_499 {strides = array<i32>} : memref<80x128xf32, #tpu.memory_space<vmem>>, vector<1x16xf32>,
        %get3A_500 = arith.index_cast %add3A_439 : i32 to index
        %get3A_501 = arith.constant 96 : index
        %get3A_502 = tpu.vector_load %arg10[%get3A_500, %get3A_501] {strides = array<i32>} : memref<80x128xf32, #tpu.memory_space<vmem>>, vector<1x16xf32>,
        %get3A_503 = vector.shape_cast %get3A_502 : vector<1x16xf32> to vector<16xf32>
        %mul3A_504 = arith.mulf %get3A_503, %broadcast_in_dim3A_435 : vector<16xf32>
        %swap3A_505 = arith.index_cast %add3A_439 : i32 to index
        %swap3A_506 = arith.constant 96 : index
        %swap3A_507 = tpu.vector_load %arg10[%swap3A_505, %swap3A_506] {strides = array<i32>} : memref<80x128xf32, #tpu.memory_space<vmem>>, vector<1x16xf32>,
        %swap3A_508 = vector.shape_cast %swap3A_507 : vector<1x16xf32> to vector<16xf32>
        %swap3A_509 = vector.shape_cast %mul3A_504 : vector<16xf32> to vector<1x16xf32>
        tpu.vector_store %arg10[%swap3A_505, %swap3A_506], %swap3A_509 {strides = array<i32>} : memref<80x128xf32, #tpu.memory_space<vmem>>, vector<1x16xf32>,
        %get3A_510 = arith.index_cast %add3A_439 : i32 to index
        %get3A_511 = arith.constant 112 : index
        %get3A_512 = tpu.vector_load %arg10[%get3A_510, %get3A_511] {strides = array<i32>} : memref<80x128xf32, #tpu.memory_space<vmem>>, vector<1x16xf32>,
        %get3A_513 = vector.shape_cast %get3A_512 : vector<1x16xf32> to vector<16xf32>
        %mul3A_514 = arith.mulf %get3A_513, %broadcast_in_dim3A_435 : vector<16xf32>
        %swap3A_515 = arith.index_cast %add3A_439 : i32 to index
        %swap3A_516 = arith.constant 112 : index
        %swap3A_517 = tpu.vector_load %arg10[%swap3A_515, %swap3A_516] {strides = array<i32>} : memref<80x128xf32, #tpu.memory_space<vmem>>, vector<1x16xf32>,
        %swap3A_518 = vector.shape_cast %swap3A_517 : vector<1x16xf32> to vector<16xf32>
        %swap3A_519 = vector.shape_cast %mul3A_514 : vector<16xf32> to vector<1x16xf32>
        tpu.vector_store %arg10[%swap3A_515, %swap3A_516], %swap3A_519 {strides = array<i32>} : memref<80x128xf32, #tpu.memory_space<vmem>>, vector<1x16xf32>,
        %slice3A_520 = vector.extract_strided_slice %get3A_88 {offsets = [5], sizes = [1], strides = [1]} : vector<16xf32> to vector<1xf32>
        %squeeze3A_521 = vector.extract %slice3A_520[0] : f32 from vector<1xf32>
        %broadcast_in_dim3A_522 = vector.broadcast %squeeze3A_521 : f32 to vector<16xf32>
        %mul3A_523 = arith.constant 16 : i32
        %mul3A_524 = arith.muli %scan3A_83, %mul3A_523 : i32
        %add3A_525 = arith.constant 5 : i32
        %add3A_526 = arith.addi %mul3A_524, %add3A_525 : i32
        %get3A_527 = arith.index_cast %add3A_526 : i32 to index
        %get3A_528 = arith.constant 0 : index
        %get3A_529 = tpu.vector_load %arg10[%get3A_527, %get3A_528] {strides = array<i32>} : memref<80x128xf32, #tpu.memory_space<vmem>>, vector<1x16xf32>,
        %get3A_530 = vector.shape_cast %get3A_529 : vector<1x16xf32> to vector<16xf32>
        %mul3A_531 = arith.mulf %get3A_530, %broadcast_in_dim3A_522 : vector<16xf32>
        %swap3A_532 = arith.index_cast %add3A_526 : i32 to index
        %swap3A_533 = arith.constant 0 : index
        %swap3A_534 = tpu.vector_load %arg10[%swap3A_532, %swap3A_533] {strides = array<i32>} : memref<80x128xf32, #tpu.memory_space<vmem>>, vector<1x16xf32>,
        %swap3A_535 = vector.shape_cast %swap3A_534 : vector<1x16xf32> to vector<16xf32>
        %swap3A_536 = vector.shape_cast %mul3A_531 : vector<16xf32> to vector<1x16xf32>
        tpu.vector_store %arg10[%swap3A_532, %swap3A_533], %swap3A_536 {strides = array<i32>} : memref<80x128xf32, #tpu.memory_space<vmem>>, vector<1x16xf32>,
        %get3A_537 = arith.index_cast %add3A_526 : i32 to index
        %get3A_538 = arith.constant 16 : index
        %get3A_539 = tpu.vector_load %arg10[%get3A_537, %get3A_538] {strides = array<i32>} : memref<80x128xf32, #tpu.memory_space<vmem>>, vector<1x16xf32>,
        %get3A_540 = vector.shape_cast %get3A_539 : vector<1x16xf32> to vector<16xf32>
        %mul3A_541 = arith.mulf %get3A_540, %broadcast_in_dim3A_522 : vector<16xf32>
        %swap3A_542 = arith.index_cast %add3A_526 : i32 to index
        %swap3A_543 = arith.constant 16 : index
        %swap3A_544 = tpu.vector_load %arg10[%swap3A_542, %swap3A_543] {strides = array<i32>} : memref<80x128xf32, #tpu.memory_space<vmem>>, vector<1x16xf32>,
        %swap3A_545 = vector.shape_cast %swap3A_544 : vector<1x16xf32> to vector<16xf32>
        %swap3A_546 = vector.shape_cast %mul3A_541 : vector<16xf32> to vector<1x16xf32>
        tpu.vector_store %arg10[%swap3A_542, %swap3A_543], %swap3A_546 {strides = array<i32>} : memref<80x128xf32, #tpu.memory_space<vmem>>, vector<1x16xf32>,
        %get3A_547 = arith.index_cast %add3A_526 : i32 to index
        %get3A_548 = arith.constant 32 : index
        %get3A_549 = tpu.vector_load %arg10[%get3A_547, %get3A_548] {strides = array<i32>} : memref<80x128xf32, #tpu.memory_space<vmem>>, vector<1x16xf32>,
        %get3A_550 = vector.shape_cast %get3A_549 : vector<1x16xf32> to vector<16xf32>
        %mul3A_551 = arith.mulf %get3A_550, %broadcast_in_dim3A_522 : vector<16xf32>
        %swap3A_552 = arith.index_cast %add3A_526 : i32 to index
        %swap3A_553 = arith.constant 32 : index
        %swap3A_554 = tpu.vector_load %arg10[%swap3A_552, %swap3A_553] {strides = array<i32>} : memref<80x128xf32, #tpu.memory_space<vmem>>, vector<1x16xf32>,
        %swap3A_555 = vector.shape_cast %swap3A_554 : vector<1x16xf32> to vector<16xf32>
        %swap3A_556 = vector.shape_cast %mul3A_551 : vector<16xf32> to vector<1x16xf32>
        tpu.vector_store %arg10[%swap3A_552, %swap3A_553], %swap3A_556 {strides = array<i32>} : memref<80x128xf32, #tpu.memory_space<vmem>>, vector<1x16xf32>,
        %get3A_557 = arith.index_cast %add3A_526 : i32 to index
        %get3A_558 = arith.constant 48 : index
        %get3A_559 = tpu.vector_load %arg10[%get3A_557, %get3A_558] {strides = array<i32>} : memref<80x128xf32, #tpu.memory_space<vmem>>, vector<1x16xf32>,
        %get3A_560 = vector.shape_cast %get3A_559 : vector<1x16xf32> to vector<16xf32>
        %mul3A_561 = arith.mulf %get3A_560, %broadcast_in_dim3A_522 : vector<16xf32>
        %swap3A_562 = arith.index_cast %add3A_526 : i32 to index
        %swap3A_563 = arith.constant 48 : index
        %swap3A_564 = tpu.vector_load %arg10[%swap3A_562, %swap3A_563] {strides = array<i32>} : memref<80x128xf32, #tpu.memory_space<vmem>>, vector<1x16xf32>,
        %swap3A_565 = vector.shape_cast %swap3A_564 : vector<1x16xf32> to vector<16xf32>
        %swap3A_566 = vector.shape_cast %mul3A_561 : vector<16xf32> to vector<1x16xf32>
        tpu.vector_store %arg10[%swap3A_562, %swap3A_563], %swap3A_566 {strides = array<i32>} : memref<80x128xf32, #tpu.memory_space<vmem>>, vector<1x16xf32>,
        %get3A_567 = arith.index_cast %add3A_526 : i32 to index
        %get3A_568 = arith.constant 64 : index
        %get3A_569 = tpu.vector_load %arg10[%get3A_567, %get3A_568] {strides = array<i32>} : memref<80x128xf32, #tpu.memory_space<vmem>>, vector<1x16xf32>,
        %get3A_570 = vector.shape_cast %get3A_569 : vector<1x16xf32> to vector<16xf32>
        %mul3A_571 = arith.mulf %get3A_570, %broadcast_in_dim3A_522 : vector<16xf32>
        %swap3A_572 = arith.index_cast %add3A_526 : i32 to index
        %swap3A_573 = arith.constant 64 : index
        %swap3A_574 = tpu.vector_load %arg10[%swap3A_572, %swap3A_573] {strides = array<i32>} : memref<80x128xf32, #tpu.memory_space<vmem>>, vector<1x16xf32>,
        %swap3A_575 = vector.shape_cast %swap3A_574 : vector<1x16xf32> to vector<16xf32>
        %swap3A_576 = vector.shape_cast %mul3A_571 : vector<16xf32> to vector<1x16xf32>
        tpu.vector_store %arg10[%swap3A_572, %swap3A_573], %swap3A_576 {strides = array<i32>} : memref<80x128xf32, #tpu.memory_space<vmem>>, vector<1x16xf32>,
        %get3A_577 = arith.index_cast %add3A_526 : i32 to index
        %get3A_578 = arith.constant 80 : index
        %get3A_579 = tpu.vector_load %arg10[%get3A_577, %get3A_578] {strides = array<i32>} : memref<80x128xf32, #tpu.memory_space<vmem>>, vector<1x16xf32>,
        %get3A_580 = vector.shape_cast %get3A_579 : vector<1x16xf32> to vector<16xf32>
        %mul3A_581 = arith.mulf %get3A_580, %broadcast_in_dim3A_522 : vector<16xf32>
        %swap3A_582 = arith.index_cast %add3A_526 : i32 to index
        %swap3A_583 = arith.constant 80 : index
        %swap3A_584 = tpu.vector_load %arg10[%swap3A_582, %swap3A_583] {strides = array<i32>} : memref<80x128xf32, #tpu.memory_space<vmem>>, vector<1x16xf32>,
        %swap3A_585 = vector.shape_cast %swap3A_584 : vector<1x16xf32> to vector<16xf32>
        %swap3A_586 = vector.shape_cast %mul3A_581 : vector<16xf32> to vector<1x16xf32>
        tpu.vector_store %arg10[%swap3A_582, %swap3A_583], %swap3A_586 {strides = array<i32>} : memref<80x128xf32, #tpu.memory_space<vmem>>, vector<1x16xf32>,
        %get3A_587 = arith.index_cast %add3A_526 : i32 to index
        %get3A_588 = arith.constant 96 : index
        %get3A_589 = tpu.vector_load %arg10[%get3A_587, %get3A_588] {strides = array<i32>} : memref<80x128xf32, #tpu.memory_space<vmem>>, vector<1x16xf32>,
        %get3A_590 = vector.shape_cast %get3A_589 : vector<1x16xf32> to vector<16xf32>
        %mul3A_591 = arith.mulf %get3A_590, %broadcast_in_dim3A_522 : vector<16xf32>
        %swap3A_592 = arith.index_cast %add3A_526 : i32 to index
        %swap3A_593 = arith.constant 96 : index
        %swap3A_594 = tpu.vector_load %arg10[%swap3A_592, %swap3A_593] {strides = array<i32>} : memref<80x128xf32, #tpu.memory_space<vmem>>, vector<1x16xf32>,
        %swap3A_595 = vector.shape_cast %swap3A_594 : vector<1x16xf32> to vector<16xf32>
        %swap3A_596 = vector.shape_cast %mul3A_591 : vector<16xf32> to vector<1x16xf32>
        tpu.vector_store %arg10[%swap3A_592, %swap3A_593], %swap3A_596 {strides = array<i32>} : memref<80x128xf32, #tpu.memory_space<vmem>>, vector<1x16xf32>,
        %get3A_597 = arith.index_cast %add3A_526 : i32 to index
        %get3A_598 = arith.constant 112 : index
        %get3A_599 = tpu.vector_load %arg10[%get3A_597, %get3A_598] {strides = array<i32>} : memref<80x128xf32, #tpu.memory_space<vmem>>, vector<1x16xf32>,
        %get3A_600 = vector.shape_cast %get3A_599 : vector<1x16xf32> to vector<16xf32>
        %mul3A_601 = arith.mulf %get3A_600, %broadcast_in_dim3A_522 : vector<16xf32>
        %swap3A_602 = arith.index_cast %add3A_526 : i32 to index
        %swap3A_603 = arith.constant 112 : index
        %swap3A_604 = tpu.vector_load %arg10[%swap3A_602, %swap3A_603] {strides = array<i32>} : memref<80x128xf32, #tpu.memory_space<vmem>>, vector<1x16xf32>,
        %swap3A_605 = vector.shape_cast %swap3A_604 : vector<1x16xf32> to vector<16xf32>
        %swap3A_606 = vector.shape_cast %mul3A_601 : vector<16xf32> to vector<1x16xf32>
        tpu.vector_store %arg10[%swap3A_602, %swap3A_603], %swap3A_606 {strides = array<i32>} : memref<80x128xf32, #tpu.memory_space<vmem>>, vector<1x16xf32>,
        %slice3A_607 = vector.extract_strided_slice %get3A_88 {offsets = [6], sizes = [1], strides = [1]} : vector<16xf32> to vector<1xf32>
        %squeeze3A_608 = vector.extract %slice3A_607[0] : f32 from vector<1xf32>
        %broadcast_in_dim3A_609 = vector.broadcast %squeeze3A_608 : f32 to vector<16xf32>
        %mul3A_610 = arith.constant 16 : i32
        %mul3A_611 = arith.muli %scan3A_83, %mul3A_610 : i32
        %add3A_612 = arith.constant 6 : i32
        %add3A_613 = arith.addi %mul3A_611, %add3A_612 : i32
        %get3A_614 = arith.index_cast %add3A_613 : i32 to index
        %get3A_615 = arith.constant 0 : index
        %get3A_616 = tpu.vector_load %arg10[%get3A_614, %get3A_615] {strides = array<i32>} : memref<80x128xf32, #tpu.memory_space<vmem>>, vector<1x16xf32>,
        %get3A_617 = vector.shape_cast %get3A_616 : vector<1x16xf32> to vector<16xf32>
        %mul3A_618 = arith.mulf %get3A_617, %broadcast_in_dim3A_609 : vector<16xf32>
        %swap3A_619 = arith.index_cast %add3A_613 : i32 to index
        %swap3A_620 = arith.constant 0 : index
        %swap3A_621 = tpu.vector_load %arg10[%swap3A_619, %swap3A_620] {strides = array<i32>} : memref<80x128xf32, #tpu.memory_space<vmem>>, vector<1x16xf32>,
        %swap3A_622 = vector.shape_cast %swap3A_621 : vector<1x16xf32> to vector<16xf32>
        %swap3A_623 = vector.shape_cast %mul3A_618 : vector<16xf32> to vector<1x16xf32>
        tpu.vector_store %arg10[%swap3A_619, %swap3A_620], %swap3A_623 {strides = array<i32>} : memref<80x128xf32, #tpu.memory_space<vmem>>, vector<1x16xf32>,
        %get3A_624 = arith.index_cast %add3A_613 : i32 to index
        %get3A_625 = arith.constant 16 : index
        %get3A_626 = tpu.vector_load %arg10[%get3A_624, %get3A_625] {strides = array<i32>} : memref<80x128xf32, #tpu.memory_space<vmem>>, vector<1x16xf32>,
        %get3A_627 = vector.shape_cast %get3A_626 : vector<1x16xf32> to vector<16xf32>
        %mul3A_628 = arith.mulf %get3A_627, %broadcast_in_dim3A_609 : vector<16xf32>
        %swap3A_629 = arith.index_cast %add3A_613 : i32 to index
        %swap3A_630 = arith.constant 16 : index
        %swap3A_631 = tpu.vector_load %arg10[%swap3A_629, %swap3A_630] {strides = array<i32>} : memref<80x128xf32, #tpu.memory_space<vmem>>, vector<1x16xf32>,
        %swap3A_632 = vector.shape_cast %swap3A_631 : vector<1x16xf32> to vector<16xf32>
        %swap3A_633 = vector.shape_cast %mul3A_628 : vector<16xf32> to vector<1x16xf32>
        tpu.vector_store %arg10[%swap3A_629, %swap3A_630], %swap3A_633 {strides = array<i32>} : memref<80x128xf32, #tpu.memory_space<vmem>>, vector<1x16xf32>,
        %get3A_634 = arith.index_cast %add3A_613 : i32 to index
        %get3A_635 = arith.constant 32 : index
        %get3A_636 = tpu.vector_load %arg10[%get3A_634, %get3A_635] {strides = array<i32>} : memref<80x128xf32, #tpu.memory_space<vmem>>, vector<1x16xf32>,
        %get3A_637 = vector.shape_cast %get3A_636 : vector<1x16xf32> to vector<16xf32>
        %mul3A_638 = arith.mulf %get3A_637, %broadcast_in_dim3A_609 : vector<16xf32>
        %swap3A_639 = arith.index_cast %add3A_613 : i32 to index
        %swap3A_640 = arith.constant 32 : index
        %swap3A_641 = tpu.vector_load %arg10[%swap3A_639, %swap3A_640] {strides = array<i32>} : memref<80x128xf32, #tpu.memory_space<vmem>>, vector<1x16xf32>,
        %swap3A_642 = vector.shape_cast %swap3A_641 : vector<1x16xf32> to vector<16xf32>
        %swap3A_643 = vector.shape_cast %mul3A_638 : vector<16xf32> to vector<1x16xf32>
        tpu.vector_store %arg10[%swap3A_639, %swap3A_640], %swap3A_643 {strides = array<i32>} : memref<80x128xf32, #tpu.memory_space<vmem>>, vector<1x16xf32>,
        %get3A_644 = arith.index_cast %add3A_613 : i32 to index
        %get3A_645 = arith.constant 48 : index
        %get3A_646 = tpu.vector_load %arg10[%get3A_644, %get3A_645] {strides = array<i32>} : memref<80x128xf32, #tpu.memory_space<vmem>>, vector<1x16xf32>,
        %get3A_647 = vector.shape_cast %get3A_646 : vector<1x16xf32> to vector<16xf32>
        %mul3A_648 = arith.mulf %get3A_647, %broadcast_in_dim3A_609 : vector<16xf32>
        %swap3A_649 = arith.index_cast %add3A_613 : i32 to index
        %swap3A_650 = arith.constant 48 : index
        %swap3A_651 = tpu.vector_load %arg10[%swap3A_649, %swap3A_650] {strides = array<i32>} : memref<80x128xf32, #tpu.memory_space<vmem>>, vector<1x16xf32>,
        %swap3A_652 = vector.shape_cast %swap3A_651 : vector<1x16xf32> to vector<16xf32>
        %swap3A_653 = vector.shape_cast %mul3A_648 : vector<16xf32> to vector<1x16xf32>
        tpu.vector_store %arg10[%swap3A_649, %swap3A_650], %swap3A_653 {strides = array<i32>} : memref<80x128xf32, #tpu.memory_space<vmem>>, vector<1x16xf32>,
        %get3A_654 = arith.index_cast %add3A_613 : i32 to index
        %get3A_655 = arith.constant 64 : index
        %get3A_656 = tpu.vector_load %arg10[%get3A_654, %get3A_655] {strides = array<i32>} : memref<80x128xf32, #tpu.memory_space<vmem>>, vector<1x16xf32>,
        %get3A_657 = vector.shape_cast %get3A_656 : vector<1x16xf32> to vector<16xf32>
        %mul3A_658 = arith.mulf %get3A_657, %broadcast_in_dim3A_609 : vector<16xf32>
        %swap3A_659 = arith.index_cast %add3A_613 : i32 to index
        %swap3A_660 = arith.constant 64 : index
        %swap3A_661 = tpu.vector_load %arg10[%swap3A_659, %swap3A_660] {strides = array<i32>} : memref<80x128xf32, #tpu.memory_space<vmem>>, vector<1x16xf32>,
        %swap3A_662 = vector.shape_cast %swap3A_661 : vector<1x16xf32> to vector<16xf32>
        %swap3A_663 = vector.shape_cast %mul3A_658 : vector<16xf32> to vector<1x16xf32>
        tpu.vector_store %arg10[%swap3A_659, %swap3A_660], %swap3A_663 {strides = array<i32>} : memref<80x128xf32, #tpu.memory_space<vmem>>, vector<1x16xf32>,
        %get3A_664 = arith.index_cast %add3A_613 : i32 to index
        %get3A_665 = arith.constant 80 : index
        %get3A_666 = tpu.vector_load %arg10[%get3A_664, %get3A_665] {strides = array<i32>} : memref<80x128xf32, #tpu.memory_space<vmem>>, vector<1x16xf32>,
        %get3A_667 = vector.shape_cast %get3A_666 : vector<1x16xf32> to vector<16xf32>
        %mul3A_668 = arith.mulf %get3A_667, %broadcast_in_dim3A_609 : vector<16xf32>
        %swap3A_669 = arith.index_cast %add3A_613 : i32 to index
        %swap3A_670 = arith.constant 80 : index
        %swap3A_671 = tpu.vector_load %arg10[%swap3A_669, %swap3A_670] {strides = array<i32>} : memref<80x128xf32, #tpu.memory_space<vmem>>, vector<1x16xf32>,
        %swap3A_672 = vector.shape_cast %swap3A_671 : vector<1x16xf32> to vector<16xf32>
        %swap3A_673 = vector.shape_cast %mul3A_668 : vector<16xf32> to vector<1x16xf32>
        tpu.vector_store %arg10[%swap3A_669, %swap3A_670], %swap3A_673 {strides = array<i32>} : memref<80x128xf32, #tpu.memory_space<vmem>>, vector<1x16xf32>,
        %get3A_674 = arith.index_cast %add3A_613 : i32 to index
        %get3A_675 = arith.constant 96 : index
        %get3A_676 = tpu.vector_load %arg10[%get3A_674, %get3A_675] {strides = array<i32>} : memref<80x128xf32, #tpu.memory_space<vmem>>, vector<1x16xf32>,
        %get3A_677 = vector.shape_cast %get3A_676 : vector<1x16xf32> to vector<16xf32>
        %mul3A_678 = arith.mulf %get3A_677, %broadcast_in_dim3A_609 : vector<16xf32>
        %swap3A_679 = arith.index_cast %add3A_613 : i32 to index
        %swap3A_680 = arith.constant 96 : index
        %swap3A_681 = tpu.vector_load %arg10[%swap3A_679, %swap3A_680] {strides = array<i32>} : memref<80x128xf32, #tpu.memory_space<vmem>>, vector<1x16xf32>,
        %swap3A_682 = vector.shape_cast %swap3A_681 : vector<1x16xf32> to vector<16xf32>
        %swap3A_683 = vector.shape_cast %mul3A_678 : vector<16xf32> to vector<1x16xf32>
        tpu.vector_store %arg10[%swap3A_679, %swap3A_680], %swap3A_683 {strides = array<i32>} : memref<80x128xf32, #tpu.memory_space<vmem>>, vector<1x16xf32>,
        %get3A_684 = arith.index_cast %add3A_613 : i32 to index
        %get3A_685 = arith.constant 112 : index
        %get3A_686 = tpu.vector_load %arg10[%get3A_684, %get3A_685] {strides = array<i32>} : memref<80x128xf32, #tpu.memory_space<vmem>>, vector<1x16xf32>,
        %get3A_687 = vector.shape_cast %get3A_686 : vector<1x16xf32> to vector<16xf32>
        %mul3A_688 = arith.mulf %get3A_687, %broadcast_in_dim3A_609 : vector<16xf32>
        %swap3A_689 = arith.index_cast %add3A_613 : i32 to index
        %swap3A_690 = arith.constant 112 : index
        %swap3A_691 = tpu.vector_load %arg10[%swap3A_689, %swap3A_690] {strides = array<i32>} : memref<80x128xf32, #tpu.memory_space<vmem>>, vector<1x16xf32>,
        %swap3A_692 = vector.shape_cast %swap3A_691 : vector<1x16xf32> to vector<16xf32>
        %swap3A_693 = vector.shape_cast %mul3A_688 : vector<16xf32> to vector<1x16xf32>
        tpu.vector_store %arg10[%swap3A_689, %swap3A_690], %swap3A_693 {strides = array<i32>} : memref<80x128xf32, #tpu.memory_space<vmem>>, vector<1x16xf32>,
        %slice3A_694 = vector.extract_strided_slice %get3A_88 {offsets = [7], sizes = [1], strides = [1]} : vector<16xf32> to vector<1xf32>
        %squeeze3A_695 = vector.extract %slice3A_694[0] : f32 from vector<1xf32>
        %broadcast_in_dim3A_696 = vector.broadcast %squeeze3A_695 : f32 to vector<16xf32>
        %mul3A_697 = arith.constant 16 : i32
        %mul3A_698 = arith.muli %scan3A_83, %mul3A_697 : i32
        %add3A_699 = arith.constant 7 : i32
        %add3A_700 = arith.addi %mul3A_698, %add3A_699 : i32
        %get3A_701 = arith.index_cast %add3A_700 : i32 to index
        %get3A_702 = arith.constant 0 : index
        %get3A_703 = tpu.vector_load %arg10[%get3A_701, %get3A_702] {strides = array<i32>} : memref<80x128xf32, #tpu.memory_space<vmem>>, vector<1x16xf32>,
        %get3A_704 = vector.shape_cast %get3A_703 : vector<1x16xf32> to vector<16xf32>
        %mul3A_705 = arith.mulf %get3A_704, %broadcast_in_dim3A_696 : vector<16xf32>
        %swap3A_706 = arith.index_cast %add3A_700 : i32 to index
        %swap3A_707 = arith.constant 0 : index
        %swap3A_708 = tpu.vector_load %arg10[%swap3A_706, %swap3A_707] {strides = array<i32>} : memref<80x128xf32, #tpu.memory_space<vmem>>, vector<1x16xf32>,
        %swap3A_709 = vector.shape_cast %swap3A_708 : vector<1x16xf32> to vector<16xf32>
        %swap3A_710 = vector.shape_cast %mul3A_705 : vector<16xf32> to vector<1x16xf32>
        tpu.vector_store %arg10[%swap3A_706, %swap3A_707], %swap3A_710 {strides = array<i32>} : memref<80x128xf32, #tpu.memory_space<vmem>>, vector<1x16xf32>,
        %get3A_711 = arith.index_cast %add3A_700 : i32 to index
        %get3A_712 = arith.constant 16 : index
        %get3A_713 = tpu.vector_load %arg10[%get3A_711, %get3A_712] {strides = array<i32>} : memref<80x128xf32, #tpu.memory_space<vmem>>, vector<1x16xf32>,
        %get3A_714 = vector.shape_cast %get3A_713 : vector<1x16xf32> to vector<16xf32>
        %mul3A_715 = arith.mulf %get3A_714, %broadcast_in_dim3A_696 : vector<16xf32>
        %swap3A_716 = arith.index_cast %add3A_700 : i32 to index
        %swap3A_717 = arith.constant 16 : index
        %swap3A_718 = tpu.vector_load %arg10[%swap3A_716, %swap3A_717] {strides = array<i32>} : memref<80x128xf32, #tpu.memory_space<vmem>>, vector<1x16xf32>,
        %swap3A_719 = vector.shape_cast %swap3A_718 : vector<1x16xf32> to vector<16xf32>
        %swap3A_720 = vector.shape_cast %mul3A_715 : vector<16xf32> to vector<1x16xf32>
        tpu.vector_store %arg10[%swap3A_716, %swap3A_717], %swap3A_720 {strides = array<i32>} : memref<80x128xf32, #tpu.memory_space<vmem>>, vector<1x16xf32>,
        %get3A_721 = arith.index_cast %add3A_700 : i32 to index
        %get3A_722 = arith.constant 32 : index
        %get3A_723 = tpu.vector_load %arg10[%get3A_721, %get3A_722] {strides = array<i32>} : memref<80x128xf32, #tpu.memory_space<vmem>>, vector<1x16xf32>,
        %get3A_724 = vector.shape_cast %get3A_723 : vector<1x16xf32> to vector<16xf32>
        %mul3A_725 = arith.mulf %get3A_724, %broadcast_in_dim3A_696 : vector<16xf32>
        %swap3A_726 = arith.index_cast %add3A_700 : i32 to index
        %swap3A_727 = arith.constant 32 : index
        %swap3A_728 = tpu.vector_load %arg10[%swap3A_726, %swap3A_727] {strides = array<i32>} : memref<80x128xf32, #tpu.memory_space<vmem>>, vector<1x16xf32>,
        %swap3A_729 = vector.shape_cast %swap3A_728 : vector<1x16xf32> to vector<16xf32>
        %swap3A_730 = vector.shape_cast %mul3A_725 : vector<16xf32> to vector<1x16xf32>
        tpu.vector_store %arg10[%swap3A_726, %swap3A_727], %swap3A_730 {strides = array<i32>} : memref<80x128xf32, #tpu.memory_space<vmem>>, vector<1x16xf32>,
        %get3A_731 = arith.index_cast %add3A_700 : i32 to index
        %get3A_732 = arith.constant 48 : index
        %get3A_733 = tpu.vector_load %arg10[%get3A_731, %get3A_732] {strides = array<i32>} : memref<80x128xf32, #tpu.memory_space<vmem>>, vector<1x16xf32>,
        %get3A_734 = vector.shape_cast %get3A_733 : vector<1x16xf32> to vector<16xf32>
        %mul3A_735 = arith.mulf %get3A_734, %broadcast_in_dim3A_696 : vector<16xf32>
        %swap3A_736 = arith.index_cast %add3A_700 : i32 to index
        %swap3A_737 = arith.constant 48 : index
        %swap3A_738 = tpu.vector_load %arg10[%swap3A_736, %swap3A_737] {strides = array<i32>} : memref<80x128xf32, #tpu.memory_space<vmem>>, vector<1x16xf32>,
        %swap3A_739 = vector.shape_cast %swap3A_738 : vector<1x16xf32> to vector<16xf32>
        %swap3A_740 = vector.shape_cast %mul3A_735 : vector<16xf32> to vector<1x16xf32>
        tpu.vector_store %arg10[%swap3A_736, %swap3A_737], %swap3A_740 {strides = array<i32>} : memref<80x128xf32, #tpu.memory_space<vmem>>, vector<1x16xf32>,
        %get3A_741 = arith.index_cast %add3A_700 : i32 to index
        %get3A_742 = arith.constant 64 : index
        %get3A_743 = tpu.vector_load %arg10[%get3A_741, %get3A_742] {strides = array<i32>} : memref<80x128xf32, #tpu.memory_space<vmem>>, vector<1x16xf32>,
        %get3A_744 = vector.shape_cast %get3A_743 : vector<1x16xf32> to vector<16xf32>
        %mul3A_745 = arith.mulf %get3A_744, %broadcast_in_dim3A_696 : vector<16xf32>
        %swap3A_746 = arith.index_cast %add3A_700 : i32 to index
        %swap3A_747 = arith.constant 64 : index
        %swap3A_748 = tpu.vector_load %arg10[%swap3A_746, %swap3A_747] {strides = array<i32>} : memref<80x128xf32, #tpu.memory_space<vmem>>, vector<1x16xf32>,
        %swap3A_749 = vector.shape_cast %swap3A_748 : vector<1x16xf32> to vector<16xf32>
        %swap3A_750 = vector.shape_cast %mul3A_745 : vector<16xf32> to vector<1x16xf32>
        tpu.vector_store %arg10[%swap3A_746, %swap3A_747], %swap3A_750 {strides = array<i32>} : memref<80x128xf32, #tpu.memory_space<vmem>>, vector<1x16xf32>,
        %get3A_751 = arith.index_cast %add3A_700 : i32 to index
        %get3A_752 = arith.constant 80 : index
        %get3A_753 = tpu.vector_load %arg10[%get3A_751, %get3A_752] {strides = array<i32>} : memref<80x128xf32, #tpu.memory_space<vmem>>, vector<1x16xf32>,
        %get3A_754 = vector.shape_cast %get3A_753 : vector<1x16xf32> to vector<16xf32>
        %mul3A_755 = arith.mulf %get3A_754, %broadcast_in_dim3A_696 : vector<16xf32>
        %swap3A_756 = arith.index_cast %add3A_700 : i32 to index
        %swap3A_757 = arith.constant 80 : index
        %swap3A_758 = tpu.vector_load %arg10[%swap3A_756, %swap3A_757] {strides = array<i32>} : memref<80x128xf32, #tpu.memory_space<vmem>>, vector<1x16xf32>,
        %swap3A_759 = vector.shape_cast %swap3A_758 : vector<1x16xf32> to vector<16xf32>
        %swap3A_760 = vector.shape_cast %mul3A_755 : vector<16xf32> to vector<1x16xf32>
        tpu.vector_store %arg10[%swap3A_756, %swap3A_757], %swap3A_760 {strides = array<i32>} : memref<80x128xf32, #tpu.memory_space<vmem>>, vector<1x16xf32>,
        %get3A_761 = arith.index_cast %add3A_700 : i32 to index
        %get3A_762 = arith.constant 96 : index
        %get3A_763 = tpu.vector_load %arg10[%get3A_761, %get3A_762] {strides = array<i32>} : memref<80x128xf32, #tpu.memory_space<vmem>>, vector<1x16xf32>,
        %get3A_764 = vector.shape_cast %get3A_763 : vector<1x16xf32> to vector<16xf32>
        %mul3A_765 = arith.mulf %get3A_764, %broadcast_in_dim3A_696 : vector<16xf32>
        %swap3A_766 = arith.index_cast %add3A_700 : i32 to index
        %swap3A_767 = arith.constant 96 : index
        %swap3A_768 = tpu.vector_load %arg10[%swap3A_766, %swap3A_767] {strides = array<i32>} : memref<80x128xf32, #tpu.memory_space<vmem>>, vector<1x16xf32>,
        %swap3A_769 = vector.shape_cast %swap3A_768 : vector<1x16xf32> to vector<16xf32>
        %swap3A_770 = vector.shape_cast %mul3A_765 : vector<16xf32> to vector<1x16xf32>
        tpu.vector_store %arg10[%swap3A_766, %swap3A_767], %swap3A_770 {strides = array<i32>} : memref<80x128xf32, #tpu.memory_space<vmem>>, vector<1x16xf32>,
        %get3A_771 = arith.index_cast %add3A_700 : i32 to index
        %get3A_772 = arith.constant 112 : index
        %get3A_773 = tpu.vector_load %arg10[%get3A_771, %get3A_772] {strides = array<i32>} : memref<80x128xf32, #tpu.memory_space<vmem>>, vector<1x16xf32>,
        %get3A_774 = vector.shape_cast %get3A_773 : vector<1x16xf32> to vector<16xf32>
        %mul3A_775 = arith.mulf %get3A_774, %broadcast_in_dim3A_696 : vector<16xf32>
        %swap3A_776 = arith.index_cast %add3A_700 : i32 to index
        %swap3A_777 = arith.constant 112 : index
        %swap3A_778 = tpu.vector_load %arg10[%swap3A_776, %swap3A_777] {strides = array<i32>} : memref<80x128xf32, #tpu.memory_space<vmem>>, vector<1x16xf32>,
        %swap3A_779 = vector.shape_cast %swap3A_778 : vector<1x16xf32> to vector<16xf32>
        %swap3A_780 = vector.shape_cast %mul3A_775 : vector<16xf32> to vector<1x16xf32>
        tpu.vector_store %arg10[%swap3A_776, %swap3A_777], %swap3A_780 {strides = array<i32>} : memref<80x128xf32, #tpu.memory_space<vmem>>, vector<1x16xf32>,
        %slice3A_781 = vector.extract_strided_slice %get3A_88 {offsets = [8], sizes = [1], strides = [1]} : vector<16xf32> to vector<1xf32>
        %squeeze3A_782 = vector.extract %slice3A_781[0] : f32 from vector<1xf32>
        %broadcast_in_dim3A_783 = vector.broadcast %squeeze3A_782 : f32 to vector<16xf32>
        %mul3A_784 = arith.constant 16 : i32
        %mul3A_785 = arith.muli %scan3A_83, %mul3A_784 : i32
        %add3A_786 = arith.constant 8 : i32
        %add3A_787 = arith.addi %mul3A_785, %add3A_786 : i32
        %get3A_788 = arith.index_cast %add3A_787 : i32 to index
        %get3A_789 = arith.constant 0 : index
        %get3A_790 = tpu.vector_load %arg10[%get3A_788, %get3A_789] {strides = array<i32>} : memref<80x128xf32, #tpu.memory_space<vmem>>, vector<1x16xf32>,
        %get3A_791 = vector.shape_cast %get3A_790 : vector<1x16xf32> to vector<16xf32>
        %mul3A_792 = arith.mulf %get3A_791, %broadcast_in_dim3A_783 : vector<16xf32>
        %swap3A_793 = arith.index_cast %add3A_787 : i32 to index
        %swap3A_794 = arith.constant 0 : index
        %swap3A_795 = tpu.vector_load %arg10[%swap3A_793, %swap3A_794] {strides = array<i32>} : memref<80x128xf32, #tpu.memory_space<vmem>>, vector<1x16xf32>,
        %swap3A_796 = vector.shape_cast %swap3A_795 : vector<1x16xf32> to vector<16xf32>
        %swap3A_797 = vector.shape_cast %mul3A_792 : vector<16xf32> to vector<1x16xf32>
        tpu.vector_store %arg10[%swap3A_793, %swap3A_794], %swap3A_797 {strides = array<i32>} : memref<80x128xf32, #tpu.memory_space<vmem>>, vector<1x16xf32>,
        %get3A_798 = arith.index_cast %add3A_787 : i32 to index
        %get3A_799 = arith.constant 16 : index
        %get3A_800 = tpu.vector_load %arg10[%get3A_798, %get3A_799] {strides = array<i32>} : memref<80x128xf32, #tpu.memory_space<vmem>>, vector<1x16xf32>,
        %get3A_801 = vector.shape_cast %get3A_800 : vector<1x16xf32> to vector<16xf32>
        %mul3A_802 = arith.mulf %get3A_801, %broadcast_in_dim3A_783 : vector<16xf32>
        %swap3A_803 = arith.index_cast %add3A_787 : i32 to index
        %swap3A_804 = arith.constant 16 : index
        %swap3A_805 = tpu.vector_load %arg10[%swap3A_803, %swap3A_804] {strides = array<i32>} : memref<80x128xf32, #tpu.memory_space<vmem>>, vector<1x16xf32>,
        %swap3A_806 = vector.shape_cast %swap3A_805 : vector<1x16xf32> to vector<16xf32>
        %swap3A_807 = vector.shape_cast %mul3A_802 : vector<16xf32> to vector<1x16xf32>
        tpu.vector_store %arg10[%swap3A_803, %swap3A_804], %swap3A_807 {strides = array<i32>} : memref<80x128xf32, #tpu.memory_space<vmem>>, vector<1x16xf32>,
        %get3A_808 = arith.index_cast %add3A_787 : i32 to index
        %get3A_809 = arith.constant 32 : index
        %get3A_810 = tpu.vector_load %arg10[%get3A_808, %get3A_809] {strides = array<i32>} : memref<80x128xf32, #tpu.memory_space<vmem>>, vector<1x16xf32>,
        %get3A_811 = vector.shape_cast %get3A_810 : vector<1x16xf32> to vector<16xf32>
        %mul3A_812 = arith.mulf %get3A_811, %broadcast_in_dim3A_783 : vector<16xf32>
        %swap3A_813 = arith.index_cast %add3A_787 : i32 to index
        %swap3A_814 = arith.constant 32 : index
        %swap3A_815 = tpu.vector_load %arg10[%swap3A_813, %swap3A_814] {strides = array<i32>} : memref<80x128xf32, #tpu.memory_space<vmem>>, vector<1x16xf32>,
        %swap3A_816 = vector.shape_cast %swap3A_815 : vector<1x16xf32> to vector<16xf32>
        %swap3A_817 = vector.shape_cast %mul3A_812 : vector<16xf32> to vector<1x16xf32>
        tpu.vector_store %arg10[%swap3A_813, %swap3A_814], %swap3A_817 {strides = array<i32>} : memref<80x128xf32, #tpu.memory_space<vmem>>, vector<1x16xf32>,
        %get3A_818 = arith.index_cast %add3A_787 : i32 to index
        %get3A_819 = arith.constant 48 : index
        %get3A_820 = tpu.vector_load %arg10[%get3A_818, %get3A_819] {strides = array<i32>} : memref<80x128xf32, #tpu.memory_space<vmem>>, vector<1x16xf32>,
        %get3A_821 = vector.shape_cast %get3A_820 : vector<1x16xf32> to vector<16xf32>
        %mul3A_822 = arith.mulf %get3A_821, %broadcast_in_dim3A_783 : vector<16xf32>
        %swap3A_823 = arith.index_cast %add3A_787 : i32 to index
        %swap3A_824 = arith.constant 48 : index
        %swap3A_825 = tpu.vector_load %arg10[%swap3A_823, %swap3A_824] {strides = array<i32>} : memref<80x128xf32, #tpu.memory_space<vmem>>, vector<1x16xf32>,
        %swap3A_826 = vector.shape_cast %swap3A_825 : vector<1x16xf32> to vector<16xf32>
        %swap3A_827 = vector.shape_cast %mul3A_822 : vector<16xf32> to vector<1x16xf32>
        tpu.vector_store %arg10[%swap3A_823, %swap3A_824], %swap3A_827 {strides = array<i32>} : memref<80x128xf32, #tpu.memory_space<vmem>>, vector<1x16xf32>,
        %get3A_828 = arith.index_cast %add3A_787 : i32 to index
        %get3A_829 = arith.constant 64 : index
        %get3A_830 = tpu.vector_load %arg10[%get3A_828, %get3A_829] {strides = array<i32>} : memref<80x128xf32, #tpu.memory_space<vmem>>, vector<1x16xf32>,
        %get3A_831 = vector.shape_cast %get3A_830 : vector<1x16xf32> to vector<16xf32>
        %mul3A_832 = arith.mulf %get3A_831, %broadcast_in_dim3A_783 : vector<16xf32>
        %swap3A_833 = arith.index_cast %add3A_787 : i32 to index
        %swap3A_834 = arith.constant 64 : index
        %swap3A_835 = tpu.vector_load %arg10[%swap3A_833, %swap3A_834] {strides = array<i32>} : memref<80x128xf32, #tpu.memory_space<vmem>>, vector<1x16xf32>,
        %swap3A_836 = vector.shape_cast %swap3A_835 : vector<1x16xf32> to vector<16xf32>
        %swap3A_837 = vector.shape_cast %mul3A_832 : vector<16xf32> to vector<1x16xf32>
        tpu.vector_store %arg10[%swap3A_833, %swap3A_834], %swap3A_837 {strides = array<i32>} : memref<80x128xf32, #tpu.memory_space<vmem>>, vector<1x16xf32>,
        %get3A_838 = arith.index_cast %add3A_787 : i32 to index
        %get3A_839 = arith.constant 80 : index
        %get3A_840 = tpu.vector_load %arg10[%get3A_838, %get3A_839] {strides = array<i32>} : memref<80x128xf32, #tpu.memory_space<vmem>>, vector<1x16xf32>,
        %get3A_841 = vector.shape_cast %get3A_840 : vector<1x16xf32> to vector<16xf32>
        %mul3A_842 = arith.mulf %get3A_841, %broadcast_in_dim3A_783 : vector<16xf32>
        %swap3A_843 = arith.index_cast %add3A_787 : i32 to index
        %swap3A_844 = arith.constant 80 : index
        %swap3A_845 = tpu.vector_load %arg10[%swap3A_843, %swap3A_844] {strides = array<i32>} : memref<80x128xf32, #tpu.memory_space<vmem>>, vector<1x16xf32>,
        %swap3A_846 = vector.shape_cast %swap3A_845 : vector<1x16xf32> to vector<16xf32>
        %swap3A_847 = vector.shape_cast %mul3A_842 : vector<16xf32> to vector<1x16xf32>
        tpu.vector_store %arg10[%swap3A_843, %swap3A_844], %swap3A_847 {strides = array<i32>} : memref<80x128xf32, #tpu.memory_space<vmem>>, vector<1x16xf32>,
        %get3A_848 = arith.index_cast %add3A_787 : i32 to index
        %get3A_849 = arith.constant 96 : index
        %get3A_850 = tpu.vector_load %arg10[%get3A_848, %get3A_849] {strides = array<i32>} : memref<80x128xf32, #tpu.memory_space<vmem>>, vector<1x16xf32>,
        %get3A_851 = vector.shape_cast %get3A_850 : vector<1x16xf32> to vector<16xf32>
        %mul3A_852 = arith.mulf %get3A_851, %broadcast_in_dim3A_783 : vector<16xf32>
        %swap3A_853 = arith.index_cast %add3A_787 : i32 to index
        %swap3A_854 = arith.constant 96 : index
        %swap3A_855 = tpu.vector_load %arg10[%swap3A_853, %swap3A_854] {strides = array<i32>} : memref<80x128xf32, #tpu.memory_space<vmem>>, vector<1x16xf32>,
        %swap3A_856 = vector.shape_cast %swap3A_855 : vector<1x16xf32> to vector<16xf32>
        %swap3A_857 = vector.shape_cast %mul3A_852 : vector<16xf32> to vector<1x16xf32>
        tpu.vector_store %arg10[%swap3A_853, %swap3A_854], %swap3A_857 {strides = array<i32>} : memref<80x128xf32, #tpu.memory_space<vmem>>, vector<1x16xf32>,
        %get3A_858 = arith.index_cast %add3A_787 : i32 to index
        %get3A_859 = arith.constant 112 : index
        %get3A_860 = tpu.vector_load %arg10[%get3A_858, %get3A_859] {strides = array<i32>} : memref<80x128xf32, #tpu.memory_space<vmem>>, vector<1x16xf32>,
        %get3A_861 = vector.shape_cast %get3A_860 : vector<1x16xf32> to vector<16xf32>
        %mul3A_862 = arith.mulf %get3A_861, %broadcast_in_dim3A_783 : vector<16xf32>
        %swap3A_863 = arith.index_cast %add3A_787 : i32 to index
        %swap3A_864 = arith.constant 112 : index
        %swap3A_865 = tpu.vector_load %arg10[%swap3A_863, %swap3A_864] {strides = array<i32>} : memref<80x128xf32, #tpu.memory_space<vmem>>, vector<1x16xf32>,
        %swap3A_866 = vector.shape_cast %swap3A_865 : vector<1x16xf32> to vector<16xf32>
        %swap3A_867 = vector.shape_cast %mul3A_862 : vector<16xf32> to vector<1x16xf32>
        tpu.vector_store %arg10[%swap3A_863, %swap3A_864], %swap3A_867 {strides = array<i32>} : memref<80x128xf32, #tpu.memory_space<vmem>>, vector<1x16xf32>,
        %slice3A_868 = vector.extract_strided_slice %get3A_88 {offsets = [9], sizes = [1], strides = [1]} : vector<16xf32> to vector<1xf32>
        %squeeze3A_869 = vector.extract %slice3A_868[0] : f32 from vector<1xf32>
        %broadcast_in_dim3A_870 = vector.broadcast %squeeze3A_869 : f32 to vector<16xf32>
        %mul3A_871 = arith.constant 16 : i32
        %mul3A_872 = arith.muli %scan3A_83, %mul3A_871 : i32
        %add3A_873 = arith.constant 9 : i32
        %add3A_874 = arith.addi %mul3A_872, %add3A_873 : i32
        %get3A_875 = arith.index_cast %add3A_874 : i32 to index
        %get3A_876 = arith.constant 0 : index
        %get3A_877 = tpu.vector_load %arg10[%get3A_875, %get3A_876] {strides = array<i32>} : memref<80x128xf32, #tpu.memory_space<vmem>>, vector<1x16xf32>,
        %get3A_878 = vector.shape_cast %get3A_877 : vector<1x16xf32> to vector<16xf32>
        %mul3A_879 = arith.mulf %get3A_878, %broadcast_in_dim3A_870 : vector<16xf32>
        %swap3A_880 = arith.index_cast %add3A_874 : i32 to index
        %swap3A_881 = arith.constant 0 : index
        %swap3A_882 = tpu.vector_load %arg10[%swap3A_880, %swap3A_881] {strides = array<i32>} : memref<80x128xf32, #tpu.memory_space<vmem>>, vector<1x16xf32>,
        %swap3A_883 = vector.shape_cast %swap3A_882 : vector<1x16xf32> to vector<16xf32>
        %swap3A_884 = vector.shape_cast %mul3A_879 : vector<16xf32> to vector<1x16xf32>
        tpu.vector_store %arg10[%swap3A_880, %swap3A_881], %swap3A_884 {strides = array<i32>} : memref<80x128xf32, #tpu.memory_space<vmem>>, vector<1x16xf32>,
        %get3A_885 = arith.index_cast %add3A_874 : i32 to index
        %get3A_886 = arith.constant 16 : index
        %get3A_887 = tpu.vector_load %arg10[%get3A_885, %get3A_886] {strides = array<i32>} : memref<80x128xf32, #tpu.memory_space<vmem>>, vector<1x16xf32>,
        %get3A_888 = vector.shape_cast %get3A_887 : vector<1x16xf32> to vector<16xf32>
        %mul3A_889 = arith.mulf %get3A_888, %broadcast_in_dim3A_870 : vector<16xf32>
        %swap3A_890 = arith.index_cast %add3A_874 : i32 to index
        %swap3A_891 = arith.constant 16 : index
        %swap3A_892 = tpu.vector_load %arg10[%swap3A_890, %swap3A_891] {strides = array<i32>} : memref<80x128xf32, #tpu.memory_space<vmem>>, vector<1x16xf32>,
        %swap3A_893 = vector.shape_cast %swap3A_892 : vector<1x16xf32> to vector<16xf32>
        %swap3A_894 = vector.shape_cast %mul3A_889 : vector<16xf32> to vector<1x16xf32>
        tpu.vector_store %arg10[%swap3A_890, %swap3A_891], %swap3A_894 {strides = array<i32>} : memref<80x128xf32, #tpu.memory_space<vmem>>, vector<1x16xf32>,
        %get3A_895 = arith.index_cast %add3A_874 : i32 to index
        %get3A_896 = arith.constant 32 : index
        %get3A_897 = tpu.vector_load %arg10[%get3A_895, %get3A_896] {strides = array<i32>} : memref<80x128xf32, #tpu.memory_space<vmem>>, vector<1x16xf32>,
        %get3A_898 = vector.shape_cast %get3A_897 : vector<1x16xf32> to vector<16xf32>
        %mul3A_899 = arith.mulf %get3A_898, %broadcast_in_dim3A_870 : vector<16xf32>
        %swap3A_900 = arith.index_cast %add3A_874 : i32 to index
        %swap3A_901 = arith.constant 32 : index
        %swap3A_902 = tpu.vector_load %arg10[%swap3A_900, %swap3A_901] {strides = array<i32>} : memref<80x128xf32, #tpu.memory_space<vmem>>, vector<1x16xf32>,
        %swap3A_903 = vector.shape_cast %swap3A_902 : vector<1x16xf32> to vector<16xf32>
        %swap3A_904 = vector.shape_cast %mul3A_899 : vector<16xf32> to vector<1x16xf32>
        tpu.vector_store %arg10[%swap3A_900, %swap3A_901], %swap3A_904 {strides = array<i32>} : memref<80x128xf32, #tpu.memory_space<vmem>>, vector<1x16xf32>,
        %get3A_905 = arith.index_cast %add3A_874 : i32 to index
        %get3A_906 = arith.constant 48 : index
        %get3A_907 = tpu.vector_load %arg10[%get3A_905, %get3A_906] {strides = array<i32>} : memref<80x128xf32, #tpu.memory_space<vmem>>, vector<1x16xf32>,
        %get3A_908 = vector.shape_cast %get3A_907 : vector<1x16xf32> to vector<16xf32>
        %mul3A_909 = arith.mulf %get3A_908, %broadcast_in_dim3A_870 : vector<16xf32>
        %swap3A_910 = arith.index_cast %add3A_874 : i32 to index
        %swap3A_911 = arith.constant 48 : index
        %swap3A_912 = tpu.vector_load %arg10[%swap3A_910, %swap3A_911] {strides = array<i32>} : memref<80x128xf32, #tpu.memory_space<vmem>>, vector<1x16xf32>,
        %swap3A_913 = vector.shape_cast %swap3A_912 : vector<1x16xf32> to vector<16xf32>
        %swap3A_914 = vector.shape_cast %mul3A_909 : vector<16xf32> to vector<1x16xf32>
        tpu.vector_store %arg10[%swap3A_910, %swap3A_911], %swap3A_914 {strides = array<i32>} : memref<80x128xf32, #tpu.memory_space<vmem>>, vector<1x16xf32>,
        %get3A_915 = arith.index_cast %add3A_874 : i32 to index
        %get3A_916 = arith.constant 64 : index
        %get3A_917 = tpu.vector_load %arg10[%get3A_915, %get3A_916] {strides = array<i32>} : memref<80x128xf32, #tpu.memory_space<vmem>>, vector<1x16xf32>,
        %get3A_918 = vector.shape_cast %get3A_917 : vector<1x16xf32> to vector<16xf32>
        %mul3A_919 = arith.mulf %get3A_918, %broadcast_in_dim3A_870 : vector<16xf32>
        %swap3A_920 = arith.index_cast %add3A_874 : i32 to index
        %swap3A_921 = arith.constant 64 : index
        %swap3A_922 = tpu.vector_load %arg10[%swap3A_920, %swap3A_921] {strides = array<i32>} : memref<80x128xf32, #tpu.memory_space<vmem>>, vector<1x16xf32>,
        %swap3A_923 = vector.shape_cast %swap3A_922 : vector<1x16xf32> to vector<16xf32>
        %swap3A_924 = vector.shape_cast %mul3A_919 : vector<16xf32> to vector<1x16xf32>
        tpu.vector_store %arg10[%swap3A_920, %swap3A_921], %swap3A_924 {strides = array<i32>} : memref<80x128xf32, #tpu.memory_space<vmem>>, vector<1x16xf32>,
        %get3A_925 = arith.index_cast %add3A_874 : i32 to index
        %get3A_926 = arith.constant 80 : index
        %get3A_927 = tpu.vector_load %arg10[%get3A_925, %get3A_926] {strides = array<i32>} : memref<80x128xf32, #tpu.memory_space<vmem>>, vector<1x16xf32>,
        %get3A_928 = vector.shape_cast %get3A_927 : vector<1x16xf32> to vector<16xf32>
        %mul3A_929 = arith.mulf %get3A_928, %broadcast_in_dim3A_870 : vector<16xf32>
        %swap3A_930 = arith.index_cast %add3A_874 : i32 to index
        %swap3A_931 = arith.constant 80 : index
        %swap3A_932 = tpu.vector_load %arg10[%swap3A_930, %swap3A_931] {strides = array<i32>} : memref<80x128xf32, #tpu.memory_space<vmem>>, vector<1x16xf32>,
        %swap3A_933 = vector.shape_cast %swap3A_932 : vector<1x16xf32> to vector<16xf32>
        %swap3A_934 = vector.shape_cast %mul3A_929 : vector<16xf32> to vector<1x16xf32>
        tpu.vector_store %arg10[%swap3A_930, %swap3A_931], %swap3A_934 {strides = array<i32>} : memref<80x128xf32, #tpu.memory_space<vmem>>, vector<1x16xf32>,
        %get3A_935 = arith.index_cast %add3A_874 : i32 to index
        %get3A_936 = arith.constant 96 : index
        %get3A_937 = tpu.vector_load %arg10[%get3A_935, %get3A_936] {strides = array<i32>} : memref<80x128xf32, #tpu.memory_space<vmem>>, vector<1x16xf32>,
        %get3A_938 = vector.shape_cast %get3A_937 : vector<1x16xf32> to vector<16xf32>
        %mul3A_939 = arith.mulf %get3A_938, %broadcast_in_dim3A_870 : vector<16xf32>
        %swap3A_940 = arith.index_cast %add3A_874 : i32 to index
        %swap3A_941 = arith.constant 96 : index
        %swap3A_942 = tpu.vector_load %arg10[%swap3A_940, %swap3A_941] {strides = array<i32>} : memref<80x128xf32, #tpu.memory_space<vmem>>, vector<1x16xf32>,
        %swap3A_943 = vector.shape_cast %swap3A_942 : vector<1x16xf32> to vector<16xf32>
        %swap3A_944 = vector.shape_cast %mul3A_939 : vector<16xf32> to vector<1x16xf32>
        tpu.vector_store %arg10[%swap3A_940, %swap3A_941], %swap3A_944 {strides = array<i32>} : memref<80x128xf32, #tpu.memory_space<vmem>>, vector<1x16xf32>,
        %get3A_945 = arith.index_cast %add3A_874 : i32 to index
        %get3A_946 = arith.constant 112 : index
        %get3A_947 = tpu.vector_load %arg10[%get3A_945, %get3A_946] {strides = array<i32>} : memref<80x128xf32, #tpu.memory_space<vmem>>, vector<1x16xf32>,
        %get3A_948 = vector.shape_cast %get3A_947 : vector<1x16xf32> to vector<16xf32>
        %mul3A_949 = arith.mulf %get3A_948, %broadcast_in_dim3A_870 : vector<16xf32>
        %swap3A_950 = arith.index_cast %add3A_874 : i32 to index
        %swap3A_951 = arith.constant 112 : index
        %swap3A_952 = tpu.vector_load %arg10[%swap3A_950, %swap3A_951] {strides = array<i32>} : memref<80x128xf32, #tpu.memory_space<vmem>>, vector<1x16xf32>,
        %swap3A_953 = vector.shape_cast %swap3A_952 : vector<1x16xf32> to vector<16xf32>
        %swap3A_954 = vector.shape_cast %mul3A_949 : vector<16xf32> to vector<1x16xf32>
        tpu.vector_store %arg10[%swap3A_950, %swap3A_951], %swap3A_954 {strides = array<i32>} : memref<80x128xf32, #tpu.memory_space<vmem>>, vector<1x16xf32>,
        %slice3A_955 = vector.extract_strided_slice %get3A_88 {offsets = [10], sizes = [1], strides = [1]} : vector<16xf32> to vector<1xf32>
        %squeeze3A_956 = vector.extract %slice3A_955[0] : f32 from vector<1xf32>
        %broadcast_in_dim3A_957 = vector.broadcast %squeeze3A_956 : f32 to vector<16xf32>
        %mul3A_958 = arith.constant 16 : i32
        %mul3A_959 = arith.muli %scan3A_83, %mul3A_958 : i32
        %add3A_960 = arith.constant 10 : i32
        %add3A_961 = arith.addi %mul3A_959, %add3A_960 : i32
        %get3A_962 = arith.index_cast %add3A_961 : i32 to index
        %get3A_963 = arith.constant 0 : index
        %get3A_964 = tpu.vector_load %arg10[%get3A_962, %get3A_963] {strides = array<i32>} : memref<80x128xf32, #tpu.memory_space<vmem>>, vector<1x16xf32>,
        %get3A_965 = vector.shape_cast %get3A_964 : vector<1x16xf32> to vector<16xf32>
        %mul3A_966 = arith.mulf %get3A_965, %broadcast_in_dim3A_957 : vector<16xf32>
        %swap3A_967 = arith.index_cast %add3A_961 : i32 to index
        %swap3A_968 = arith.constant 0 : index
        %swap3A_969 = tpu.vector_load %arg10[%swap3A_967, %swap3A_968] {strides = array<i32>} : memref<80x128xf32, #tpu.memory_space<vmem>>, vector<1x16xf32>,
        %swap3A_970 = vector.shape_cast %swap3A_969 : vector<1x16xf32> to vector<16xf32>
        %swap3A_971 = vector.shape_cast %mul3A_966 : vector<16xf32> to vector<1x16xf32>
        tpu.vector_store %arg10[%swap3A_967, %swap3A_968], %swap3A_971 {strides = array<i32>} : memref<80x128xf32, #tpu.memory_space<vmem>>, vector<1x16xf32>,
        %get3A_972 = arith.index_cast %add3A_961 : i32 to index
        %get3A_973 = arith.constant 16 : index
        %get3A_974 = tpu.vector_load %arg10[%get3A_972, %get3A_973] {strides = array<i32>} : memref<80x128xf32, #tpu.memory_space<vmem>>, vector<1x16xf32>,
        %get3A_975 = vector.shape_cast %get3A_974 : vector<1x16xf32> to vector<16xf32>
        %mul3A_976 = arith.mulf %get3A_975, %broadcast_in_dim3A_957 : vector<16xf32>
        %swap3A_977 = arith.index_cast %add3A_961 : i32 to index
        %swap3A_978 = arith.constant 16 : index
        %swap3A_979 = tpu.vector_load %arg10[%swap3A_977, %swap3A_978] {strides = array<i32>} : memref<80x128xf32, #tpu.memory_space<vmem>>, vector<1x16xf32>,
        %swap3A_980 = vector.shape_cast %swap3A_979 : vector<1x16xf32> to vector<16xf32>
        %swap3A_981 = vector.shape_cast %mul3A_976 : vector<16xf32> to vector<1x16xf32>
        tpu.vector_store %arg10[%swap3A_977, %swap3A_978], %swap3A_981 {strides = array<i32>} : memref<80x128xf32, #tpu.memory_space<vmem>>, vector<1x16xf32>,
        %get3A_982 = arith.index_cast %add3A_961 : i32 to index
        %get3A_983 = arith.constant 32 : index
        %get3A_984 = tpu.vector_load %arg10[%get3A_982, %get3A_983] {strides = array<i32>} : memref<80x128xf32, #tpu.memory_space<vmem>>, vector<1x16xf32>,
        %get3A_985 = vector.shape_cast %get3A_984 : vector<1x16xf32> to vector<16xf32>
        %mul3A_986 = arith.mulf %get3A_985, %broadcast_in_dim3A_957 : vector<16xf32>
        %swap3A_987 = arith.index_cast %add3A_961 : i32 to index
        %swap3A_988 = arith.constant 32 : index
        %swap3A_989 = tpu.vector_load %arg10[%swap3A_987, %swap3A_988] {strides = array<i32>} : memref<80x128xf32, #tpu.memory_space<vmem>>, vector<1x16xf32>,
        %swap3A_990 = vector.shape_cast %swap3A_989 : vector<1x16xf32> to vector<16xf32>
        %swap3A_991 = vector.shape_cast %mul3A_986 : vector<16xf32> to vector<1x16xf32>
        tpu.vector_store %arg10[%swap3A_987, %swap3A_988], %swap3A_991 {strides = array<i32>} : memref<80x128xf32, #tpu.memory_space<vmem>>, vector<1x16xf32>,
        %get3A_992 = arith.index_cast %add3A_961 : i32 to index
        %get3A_993 = arith.constant 48 : index
        %get3A_994 = tpu.vector_load %arg10[%get3A_992, %get3A_993] {strides = array<i32>} : memref<80x128xf32, #tpu.memory_space<vmem>>, vector<1x16xf32>,
        %get3A_995 = vector.shape_cast %get3A_994 : vector<1x16xf32> to vector<16xf32>
        %mul3A_996 = arith.mulf %get3A_995, %broadcast_in_dim3A_957 : vector<16xf32>
        %swap3A_997 = arith.index_cast %add3A_961 : i32 to index
        %swap3A_998 = arith.constant 48 : index
        %swap3A_999 = tpu.vector_load %arg10[%swap3A_997, %swap3A_998] {strides = array<i32>} : memref<80x128xf32, #tpu.memory_space<vmem>>, vector<1x16xf32>,
        %swap3A_1000 = vector.shape_cast %swap3A_999 : vector<1x16xf32> to vector<16xf32>
        %swap3A_1001 = vector.shape_cast %mul3A_996 : vector<16xf32> to vector<1x16xf32>
        tpu.vector_store %arg10[%swap3A_997, %swap3A_998], %swap3A_1001 {strides = array<i32>} : memref<80x128xf32, #tpu.memory_space<vmem>>, vector<1x16xf32>,
        %get3A_1002 = arith.index_cast %add3A_961 : i32 to index
        %get3A_1003 = arith.constant 64 : index
        %get3A_1004 = tpu.vector_load %arg10[%get3A_1002, %get3A_1003] {strides = array<i32>} : memref<80x128xf32, #tpu.memory_space<vmem>>, vector<1x16xf32>,
        %get3A_1005 = vector.shape_cast %get3A_1004 : vector<1x16xf32> to vector<16xf32>
        %mul3A_1006 = arith.mulf %get3A_1005, %broadcast_in_dim3A_957 : vector<16xf32>
        %swap3A_1007 = arith.index_cast %add3A_961 : i32 to index
        %swap3A_1008 = arith.constant 64 : index
        %swap3A_1009 = tpu.vector_load %arg10[%swap3A_1007, %swap3A_1008] {strides = array<i32>} : memref<80x128xf32, #tpu.memory_space<vmem>>, vector<1x16xf32>,
        %swap3A_1010 = vector.shape_cast %swap3A_1009 : vector<1x16xf32> to vector<16xf32>
        %swap3A_1011 = vector.shape_cast %mul3A_1006 : vector<16xf32> to vector<1x16xf32>
        tpu.vector_store %arg10[%swap3A_1007, %swap3A_1008], %swap3A_1011 {strides = array<i32>} : memref<80x128xf32, #tpu.memory_space<vmem>>, vector<1x16xf32>,
        %get3A_1012 = arith.index_cast %add3A_961 : i32 to index
        %get3A_1013 = arith.constant 80 : index
        %get3A_1014 = tpu.vector_load %arg10[%get3A_1012, %get3A_1013] {strides = array<i32>} : memref<80x128xf32, #tpu.memory_space<vmem>>, vector<1x16xf32>,
        %get3A_1015 = vector.shape_cast %get3A_1014 : vector<1x16xf32> to vector<16xf32>
        %mul3A_1016 = arith.mulf %get3A_1015, %broadcast_in_dim3A_957 : vector<16xf32>
        %swap3A_1017 = arith.index_cast %add3A_961 : i32 to index
        %swap3A_1018 = arith.constant 80 : index
        %swap3A_1019 = tpu.vector_load %arg10[%swap3A_1017, %swap3A_1018] {strides = array<i32>} : memref<80x128xf32, #tpu.memory_space<vmem>>, vector<1x16xf32>,
        %swap3A_1020 = vector.shape_cast %swap3A_1019 : vector<1x16xf32> to vector<16xf32>
        %swap3A_1021 = vector.shape_cast %mul3A_1016 : vector<16xf32> to vector<1x16xf32>
        tpu.vector_store %arg10[%swap3A_1017, %swap3A_1018], %swap3A_1021 {strides = array<i32>} : memref<80x128xf32, #tpu.memory_space<vmem>>, vector<1x16xf32>,
        %get3A_1022 = arith.index_cast %add3A_961 : i32 to index
        %get3A_1023 = arith.constant 96 : index
        %get3A_1024 = tpu.vector_load %arg10[%get3A_1022, %get3A_1023] {strides = array<i32>} : memref<80x128xf32, #tpu.memory_space<vmem>>, vector<1x16xf32>,
        %get3A_1025 = vector.shape_cast %get3A_1024 : vector<1x16xf32> to vector<16xf32>
        %mul3A_1026 = arith.mulf %get3A_1025, %broadcast_in_dim3A_957 : vector<16xf32>
        %swap3A_1027 = arith.index_cast %add3A_961 : i32 to index
        %swap3A_1028 = arith.constant 96 : index
        %swap3A_1029 = tpu.vector_load %arg10[%swap3A_1027, %swap3A_1028] {strides = array<i32>} : memref<80x128xf32, #tpu.memory_space<vmem>>, vector<1x16xf32>,
        %swap3A_1030 = vector.shape_cast %swap3A_1029 : vector<1x16xf32> to vector<16xf32>
        %swap3A_1031 = vector.shape_cast %mul3A_1026 : vector<16xf32> to vector<1x16xf32>
        tpu.vector_store %arg10[%swap3A_1027, %swap3A_1028], %swap3A_1031 {strides = array<i32>} : memref<80x128xf32, #tpu.memory_space<vmem>>, vector<1x16xf32>,
        %get3A_1032 = arith.index_cast %add3A_961 : i32 to index
        %get3A_1033 = arith.constant 112 : index
        %get3A_1034 = tpu.vector_load %arg10[%get3A_1032, %get3A_1033] {strides = array<i32>} : memref<80x128xf32, #tpu.memory_space<vmem>>, vector<1x16xf32>,
        %get3A_1035 = vector.shape_cast %get3A_1034 : vector<1x16xf32> to vector<16xf32>
        %mul3A_1036 = arith.mulf %get3A_1035, %broadcast_in_dim3A_957 : vector<16xf32>
        %swap3A_1037 = arith.index_cast %add3A_961 : i32 to index
        %swap3A_1038 = arith.constant 112 : index
        %swap3A_1039 = tpu.vector_load %arg10[%swap3A_1037, %swap3A_1038] {strides = array<i32>} : memref<80x128xf32, #tpu.memory_space<vmem>>, vector<1x16xf32>,
        %swap3A_1040 = vector.shape_cast %swap3A_1039 : vector<1x16xf32> to vector<16xf32>
        %swap3A_1041 = vector.shape_cast %mul3A_1036 : vector<16xf32> to vector<1x16xf32>
        tpu.vector_store %arg10[%swap3A_1037, %swap3A_1038], %swap3A_1041 {strides = array<i32>} : memref<80x128xf32, #tpu.memory_space<vmem>>, vector<1x16xf32>,
        %slice3A_1042 = vector.extract_strided_slice %get3A_88 {offsets = [11], sizes = [1], strides = [1]} : vector<16xf32> to vector<1xf32>
        %squeeze3A_1043 = vector.extract %slice3A_1042[0] : f32 from vector<1xf32>
        %broadcast_in_dim3A_1044 = vector.broadcast %squeeze3A_1043 : f32 to vector<16xf32>
        %mul3A_1045 = arith.constant 16 : i32
        %mul3A_1046 = arith.muli %scan3A_83, %mul3A_1045 : i32
        %add3A_1047 = arith.constant 11 : i32
        %add3A_1048 = arith.addi %mul3A_1046, %add3A_1047 : i32
        %get3A_1049 = arith.index_cast %add3A_1048 : i32 to index
        %get3A_1050 = arith.constant 0 : index
        %get3A_1051 = tpu.vector_load %arg10[%get3A_1049, %get3A_1050] {strides = array<i32>} : memref<80x128xf32, #tpu.memory_space<vmem>>, vector<1x16xf32>,
        %get3A_1052 = vector.shape_cast %get3A_1051 : vector<1x16xf32> to vector<16xf32>
        %mul3A_1053 = arith.mulf %get3A_1052, %broadcast_in_dim3A_1044 : vector<16xf32>
        %swap3A_1054 = arith.index_cast %add3A_1048 : i32 to index
        %swap3A_1055 = arith.constant 0 : index
        %swap3A_1056 = tpu.vector_load %arg10[%swap3A_1054, %swap3A_1055] {strides = array<i32>} : memref<80x128xf32, #tpu.memory_space<vmem>>, vector<1x16xf32>,
        %swap3A_1057 = vector.shape_cast %swap3A_1056 : vector<1x16xf32> to vector<16xf32>
        %swap3A_1058 = vector.shape_cast %mul3A_1053 : vector<16xf32> to vector<1x16xf32>
        tpu.vector_store %arg10[%swap3A_1054, %swap3A_1055], %swap3A_1058 {strides = array<i32>} : memref<80x128xf32, #tpu.memory_space<vmem>>, vector<1x16xf32>,
        %get3A_1059 = arith.index_cast %add3A_1048 : i32 to index
        %get3A_1060 = arith.constant 16 : index
        %get3A_1061 = tpu.vector_load %arg10[%get3A_1059, %get3A_1060] {strides = array<i32>} : memref<80x128xf32, #tpu.memory_space<vmem>>, vector<1x16xf32>,
        %get3A_1062 = vector.shape_cast %get3A_1061 : vector<1x16xf32> to vector<16xf32>
        %mul3A_1063 = arith.mulf %get3A_1062, %broadcast_in_dim3A_1044 : vector<16xf32>
        %swap3A_1064 = arith.index_cast %add3A_1048 : i32 to index
        %swap3A_1065 = arith.constant 16 : index
        %swap3A_1066 = tpu.vector_load %arg10[%swap3A_1064, %swap3A_1065] {strides = array<i32>} : memref<80x128xf32, #tpu.memory_space<vmem>>, vector<1x16xf32>,
        %swap3A_1067 = vector.shape_cast %swap3A_1066 : vector<1x16xf32> to vector<16xf32>
        %swap3A_1068 = vector.shape_cast %mul3A_1063 : vector<16xf32> to vector<1x16xf32>
        tpu.vector_store %arg10[%swap3A_1064, %swap3A_1065], %swap3A_1068 {strides = array<i32>} : memref<80x128xf32, #tpu.memory_space<vmem>>, vector<1x16xf32>,
        %get3A_1069 = arith.index_cast %add3A_1048 : i32 to index
        %get3A_1070 = arith.constant 32 : index
        %get3A_1071 = tpu.vector_load %arg10[%get3A_1069, %get3A_1070] {strides = array<i32>} : memref<80x128xf32, #tpu.memory_space<vmem>>, vector<1x16xf32>,
        %get3A_1072 = vector.shape_cast %get3A_1071 : vector<1x16xf32> to vector<16xf32>
        %mul3A_1073 = arith.mulf %get3A_1072, %broadcast_in_dim3A_1044 : vector<16xf32>
        %swap3A_1074 = arith.index_cast %add3A_1048 : i32 to index
        %swap3A_1075 = arith.constant 32 : index
        %swap3A_1076 = tpu.vector_load %arg10[%swap3A_1074, %swap3A_1075] {strides = array<i32>} : memref<80x128xf32, #tpu.memory_space<vmem>>, vector<1x16xf32>,
        %swap3A_1077 = vector.shape_cast %swap3A_1076 : vector<1x16xf32> to vector<16xf32>
        %swap3A_1078 = vector.shape_cast %mul3A_1073 : vector<16xf32> to vector<1x16xf32>
        tpu.vector_store %arg10[%swap3A_1074, %swap3A_1075], %swap3A_1078 {strides = array<i32>} : memref<80x128xf32, #tpu.memory_space<vmem>>, vector<1x16xf32>,
        %get3A_1079 = arith.index_cast %add3A_1048 : i32 to index
        %get3A_1080 = arith.constant 48 : index
        %get3A_1081 = tpu.vector_load %arg10[%get3A_1079, %get3A_1080] {strides = array<i32>} : memref<80x128xf32, #tpu.memory_space<vmem>>, vector<1x16xf32>,
        %get3A_1082 = vector.shape_cast %get3A_1081 : vector<1x16xf32> to vector<16xf32>
        %mul3A_1083 = arith.mulf %get3A_1082, %broadcast_in_dim3A_1044 : vector<16xf32>
        %swap3A_1084 = arith.index_cast %add3A_1048 : i32 to index
        %swap3A_1085 = arith.constant 48 : index
        %swap3A_1086 = tpu.vector_load %arg10[%swap3A_1084, %swap3A_1085] {strides = array<i32>} : memref<80x128xf32, #tpu.memory_space<vmem>>, vector<1x16xf32>,
        %swap3A_1087 = vector.shape_cast %swap3A_1086 : vector<1x16xf32> to vector<16xf32>
        %swap3A_1088 = vector.shape_cast %mul3A_1083 : vector<16xf32> to vector<1x16xf32>
        tpu.vector_store %arg10[%swap3A_1084, %swap3A_1085], %swap3A_1088 {strides = array<i32>} : memref<80x128xf32, #tpu.memory_space<vmem>>, vector<1x16xf32>,
        %get3A_1089 = arith.index_cast %add3A_1048 : i32 to index
        %get3A_1090 = arith.constant 64 : index
        %get3A_1091 = tpu.vector_load %arg10[%get3A_1089, %get3A_1090] {strides = array<i32>} : memref<80x128xf32, #tpu.memory_space<vmem>>, vector<1x16xf32>,
        %get3A_1092 = vector.shape_cast %get3A_1091 : vector<1x16xf32> to vector<16xf32>
        %mul3A_1093 = arith.mulf %get3A_1092, %broadcast_in_dim3A_1044 : vector<16xf32>
        %swap3A_1094 = arith.index_cast %add3A_1048 : i32 to index
        %swap3A_1095 = arith.constant 64 : index
        %swap3A_1096 = tpu.vector_load %arg10[%swap3A_1094, %swap3A_1095] {strides = array<i32>} : memref<80x128xf32, #tpu.memory_space<vmem>>, vector<1x16xf32>,
        %swap3A_1097 = vector.shape_cast %swap3A_1096 : vector<1x16xf32> to vector<16xf32>
        %swap3A_1098 = vector.shape_cast %mul3A_1093 : vector<16xf32> to vector<1x16xf32>
        tpu.vector_store %arg10[%swap3A_1094, %swap3A_1095], %swap3A_1098 {strides = array<i32>} : memref<80x128xf32, #tpu.memory_space<vmem>>, vector<1x16xf32>,
        %get3A_1099 = arith.index_cast %add3A_1048 : i32 to index
        %get3A_1100 = arith.constant 80 : index
        %get3A_1101 = tpu.vector_load %arg10[%get3A_1099, %get3A_1100] {strides = array<i32>} : memref<80x128xf32, #tpu.memory_space<vmem>>, vector<1x16xf32>,
        %get3A_1102 = vector.shape_cast %get3A_1101 : vector<1x16xf32> to vector<16xf32>
        %mul3A_1103 = arith.mulf %get3A_1102, %broadcast_in_dim3A_1044 : vector<16xf32>
        %swap3A_1104 = arith.index_cast %add3A_1048 : i32 to index
        %swap3A_1105 = arith.constant 80 : index
        %swap3A_1106 = tpu.vector_load %arg10[%swap3A_1104, %swap3A_1105] {strides = array<i32>} : memref<80x128xf32, #tpu.memory_space<vmem>>, vector<1x16xf32>,
        %swap3A_1107 = vector.shape_cast %swap3A_1106 : vector<1x16xf32> to vector<16xf32>
        %swap3A_1108 = vector.shape_cast %mul3A_1103 : vector<16xf32> to vector<1x16xf32>
        tpu.vector_store %arg10[%swap3A_1104, %swap3A_1105], %swap3A_1108 {strides = array<i32>} : memref<80x128xf32, #tpu.memory_space<vmem>>, vector<1x16xf32>,
        %get3A_1109 = arith.index_cast %add3A_1048 : i32 to index
        %get3A_1110 = arith.constant 96 : index
        %get3A_1111 = tpu.vector_load %arg10[%get3A_1109, %get3A_1110] {strides = array<i32>} : memref<80x128xf32, #tpu.memory_space<vmem>>, vector<1x16xf32>,
        %get3A_1112 = vector.shape_cast %get3A_1111 : vector<1x16xf32> to vector<16xf32>
        %mul3A_1113 = arith.mulf %get3A_1112, %broadcast_in_dim3A_1044 : vector<16xf32>
        %swap3A_1114 = arith.index_cast %add3A_1048 : i32 to index
        %swap3A_1115 = arith.constant 96 : index
        %swap3A_1116 = tpu.vector_load %arg10[%swap3A_1114, %swap3A_1115] {strides = array<i32>} : memref<80x128xf32, #tpu.memory_space<vmem>>, vector<1x16xf32>,
        %swap3A_1117 = vector.shape_cast %swap3A_1116 : vector<1x16xf32> to vector<16xf32>
        %swap3A_1118 = vector.shape_cast %mul3A_1113 : vector<16xf32> to vector<1x16xf32>
        tpu.vector_store %arg10[%swap3A_1114, %swap3A_1115], %swap3A_1118 {strides = array<i32>} : memref<80x128xf32, #tpu.memory_space<vmem>>, vector<1x16xf32>,
        %get3A_1119 = arith.index_cast %add3A_1048 : i32 to index
        %get3A_1120 = arith.constant 112 : index
        %get3A_1121 = tpu.vector_load %arg10[%get3A_1119, %get3A_1120] {strides = array<i32>} : memref<80x128xf32, #tpu.memory_space<vmem>>, vector<1x16xf32>,
        %get3A_1122 = vector.shape_cast %get3A_1121 : vector<1x16xf32> to vector<16xf32>
        %mul3A_1123 = arith.mulf %get3A_1122, %broadcast_in_dim3A_1044 : vector<16xf32>
        %swap3A_1124 = arith.index_cast %add3A_1048 : i32 to index
        %swap3A_1125 = arith.constant 112 : index
        %swap3A_1126 = tpu.vector_load %arg10[%swap3A_1124, %swap3A_1125] {strides = array<i32>} : memref<80x128xf32, #tpu.memory_space<vmem>>, vector<1x16xf32>,
        %swap3A_1127 = vector.shape_cast %swap3A_1126 : vector<1x16xf32> to vector<16xf32>
        %swap3A_1128 = vector.shape_cast %mul3A_1123 : vector<16xf32> to vector<1x16xf32>
        tpu.vector_store %arg10[%swap3A_1124, %swap3A_1125], %swap3A_1128 {strides = array<i32>} : memref<80x128xf32, #tpu.memory_space<vmem>>, vector<1x16xf32>,
        %slice3A_1129 = vector.extract_strided_slice %get3A_88 {offsets = [12], sizes = [1], strides = [1]} : vector<16xf32> to vector<1xf32>
        %squeeze3A_1130 = vector.extract %slice3A_1129[0] : f32 from vector<1xf32>
        %broadcast_in_dim3A_1131 = vector.broadcast %squeeze3A_1130 : f32 to vector<16xf32>
        %mul3A_1132 = arith.constant 16 : i32
        %mul3A_1133 = arith.muli %scan3A_83, %mul3A_1132 : i32
        %add3A_1134 = arith.constant 12 : i32
        %add3A_1135 = arith.addi %mul3A_1133, %add3A_1134 : i32
        %get3A_1136 = arith.index_cast %add3A_1135 : i32 to index
        %get3A_1137 = arith.constant 0 : index
        %get3A_1138 = tpu.vector_load %arg10[%get3A_1136, %get3A_1137] {strides = array<i32>} : memref<80x128xf32, #tpu.memory_space<vmem>>, vector<1x16xf32>,
        %get3A_1139 = vector.shape_cast %get3A_1138 : vector<1x16xf32> to vector<16xf32>
        %mul3A_1140 = arith.mulf %get3A_1139, %broadcast_in_dim3A_1131 : vector<16xf32>
        %swap3A_1141 = arith.index_cast %add3A_1135 : i32 to index
        %swap3A_1142 = arith.constant 0 : index
        %swap3A_1143 = tpu.vector_load %arg10[%swap3A_1141, %swap3A_1142] {strides = array<i32>} : memref<80x128xf32, #tpu.memory_space<vmem>>, vector<1x16xf32>,
        %swap3A_1144 = vector.shape_cast %swap3A_1143 : vector<1x16xf32> to vector<16xf32>
        %swap3A_1145 = vector.shape_cast %mul3A_1140 : vector<16xf32> to vector<1x16xf32>
        tpu.vector_store %arg10[%swap3A_1141, %swap3A_1142], %swap3A_1145 {strides = array<i32>} : memref<80x128xf32, #tpu.memory_space<vmem>>, vector<1x16xf32>,
        %get3A_1146 = arith.index_cast %add3A_1135 : i32 to index
        %get3A_1147 = arith.constant 16 : index
        %get3A_1148 = tpu.vector_load %arg10[%get3A_1146, %get3A_1147] {strides = array<i32>} : memref<80x128xf32, #tpu.memory_space<vmem>>, vector<1x16xf32>,
        %get3A_1149 = vector.shape_cast %get3A_1148 : vector<1x16xf32> to vector<16xf32>
        %mul3A_1150 = arith.mulf %get3A_1149, %broadcast_in_dim3A_1131 : vector<16xf32>
        %swap3A_1151 = arith.index_cast %add3A_1135 : i32 to index
        %swap3A_1152 = arith.constant 16 : index
        %swap3A_1153 = tpu.vector_load %arg10[%swap3A_1151, %swap3A_1152] {strides = array<i32>} : memref<80x128xf32, #tpu.memory_space<vmem>>, vector<1x16xf32>,
        %swap3A_1154 = vector.shape_cast %swap3A_1153 : vector<1x16xf32> to vector<16xf32>
        %swap3A_1155 = vector.shape_cast %mul3A_1150 : vector<16xf32> to vector<1x16xf32>
        tpu.vector_store %arg10[%swap3A_1151, %swap3A_1152], %swap3A_1155 {strides = array<i32>} : memref<80x128xf32, #tpu.memory_space<vmem>>, vector<1x16xf32>,
        %get3A_1156 = arith.index_cast %add3A_1135 : i32 to index
        %get3A_1157 = arith.constant 32 : index
        %get3A_1158 = tpu.vector_load %arg10[%get3A_1156, %get3A_1157] {strides = array<i32>} : memref<80x128xf32, #tpu.memory_space<vmem>>, vector<1x16xf32>,
        %get3A_1159 = vector.shape_cast %get3A_1158 : vector<1x16xf32> to vector<16xf32>
        %mul3A_1160 = arith.mulf %get3A_1159, %broadcast_in_dim3A_1131 : vector<16xf32>
        %swap3A_1161 = arith.index_cast %add3A_1135 : i32 to index
        %swap3A_1162 = arith.constant 32 : index
        %swap3A_1163 = tpu.vector_load %arg10[%swap3A_1161, %swap3A_1162] {strides = array<i32>} : memref<80x128xf32, #tpu.memory_space<vmem>>, vector<1x16xf32>,
        %swap3A_1164 = vector.shape_cast %swap3A_1163 : vector<1x16xf32> to vector<16xf32>
        %swap3A_1165 = vector.shape_cast %mul3A_1160 : vector<16xf32> to vector<1x16xf32>
        tpu.vector_store %arg10[%swap3A_1161, %swap3A_1162], %swap3A_1165 {strides = array<i32>} : memref<80x128xf32, #tpu.memory_space<vmem>>, vector<1x16xf32>,
        %get3A_1166 = arith.index_cast %add3A_1135 : i32 to index
        %get3A_1167 = arith.constant 48 : index
        %get3A_1168 = tpu.vector_load %arg10[%get3A_1166, %get3A_1167] {strides = array<i32>} : memref<80x128xf32, #tpu.memory_space<vmem>>, vector<1x16xf32>,
        %get3A_1169 = vector.shape_cast %get3A_1168 : vector<1x16xf32> to vector<16xf32>
        %mul3A_1170 = arith.mulf %get3A_1169, %broadcast_in_dim3A_1131 : vector<16xf32>
        %swap3A_1171 = arith.index_cast %add3A_1135 : i32 to index
        %swap3A_1172 = arith.constant 48 : index
        %swap3A_1173 = tpu.vector_load %arg10[%swap3A_1171, %swap3A_1172] {strides = array<i32>} : memref<80x128xf32, #tpu.memory_space<vmem>>, vector<1x16xf32>,
        %swap3A_1174 = vector.shape_cast %swap3A_1173 : vector<1x16xf32> to vector<16xf32>
        %swap3A_1175 = vector.shape_cast %mul3A_1170 : vector<16xf32> to vector<1x16xf32>
        tpu.vector_store %arg10[%swap3A_1171, %swap3A_1172], %swap3A_1175 {strides = array<i32>} : memref<80x128xf32, #tpu.memory_space<vmem>>, vector<1x16xf32>,
        %get3A_1176 = arith.index_cast %add3A_1135 : i32 to index
        %get3A_1177 = arith.constant 64 : index
        %get3A_1178 = tpu.vector_load %arg10[%get3A_1176, %get3A_1177] {strides = array<i32>} : memref<80x128xf32, #tpu.memory_space<vmem>>, vector<1x16xf32>,
        %get3A_1179 = vector.shape_cast %get3A_1178 : vector<1x16xf32> to vector<16xf32>
        %mul3A_1180 = arith.mulf %get3A_1179, %broadcast_in_dim3A_1131 : vector<16xf32>
        %swap3A_1181 = arith.index_cast %add3A_1135 : i32 to index
        %swap3A_1182 = arith.constant 64 : index
        %swap3A_1183 = tpu.vector_load %arg10[%swap3A_1181, %swap3A_1182] {strides = array<i32>} : memref<80x128xf32, #tpu.memory_space<vmem>>, vector<1x16xf32>,
        %swap3A_1184 = vector.shape_cast %swap3A_1183 : vector<1x16xf32> to vector<16xf32>
        %swap3A_1185 = vector.shape_cast %mul3A_1180 : vector<16xf32> to vector<1x16xf32>
        tpu.vector_store %arg10[%swap3A_1181, %swap3A_1182], %swap3A_1185 {strides = array<i32>} : memref<80x128xf32, #tpu.memory_space<vmem>>, vector<1x16xf32>,
        %get3A_1186 = arith.index_cast %add3A_1135 : i32 to index
        %get3A_1187 = arith.constant 80 : index
        %get3A_1188 = tpu.vector_load %arg10[%get3A_1186, %get3A_1187] {strides = array<i32>} : memref<80x128xf32, #tpu.memory_space<vmem>>, vector<1x16xf32>,
        %get3A_1189 = vector.shape_cast %get3A_1188 : vector<1x16xf32> to vector<16xf32>
        %mul3A_1190 = arith.mulf %get3A_1189, %broadcast_in_dim3A_1131 : vector<16xf32>
        %swap3A_1191 = arith.index_cast %add3A_1135 : i32 to index
        %swap3A_1192 = arith.constant 80 : index
        %swap3A_1193 = tpu.vector_load %arg10[%swap3A_1191, %swap3A_1192] {strides = array<i32>} : memref<80x128xf32, #tpu.memory_space<vmem>>, vector<1x16xf32>,
        %swap3A_1194 = vector.shape_cast %swap3A_1193 : vector<1x16xf32> to vector<16xf32>
        %swap3A_1195 = vector.shape_cast %mul3A_1190 : vector<16xf32> to vector<1x16xf32>
        tpu.vector_store %arg10[%swap3A_1191, %swap3A_1192], %swap3A_1195 {strides = array<i32>} : memref<80x128xf32, #tpu.memory_space<vmem>>, vector<1x16xf32>,
        %get3A_1196 = arith.index_cast %add3A_1135 : i32 to index
        %get3A_1197 = arith.constant 96 : index
        %get3A_1198 = tpu.vector_load %arg10[%get3A_1196, %get3A_1197] {strides = array<i32>} : memref<80x128xf32, #tpu.memory_space<vmem>>, vector<1x16xf32>,
        %get3A_1199 = vector.shape_cast %get3A_1198 : vector<1x16xf32> to vector<16xf32>
        %mul3A_1200 = arith.mulf %get3A_1199, %broadcast_in_dim3A_1131 : vector<16xf32>
        %swap3A_1201 = arith.index_cast %add3A_1135 : i32 to index
        %swap3A_1202 = arith.constant 96 : index
        %swap3A_1203 = tpu.vector_load %arg10[%swap3A_1201, %swap3A_1202] {strides = array<i32>} : memref<80x128xf32, #tpu.memory_space<vmem>>, vector<1x16xf32>,
        %swap3A_1204 = vector.shape_cast %swap3A_1203 : vector<1x16xf32> to vector<16xf32>
        %swap3A_1205 = vector.shape_cast %mul3A_1200 : vector<16xf32> to vector<1x16xf32>
        tpu.vector_store %arg10[%swap3A_1201, %swap3A_1202], %swap3A_1205 {strides = array<i32>} : memref<80x128xf32, #tpu.memory_space<vmem>>, vector<1x16xf32>,
        %get3A_1206 = arith.index_cast %add3A_1135 : i32 to index
        %get3A_1207 = arith.constant 112 : index
        %get3A_1208 = tpu.vector_load %arg10[%get3A_1206, %get3A_1207] {strides = array<i32>} : memref<80x128xf32, #tpu.memory_space<vmem>>, vector<1x16xf32>,
        %get3A_1209 = vector.shape_cast %get3A_1208 : vector<1x16xf32> to vector<16xf32>
        %mul3A_1210 = arith.mulf %get3A_1209, %broadcast_in_dim3A_1131 : vector<16xf32>
        %swap3A_1211 = arith.index_cast %add3A_1135 : i32 to index
        %swap3A_1212 = arith.constant 112 : index
        %swap3A_1213 = tpu.vector_load %arg10[%swap3A_1211, %swap3A_1212] {strides = array<i32>} : memref<80x128xf32, #tpu.memory_space<vmem>>, vector<1x16xf32>,
        %swap3A_1214 = vector.shape_cast %swap3A_1213 : vector<1x16xf32> to vector<16xf32>
        %swap3A_1215 = vector.shape_cast %mul3A_1210 : vector<16xf32> to vector<1x16xf32>
        tpu.vector_store %arg10[%swap3A_1211, %swap3A_1212], %swap3A_1215 {strides = array<i32>} : memref<80x128xf32, #tpu.memory_space<vmem>>, vector<1x16xf32>,
        %slice3A_1216 = vector.extract_strided_slice %get3A_88 {offsets = [13], sizes = [1], strides = [1]} : vector<16xf32> to vector<1xf32>
        %squeeze3A_1217 = vector.extract %slice3A_1216[0] : f32 from vector<1xf32>
        %broadcast_in_dim3A_1218 = vector.broadcast %squeeze3A_1217 : f32 to vector<16xf32>
        %mul3A_1219 = arith.constant 16 : i32
        %mul3A_1220 = arith.muli %scan3A_83, %mul3A_1219 : i32
        %add3A_1221 = arith.constant 13 : i32
        %add3A_1222 = arith.addi %mul3A_1220, %add3A_1221 : i32
        %get3A_1223 = arith.index_cast %add3A_1222 : i32 to index
        %get3A_1224 = arith.constant 0 : index
        %get3A_1225 = tpu.vector_load %arg10[%get3A_1223, %get3A_1224] {strides = array<i32>} : memref<80x128xf32, #tpu.memory_space<vmem>>, vector<1x16xf32>,
        %get3A_1226 = vector.shape_cast %get3A_1225 : vector<1x16xf32> to vector<16xf32>
        %mul3A_1227 = arith.mulf %get3A_1226, %broadcast_in_dim3A_1218 : vector<16xf32>
        %swap3A_1228 = arith.index_cast %add3A_1222 : i32 to index
        %swap3A_1229 = arith.constant 0 : index
        %swap3A_1230 = tpu.vector_load %arg10[%swap3A_1228, %swap3A_1229] {strides = array<i32>} : memref<80x128xf32, #tpu.memory_space<vmem>>, vector<1x16xf32>,
        %swap3A_1231 = vector.shape_cast %swap3A_1230 : vector<1x16xf32> to vector<16xf32>
        %swap3A_1232 = vector.shape_cast %mul3A_1227 : vector<16xf32> to vector<1x16xf32>
        tpu.vector_store %arg10[%swap3A_1228, %swap3A_1229], %swap3A_1232 {strides = array<i32>} : memref<80x128xf32, #tpu.memory_space<vmem>>, vector<1x16xf32>,
        %get3A_1233 = arith.index_cast %add3A_1222 : i32 to index
        %get3A_1234 = arith.constant 16 : index
        %get3A_1235 = tpu.vector_load %arg10[%get3A_1233, %get3A_1234] {strides = array<i32>} : memref<80x128xf32, #tpu.memory_space<vmem>>, vector<1x16xf32>,
        %get3A_1236 = vector.shape_cast %get3A_1235 : vector<1x16xf32> to vector<16xf32>
        %mul3A_1237 = arith.mulf %get3A_1236, %broadcast_in_dim3A_1218 : vector<16xf32>
        %swap3A_1238 = arith.index_cast %add3A_1222 : i32 to index
        %swap3A_1239 = arith.constant 16 : index
        %swap3A_1240 = tpu.vector_load %arg10[%swap3A_1238, %swap3A_1239] {strides = array<i32>} : memref<80x128xf32, #tpu.memory_space<vmem>>, vector<1x16xf32>,
        %swap3A_1241 = vector.shape_cast %swap3A_1240 : vector<1x16xf32> to vector<16xf32>
        %swap3A_1242 = vector.shape_cast %mul3A_1237 : vector<16xf32> to vector<1x16xf32>
        tpu.vector_store %arg10[%swap3A_1238, %swap3A_1239], %swap3A_1242 {strides = array<i32>} : memref<80x128xf32, #tpu.memory_space<vmem>>, vector<1x16xf32>,
        %get3A_1243 = arith.index_cast %add3A_1222 : i32 to index
        %get3A_1244 = arith.constant 32 : index
        %get3A_1245 = tpu.vector_load %arg10[%get3A_1243, %get3A_1244] {strides = array<i32>} : memref<80x128xf32, #tpu.memory_space<vmem>>, vector<1x16xf32>,
        %get3A_1246 = vector.shape_cast %get3A_1245 : vector<1x16xf32> to vector<16xf32>
        %mul3A_1247 = arith.mulf %get3A_1246, %broadcast_in_dim3A_1218 : vector<16xf32>
        %swap3A_1248 = arith.index_cast %add3A_1222 : i32 to index
        %swap3A_1249 = arith.constant 32 : index
        %swap3A_1250 = tpu.vector_load %arg10[%swap3A_1248, %swap3A_1249] {strides = array<i32>} : memref<80x128xf32, #tpu.memory_space<vmem>>, vector<1x16xf32>,
        %swap3A_1251 = vector.shape_cast %swap3A_1250 : vector<1x16xf32> to vector<16xf32>
        %swap3A_1252 = vector.shape_cast %mul3A_1247 : vector<16xf32> to vector<1x16xf32>
        tpu.vector_store %arg10[%swap3A_1248, %swap3A_1249], %swap3A_1252 {strides = array<i32>} : memref<80x128xf32, #tpu.memory_space<vmem>>, vector<1x16xf32>,
        %get3A_1253 = arith.index_cast %add3A_1222 : i32 to index
        %get3A_1254 = arith.constant 48 : index
        %get3A_1255 = tpu.vector_load %arg10[%get3A_1253, %get3A_1254] {strides = array<i32>} : memref<80x128xf32, #tpu.memory_space<vmem>>, vector<1x16xf32>,
        %get3A_1256 = vector.shape_cast %get3A_1255 : vector<1x16xf32> to vector<16xf32>
        %mul3A_1257 = arith.mulf %get3A_1256, %broadcast_in_dim3A_1218 : vector<16xf32>
        %swap3A_1258 = arith.index_cast %add3A_1222 : i32 to index
        %swap3A_1259 = arith.constant 48 : index
        %swap3A_1260 = tpu.vector_load %arg10[%swap3A_1258, %swap3A_1259] {strides = array<i32>} : memref<80x128xf32, #tpu.memory_space<vmem>>, vector<1x16xf32>,
        %swap3A_1261 = vector.shape_cast %swap3A_1260 : vector<1x16xf32> to vector<16xf32>
        %swap3A_1262 = vector.shape_cast %mul3A_1257 : vector<16xf32> to vector<1x16xf32>
        tpu.vector_store %arg10[%swap3A_1258, %swap3A_1259], %swap3A_1262 {strides = array<i32>} : memref<80x128xf32, #tpu.memory_space<vmem>>, vector<1x16xf32>,
        %get3A_1263 = arith.index_cast %add3A_1222 : i32 to index
        %get3A_1264 = arith.constant 64 : index
        %get3A_1265 = tpu.vector_load %arg10[%get3A_1263, %get3A_1264] {strides = array<i32>} : memref<80x128xf32, #tpu.memory_space<vmem>>, vector<1x16xf32>,
        %get3A_1266 = vector.shape_cast %get3A_1265 : vector<1x16xf32> to vector<16xf32>
        %mul3A_1267 = arith.mulf %get3A_1266, %broadcast_in_dim3A_1218 : vector<16xf32>
        %swap3A_1268 = arith.index_cast %add3A_1222 : i32 to index
        %swap3A_1269 = arith.constant 64 : index
        %swap3A_1270 = tpu.vector_load %arg10[%swap3A_1268, %swap3A_1269] {strides = array<i32>} : memref<80x128xf32, #tpu.memory_space<vmem>>, vector<1x16xf32>,
        %swap3A_1271 = vector.shape_cast %swap3A_1270 : vector<1x16xf32> to vector<16xf32>
        %swap3A_1272 = vector.shape_cast %mul3A_1267 : vector<16xf32> to vector<1x16xf32>
        tpu.vector_store %arg10[%swap3A_1268, %swap3A_1269], %swap3A_1272 {strides = array<i32>} : memref<80x128xf32, #tpu.memory_space<vmem>>, vector<1x16xf32>,
        %get3A_1273 = arith.index_cast %add3A_1222 : i32 to index
        %get3A_1274 = arith.constant 80 : index
        %get3A_1275 = tpu.vector_load %arg10[%get3A_1273, %get3A_1274] {strides = array<i32>} : memref<80x128xf32, #tpu.memory_space<vmem>>, vector<1x16xf32>,
        %get3A_1276 = vector.shape_cast %get3A_1275 : vector<1x16xf32> to vector<16xf32>
        %mul3A_1277 = arith.mulf %get3A_1276, %broadcast_in_dim3A_1218 : vector<16xf32>
        %swap3A_1278 = arith.index_cast %add3A_1222 : i32 to index
        %swap3A_1279 = arith.constant 80 : index
        %swap3A_1280 = tpu.vector_load %arg10[%swap3A_1278, %swap3A_1279] {strides = array<i32>} : memref<80x128xf32, #tpu.memory_space<vmem>>, vector<1x16xf32>,
        %swap3A_1281 = vector.shape_cast %swap3A_1280 : vector<1x16xf32> to vector<16xf32>
        %swap3A_1282 = vector.shape_cast %mul3A_1277 : vector<16xf32> to vector<1x16xf32>
        tpu.vector_store %arg10[%swap3A_1278, %swap3A_1279], %swap3A_1282 {strides = array<i32>} : memref<80x128xf32, #tpu.memory_space<vmem>>, vector<1x16xf32>,
        %get3A_1283 = arith.index_cast %add3A_1222 : i32 to index
        %get3A_1284 = arith.constant 96 : index
        %get3A_1285 = tpu.vector_load %arg10[%get3A_1283, %get3A_1284] {strides = array<i32>} : memref<80x128xf32, #tpu.memory_space<vmem>>, vector<1x16xf32>,
        %get3A_1286 = vector.shape_cast %get3A_1285 : vector<1x16xf32> to vector<16xf32>
        %mul3A_1287 = arith.mulf %get3A_1286, %broadcast_in_dim3A_1218 : vector<16xf32>
        %swap3A_1288 = arith.index_cast %add3A_1222 : i32 to index
        %swap3A_1289 = arith.constant 96 : index
        %swap3A_1290 = tpu.vector_load %arg10[%swap3A_1288, %swap3A_1289] {strides = array<i32>} : memref<80x128xf32, #tpu.memory_space<vmem>>, vector<1x16xf32>,
        %swap3A_1291 = vector.shape_cast %swap3A_1290 : vector<1x16xf32> to vector<16xf32>
        %swap3A_1292 = vector.shape_cast %mul3A_1287 : vector<16xf32> to vector<1x16xf32>
        tpu.vector_store %arg10[%swap3A_1288, %swap3A_1289], %swap3A_1292 {strides = array<i32>} : memref<80x128xf32, #tpu.memory_space<vmem>>, vector<1x16xf32>,
        %get3A_1293 = arith.index_cast %add3A_1222 : i32 to index
        %get3A_1294 = arith.constant 112 : index
        %get3A_1295 = tpu.vector_load %arg10[%get3A_1293, %get3A_1294] {strides = array<i32>} : memref<80x128xf32, #tpu.memory_space<vmem>>, vector<1x16xf32>,
        %get3A_1296 = vector.shape_cast %get3A_1295 : vector<1x16xf32> to vector<16xf32>
        %mul3A_1297 = arith.mulf %get3A_1296, %broadcast_in_dim3A_1218 : vector<16xf32>
        %swap3A_1298 = arith.index_cast %add3A_1222 : i32 to index
        %swap3A_1299 = arith.constant 112 : index
        %swap3A_1300 = tpu.vector_load %arg10[%swap3A_1298, %swap3A_1299] {strides = array<i32>} : memref<80x128xf32, #tpu.memory_space<vmem>>, vector<1x16xf32>,
        %swap3A_1301 = vector.shape_cast %swap3A_1300 : vector<1x16xf32> to vector<16xf32>
        %swap3A_1302 = vector.shape_cast %mul3A_1297 : vector<16xf32> to vector<1x16xf32>
        tpu.vector_store %arg10[%swap3A_1298, %swap3A_1299], %swap3A_1302 {strides = array<i32>} : memref<80x128xf32, #tpu.memory_space<vmem>>, vector<1x16xf32>,
        %slice3A_1303 = vector.extract_strided_slice %get3A_88 {offsets = [14], sizes = [1], strides = [1]} : vector<16xf32> to vector<1xf32>
        %squeeze3A_1304 = vector.extract %slice3A_1303[0] : f32 from vector<1xf32>
        %broadcast_in_dim3A_1305 = vector.broadcast %squeeze3A_1304 : f32 to vector<16xf32>
        %mul3A_1306 = arith.constant 16 : i32
        %mul3A_1307 = arith.muli %scan3A_83, %mul3A_1306 : i32
        %add3A_1308 = arith.constant 14 : i32
        %add3A_1309 = arith.addi %mul3A_1307, %add3A_1308 : i32
        %get3A_1310 = arith.index_cast %add3A_1309 : i32 to index
        %get3A_1311 = arith.constant 0 : index
        %get3A_1312 = tpu.vector_load %arg10[%get3A_1310, %get3A_1311] {strides = array<i32>} : memref<80x128xf32, #tpu.memory_space<vmem>>, vector<1x16xf32>,
        %get3A_1313 = vector.shape_cast %get3A_1312 : vector<1x16xf32> to vector<16xf32>
        %mul3A_1314 = arith.mulf %get3A_1313, %broadcast_in_dim3A_1305 : vector<16xf32>
        %swap3A_1315 = arith.index_cast %add3A_1309 : i32 to index
        %swap3A_1316 = arith.constant 0 : index
        %swap3A_1317 = tpu.vector_load %arg10[%swap3A_1315, %swap3A_1316] {strides = array<i32>} : memref<80x128xf32, #tpu.memory_space<vmem>>, vector<1x16xf32>,
        %swap3A_1318 = vector.shape_cast %swap3A_1317 : vector<1x16xf32> to vector<16xf32>
        %swap3A_1319 = vector.shape_cast %mul3A_1314 : vector<16xf32> to vector<1x16xf32>
        tpu.vector_store %arg10[%swap3A_1315, %swap3A_1316], %swap3A_1319 {strides = array<i32>} : memref<80x128xf32, #tpu.memory_space<vmem>>, vector<1x16xf32>,
        %get3A_1320 = arith.index_cast %add3A_1309 : i32 to index
        %get3A_1321 = arith.constant 16 : index
        %get3A_1322 = tpu.vector_load %arg10[%get3A_1320, %get3A_1321] {strides = array<i32>} : memref<80x128xf32, #tpu.memory_space<vmem>>, vector<1x16xf32>,
        %get3A_1323 = vector.shape_cast %get3A_1322 : vector<1x16xf32> to vector<16xf32>
        %mul3A_1324 = arith.mulf %get3A_1323, %broadcast_in_dim3A_1305 : vector<16xf32>
        %swap3A_1325 = arith.index_cast %add3A_1309 : i32 to index
        %swap3A_1326 = arith.constant 16 : index
        %swap3A_1327 = tpu.vector_load %arg10[%swap3A_1325, %swap3A_1326] {strides = array<i32>} : memref<80x128xf32, #tpu.memory_space<vmem>>, vector<1x16xf32>,
        %swap3A_1328 = vector.shape_cast %swap3A_1327 : vector<1x16xf32> to vector<16xf32>
        %swap3A_1329 = vector.shape_cast %mul3A_1324 : vector<16xf32> to vector<1x16xf32>
        tpu.vector_store %arg10[%swap3A_1325, %swap3A_1326], %swap3A_1329 {strides = array<i32>} : memref<80x128xf32, #tpu.memory_space<vmem>>, vector<1x16xf32>,
        %get3A_1330 = arith.index_cast %add3A_1309 : i32 to index
        %get3A_1331 = arith.constant 32 : index
        %get3A_1332 = tpu.vector_load %arg10[%get3A_1330, %get3A_1331] {strides = array<i32>} : memref<80x128xf32, #tpu.memory_space<vmem>>, vector<1x16xf32>,
        %get3A_1333 = vector.shape_cast %get3A_1332 : vector<1x16xf32> to vector<16xf32>
        %mul3A_1334 = arith.mulf %get3A_1333, %broadcast_in_dim3A_1305 : vector<16xf32>
        %swap3A_1335 = arith.index_cast %add3A_1309 : i32 to index
        %swap3A_1336 = arith.constant 32 : index
        %swap3A_1337 = tpu.vector_load %arg10[%swap3A_1335, %swap3A_1336] {strides = array<i32>} : memref<80x128xf32, #tpu.memory_space<vmem>>, vector<1x16xf32>,
        %swap3A_1338 = vector.shape_cast %swap3A_1337 : vector<1x16xf32> to vector<16xf32>
        %swap3A_1339 = vector.shape_cast %mul3A_1334 : vector<16xf32> to vector<1x16xf32>
        tpu.vector_store %arg10[%swap3A_1335, %swap3A_1336], %swap3A_1339 {strides = array<i32>} : memref<80x128xf32, #tpu.memory_space<vmem>>, vector<1x16xf32>,
        %get3A_1340 = arith.index_cast %add3A_1309 : i32 to index
        %get3A_1341 = arith.constant 48 : index
        %get3A_1342 = tpu.vector_load %arg10[%get3A_1340, %get3A_1341] {strides = array<i32>} : memref<80x128xf32, #tpu.memory_space<vmem>>, vector<1x16xf32>,
        %get3A_1343 = vector.shape_cast %get3A_1342 : vector<1x16xf32> to vector<16xf32>
        %mul3A_1344 = arith.mulf %get3A_1343, %broadcast_in_dim3A_1305 : vector<16xf32>
        %swap3A_1345 = arith.index_cast %add3A_1309 : i32 to index
        %swap3A_1346 = arith.constant 48 : index
        %swap3A_1347 = tpu.vector_load %arg10[%swap3A_1345, %swap3A_1346] {strides = array<i32>} : memref<80x128xf32, #tpu.memory_space<vmem>>, vector<1x16xf32>,
        %swap3A_1348 = vector.shape_cast %swap3A_1347 : vector<1x16xf32> to vector<16xf32>
        %swap3A_1349 = vector.shape_cast %mul3A_1344 : vector<16xf32> to vector<1x16xf32>
        tpu.vector_store %arg10[%swap3A_1345, %swap3A_1346], %swap3A_1349 {strides = array<i32>} : memref<80x128xf32, #tpu.memory_space<vmem>>, vector<1x16xf32>,
        %get3A_1350 = arith.index_cast %add3A_1309 : i32 to index
        %get3A_1351 = arith.constant 64 : index
        %get3A_1352 = tpu.vector_load %arg10[%get3A_1350, %get3A_1351] {strides = array<i32>} : memref<80x128xf32, #tpu.memory_space<vmem>>, vector<1x16xf32>,
        %get3A_1353 = vector.shape_cast %get3A_1352 : vector<1x16xf32> to vector<16xf32>
        %mul3A_1354 = arith.mulf %get3A_1353, %broadcast_in_dim3A_1305 : vector<16xf32>
        %swap3A_1355 = arith.index_cast %add3A_1309 : i32 to index
        %swap3A_1356 = arith.constant 64 : index
        %swap3A_1357 = tpu.vector_load %arg10[%swap3A_1355, %swap3A_1356] {strides = array<i32>} : memref<80x128xf32, #tpu.memory_space<vmem>>, vector<1x16xf32>,
        %swap3A_1358 = vector.shape_cast %swap3A_1357 : vector<1x16xf32> to vector<16xf32>
        %swap3A_1359 = vector.shape_cast %mul3A_1354 : vector<16xf32> to vector<1x16xf32>
        tpu.vector_store %arg10[%swap3A_1355, %swap3A_1356], %swap3A_1359 {strides = array<i32>} : memref<80x128xf32, #tpu.memory_space<vmem>>, vector<1x16xf32>,
        %get3A_1360 = arith.index_cast %add3A_1309 : i32 to index
        %get3A_1361 = arith.constant 80 : index
        %get3A_1362 = tpu.vector_load %arg10[%get3A_1360, %get3A_1361] {strides = array<i32>} : memref<80x128xf32, #tpu.memory_space<vmem>>, vector<1x16xf32>,
        %get3A_1363 = vector.shape_cast %get3A_1362 : vector<1x16xf32> to vector<16xf32>
        %mul3A_1364 = arith.mulf %get3A_1363, %broadcast_in_dim3A_1305 : vector<16xf32>
        %swap3A_1365 = arith.index_cast %add3A_1309 : i32 to index
        %swap3A_1366 = arith.constant 80 : index
        %swap3A_1367 = tpu.vector_load %arg10[%swap3A_1365, %swap3A_1366] {strides = array<i32>} : memref<80x128xf32, #tpu.memory_space<vmem>>, vector<1x16xf32>,
        %swap3A_1368 = vector.shape_cast %swap3A_1367 : vector<1x16xf32> to vector<16xf32>
        %swap3A_1369 = vector.shape_cast %mul3A_1364 : vector<16xf32> to vector<1x16xf32>
        tpu.vector_store %arg10[%swap3A_1365, %swap3A_1366], %swap3A_1369 {strides = array<i32>} : memref<80x128xf32, #tpu.memory_space<vmem>>, vector<1x16xf32>,
        %get3A_1370 = arith.index_cast %add3A_1309 : i32 to index
        %get3A_1371 = arith.constant 96 : index
        %get3A_1372 = tpu.vector_load %arg10[%get3A_1370, %get3A_1371] {strides = array<i32>} : memref<80x128xf32, #tpu.memory_space<vmem>>, vector<1x16xf32>,
        %get3A_1373 = vector.shape_cast %get3A_1372 : vector<1x16xf32> to vector<16xf32>
        %mul3A_1374 = arith.mulf %get3A_1373, %broadcast_in_dim3A_1305 : vector<16xf32>
        %swap3A_1375 = arith.index_cast %add3A_1309 : i32 to index
        %swap3A_1376 = arith.constant 96 : index
        %swap3A_1377 = tpu.vector_load %arg10[%swap3A_1375, %swap3A_1376] {strides = array<i32>} : memref<80x128xf32, #tpu.memory_space<vmem>>, vector<1x16xf32>,
        %swap3A_1378 = vector.shape_cast %swap3A_1377 : vector<1x16xf32> to vector<16xf32>
        %swap3A_1379 = vector.shape_cast %mul3A_1374 : vector<16xf32> to vector<1x16xf32>
        tpu.vector_store %arg10[%swap3A_1375, %swap3A_1376], %swap3A_1379 {strides = array<i32>} : memref<80x128xf32, #tpu.memory_space<vmem>>, vector<1x16xf32>,
        %get3A_1380 = arith.index_cast %add3A_1309 : i32 to index
        %get3A_1381 = arith.constant 112 : index
        %get3A_1382 = tpu.vector_load %arg10[%get3A_1380, %get3A_1381] {strides = array<i32>} : memref<80x128xf32, #tpu.memory_space<vmem>>, vector<1x16xf32>,
        %get3A_1383 = vector.shape_cast %get3A_1382 : vector<1x16xf32> to vector<16xf32>
        %mul3A_1384 = arith.mulf %get3A_1383, %broadcast_in_dim3A_1305 : vector<16xf32>
        %swap3A_1385 = arith.index_cast %add3A_1309 : i32 to index
        %swap3A_1386 = arith.constant 112 : index
        %swap3A_1387 = tpu.vector_load %arg10[%swap3A_1385, %swap3A_1386] {strides = array<i32>} : memref<80x128xf32, #tpu.memory_space<vmem>>, vector<1x16xf32>,
        %swap3A_1388 = vector.shape_cast %swap3A_1387 : vector<1x16xf32> to vector<16xf32>
        %swap3A_1389 = vector.shape_cast %mul3A_1384 : vector<16xf32> to vector<1x16xf32>
        tpu.vector_store %arg10[%swap3A_1385, %swap3A_1386], %swap3A_1389 {strides = array<i32>} : memref<80x128xf32, #tpu.memory_space<vmem>>, vector<1x16xf32>,
        %slice3A_1390 = vector.extract_strided_slice %get3A_88 {offsets = [15], sizes = [1], strides = [1]} : vector<16xf32> to vector<1xf32>
        %squeeze3A_1391 = vector.extract %slice3A_1390[0] : f32 from vector<1xf32>
        %broadcast_in_dim3A_1392 = vector.broadcast %squeeze3A_1391 : f32 to vector<16xf32>
        %mul3A_1393 = arith.constant 16 : i32
        %mul3A_1394 = arith.muli %scan3A_83, %mul3A_1393 : i32
        %add3A_1395 = arith.constant 15 : i32
        %add3A_1396 = arith.addi %mul3A_1394, %add3A_1395 : i32
        %get3A_1397 = arith.index_cast %add3A_1396 : i32 to index
        %get3A_1398 = arith.constant 0 : index
        %get3A_1399 = tpu.vector_load %arg10[%get3A_1397, %get3A_1398] {strides = array<i32>} : memref<80x128xf32, #tpu.memory_space<vmem>>, vector<1x16xf32>,
        %get3A_1400 = vector.shape_cast %get3A_1399 : vector<1x16xf32> to vector<16xf32>
        %mul3A_1401 = arith.mulf %get3A_1400, %broadcast_in_dim3A_1392 : vector<16xf32>
        %swap3A_1402 = arith.index_cast %add3A_1396 : i32 to index
        %swap3A_1403 = arith.constant 0 : index
        %swap3A_1404 = tpu.vector_load %arg10[%swap3A_1402, %swap3A_1403] {strides = array<i32>} : memref<80x128xf32, #tpu.memory_space<vmem>>, vector<1x16xf32>,
        %swap3A_1405 = vector.shape_cast %swap3A_1404 : vector<1x16xf32> to vector<16xf32>
        %swap3A_1406 = vector.shape_cast %mul3A_1401 : vector<16xf32> to vector<1x16xf32>
        tpu.vector_store %arg10[%swap3A_1402, %swap3A_1403], %swap3A_1406 {strides = array<i32>} : memref<80x128xf32, #tpu.memory_space<vmem>>, vector<1x16xf32>,
        %get3A_1407 = arith.index_cast %add3A_1396 : i32 to index
        %get3A_1408 = arith.constant 16 : index
        %get3A_1409 = tpu.vector_load %arg10[%get3A_1407, %get3A_1408] {strides = array<i32>} : memref<80x128xf32, #tpu.memory_space<vmem>>, vector<1x16xf32>,
        %get3A_1410 = vector.shape_cast %get3A_1409 : vector<1x16xf32> to vector<16xf32>
        %mul3A_1411 = arith.mulf %get3A_1410, %broadcast_in_dim3A_1392 : vector<16xf32>
        %swap3A_1412 = arith.index_cast %add3A_1396 : i32 to index
        %swap3A_1413 = arith.constant 16 : index
        %swap3A_1414 = tpu.vector_load %arg10[%swap3A_1412, %swap3A_1413] {strides = array<i32>} : memref<80x128xf32, #tpu.memory_space<vmem>>, vector<1x16xf32>,
        %swap3A_1415 = vector.shape_cast %swap3A_1414 : vector<1x16xf32> to vector<16xf32>
        %swap3A_1416 = vector.shape_cast %mul3A_1411 : vector<16xf32> to vector<1x16xf32>
        tpu.vector_store %arg10[%swap3A_1412, %swap3A_1413], %swap3A_1416 {strides = array<i32>} : memref<80x128xf32, #tpu.memory_space<vmem>>, vector<1x16xf32>,
        %get3A_1417 = arith.index_cast %add3A_1396 : i32 to index
        %get3A_1418 = arith.constant 32 : index
        %get3A_1419 = tpu.vector_load %arg10[%get3A_1417, %get3A_1418] {strides = array<i32>} : memref<80x128xf32, #tpu.memory_space<vmem>>, vector<1x16xf32>,
        %get3A_1420 = vector.shape_cast %get3A_1419 : vector<1x16xf32> to vector<16xf32>
        %mul3A_1421 = arith.mulf %get3A_1420, %broadcast_in_dim3A_1392 : vector<16xf32>
        %swap3A_1422 = arith.index_cast %add3A_1396 : i32 to index
        %swap3A_1423 = arith.constant 32 : index
        %swap3A_1424 = tpu.vector_load %arg10[%swap3A_1422, %swap3A_1423] {strides = array<i32>} : memref<80x128xf32, #tpu.memory_space<vmem>>, vector<1x16xf32>,
        %swap3A_1425 = vector.shape_cast %swap3A_1424 : vector<1x16xf32> to vector<16xf32>
        %swap3A_1426 = vector.shape_cast %mul3A_1421 : vector<16xf32> to vector<1x16xf32>
        tpu.vector_store %arg10[%swap3A_1422, %swap3A_1423], %swap3A_1426 {strides = array<i32>} : memref<80x128xf32, #tpu.memory_space<vmem>>, vector<1x16xf32>,
        %get3A_1427 = arith.index_cast %add3A_1396 : i32 to index
        %get3A_1428 = arith.constant 48 : index
        %get3A_1429 = tpu.vector_load %arg10[%get3A_1427, %get3A_1428] {strides = array<i32>} : memref<80x128xf32, #tpu.memory_space<vmem>>, vector<1x16xf32>,
        %get3A_1430 = vector.shape_cast %get3A_1429 : vector<1x16xf32> to vector<16xf32>
        %mul3A_1431 = arith.mulf %get3A_1430, %broadcast_in_dim3A_1392 : vector<16xf32>
        %swap3A_1432 = arith.index_cast %add3A_1396 : i32 to index
        %swap3A_1433 = arith.constant 48 : index
        %swap3A_1434 = tpu.vector_load %arg10[%swap3A_1432, %swap3A_1433] {strides = array<i32>} : memref<80x128xf32, #tpu.memory_space<vmem>>, vector<1x16xf32>,
        %swap3A_1435 = vector.shape_cast %swap3A_1434 : vector<1x16xf32> to vector<16xf32>
        %swap3A_1436 = vector.shape_cast %mul3A_1431 : vector<16xf32> to vector<1x16xf32>
        tpu.vector_store %arg10[%swap3A_1432, %swap3A_1433], %swap3A_1436 {strides = array<i32>} : memref<80x128xf32, #tpu.memory_space<vmem>>, vector<1x16xf32>,
        %get3A_1437 = arith.index_cast %add3A_1396 : i32 to index
        %get3A_1438 = arith.constant 64 : index
        %get3A_1439 = tpu.vector_load %arg10[%get3A_1437, %get3A_1438] {strides = array<i32>} : memref<80x128xf32, #tpu.memory_space<vmem>>, vector<1x16xf32>,
        %get3A_1440 = vector.shape_cast %get3A_1439 : vector<1x16xf32> to vector<16xf32>
        %mul3A_1441 = arith.mulf %get3A_1440, %broadcast_in_dim3A_1392 : vector<16xf32>
        %swap3A_1442 = arith.index_cast %add3A_1396 : i32 to index
        %swap3A_1443 = arith.constant 64 : index
        %swap3A_1444 = tpu.vector_load %arg10[%swap3A_1442, %swap3A_1443] {strides = array<i32>} : memref<80x128xf32, #tpu.memory_space<vmem>>, vector<1x16xf32>,
        %swap3A_1445 = vector.shape_cast %swap3A_1444 : vector<1x16xf32> to vector<16xf32>
        %swap3A_1446 = vector.shape_cast %mul3A_1441 : vector<16xf32> to vector<1x16xf32>
        tpu.vector_store %arg10[%swap3A_1442, %swap3A_1443], %swap3A_1446 {strides = array<i32>} : memref<80x128xf32, #tpu.memory_space<vmem>>, vector<1x16xf32>,
        %get3A_1447 = arith.index_cast %add3A_1396 : i32 to index
        %get3A_1448 = arith.constant 80 : index
        %get3A_1449 = tpu.vector_load %arg10[%get3A_1447, %get3A_1448] {strides = array<i32>} : memref<80x128xf32, #tpu.memory_space<vmem>>, vector<1x16xf32>,
        %get3A_1450 = vector.shape_cast %get3A_1449 : vector<1x16xf32> to vector<16xf32>
        %mul3A_1451 = arith.mulf %get3A_1450, %broadcast_in_dim3A_1392 : vector<16xf32>
        %swap3A_1452 = arith.index_cast %add3A_1396 : i32 to index
        %swap3A_1453 = arith.constant 80 : index
        %swap3A_1454 = tpu.vector_load %arg10[%swap3A_1452, %swap3A_1453] {strides = array<i32>} : memref<80x128xf32, #tpu.memory_space<vmem>>, vector<1x16xf32>,
        %swap3A_1455 = vector.shape_cast %swap3A_1454 : vector<1x16xf32> to vector<16xf32>
        %swap3A_1456 = vector.shape_cast %mul3A_1451 : vector<16xf32> to vector<1x16xf32>
        tpu.vector_store %arg10[%swap3A_1452, %swap3A_1453], %swap3A_1456 {strides = array<i32>} : memref<80x128xf32, #tpu.memory_space<vmem>>, vector<1x16xf32>,
        %get3A_1457 = arith.index_cast %add3A_1396 : i32 to index
        %get3A_1458 = arith.constant 96 : index
        %get3A_1459 = tpu.vector_load %arg10[%get3A_1457, %get3A_1458] {strides = array<i32>} : memref<80x128xf32, #tpu.memory_space<vmem>>, vector<1x16xf32>,
        %get3A_1460 = vector.shape_cast %get3A_1459 : vector<1x16xf32> to vector<16xf32>
        %mul3A_1461 = arith.mulf %get3A_1460, %broadcast_in_dim3A_1392 : vector<16xf32>
        %swap3A_1462 = arith.index_cast %add3A_1396 : i32 to index
        %swap3A_1463 = arith.constant 96 : index
        %swap3A_1464 = tpu.vector_load %arg10[%swap3A_1462, %swap3A_1463] {strides = array<i32>} : memref<80x128xf32, #tpu.memory_space<vmem>>, vector<1x16xf32>,
        %swap3A_1465 = vector.shape_cast %swap3A_1464 : vector<1x16xf32> to vector<16xf32>
        %swap3A_1466 = vector.shape_cast %mul3A_1461 : vector<16xf32> to vector<1x16xf32>
        tpu.vector_store %arg10[%swap3A_1462, %swap3A_1463], %swap3A_1466 {strides = array<i32>} : memref<80x128xf32, #tpu.memory_space<vmem>>, vector<1x16xf32>,
        %get3A_1467 = arith.index_cast %add3A_1396 : i32 to index
        %get3A_1468 = arith.constant 112 : index
        %get3A_1469 = tpu.vector_load %arg10[%get3A_1467, %get3A_1468] {strides = array<i32>} : memref<80x128xf32, #tpu.memory_space<vmem>>, vector<1x16xf32>,
        %get3A_1470 = vector.shape_cast %get3A_1469 : vector<1x16xf32> to vector<16xf32>
        %mul3A_1471 = arith.mulf %get3A_1470, %broadcast_in_dim3A_1392 : vector<16xf32>
        %swap3A_1472 = arith.index_cast %add3A_1396 : i32 to index
        %swap3A_1473 = arith.constant 112 : index
        %swap3A_1474 = tpu.vector_load %arg10[%swap3A_1472, %swap3A_1473] {strides = array<i32>} : memref<80x128xf32, #tpu.memory_space<vmem>>, vector<1x16xf32>,
        %swap3A_1475 = vector.shape_cast %swap3A_1474 : vector<1x16xf32> to vector<16xf32>
        %swap3A_1476 = vector.shape_cast %mul3A_1471 : vector<16xf32> to vector<1x16xf32>
        tpu.vector_store %arg10[%swap3A_1472, %swap3A_1473], %swap3A_1476 {strides = array<i32>} : memref<80x128xf32, #tpu.memory_space<vmem>>, vector<1x16xf32>,
        %scan3A_1477 = arith.constant 0 : i32
        scf.yield %scan3A_1477 : i32
      }
      %scan3A_81 = arith.constant 5 : i32
      "tpu.region"() ({
        %run_scoped3A = tpu.sem_alloc : memref<!tpu.dma_semaphore, #tpu.memory_space<semaphore_mem>>
        %dma_start3A = arith.constant 0 : i32
        %dma_start3A_83 = arith.constant 0 : i32
        %dma_start3A_84 = tpu.memref_slice %arg12[%dma_start3A, %dma_start3A_83] : memref<10000x128xf32, #tpu.memory_space<vmem_shared>> -> memref<10000x128xf32, #tpu.memory_space<vmem_shared>>
        tpu.enqueue_indirect_dma source(%arg10 : memref<80x128xf32, #tpu.memory_space<vmem>>) target(%dma_start3A_84 : memref<10000x128xf32, #tpu.memory_space<vmem_shared>>) offsets(%arg8 : memref<80xi32, #tpu.memory_space<vmem>>) semaphore(%run_scoped3A : memref<!tpu.dma_semaphore, #tpu.memory_space<semaphore_mem>>) {add = true}
        %dma_wait3A = arith.constant 0 : i32
        %dma_wait3A_85 = arith.constant 0 : i32
        %dma_wait3A_86 = tpu.memref_slice %arg12[%dma_wait3A, %dma_wait3A_85] : memref<10000x128xf32, #tpu.memory_space<vmem_shared>> -> memref<10000x128xf32, #tpu.memory_space<vmem_shared>>
        tpu.wait_indirect_dma semaphore(%run_scoped3A : memref<!tpu.dma_semaphore, #tpu.memory_space<semaphore_mem>>) src(%arg10 : memref<80x128xf32, #tpu.memory_space<vmem>>) dst(%dma_wait3A_86 : memref<10000x128xf32, #tpu.memory_space<vmem_shared>>)
        tpu.yield
      }) : () -> ()
      %scan3A_82 = arith.constant 0 : i32
      scf.yield %scan3A_82 : i32
    }
    %scan3A_38 = arith.constant 125 : i32
    %barrier3A_39 = arith.constant 0 : index
    tpu.barrier barrier_id(%barrier3A_39)
    %add3A_40 = arith.constant 0 : i32
    %add3A_41 = arith.addi %arg1, %add3A_40 : i32
    %lt3A_42 = arith.constant 50 : i32
    %lt3A_43 = arith.cmpi slt, %add3A_41, %lt3A_42 : i32
    %convert_element_type3A_44 = arith.extui %lt3A_43 : i1 to i32
    %cond3A_45 = arith.constant 0 : i32
    %cond3A_46 = arith.cmpi ne, %convert_element_type3A_44, %cond3A_45 : i32
    scf.if %cond3A_46 {
      %mul3A_68 = arith.constant 200 : i32
      %mul3A_69 = arith.muli %add3A_41, %mul3A_68 : i32
      "tpu.region"() ({
        %run_scoped3A = tpu.sem_alloc : memref<!tpu.dma_semaphore, #tpu.memory_space<semaphore_mem>>
        %dma_start3A = arith.constant 0 : i32
        %dma_start3A_70 = arith.constant 0 : i32
        %dma_start3A_71 = tpu.memref_slice %arg6[%arg0, %dma_start3A, %dma_start3A_70] : memref<2x10000x128xf32, #tpu.memory_space<hbm>> -> memref<1x10000x128xf32, #tpu.memory_space<hbm>>
        %dma_start3A_72 = tpu.memref_squeeze %dma_start3A_71 : memref<1x10000x128xf32, #tpu.memory_space<hbm>> -> memref<10000x128xf32, #tpu.memory_space<hbm>>
        %dma_start3A_73 = arith.constant 0 : i32
        %dma_start3A_74 = tpu.memref_slice %dma_start3A_72[%mul3A_69, %dma_start3A_73] : memref<10000x128xf32, #tpu.memory_space<hbm>> -> memref<200x128xf32, #tpu.memory_space<hbm>>
        %dma_start3A_75 = arith.constant 0 : i32
        %dma_start3A_76 = tpu.memref_slice %arg12[%mul3A_69, %dma_start3A_75] : memref<10000x128xf32, #tpu.memory_space<vmem_shared>> -> memref<200x128xf32, #tpu.memory_space<vmem_shared>>
        tpu.enqueue_dma source(%dma_start3A_76 : memref<200x128xf32, #tpu.memory_space<vmem_shared>>) target(%dma_start3A_74 : memref<200x128xf32, #tpu.memory_space<hbm>>) target_semaphore(%run_scoped3A : memref<!tpu.dma_semaphore, #tpu.memory_space<semaphore_mem>>)
        %dma_wait3A = arith.constant 0 : i32
        %dma_wait3A_77 = arith.constant 0 : i32
        %dma_wait3A_78 = tpu.memref_slice %arg6[%arg0, %dma_wait3A, %dma_wait3A_77] : memref<2x10000x128xf32, #tpu.memory_space<hbm>> -> memref<1x10000x128xf32, #tpu.memory_space<hbm>>
        %dma_wait3A_79 = tpu.memref_squeeze %dma_wait3A_78 : memref<1x10000x128xf32, #tpu.memory_space<hbm>> -> memref<10000x128xf32, #tpu.memory_space<hbm>>
        %dma_wait3A_80 = arith.constant 0 : i32
        %dma_wait3A_81 = tpu.memref_slice %dma_wait3A_79[%mul3A_69, %dma_wait3A_80] : memref<10000x128xf32, #tpu.memory_space<hbm>> -> memref<200x128xf32, #tpu.memory_space<hbm>>
        %dma_wait3A_82 = arith.constant 0 : i32
        %dma_wait3A_83 = tpu.memref_slice %arg12[%mul3A_69, %dma_wait3A_82] : memref<10000x128xf32, #tpu.memory_space<vmem_shared>> -> memref<200x128xf32, #tpu.memory_space<vmem_shared>>
        tpu.wait_dma2 semaphore(%run_scoped3A : memref<!tpu.dma_semaphore, #tpu.memory_space<semaphore_mem>>) src(%dma_wait3A_83 : memref<200x128xf32, #tpu.memory_space<vmem_shared>>) dst(%dma_wait3A_81 : memref<200x128xf32, #tpu.memory_space<hbm>>)
        tpu.yield
      }) : () -> ()
    } else {
    }
    %add3A_47 = arith.constant 16 : i32
    %add3A_48 = arith.addi %arg1, %add3A_47 : i32
    %lt3A_49 = arith.constant 50 : i32
    %lt3A_50 = arith.cmpi slt, %add3A_48, %lt3A_49 : i32
    %convert_element_type3A_51 = arith.extui %lt3A_50 : i1 to i32
    %cond3A_52 = arith.constant 0 : i32
    %cond3A_53 = arith.cmpi ne, %convert_element_type3A_51, %cond3A_52 : i32
    scf.if %cond3A_53 {
      %mul3A_68 = arith.constant 200 : i32
      %mul3A_69 = arith.muli %add3A_48, %mul3A_68 : i32
      "tpu.region"() ({
        %run_scoped3A = tpu.sem_alloc : memref<!tpu.dma_semaphore, #tpu.memory_space<semaphore_mem>>
        %dma_start3A = arith.constant 0 : i32
        %dma_start3A_70 = arith.constant 0 : i32
        %dma_start3A_71 = tpu.memref_slice %arg6[%arg0, %dma_start3A, %dma_start3A_70] : memref<2x10000x128xf32, #tpu.memory_space<hbm>> -> memref<1x10000x128xf32, #tpu.memory_space<hbm>>
        %dma_start3A_72 = tpu.memref_squeeze %dma_start3A_71 : memref<1x10000x128xf32, #tpu.memory_space<hbm>> -> memref<10000x128xf32, #tpu.memory_space<hbm>>
        %dma_start3A_73 = arith.constant 0 : i32
        %dma_start3A_74 = tpu.memref_slice %dma_start3A_72[%mul3A_69, %dma_start3A_73] : memref<10000x128xf32, #tpu.memory_space<hbm>> -> memref<200x128xf32, #tpu.memory_space<hbm>>
        %dma_start3A_75 = arith.constant 0 : i32
        %dma_start3A_76 = tpu.memref_slice %arg12[%mul3A_69, %dma_start3A_75] : memref<10000x128xf32, #tpu.memory_space<vmem_shared>> -> memref<200x128xf32, #tpu.memory_space<vmem_shared>>
        tpu.enqueue_dma source(%dma_start3A_76 : memref<200x128xf32, #tpu.memory_space<vmem_shared>>) target(%dma_start3A_74 : memref<200x128xf32, #tpu.memory_space<hbm>>) target_semaphore(%run_scoped3A : memref<!tpu.dma_semaphore, #tpu.memory_space<semaphore_mem>>)
        %dma_wait3A = arith.constant 0 : i32
        %dma_wait3A_77 = arith.constant 0 : i32
        %dma_wait3A_78 = tpu.memref_slice %arg6[%arg0, %dma_wait3A, %dma_wait3A_77] : memref<2x10000x128xf32, #tpu.memory_space<hbm>> -> memref<1x10000x128xf32, #tpu.memory_space<hbm>>
        %dma_wait3A_79 = tpu.memref_squeeze %dma_wait3A_78 : memref<1x10000x128xf32, #tpu.memory_space<hbm>> -> memref<10000x128xf32, #tpu.memory_space<hbm>>
        %dma_wait3A_80 = arith.constant 0 : i32
        %dma_wait3A_81 = tpu.memref_slice %dma_wait3A_79[%mul3A_69, %dma_wait3A_80] : memref<10000x128xf32, #tpu.memory_space<hbm>> -> memref<200x128xf32, #tpu.memory_space<hbm>>
        %dma_wait3A_82 = arith.constant 0 : i32
        %dma_wait3A_83 = tpu.memref_slice %arg12[%mul3A_69, %dma_wait3A_82] : memref<10000x128xf32, #tpu.memory_space<vmem_shared>> -> memref<200x128xf32, #tpu.memory_space<vmem_shared>>
        tpu.wait_dma2 semaphore(%run_scoped3A : memref<!tpu.dma_semaphore, #tpu.memory_space<semaphore_mem>>) src(%dma_wait3A_83 : memref<200x128xf32, #tpu.memory_space<vmem_shared>>) dst(%dma_wait3A_81 : memref<200x128xf32, #tpu.memory_space<hbm>>)
        tpu.yield
      }) : () -> ()
    } else {
    }
    %add3A_54 = arith.constant 32 : i32
    %add3A_55 = arith.addi %arg1, %add3A_54 : i32
    %lt3A_56 = arith.constant 50 : i32
    %lt3A_57 = arith.cmpi slt, %add3A_55, %lt3A_56 : i32
    %convert_element_type3A_58 = arith.extui %lt3A_57 : i1 to i32
    %cond3A_59 = arith.constant 0 : i32
    %cond3A_60 = arith.cmpi ne, %convert_element_type3A_58, %cond3A_59 : i32
    scf.if %cond3A_60 {
      %mul3A_68 = arith.constant 200 : i32
      %mul3A_69 = arith.muli %add3A_55, %mul3A_68 : i32
      "tpu.region"() ({
        %run_scoped3A = tpu.sem_alloc : memref<!tpu.dma_semaphore, #tpu.memory_space<semaphore_mem>>
        %dma_start3A = arith.constant 0 : i32
        %dma_start3A_70 = arith.constant 0 : i32
        %dma_start3A_71 = tpu.memref_slice %arg6[%arg0, %dma_start3A, %dma_start3A_70] : memref<2x10000x128xf32, #tpu.memory_space<hbm>> -> memref<1x10000x128xf32, #tpu.memory_space<hbm>>
        %dma_start3A_72 = tpu.memref_squeeze %dma_start3A_71 : memref<1x10000x128xf32, #tpu.memory_space<hbm>> -> memref<10000x128xf32, #tpu.memory_space<hbm>>
        %dma_start3A_73 = arith.constant 0 : i32
        %dma_start3A_74 = tpu.memref_slice %dma_start3A_72[%mul3A_69, %dma_start3A_73] : memref<10000x128xf32, #tpu.memory_space<hbm>> -> memref<200x128xf32, #tpu.memory_space<hbm>>
        %dma_start3A_75 = arith.constant 0 : i32
        %dma_start3A_76 = tpu.memref_slice %arg12[%mul3A_69, %dma_start3A_75] : memref<10000x128xf32, #tpu.memory_space<vmem_shared>> -> memref<200x128xf32, #tpu.memory_space<vmem_shared>>
        tpu.enqueue_dma source(%dma_start3A_76 : memref<200x128xf32, #tpu.memory_space<vmem_shared>>) target(%dma_start3A_74 : memref<200x128xf32, #tpu.memory_space<hbm>>) target_semaphore(%run_scoped3A : memref<!tpu.dma_semaphore, #tpu.memory_space<semaphore_mem>>)
        %dma_wait3A = arith.constant 0 : i32
        %dma_wait3A_77 = arith.constant 0 : i32
        %dma_wait3A_78 = tpu.memref_slice %arg6[%arg0, %dma_wait3A, %dma_wait3A_77] : memref<2x10000x128xf32, #tpu.memory_space<hbm>> -> memref<1x10000x128xf32, #tpu.memory_space<hbm>>
        %dma_wait3A_79 = tpu.memref_squeeze %dma_wait3A_78 : memref<1x10000x128xf32, #tpu.memory_space<hbm>> -> memref<10000x128xf32, #tpu.memory_space<hbm>>
        %dma_wait3A_80 = arith.constant 0 : i32
        %dma_wait3A_81 = tpu.memref_slice %dma_wait3A_79[%mul3A_69, %dma_wait3A_80] : memref<10000x128xf32, #tpu.memory_space<hbm>> -> memref<200x128xf32, #tpu.memory_space<hbm>>
        %dma_wait3A_82 = arith.constant 0 : i32
        %dma_wait3A_83 = tpu.memref_slice %arg12[%mul3A_69, %dma_wait3A_82] : memref<10000x128xf32, #tpu.memory_space<vmem_shared>> -> memref<200x128xf32, #tpu.memory_space<vmem_shared>>
        tpu.wait_dma2 semaphore(%run_scoped3A : memref<!tpu.dma_semaphore, #tpu.memory_space<semaphore_mem>>) src(%dma_wait3A_83 : memref<200x128xf32, #tpu.memory_space<vmem_shared>>) dst(%dma_wait3A_81 : memref<200x128xf32, #tpu.memory_space<hbm>>)
        tpu.yield
      }) : () -> ()
    } else {
    }
    %add3A_61 = arith.constant 48 : i32
    %add3A_62 = arith.addi %arg1, %add3A_61 : i32
    %lt3A_63 = arith.constant 50 : i32
    %lt3A_64 = arith.cmpi slt, %add3A_62, %lt3A_63 : i32
    %convert_element_type3A_65 = arith.extui %lt3A_64 : i1 to i32
    %cond3A_66 = arith.constant 0 : i32
    %cond3A_67 = arith.cmpi ne, %convert_element_type3A_65, %cond3A_66 : i32
    scf.if %cond3A_67 {
      %mul3A_68 = arith.constant 200 : i32
      %mul3A_69 = arith.muli %add3A_62, %mul3A_68 : i32
      "tpu.region"() ({
        %run_scoped3A = tpu.sem_alloc : memref<!tpu.dma_semaphore, #tpu.memory_space<semaphore_mem>>
        %dma_start3A = arith.constant 0 : i32
        %dma_start3A_70 = arith.constant 0 : i32
        %dma_start3A_71 = tpu.memref_slice %arg6[%arg0, %dma_start3A, %dma_start3A_70] : memref<2x10000x128xf32, #tpu.memory_space<hbm>> -> memref<1x10000x128xf32, #tpu.memory_space<hbm>>
        %dma_start3A_72 = tpu.memref_squeeze %dma_start3A_71 : memref<1x10000x128xf32, #tpu.memory_space<hbm>> -> memref<10000x128xf32, #tpu.memory_space<hbm>>
        %dma_start3A_73 = arith.constant 0 : i32
        %dma_start3A_74 = tpu.memref_slice %dma_start3A_72[%mul3A_69, %dma_start3A_73] : memref<10000x128xf32, #tpu.memory_space<hbm>> -> memref<200x128xf32, #tpu.memory_space<hbm>>
        %dma_start3A_75 = arith.constant 0 : i32
        %dma_start3A_76 = tpu.memref_slice %arg12[%mul3A_69, %dma_start3A_75] : memref<10000x128xf32, #tpu.memory_space<vmem_shared>> -> memref<200x128xf32, #tpu.memory_space<vmem_shared>>
        tpu.enqueue_dma source(%dma_start3A_76 : memref<200x128xf32, #tpu.memory_space<vmem_shared>>) target(%dma_start3A_74 : memref<200x128xf32, #tpu.memory_space<hbm>>) target_semaphore(%run_scoped3A : memref<!tpu.dma_semaphore, #tpu.memory_space<semaphore_mem>>)
        %dma_wait3A = arith.constant 0 : i32
        %dma_wait3A_77 = arith.constant 0 : i32
        %dma_wait3A_78 = tpu.memref_slice %arg6[%arg0, %dma_wait3A, %dma_wait3A_77] : memref<2x10000x128xf32, #tpu.memory_space<hbm>> -> memref<1x10000x128xf32, #tpu.memory_space<hbm>>
        %dma_wait3A_79 = tpu.memref_squeeze %dma_wait3A_78 : memref<1x10000x128xf32, #tpu.memory_space<hbm>> -> memref<10000x128xf32, #tpu.memory_space<hbm>>
        %dma_wait3A_80 = arith.constant 0 : i32
        %dma_wait3A_81 = tpu.memref_slice %dma_wait3A_79[%mul3A_69, %dma_wait3A_80] : memref<10000x128xf32, #tpu.memory_space<hbm>> -> memref<200x128xf32, #tpu.memory_space<hbm>>
        %dma_wait3A_82 = arith.constant 0 : i32
        %dma_wait3A_83 = tpu.memref_slice %arg12[%mul3A_69, %dma_wait3A_82] : memref<10000x128xf32, #tpu.memory_space<vmem_shared>> -> memref<200x128xf32, #tpu.memory_space<vmem_shared>>
        tpu.wait_dma2 semaphore(%run_scoped3A : memref<!tpu.dma_semaphore, #tpu.memory_space<semaphore_mem>>) src(%dma_wait3A_83 : memref<200x128xf32, #tpu.memory_space<vmem_shared>>) dst(%dma_wait3A_81 : memref<200x128xf32, #tpu.memory_space<hbm>>)
        tpu.yield
      }) : () -> ()
    } else {
    }
    return
  }
}

#map = affine_map<(d0, d1) -> (0, 0)>
#map1 = affine_map<(d0, d1) -> (0)>
#map2 = affine_map<(d0, d1) -> (0, 0, 0)>
module attributes {stable_mosaic.version = 14 : i64} {
  func.func @body(%arg0: i32, %arg1: i32, %arg2: memref<160000x128xf32, #tpu.memory_space<hbm>>, %arg3: memref<320000xi32, #tpu.memory_space<hbm>>, %arg4: memref<320000xi32, #tpu.memory_space<hbm>>, %arg5: memref<320000xf32, #tpu.memory_space<hbm>>, %arg6: memref<2x10000x128xf32, #tpu.memory_space<hbm>>, %arg7: memref<80xi32, #tpu.memory_space<vmem>>, %arg8: memref<80xi32, #tpu.memory_space<vmem>>, %arg9: memref<80xf32, #tpu.memory_space<vmem>>, %arg10: memref<80x128xf32, #tpu.memory_space<vmem>>, %arg11: memref<200x128xf32, #tpu.memory_space<vmem>>, %arg12: memref<10000x128xf32, #tpu.memory_space<vmem_shared>>) attributes {dimension_semantics = [#tpu.dimension_semantics<core_parallel>, #tpu.dimension_semantics<subcore_parallel>], iteration_bounds = array<i64: 2, 16>, scalar_prefetch = 0 : i64, scratch_operands = 6 : i64, tpu.core_type = #tpu.core_type<sc_vector_subcore>, window_params = [{transform_indices = #map}, {transform_indices = #map1}, {transform_indices = #map1}, {transform_indices = #map1}, {transform_indices = #map2}]} {
    %mul3A = arith.constant 2 : i32
    %mul3A_0 = arith.muli %arg1, %mul3A : i32
    %add3A = arith.addi %mul3A_0, %arg0 : i32
    %scan3A = arith.constant 0 : i32
    %scan3A_1 = arith.constant 0 : i32
    %scan3A_2 = arith.constant 200 : i32
    %scan3A_3 = arith.addi %scan3A_1, %scan3A_2 : i32
    %scan3A_4 = arith.constant 1 : i32
    %scan3A_5 = scf.for %scan3A_68 = %scan3A_1 to %scan3A_3 step %scan3A_4 iter_args(%scan3A_69 = %scan3A) -> (i32)  : i32 {
      %broadcast_in_dim3A = arith.constant 0.000000e+00 : f32
      %broadcast_in_dim3A_70 = vector.broadcast %broadcast_in_dim3A : f32 to vector<16xf32>
      %swap3A = arith.index_cast %scan3A_68 : i32 to index
      %swap3A_71 = arith.constant 0 : index
      %swap3A_72 = tpu.vector_load %arg11[%swap3A, %swap3A_71] {strides = array<i32>} : memref<200x128xf32, #tpu.memory_space<vmem>>, vector<1x16xf32>,
      %swap3A_73 = vector.shape_cast %swap3A_72 : vector<1x16xf32> to vector<16xf32>
      %swap3A_74 = vector.shape_cast %broadcast_in_dim3A_70 : vector<16xf32> to vector<1x16xf32>
      tpu.vector_store %arg11[%swap3A, %swap3A_71], %swap3A_74 {strides = array<i32>} : memref<200x128xf32, #tpu.memory_space<vmem>>, vector<1x16xf32>,
      %broadcast_in_dim3A_75 = arith.constant 0.000000e+00 : f32
      %broadcast_in_dim3A_76 = vector.broadcast %broadcast_in_dim3A_75 : f32 to vector<16xf32>
      %swap3A_77 = arith.index_cast %scan3A_68 : i32 to index
      %swap3A_78 = arith.constant 16 : index
      %swap3A_79 = tpu.vector_load %arg11[%swap3A_77, %swap3A_78] {strides = array<i32>} : memref<200x128xf32, #tpu.memory_space<vmem>>, vector<1x16xf32>,
      %swap3A_80 = vector.shape_cast %swap3A_79 : vector<1x16xf32> to vector<16xf32>
      %swap3A_81 = vector.shape_cast %broadcast_in_dim3A_76 : vector<16xf32> to vector<1x16xf32>
      tpu.vector_store %arg11[%swap3A_77, %swap3A_78], %swap3A_81 {strides = array<i32>} : memref<200x128xf32, #tpu.memory_space<vmem>>, vector<1x16xf32>,
      %broadcast_in_dim3A_82 = arith.constant 0.000000e+00 : f32
      %broadcast_in_dim3A_83 = vector.broadcast %broadcast_in_dim3A_82 : f32 to vector<16xf32>
      %swap3A_84 = arith.index_cast %scan3A_68 : i32 to index
      %swap3A_85 = arith.constant 32 : index
      %swap3A_86 = tpu.vector_load %arg11[%swap3A_84, %swap3A_85] {strides = array<i32>} : memref<200x128xf32, #tpu.memory_space<vmem>>, vector<1x16xf32>,
      %swap3A_87 = vector.shape_cast %swap3A_86 : vector<1x16xf32> to vector<16xf32>
      %swap3A_88 = vector.shape_cast %broadcast_in_dim3A_83 : vector<16xf32> to vector<1x16xf32>
      tpu.vector_store %arg11[%swap3A_84, %swap3A_85], %swap3A_88 {strides = array<i32>} : memref<200x128xf32, #tpu.memory_space<vmem>>, vector<1x16xf32>,
      %broadcast_in_dim3A_89 = arith.constant 0.000000e+00 : f32
      %broadcast_in_dim3A_90 = vector.broadcast %broadcast_in_dim3A_89 : f32 to vector<16xf32>
      %swap3A_91 = arith.index_cast %scan3A_68 : i32 to index
      %swap3A_92 = arith.constant 48 : index
      %swap3A_93 = tpu.vector_load %arg11[%swap3A_91, %swap3A_92] {strides = array<i32>} : memref<200x128xf32, #tpu.memory_space<vmem>>, vector<1x16xf32>,
      %swap3A_94 = vector.shape_cast %swap3A_93 : vector<1x16xf32> to vector<16xf32>
      %swap3A_95 = vector.shape_cast %broadcast_in_dim3A_90 : vector<16xf32> to vector<1x16xf32>
      tpu.vector_store %arg11[%swap3A_91, %swap3A_92], %swap3A_95 {strides = array<i32>} : memref<200x128xf32, #tpu.memory_space<vmem>>, vector<1x16xf32>,
      %broadcast_in_dim3A_96 = arith.constant 0.000000e+00 : f32
      %broadcast_in_dim3A_97 = vector.broadcast %broadcast_in_dim3A_96 : f32 to vector<16xf32>
      %swap3A_98 = arith.index_cast %scan3A_68 : i32 to index
      %swap3A_99 = arith.constant 64 : index
      %swap3A_100 = tpu.vector_load %arg11[%swap3A_98, %swap3A_99] {strides = array<i32>} : memref<200x128xf32, #tpu.memory_space<vmem>>, vector<1x16xf32>,
      %swap3A_101 = vector.shape_cast %swap3A_100 : vector<1x16xf32> to vector<16xf32>
      %swap3A_102 = vector.shape_cast %broadcast_in_dim3A_97 : vector<16xf32> to vector<1x16xf32>
      tpu.vector_store %arg11[%swap3A_98, %swap3A_99], %swap3A_102 {strides = array<i32>} : memref<200x128xf32, #tpu.memory_space<vmem>>, vector<1x16xf32>,
      %broadcast_in_dim3A_103 = arith.constant 0.000000e+00 : f32
      %broadcast_in_dim3A_104 = vector.broadcast %broadcast_in_dim3A_103 : f32 to vector<16xf32>
      %swap3A_105 = arith.index_cast %scan3A_68 : i32 to index
      %swap3A_106 = arith.constant 80 : index
      %swap3A_107 = tpu.vector_load %arg11[%swap3A_105, %swap3A_106] {strides = array<i32>} : memref<200x128xf32, #tpu.memory_space<vmem>>, vector<1x16xf32>,
      %swap3A_108 = vector.shape_cast %swap3A_107 : vector<1x16xf32> to vector<16xf32>
      %swap3A_109 = vector.shape_cast %broadcast_in_dim3A_104 : vector<16xf32> to vector<1x16xf32>
      tpu.vector_store %arg11[%swap3A_105, %swap3A_106], %swap3A_109 {strides = array<i32>} : memref<200x128xf32, #tpu.memory_space<vmem>>, vector<1x16xf32>,
      %broadcast_in_dim3A_110 = arith.constant 0.000000e+00 : f32
      %broadcast_in_dim3A_111 = vector.broadcast %broadcast_in_dim3A_110 : f32 to vector<16xf32>
      %swap3A_112 = arith.index_cast %scan3A_68 : i32 to index
      %swap3A_113 = arith.constant 96 : index
      %swap3A_114 = tpu.vector_load %arg11[%swap3A_112, %swap3A_113] {strides = array<i32>} : memref<200x128xf32, #tpu.memory_space<vmem>>, vector<1x16xf32>,
      %swap3A_115 = vector.shape_cast %swap3A_114 : vector<1x16xf32> to vector<16xf32>
      %swap3A_116 = vector.shape_cast %broadcast_in_dim3A_111 : vector<16xf32> to vector<1x16xf32>
      tpu.vector_store %arg11[%swap3A_112, %swap3A_113], %swap3A_116 {strides = array<i32>} : memref<200x128xf32, #tpu.memory_space<vmem>>, vector<1x16xf32>,
      %broadcast_in_dim3A_117 = arith.constant 0.000000e+00 : f32
      %broadcast_in_dim3A_118 = vector.broadcast %broadcast_in_dim3A_117 : f32 to vector<16xf32>
      %swap3A_119 = arith.index_cast %scan3A_68 : i32 to index
      %swap3A_120 = arith.constant 112 : index
      %swap3A_121 = tpu.vector_load %arg11[%swap3A_119, %swap3A_120] {strides = array<i32>} : memref<200x128xf32, #tpu.memory_space<vmem>>, vector<1x16xf32>,
      %swap3A_122 = vector.shape_cast %swap3A_121 : vector<1x16xf32> to vector<16xf32>
      %swap3A_123 = vector.shape_cast %broadcast_in_dim3A_118 : vector<16xf32> to vector<1x16xf32>
      tpu.vector_store %arg11[%swap3A_119, %swap3A_120], %swap3A_123 {strides = array<i32>} : memref<200x128xf32, #tpu.memory_space<vmem>>, vector<1x16xf32>,
      %scan3A_124 = arith.constant 0 : i32
      scf.yield %scan3A_124 : i32
    }
    %scan3A_6 = arith.constant 200 : i32
    %add3A_7 = arith.constant 0 : i32
    %add3A_8 = arith.addi %arg1, %add3A_7 : i32
    %lt3A = arith.constant 50 : i32
    %lt3A_9 = arith.cmpi slt, %add3A_8, %lt3A : i32
    %convert_element_type3A = arith.extui %lt3A_9 : i1 to i32
    %cond3A = arith.constant 0 : i32
    %cond3A_10 = arith.cmpi ne, %convert_element_type3A, %cond3A : i32
    scf.if %cond3A_10 {
      %mul3A_68 = arith.constant 200 : i32
      %mul3A_69 = arith.muli %add3A_8, %mul3A_68 : i32
      "tpu.region"() ({
        %run_scoped3A = tpu.sem_alloc : memref<!tpu.dma_semaphore, #tpu.memory_space<semaphore_mem>>
        %dma_start3A = arith.constant 0 : i32
        %dma_start3A_70 = tpu.memref_slice %arg12[%mul3A_69, %dma_start3A] : memref<10000x128xf32, #tpu.memory_space<vmem_shared>> -> memref<200x128xf32, #tpu.memory_space<vmem_shared>>
        %dma_start3A_71 = arith.constant 0 : i32
        %dma_start3A_72 = tpu.memref_slice %arg12[%mul3A_69, %dma_start3A_71] : memref<10000x128xf32, #tpu.memory_space<vmem_shared>> -> memref<200x128xf32, #tpu.memory_space<vmem_shared>>
        tpu.enqueue_dma source(%arg11 : memref<200x128xf32, #tpu.memory_space<vmem>>) target(%dma_start3A_72 : memref<200x128xf32, #tpu.memory_space<vmem_shared>>) target_semaphore(%run_scoped3A : memref<!tpu.dma_semaphore, #tpu.memory_space<semaphore_mem>>)
        %dma_wait3A = arith.constant 0 : i32
        %dma_wait3A_73 = tpu.memref_slice %arg12[%mul3A_69, %dma_wait3A] : memref<10000x128xf32, #tpu.memory_space<vmem_shared>> -> memref<200x128xf32, #tpu.memory_space<vmem_shared>>
        %dma_wait3A_74 = arith.constant 0 : i32
        %dma_wait3A_75 = tpu.memref_slice %arg12[%mul3A_69, %dma_wait3A_74] : memref<10000x128xf32, #tpu.memory_space<vmem_shared>> -> memref<200x128xf32, #tpu.memory_space<vmem_shared>>
        tpu.wait_dma2 semaphore(%run_scoped3A : memref<!tpu.dma_semaphore, #tpu.memory_space<semaphore_mem>>) src(%arg11 : memref<200x128xf32, #tpu.memory_space<vmem>>) dst(%dma_wait3A_75 : memref<200x128xf32, #tpu.memory_space<vmem_shared>>)
        tpu.yield
      }) : () -> ()
    } else {
    }
    %add3A_11 = arith.constant 16 : i32
    %add3A_12 = arith.addi %arg1, %add3A_11 : i32
    %lt3A_13 = arith.constant 50 : i32
    %lt3A_14 = arith.cmpi slt, %add3A_12, %lt3A_13 : i32
    %convert_element_type3A_15 = arith.extui %lt3A_14 : i1 to i32
    %cond3A_16 = arith.constant 0 : i32
    %cond3A_17 = arith.cmpi ne, %convert_element_type3A_15, %cond3A_16 : i32
    scf.if %cond3A_17 {
      %mul3A_68 = arith.constant 200 : i32
      %mul3A_69 = arith.muli %add3A_12, %mul3A_68 : i32
      "tpu.region"() ({
        %run_scoped3A = tpu.sem_alloc : memref<!tpu.dma_semaphore, #tpu.memory_space<semaphore_mem>>
        %dma_start3A = arith.constant 0 : i32
        %dma_start3A_70 = tpu.memref_slice %arg12[%mul3A_69, %dma_start3A] : memref<10000x128xf32, #tpu.memory_space<vmem_shared>> -> memref<200x128xf32, #tpu.memory_space<vmem_shared>>
        %dma_start3A_71 = arith.constant 0 : i32
        %dma_start3A_72 = tpu.memref_slice %arg12[%mul3A_69, %dma_start3A_71] : memref<10000x128xf32, #tpu.memory_space<vmem_shared>> -> memref<200x128xf32, #tpu.memory_space<vmem_shared>>
        tpu.enqueue_dma source(%arg11 : memref<200x128xf32, #tpu.memory_space<vmem>>) target(%dma_start3A_72 : memref<200x128xf32, #tpu.memory_space<vmem_shared>>) target_semaphore(%run_scoped3A : memref<!tpu.dma_semaphore, #tpu.memory_space<semaphore_mem>>)
        %dma_wait3A = arith.constant 0 : i32
        %dma_wait3A_73 = tpu.memref_slice %arg12[%mul3A_69, %dma_wait3A] : memref<10000x128xf32, #tpu.memory_space<vmem_shared>> -> memref<200x128xf32, #tpu.memory_space<vmem_shared>>
        %dma_wait3A_74 = arith.constant 0 : i32
        %dma_wait3A_75 = tpu.memref_slice %arg12[%mul3A_69, %dma_wait3A_74] : memref<10000x128xf32, #tpu.memory_space<vmem_shared>> -> memref<200x128xf32, #tpu.memory_space<vmem_shared>>
        tpu.wait_dma2 semaphore(%run_scoped3A : memref<!tpu.dma_semaphore, #tpu.memory_space<semaphore_mem>>) src(%arg11 : memref<200x128xf32, #tpu.memory_space<vmem>>) dst(%dma_wait3A_75 : memref<200x128xf32, #tpu.memory_space<vmem_shared>>)
        tpu.yield
      }) : () -> ()
    } else {
    }
    %add3A_18 = arith.constant 32 : i32
    %add3A_19 = arith.addi %arg1, %add3A_18 : i32
    %lt3A_20 = arith.constant 50 : i32
    %lt3A_21 = arith.cmpi slt, %add3A_19, %lt3A_20 : i32
    %convert_element_type3A_22 = arith.extui %lt3A_21 : i1 to i32
    %cond3A_23 = arith.constant 0 : i32
    %cond3A_24 = arith.cmpi ne, %convert_element_type3A_22, %cond3A_23 : i32
    scf.if %cond3A_24 {
      %mul3A_68 = arith.constant 200 : i32
      %mul3A_69 = arith.muli %add3A_19, %mul3A_68 : i32
      "tpu.region"() ({
        %run_scoped3A = tpu.sem_alloc : memref<!tpu.dma_semaphore, #tpu.memory_space<semaphore_mem>>
        %dma_start3A = arith.constant 0 : i32
        %dma_start3A_70 = tpu.memref_slice %arg12[%mul3A_69, %dma_start3A] : memref<10000x128xf32, #tpu.memory_space<vmem_shared>> -> memref<200x128xf32, #tpu.memory_space<vmem_shared>>
        %dma_start3A_71 = arith.constant 0 : i32
        %dma_start3A_72 = tpu.memref_slice %arg12[%mul3A_69, %dma_start3A_71] : memref<10000x128xf32, #tpu.memory_space<vmem_shared>> -> memref<200x128xf32, #tpu.memory_space<vmem_shared>>
        tpu.enqueue_dma source(%arg11 : memref<200x128xf32, #tpu.memory_space<vmem>>) target(%dma_start3A_72 : memref<200x128xf32, #tpu.memory_space<vmem_shared>>) target_semaphore(%run_scoped3A : memref<!tpu.dma_semaphore, #tpu.memory_space<semaphore_mem>>)
        %dma_wait3A = arith.constant 0 : i32
        %dma_wait3A_73 = tpu.memref_slice %arg12[%mul3A_69, %dma_wait3A] : memref<10000x128xf32, #tpu.memory_space<vmem_shared>> -> memref<200x128xf32, #tpu.memory_space<vmem_shared>>
        %dma_wait3A_74 = arith.constant 0 : i32
        %dma_wait3A_75 = tpu.memref_slice %arg12[%mul3A_69, %dma_wait3A_74] : memref<10000x128xf32, #tpu.memory_space<vmem_shared>> -> memref<200x128xf32, #tpu.memory_space<vmem_shared>>
        tpu.wait_dma2 semaphore(%run_scoped3A : memref<!tpu.dma_semaphore, #tpu.memory_space<semaphore_mem>>) src(%arg11 : memref<200x128xf32, #tpu.memory_space<vmem>>) dst(%dma_wait3A_75 : memref<200x128xf32, #tpu.memory_space<vmem_shared>>)
        tpu.yield
      }) : () -> ()
    } else {
    }
    %add3A_25 = arith.constant 48 : i32
    %add3A_26 = arith.addi %arg1, %add3A_25 : i32
    %lt3A_27 = arith.constant 50 : i32
    %lt3A_28 = arith.cmpi slt, %add3A_26, %lt3A_27 : i32
    %convert_element_type3A_29 = arith.extui %lt3A_28 : i1 to i32
    %cond3A_30 = arith.constant 0 : i32
    %cond3A_31 = arith.cmpi ne, %convert_element_type3A_29, %cond3A_30 : i32
    scf.if %cond3A_31 {
      %mul3A_68 = arith.constant 200 : i32
      %mul3A_69 = arith.muli %add3A_26, %mul3A_68 : i32
      "tpu.region"() ({
        %run_scoped3A = tpu.sem_alloc : memref<!tpu.dma_semaphore, #tpu.memory_space<semaphore_mem>>
        %dma_start3A = arith.constant 0 : i32
        %dma_start3A_70 = tpu.memref_slice %arg12[%mul3A_69, %dma_start3A] : memref<10000x128xf32, #tpu.memory_space<vmem_shared>> -> memref<200x128xf32, #tpu.memory_space<vmem_shared>>
        %dma_start3A_71 = arith.constant 0 : i32
        %dma_start3A_72 = tpu.memref_slice %arg12[%mul3A_69, %dma_start3A_71] : memref<10000x128xf32, #tpu.memory_space<vmem_shared>> -> memref<200x128xf32, #tpu.memory_space<vmem_shared>>
        tpu.enqueue_dma source(%arg11 : memref<200x128xf32, #tpu.memory_space<vmem>>) target(%dma_start3A_72 : memref<200x128xf32, #tpu.memory_space<vmem_shared>>) target_semaphore(%run_scoped3A : memref<!tpu.dma_semaphore, #tpu.memory_space<semaphore_mem>>)
        %dma_wait3A = arith.constant 0 : i32
        %dma_wait3A_73 = tpu.memref_slice %arg12[%mul3A_69, %dma_wait3A] : memref<10000x128xf32, #tpu.memory_space<vmem_shared>> -> memref<200x128xf32, #tpu.memory_space<vmem_shared>>
        %dma_wait3A_74 = arith.constant 0 : i32
        %dma_wait3A_75 = tpu.memref_slice %arg12[%mul3A_69, %dma_wait3A_74] : memref<10000x128xf32, #tpu.memory_space<vmem_shared>> -> memref<200x128xf32, #tpu.memory_space<vmem_shared>>
        tpu.wait_dma2 semaphore(%run_scoped3A : memref<!tpu.dma_semaphore, #tpu.memory_space<semaphore_mem>>) src(%arg11 : memref<200x128xf32, #tpu.memory_space<vmem>>) dst(%dma_wait3A_75 : memref<200x128xf32, #tpu.memory_space<vmem_shared>>)
        tpu.yield
      }) : () -> ()
    } else {
    }
    %barrier3A = arith.constant 0 : index
    tpu.barrier barrier_id(%barrier3A)
    %scan3A_32 = arith.constant 0 : i32
    %scan3A_33 = arith.constant 0 : i32
    %scan3A_34 = arith.constant 125 : i32
    %scan3A_35 = arith.addi %scan3A_33, %scan3A_34 : i32
    %scan3A_36 = arith.constant 1 : i32
    %scan3A_37 = scf.for %scan3A_68 = %scan3A_33 to %scan3A_35 step %scan3A_36 iter_args(%scan3A_69 = %scan3A_32) -> (i32)  : i32 {
      %mul3A_70 = arith.constant 10000 : i32
      %mul3A_71 = arith.muli %add3A, %mul3A_70 : i32
      %mul3A_72 = arith.constant 80 : i32
      %mul3A_73 = arith.muli %scan3A_68, %mul3A_72 : i32
      %add3A_74 = arith.addi %mul3A_71, %mul3A_73 : i32
      "tpu.region"() ({
        %run_scoped3A = tpu.sem_alloc : memref<!tpu.dma_semaphore, #tpu.memory_space<semaphore_mem>>
        %dma_start3A = tpu.memref_slice %arg3[%add3A_74] : memref<320000xi32, #tpu.memory_space<hbm>> -> memref<80xi32, #tpu.memory_space<hbm>>
        %dma_start3A_83 = tpu.memref_slice %arg3[%add3A_74] : memref<320000xi32, #tpu.memory_space<hbm>> -> memref<80xi32, #tpu.memory_space<hbm>>
        tpu.enqueue_dma source(%dma_start3A_83 : memref<80xi32, #tpu.memory_space<hbm>>) target(%arg7 : memref<80xi32, #tpu.memory_space<vmem>>) target_semaphore(%run_scoped3A : memref<!tpu.dma_semaphore, #tpu.memory_space<semaphore_mem>>)
        %dma_wait3A = tpu.memref_slice %arg3[%add3A_74] : memref<320000xi32, #tpu.memory_space<hbm>> -> memref<80xi32, #tpu.memory_space<hbm>>
        %dma_wait3A_84 = tpu.memref_slice %arg3[%add3A_74] : memref<320000xi32, #tpu.memory_space<hbm>> -> memref<80xi32, #tpu.memory_space<hbm>>
        tpu.wait_dma2 semaphore(%run_scoped3A : memref<!tpu.dma_semaphore, #tpu.memory_space<semaphore_mem>>) src(%dma_wait3A_84 : memref<80xi32, #tpu.memory_space<hbm>>) dst(%arg7 : memref<80xi32, #tpu.memory_space<vmem>>)
        tpu.yield
      }) : () -> ()
      "tpu.region"() ({
        %run_scoped3A = tpu.sem_alloc : memref<!tpu.dma_semaphore, #tpu.memory_space<semaphore_mem>>
        %dma_start3A = tpu.memref_slice %arg4[%add3A_74] : memref<320000xi32, #tpu.memory_space<hbm>> -> memref<80xi32, #tpu.memory_space<hbm>>
        %dma_start3A_83 = tpu.memref_slice %arg4[%add3A_74] : memref<320000xi32, #tpu.memory_space<hbm>> -> memref<80xi32, #tpu.memory_space<hbm>>
        tpu.enqueue_dma source(%dma_start3A_83 : memref<80xi32, #tpu.memory_space<hbm>>) target(%arg8 : memref<80xi32, #tpu.memory_space<vmem>>) target_semaphore(%run_scoped3A : memref<!tpu.dma_semaphore, #tpu.memory_space<semaphore_mem>>)
        %dma_wait3A = tpu.memref_slice %arg4[%add3A_74] : memref<320000xi32, #tpu.memory_space<hbm>> -> memref<80xi32, #tpu.memory_space<hbm>>
        %dma_wait3A_84 = tpu.memref_slice %arg4[%add3A_74] : memref<320000xi32, #tpu.memory_space<hbm>> -> memref<80xi32, #tpu.memory_space<hbm>>
        tpu.wait_dma2 semaphore(%run_scoped3A : memref<!tpu.dma_semaphore, #tpu.memory_space<semaphore_mem>>) src(%dma_wait3A_84 : memref<80xi32, #tpu.memory_space<hbm>>) dst(%arg8 : memref<80xi32, #tpu.memory_space<vmem>>)
        tpu.yield
      }) : () -> ()
      "tpu.region"() ({
        %run_scoped3A = tpu.sem_alloc : memref<!tpu.dma_semaphore, #tpu.memory_space<semaphore_mem>>
        %dma_start3A = tpu.memref_slice %arg5[%add3A_74] : memref<320000xf32, #tpu.memory_space<hbm>> -> memref<80xf32, #tpu.memory_space<hbm>>
        %dma_start3A_83 = tpu.memref_slice %arg5[%add3A_74] : memref<320000xf32, #tpu.memory_space<hbm>> -> memref<80xf32, #tpu.memory_space<hbm>>
        tpu.enqueue_dma source(%dma_start3A_83 : memref<80xf32, #tpu.memory_space<hbm>>) target(%arg9 : memref<80xf32, #tpu.memory_space<vmem>>) target_semaphore(%run_scoped3A : memref<!tpu.dma_semaphore, #tpu.memory_space<semaphore_mem>>)
        %dma_wait3A = tpu.memref_slice %arg5[%add3A_74] : memref<320000xf32, #tpu.memory_space<hbm>> -> memref<80xf32, #tpu.memory_space<hbm>>
        %dma_wait3A_84 = tpu.memref_slice %arg5[%add3A_74] : memref<320000xf32, #tpu.memory_space<hbm>> -> memref<80xf32, #tpu.memory_space<hbm>>
        tpu.wait_dma2 semaphore(%run_scoped3A : memref<!tpu.dma_semaphore, #tpu.memory_space<semaphore_mem>>) src(%dma_wait3A_84 : memref<80xf32, #tpu.memory_space<hbm>>) dst(%arg9 : memref<80xf32, #tpu.memory_space<vmem>>)
        tpu.yield
      }) : () -> ()
      "tpu.region"() ({
        %run_scoped3A = tpu.sem_alloc : memref<!tpu.dma_semaphore, #tpu.memory_space<semaphore_mem>>
        %dma_start3A = arith.constant 0 : i32
        %dma_start3A_83 = arith.constant 0 : i32
        %dma_start3A_84 = tpu.memref_slice %arg2[%dma_start3A, %dma_start3A_83] : memref<160000x128xf32, #tpu.memory_space<hbm>> -> memref<160000x128xf32, #tpu.memory_space<hbm>>
        tpu.enqueue_indirect_dma source(%dma_start3A_84 : memref<160000x128xf32, #tpu.memory_space<hbm>>) target(%arg10 : memref<80x128xf32, #tpu.memory_space<vmem>>) offsets(%arg7 : memref<80xi32, #tpu.memory_space<vmem>>) semaphore(%run_scoped3A : memref<!tpu.dma_semaphore, #tpu.memory_space<semaphore_mem>>)
        %dma_wait3A = arith.constant 0 : i32
        %dma_wait3A_85 = arith.constant 0 : i32
        %dma_wait3A_86 = tpu.memref_slice %arg2[%dma_wait3A, %dma_wait3A_85] : memref<160000x128xf32, #tpu.memory_space<hbm>> -> memref<160000x128xf32, #tpu.memory_space<hbm>>
        tpu.wait_indirect_dma semaphore(%run_scoped3A : memref<!tpu.dma_semaphore, #tpu.memory_space<semaphore_mem>>) src(%dma_wait3A_86 : memref<160000x128xf32, #tpu.memory_space<hbm>>) dst(%arg10 : memref<80x128xf32, #tpu.memory_space<vmem>>)
        tpu.yield
      }) : () -> ()
      %scan3A_75 = arith.constant 0 : i32
      %scan3A_76 = arith.constant 0 : i32
      %scan3A_77 = arith.constant 5 : i32
      %scan3A_78 = arith.addi %scan3A_76, %scan3A_77 : i32
      %scan3A_79 = arith.constant 1 : i32
      %scan3A_80 = scf.for %scan3A_83 = %scan3A_76 to %scan3A_78 step %scan3A_79 iter_args(%scan3A_84 = %scan3A_75) -> (i32)  : i32 {
        %mul3A_85 = arith.constant 16 : i32
        %mul3A_86 = arith.muli %scan3A_83, %mul3A_85 : i32
        %get3A = arith.index_cast %mul3A_86 : i32 to index
        %get3A_87 = tpu.vector_load %arg9[%get3A] {strides = array<i32>} : memref<80xf32, #tpu.memory_space<vmem>>, vector<16xf32>,
        %get3A_88 = vector.shape_cast %get3A_87 : vector<16xf32> to vector<16xf32>
        %slice3A = vector.extract_strided_slice %get3A_88 {offsets = [0], sizes = [1], strides = [1]} : vector<16xf32> to vector<1xf32>
        %squeeze3A = vector.extract %slice3A[0] : f32 from vector<1xf32>
        %broadcast_in_dim3A = vector.broadcast %squeeze3A : f32 to vector<16xf32>
        %mul3A_89 = arith.constant 16 : i32
        %mul3A_90 = arith.muli %scan3A_83, %mul3A_89 : i32
        %add3A_91 = arith.constant 0 : i32
        %add3A_92 = arith.addi %mul3A_90, %add3A_91 : i32
        %get3A_93 = arith.index_cast %add3A_92 : i32 to index
        %get3A_94 = arith.constant 0 : index
        %get3A_95 = tpu.vector_load %arg10[%get3A_93, %get3A_94] {strides = array<i32>} : memref<80x128xf32, #tpu.memory_space<vmem>>, vector<1x16xf32>,
        %get3A_96 = vector.shape_cast %get3A_95 : vector<1x16xf32> to vector<16xf32>
        %mul3A_97 = arith.mulf %get3A_96, %broadcast_in_dim3A : vector<16xf32>
        %swap3A = arith.index_cast %add3A_92 : i32 to index
        %swap3A_98 = arith.constant 0 : index
        %swap3A_99 = tpu.vector_load %arg10[%swap3A, %swap3A_98] {strides = array<i32>} : memref<80x128xf32, #tpu.memory_space<vmem>>, vector<1x16xf32>,
        %swap3A_100 = vector.shape_cast %swap3A_99 : vector<1x16xf32> to vector<16xf32>
        %swap3A_101 = vector.shape_cast %mul3A_97 : vector<16xf32> to vector<1x16xf32>
        tpu.vector_store %arg10[%swap3A, %swap3A_98], %swap3A_101 {strides = array<i32>} : memref<80x128xf32, #tpu.memory_space<vmem>>, vector<1x16xf32>,
        %get3A_102 = arith.index_cast %add3A_92 : i32 to index
        %get3A_103 = arith.constant 16 : index
        %get3A_104 = tpu.vector_load %arg10[%get3A_102, %get3A_103] {strides = array<i32>} : memref<80x128xf32, #tpu.memory_space<vmem>>, vector<1x16xf32>,
        %get3A_105 = vector.shape_cast %get3A_104 : vector<1x16xf32> to vector<16xf32>
        %mul3A_106 = arith.mulf %get3A_105, %broadcast_in_dim3A : vector<16xf32>
        %swap3A_107 = arith.index_cast %add3A_92 : i32 to index
        %swap3A_108 = arith.constant 16 : index
        %swap3A_109 = tpu.vector_load %arg10[%swap3A_107, %swap3A_108] {strides = array<i32>} : memref<80x128xf32, #tpu.memory_space<vmem>>, vector<1x16xf32>,
        %swap3A_110 = vector.shape_cast %swap3A_109 : vector<1x16xf32> to vector<16xf32>
        %swap3A_111 = vector.shape_cast %mul3A_106 : vector<16xf32> to vector<1x16xf32>
        tpu.vector_store %arg10[%swap3A_107, %swap3A_108], %swap3A_111 {strides = array<i32>} : memref<80x128xf32, #tpu.memory_space<vmem>>, vector<1x16xf32>,
        %get3A_112 = arith.index_cast %add3A_92 : i32 to index
        %get3A_113 = arith.constant 32 : index
        %get3A_114 = tpu.vector_load %arg10[%get3A_112, %get3A_113] {strides = array<i32>} : memref<80x128xf32, #tpu.memory_space<vmem>>, vector<1x16xf32>,
        %get3A_115 = vector.shape_cast %get3A_114 : vector<1x16xf32> to vector<16xf32>
        %mul3A_116 = arith.mulf %get3A_115, %broadcast_in_dim3A : vector<16xf32>
        %swap3A_117 = arith.index_cast %add3A_92 : i32 to index
        %swap3A_118 = arith.constant 32 : index
        %swap3A_119 = tpu.vector_load %arg10[%swap3A_117, %swap3A_118] {strides = array<i32>} : memref<80x128xf32, #tpu.memory_space<vmem>>, vector<1x16xf32>,
        %swap3A_120 = vector.shape_cast %swap3A_119 : vector<1x16xf32> to vector<16xf32>
        %swap3A_121 = vector.shape_cast %mul3A_116 : vector<16xf32> to vector<1x16xf32>
        tpu.vector_store %arg10[%swap3A_117, %swap3A_118], %swap3A_121 {strides = array<i32>} : memref<80x128xf32, #tpu.memory_space<vmem>>, vector<1x16xf32>,
        %get3A_122 = arith.index_cast %add3A_92 : i32 to index
        %get3A_123 = arith.constant 48 : index
        %get3A_124 = tpu.vector_load %arg10[%get3A_122, %get3A_123] {strides = array<i32>} : memref<80x128xf32, #tpu.memory_space<vmem>>, vector<1x16xf32>,
        %get3A_125 = vector.shape_cast %get3A_124 : vector<1x16xf32> to vector<16xf32>
        %mul3A_126 = arith.mulf %get3A_125, %broadcast_in_dim3A : vector<16xf32>
        %swap3A_127 = arith.index_cast %add3A_92 : i32 to index
        %swap3A_128 = arith.constant 48 : index
        %swap3A_129 = tpu.vector_load %arg10[%swap3A_127, %swap3A_128] {strides = array<i32>} : memref<80x128xf32, #tpu.memory_space<vmem>>, vector<1x16xf32>,
        %swap3A_130 = vector.shape_cast %swap3A_129 : vector<1x16xf32> to vector<16xf32>
        %swap3A_131 = vector.shape_cast %mul3A_126 : vector<16xf32> to vector<1x16xf32>
        tpu.vector_store %arg10[%swap3A_127, %swap3A_128], %swap3A_131 {strides = array<i32>} : memref<80x128xf32, #tpu.memory_space<vmem>>, vector<1x16xf32>,
        %get3A_132 = arith.index_cast %add3A_92 : i32 to index
        %get3A_133 = arith.constant 64 : index
        %get3A_134 = tpu.vector_load %arg10[%get3A_132, %get3A_133] {strides = array<i32>} : memref<80x128xf32, #tpu.memory_space<vmem>>, vector<1x16xf32>,
        %get3A_135 = vector.shape_cast %get3A_134 : vector<1x16xf32> to vector<16xf32>
        %mul3A_136 = arith.mulf %get3A_135, %broadcast_in_dim3A : vector<16xf32>
        %swap3A_137 = arith.index_cast %add3A_92 : i32 to index
        %swap3A_138 = arith.constant 64 : index
        %swap3A_139 = tpu.vector_load %arg10[%swap3A_137, %swap3A_138] {strides = array<i32>} : memref<80x128xf32, #tpu.memory_space<vmem>>, vector<1x16xf32>,
        %swap3A_140 = vector.shape_cast %swap3A_139 : vector<1x16xf32> to vector<16xf32>
        %swap3A_141 = vector.shape_cast %mul3A_136 : vector<16xf32> to vector<1x16xf32>
        tpu.vector_store %arg10[%swap3A_137, %swap3A_138], %swap3A_141 {strides = array<i32>} : memref<80x128xf32, #tpu.memory_space<vmem>>, vector<1x16xf32>,
        %get3A_142 = arith.index_cast %add3A_92 : i32 to index
        %get3A_143 = arith.constant 80 : index
        %get3A_144 = tpu.vector_load %arg10[%get3A_142, %get3A_143] {strides = array<i32>} : memref<80x128xf32, #tpu.memory_space<vmem>>, vector<1x16xf32>,
        %get3A_145 = vector.shape_cast %get3A_144 : vector<1x16xf32> to vector<16xf32>
        %mul3A_146 = arith.mulf %get3A_145, %broadcast_in_dim3A : vector<16xf32>
        %swap3A_147 = arith.index_cast %add3A_92 : i32 to index
        %swap3A_148 = arith.constant 80 : index
        %swap3A_149 = tpu.vector_load %arg10[%swap3A_147, %swap3A_148] {strides = array<i32>} : memref<80x128xf32, #tpu.memory_space<vmem>>, vector<1x16xf32>,
        %swap3A_150 = vector.shape_cast %swap3A_149 : vector<1x16xf32> to vector<16xf32>
        %swap3A_151 = vector.shape_cast %mul3A_146 : vector<16xf32> to vector<1x16xf32>
        tpu.vector_store %arg10[%swap3A_147, %swap3A_148], %swap3A_151 {strides = array<i32>} : memref<80x128xf32, #tpu.memory_space<vmem>>, vector<1x16xf32>,
        %get3A_152 = arith.index_cast %add3A_92 : i32 to index
        %get3A_153 = arith.constant 96 : index
        %get3A_154 = tpu.vector_load %arg10[%get3A_152, %get3A_153] {strides = array<i32>} : memref<80x128xf32, #tpu.memory_space<vmem>>, vector<1x16xf32>,
        %get3A_155 = vector.shape_cast %get3A_154 : vector<1x16xf32> to vector<16xf32>
        %mul3A_156 = arith.mulf %get3A_155, %broadcast_in_dim3A : vector<16xf32>
        %swap3A_157 = arith.index_cast %add3A_92 : i32 to index
        %swap3A_158 = arith.constant 96 : index
        %swap3A_159 = tpu.vector_load %arg10[%swap3A_157, %swap3A_158] {strides = array<i32>} : memref<80x128xf32, #tpu.memory_space<vmem>>, vector<1x16xf32>,
        %swap3A_160 = vector.shape_cast %swap3A_159 : vector<1x16xf32> to vector<16xf32>
        %swap3A_161 = vector.shape_cast %mul3A_156 : vector<16xf32> to vector<1x16xf32>
        tpu.vector_store %arg10[%swap3A_157, %swap3A_158], %swap3A_161 {strides = array<i32>} : memref<80x128xf32, #tpu.memory_space<vmem>>, vector<1x16xf32>,
        %get3A_162 = arith.index_cast %add3A_92 : i32 to index
        %get3A_163 = arith.constant 112 : index
        %get3A_164 = tpu.vector_load %arg10[%get3A_162, %get3A_163] {strides = array<i32>} : memref<80x128xf32, #tpu.memory_space<vmem>>, vector<1x16xf32>,
        %get3A_165 = vector.shape_cast %get3A_164 : vector<1x16xf32> to vector<16xf32>
        %mul3A_166 = arith.mulf %get3A_165, %broadcast_in_dim3A : vector<16xf32>
        %swap3A_167 = arith.index_cast %add3A_92 : i32 to index
        %swap3A_168 = arith.constant 112 : index
        %swap3A_169 = tpu.vector_load %arg10[%swap3A_167, %swap3A_168] {strides = array<i32>} : memref<80x128xf32, #tpu.memory_space<vmem>>, vector<1x16xf32>,
        %swap3A_170 = vector.shape_cast %swap3A_169 : vector<1x16xf32> to vector<16xf32>
        %swap3A_171 = vector.shape_cast %mul3A_166 : vector<16xf32> to vector<1x16xf32>
        tpu.vector_store %arg10[%swap3A_167, %swap3A_168], %swap3A_171 {strides = array<i32>} : memref<80x128xf32, #tpu.memory_space<vmem>>, vector<1x16xf32>,
        %slice3A_172 = vector.extract_strided_slice %get3A_88 {offsets = [1], sizes = [1], strides = [1]} : vector<16xf32> to vector<1xf32>
        %squeeze3A_173 = vector.extract %slice3A_172[0] : f32 from vector<1xf32>
        %broadcast_in_dim3A_174 = vector.broadcast %squeeze3A_173 : f32 to vector<16xf32>
        %mul3A_175 = arith.constant 16 : i32
        %mul3A_176 = arith.muli %scan3A_83, %mul3A_175 : i32
        %add3A_177 = arith.constant 1 : i32
        %add3A_178 = arith.addi %mul3A_176, %add3A_177 : i32
        %get3A_179 = arith.index_cast %add3A_178 : i32 to index
        %get3A_180 = arith.constant 0 : index
        %get3A_181 = tpu.vector_load %arg10[%get3A_179, %get3A_180] {strides = array<i32>} : memref<80x128xf32, #tpu.memory_space<vmem>>, vector<1x16xf32>,
        %get3A_182 = vector.shape_cast %get3A_181 : vector<1x16xf32> to vector<16xf32>
        %mul3A_183 = arith.mulf %get3A_182, %broadcast_in_dim3A_174 : vector<16xf32>
        %swap3A_184 = arith.index_cast %add3A_178 : i32 to index
        %swap3A_185 = arith.constant 0 : index
        %swap3A_186 = tpu.vector_load %arg10[%swap3A_184, %swap3A_185] {strides = array<i32>} : memref<80x128xf32, #tpu.memory_space<vmem>>, vector<1x16xf32>,
        %swap3A_187 = vector.shape_cast %swap3A_186 : vector<1x16xf32> to vector<16xf32>
        %swap3A_188 = vector.shape_cast %mul3A_183 : vector<16xf32> to vector<1x16xf32>
        tpu.vector_store %arg10[%swap3A_184, %swap3A_185], %swap3A_188 {strides = array<i32>} : memref<80x128xf32, #tpu.memory_space<vmem>>, vector<1x16xf32>,
        %get3A_189 = arith.index_cast %add3A_178 : i32 to index
        %get3A_190 = arith.constant 16 : index
        %get3A_191 = tpu.vector_load %arg10[%get3A_189, %get3A_190] {strides = array<i32>} : memref<80x128xf32, #tpu.memory_space<vmem>>, vector<1x16xf32>,
        %get3A_192 = vector.shape_cast %get3A_191 : vector<1x16xf32> to vector<16xf32>
        %mul3A_193 = arith.mulf %get3A_192, %broadcast_in_dim3A_174 : vector<16xf32>
        %swap3A_194 = arith.index_cast %add3A_178 : i32 to index
        %swap3A_195 = arith.constant 16 : index
        %swap3A_196 = tpu.vector_load %arg10[%swap3A_194, %swap3A_195] {strides = array<i32>} : memref<80x128xf32, #tpu.memory_space<vmem>>, vector<1x16xf32>,
        %swap3A_197 = vector.shape_cast %swap3A_196 : vector<1x16xf32> to vector<16xf32>
        %swap3A_198 = vector.shape_cast %mul3A_193 : vector<16xf32> to vector<1x16xf32>
        tpu.vector_store %arg10[%swap3A_194, %swap3A_195], %swap3A_198 {strides = array<i32>} : memref<80x128xf32, #tpu.memory_space<vmem>>, vector<1x16xf32>,
        %get3A_199 = arith.index_cast %add3A_178 : i32 to index
        %get3A_200 = arith.constant 32 : index
        %get3A_201 = tpu.vector_load %arg10[%get3A_199, %get3A_200] {strides = array<i32>} : memref<80x128xf32, #tpu.memory_space<vmem>>, vector<1x16xf32>,
        %get3A_202 = vector.shape_cast %get3A_201 : vector<1x16xf32> to vector<16xf32>
        %mul3A_203 = arith.mulf %get3A_202, %broadcast_in_dim3A_174 : vector<16xf32>
        %swap3A_204 = arith.index_cast %add3A_178 : i32 to index
        %swap3A_205 = arith.constant 32 : index
        %swap3A_206 = tpu.vector_load %arg10[%swap3A_204, %swap3A_205] {strides = array<i32>} : memref<80x128xf32, #tpu.memory_space<vmem>>, vector<1x16xf32>,
        %swap3A_207 = vector.shape_cast %swap3A_206 : vector<1x16xf32> to vector<16xf32>
        %swap3A_208 = vector.shape_cast %mul3A_203 : vector<16xf32> to vector<1x16xf32>
        tpu.vector_store %arg10[%swap3A_204, %swap3A_205], %swap3A_208 {strides = array<i32>} : memref<80x128xf32, #tpu.memory_space<vmem>>, vector<1x16xf32>,
        %get3A_209 = arith.index_cast %add3A_178 : i32 to index
        %get3A_210 = arith.constant 48 : index
        %get3A_211 = tpu.vector_load %arg10[%get3A_209, %get3A_210] {strides = array<i32>} : memref<80x128xf32, #tpu.memory_space<vmem>>, vector<1x16xf32>,
        %get3A_212 = vector.shape_cast %get3A_211 : vector<1x16xf32> to vector<16xf32>
        %mul3A_213 = arith.mulf %get3A_212, %broadcast_in_dim3A_174 : vector<16xf32>
        %swap3A_214 = arith.index_cast %add3A_178 : i32 to index
        %swap3A_215 = arith.constant 48 : index
        %swap3A_216 = tpu.vector_load %arg10[%swap3A_214, %swap3A_215] {strides = array<i32>} : memref<80x128xf32, #tpu.memory_space<vmem>>, vector<1x16xf32>,
        %swap3A_217 = vector.shape_cast %swap3A_216 : vector<1x16xf32> to vector<16xf32>
        %swap3A_218 = vector.shape_cast %mul3A_213 : vector<16xf32> to vector<1x16xf32>
        tpu.vector_store %arg10[%swap3A_214, %swap3A_215], %swap3A_218 {strides = array<i32>} : memref<80x128xf32, #tpu.memory_space<vmem>>, vector<1x16xf32>,
        %get3A_219 = arith.index_cast %add3A_178 : i32 to index
        %get3A_220 = arith.constant 64 : index
        %get3A_221 = tpu.vector_load %arg10[%get3A_219, %get3A_220] {strides = array<i32>} : memref<80x128xf32, #tpu.memory_space<vmem>>, vector<1x16xf32>,
        %get3A_222 = vector.shape_cast %get3A_221 : vector<1x16xf32> to vector<16xf32>
        %mul3A_223 = arith.mulf %get3A_222, %broadcast_in_dim3A_174 : vector<16xf32>
        %swap3A_224 = arith.index_cast %add3A_178 : i32 to index
        %swap3A_225 = arith.constant 64 : index
        %swap3A_226 = tpu.vector_load %arg10[%swap3A_224, %swap3A_225] {strides = array<i32>} : memref<80x128xf32, #tpu.memory_space<vmem>>, vector<1x16xf32>,
        %swap3A_227 = vector.shape_cast %swap3A_226 : vector<1x16xf32> to vector<16xf32>
        %swap3A_228 = vector.shape_cast %mul3A_223 : vector<16xf32> to vector<1x16xf32>
        tpu.vector_store %arg10[%swap3A_224, %swap3A_225], %swap3A_228 {strides = array<i32>} : memref<80x128xf32, #tpu.memory_space<vmem>>, vector<1x16xf32>,
        %get3A_229 = arith.index_cast %add3A_178 : i32 to index
        %get3A_230 = arith.constant 80 : index
        %get3A_231 = tpu.vector_load %arg10[%get3A_229, %get3A_230] {strides = array<i32>} : memref<80x128xf32, #tpu.memory_space<vmem>>, vector<1x16xf32>,
        %get3A_232 = vector.shape_cast %get3A_231 : vector<1x16xf32> to vector<16xf32>
        %mul3A_233 = arith.mulf %get3A_232, %broadcast_in_dim3A_174 : vector<16xf32>
        %swap3A_234 = arith.index_cast %add3A_178 : i32 to index
        %swap3A_235 = arith.constant 80 : index
        %swap3A_236 = tpu.vector_load %arg10[%swap3A_234, %swap3A_235] {strides = array<i32>} : memref<80x128xf32, #tpu.memory_space<vmem>>, vector<1x16xf32>,
        %swap3A_237 = vector.shape_cast %swap3A_236 : vector<1x16xf32> to vector<16xf32>
        %swap3A_238 = vector.shape_cast %mul3A_233 : vector<16xf32> to vector<1x16xf32>
        tpu.vector_store %arg10[%swap3A_234, %swap3A_235], %swap3A_238 {strides = array<i32>} : memref<80x128xf32, #tpu.memory_space<vmem>>, vector<1x16xf32>,
        %get3A_239 = arith.index_cast %add3A_178 : i32 to index
        %get3A_240 = arith.constant 96 : index
        %get3A_241 = tpu.vector_load %arg10[%get3A_239, %get3A_240] {strides = array<i32>} : memref<80x128xf32, #tpu.memory_space<vmem>>, vector<1x16xf32>,
        %get3A_242 = vector.shape_cast %get3A_241 : vector<1x16xf32> to vector<16xf32>
        %mul3A_243 = arith.mulf %get3A_242, %broadcast_in_dim3A_174 : vector<16xf32>
        %swap3A_244 = arith.index_cast %add3A_178 : i32 to index
        %swap3A_245 = arith.constant 96 : index
        %swap3A_246 = tpu.vector_load %arg10[%swap3A_244, %swap3A_245] {strides = array<i32>} : memref<80x128xf32, #tpu.memory_space<vmem>>, vector<1x16xf32>,
        %swap3A_247 = vector.shape_cast %swap3A_246 : vector<1x16xf32> to vector<16xf32>
        %swap3A_248 = vector.shape_cast %mul3A_243 : vector<16xf32> to vector<1x16xf32>
        tpu.vector_store %arg10[%swap3A_244, %swap3A_245], %swap3A_248 {strides = array<i32>} : memref<80x128xf32, #tpu.memory_space<vmem>>, vector<1x16xf32>,
        %get3A_249 = arith.index_cast %add3A_178 : i32 to index
        %get3A_250 = arith.constant 112 : index
        %get3A_251 = tpu.vector_load %arg10[%get3A_249, %get3A_250] {strides = array<i32>} : memref<80x128xf32, #tpu.memory_space<vmem>>, vector<1x16xf32>,
        %get3A_252 = vector.shape_cast %get3A_251 : vector<1x16xf32> to vector<16xf32>
        %mul3A_253 = arith.mulf %get3A_252, %broadcast_in_dim3A_174 : vector<16xf32>
        %swap3A_254 = arith.index_cast %add3A_178 : i32 to index
        %swap3A_255 = arith.constant 112 : index
        %swap3A_256 = tpu.vector_load %arg10[%swap3A_254, %swap3A_255] {strides = array<i32>} : memref<80x128xf32, #tpu.memory_space<vmem>>, vector<1x16xf32>,
        %swap3A_257 = vector.shape_cast %swap3A_256 : vector<1x16xf32> to vector<16xf32>
        %swap3A_258 = vector.shape_cast %mul3A_253 : vector<16xf32> to vector<1x16xf32>
        tpu.vector_store %arg10[%swap3A_254, %swap3A_255], %swap3A_258 {strides = array<i32>} : memref<80x128xf32, #tpu.memory_space<vmem>>, vector<1x16xf32>,
        %slice3A_259 = vector.extract_strided_slice %get3A_88 {offsets = [2], sizes = [1], strides = [1]} : vector<16xf32> to vector<1xf32>
        %squeeze3A_260 = vector.extract %slice3A_259[0] : f32 from vector<1xf32>
        %broadcast_in_dim3A_261 = vector.broadcast %squeeze3A_260 : f32 to vector<16xf32>
        %mul3A_262 = arith.constant 16 : i32
        %mul3A_263 = arith.muli %scan3A_83, %mul3A_262 : i32
        %add3A_264 = arith.constant 2 : i32
        %add3A_265 = arith.addi %mul3A_263, %add3A_264 : i32
        %get3A_266 = arith.index_cast %add3A_265 : i32 to index
        %get3A_267 = arith.constant 0 : index
        %get3A_268 = tpu.vector_load %arg10[%get3A_266, %get3A_267] {strides = array<i32>} : memref<80x128xf32, #tpu.memory_space<vmem>>, vector<1x16xf32>,
        %get3A_269 = vector.shape_cast %get3A_268 : vector<1x16xf32> to vector<16xf32>
        %mul3A_270 = arith.mulf %get3A_269, %broadcast_in_dim3A_261 : vector<16xf32>
        %swap3A_271 = arith.index_cast %add3A_265 : i32 to index
        %swap3A_272 = arith.constant 0 : index
        %swap3A_273 = tpu.vector_load %arg10[%swap3A_271, %swap3A_272] {strides = array<i32>} : memref<80x128xf32, #tpu.memory_space<vmem>>, vector<1x16xf32>,
        %swap3A_274 = vector.shape_cast %swap3A_273 : vector<1x16xf32> to vector<16xf32>
        %swap3A_275 = vector.shape_cast %mul3A_270 : vector<16xf32> to vector<1x16xf32>
        tpu.vector_store %arg10[%swap3A_271, %swap3A_272], %swap3A_275 {strides = array<i32>} : memref<80x128xf32, #tpu.memory_space<vmem>>, vector<1x16xf32>,
        %get3A_276 = arith.index_cast %add3A_265 : i32 to index
        %get3A_277 = arith.constant 16 : index
        %get3A_278 = tpu.vector_load %arg10[%get3A_276, %get3A_277] {strides = array<i32>} : memref<80x128xf32, #tpu.memory_space<vmem>>, vector<1x16xf32>,
        %get3A_279 = vector.shape_cast %get3A_278 : vector<1x16xf32> to vector<16xf32>
        %mul3A_280 = arith.mulf %get3A_279, %broadcast_in_dim3A_261 : vector<16xf32>
        %swap3A_281 = arith.index_cast %add3A_265 : i32 to index
        %swap3A_282 = arith.constant 16 : index
        %swap3A_283 = tpu.vector_load %arg10[%swap3A_281, %swap3A_282] {strides = array<i32>} : memref<80x128xf32, #tpu.memory_space<vmem>>, vector<1x16xf32>,
        %swap3A_284 = vector.shape_cast %swap3A_283 : vector<1x16xf32> to vector<16xf32>
        %swap3A_285 = vector.shape_cast %mul3A_280 : vector<16xf32> to vector<1x16xf32>
        tpu.vector_store %arg10[%swap3A_281, %swap3A_282], %swap3A_285 {strides = array<i32>} : memref<80x128xf32, #tpu.memory_space<vmem>>, vector<1x16xf32>,
        %get3A_286 = arith.index_cast %add3A_265 : i32 to index
        %get3A_287 = arith.constant 32 : index
        %get3A_288 = tpu.vector_load %arg10[%get3A_286, %get3A_287] {strides = array<i32>} : memref<80x128xf32, #tpu.memory_space<vmem>>, vector<1x16xf32>,
        %get3A_289 = vector.shape_cast %get3A_288 : vector<1x16xf32> to vector<16xf32>
        %mul3A_290 = arith.mulf %get3A_289, %broadcast_in_dim3A_261 : vector<16xf32>
        %swap3A_291 = arith.index_cast %add3A_265 : i32 to index
        %swap3A_292 = arith.constant 32 : index
        %swap3A_293 = tpu.vector_load %arg10[%swap3A_291, %swap3A_292] {strides = array<i32>} : memref<80x128xf32, #tpu.memory_space<vmem>>, vector<1x16xf32>,
        %swap3A_294 = vector.shape_cast %swap3A_293 : vector<1x16xf32> to vector<16xf32>
        %swap3A_295 = vector.shape_cast %mul3A_290 : vector<16xf32> to vector<1x16xf32>
        tpu.vector_store %arg10[%swap3A_291, %swap3A_292], %swap3A_295 {strides = array<i32>} : memref<80x128xf32, #tpu.memory_space<vmem>>, vector<1x16xf32>,
        %get3A_296 = arith.index_cast %add3A_265 : i32 to index
        %get3A_297 = arith.constant 48 : index
        %get3A_298 = tpu.vector_load %arg10[%get3A_296, %get3A_297] {strides = array<i32>} : memref<80x128xf32, #tpu.memory_space<vmem>>, vector<1x16xf32>,
        %get3A_299 = vector.shape_cast %get3A_298 : vector<1x16xf32> to vector<16xf32>
        %mul3A_300 = arith.mulf %get3A_299, %broadcast_in_dim3A_261 : vector<16xf32>
        %swap3A_301 = arith.index_cast %add3A_265 : i32 to index
        %swap3A_302 = arith.constant 48 : index
        %swap3A_303 = tpu.vector_load %arg10[%swap3A_301, %swap3A_302] {strides = array<i32>} : memref<80x128xf32, #tpu.memory_space<vmem>>, vector<1x16xf32>,
        %swap3A_304 = vector.shape_cast %swap3A_303 : vector<1x16xf32> to vector<16xf32>
        %swap3A_305 = vector.shape_cast %mul3A_300 : vector<16xf32> to vector<1x16xf32>
        tpu.vector_store %arg10[%swap3A_301, %swap3A_302], %swap3A_305 {strides = array<i32>} : memref<80x128xf32, #tpu.memory_space<vmem>>, vector<1x16xf32>,
        %get3A_306 = arith.index_cast %add3A_265 : i32 to index
        %get3A_307 = arith.constant 64 : index
        %get3A_308 = tpu.vector_load %arg10[%get3A_306, %get3A_307] {strides = array<i32>} : memref<80x128xf32, #tpu.memory_space<vmem>>, vector<1x16xf32>,
        %get3A_309 = vector.shape_cast %get3A_308 : vector<1x16xf32> to vector<16xf32>
        %mul3A_310 = arith.mulf %get3A_309, %broadcast_in_dim3A_261 : vector<16xf32>
        %swap3A_311 = arith.index_cast %add3A_265 : i32 to index
        %swap3A_312 = arith.constant 64 : index
        %swap3A_313 = tpu.vector_load %arg10[%swap3A_311, %swap3A_312] {strides = array<i32>} : memref<80x128xf32, #tpu.memory_space<vmem>>, vector<1x16xf32>,
        %swap3A_314 = vector.shape_cast %swap3A_313 : vector<1x16xf32> to vector<16xf32>
        %swap3A_315 = vector.shape_cast %mul3A_310 : vector<16xf32> to vector<1x16xf32>
        tpu.vector_store %arg10[%swap3A_311, %swap3A_312], %swap3A_315 {strides = array<i32>} : memref<80x128xf32, #tpu.memory_space<vmem>>, vector<1x16xf32>,
        %get3A_316 = arith.index_cast %add3A_265 : i32 to index
        %get3A_317 = arith.constant 80 : index
        %get3A_318 = tpu.vector_load %arg10[%get3A_316, %get3A_317] {strides = array<i32>} : memref<80x128xf32, #tpu.memory_space<vmem>>, vector<1x16xf32>,
        %get3A_319 = vector.shape_cast %get3A_318 : vector<1x16xf32> to vector<16xf32>
        %mul3A_320 = arith.mulf %get3A_319, %broadcast_in_dim3A_261 : vector<16xf32>
        %swap3A_321 = arith.index_cast %add3A_265 : i32 to index
        %swap3A_322 = arith.constant 80 : index
        %swap3A_323 = tpu.vector_load %arg10[%swap3A_321, %swap3A_322] {strides = array<i32>} : memref<80x128xf32, #tpu.memory_space<vmem>>, vector<1x16xf32>,
        %swap3A_324 = vector.shape_cast %swap3A_323 : vector<1x16xf32> to vector<16xf32>
        %swap3A_325 = vector.shape_cast %mul3A_320 : vector<16xf32> to vector<1x16xf32>
        tpu.vector_store %arg10[%swap3A_321, %swap3A_322], %swap3A_325 {strides = array<i32>} : memref<80x128xf32, #tpu.memory_space<vmem>>, vector<1x16xf32>,
        %get3A_326 = arith.index_cast %add3A_265 : i32 to index
        %get3A_327 = arith.constant 96 : index
        %get3A_328 = tpu.vector_load %arg10[%get3A_326, %get3A_327] {strides = array<i32>} : memref<80x128xf32, #tpu.memory_space<vmem>>, vector<1x16xf32>,
        %get3A_329 = vector.shape_cast %get3A_328 : vector<1x16xf32> to vector<16xf32>
        %mul3A_330 = arith.mulf %get3A_329, %broadcast_in_dim3A_261 : vector<16xf32>
        %swap3A_331 = arith.index_cast %add3A_265 : i32 to index
        %swap3A_332 = arith.constant 96 : index
        %swap3A_333 = tpu.vector_load %arg10[%swap3A_331, %swap3A_332] {strides = array<i32>} : memref<80x128xf32, #tpu.memory_space<vmem>>, vector<1x16xf32>,
        %swap3A_334 = vector.shape_cast %swap3A_333 : vector<1x16xf32> to vector<16xf32>
        %swap3A_335 = vector.shape_cast %mul3A_330 : vector<16xf32> to vector<1x16xf32>
        tpu.vector_store %arg10[%swap3A_331, %swap3A_332], %swap3A_335 {strides = array<i32>} : memref<80x128xf32, #tpu.memory_space<vmem>>, vector<1x16xf32>,
        %get3A_336 = arith.index_cast %add3A_265 : i32 to index
        %get3A_337 = arith.constant 112 : index
        %get3A_338 = tpu.vector_load %arg10[%get3A_336, %get3A_337] {strides = array<i32>} : memref<80x128xf32, #tpu.memory_space<vmem>>, vector<1x16xf32>,
        %get3A_339 = vector.shape_cast %get3A_338 : vector<1x16xf32> to vector<16xf32>
        %mul3A_340 = arith.mulf %get3A_339, %broadcast_in_dim3A_261 : vector<16xf32>
        %swap3A_341 = arith.index_cast %add3A_265 : i32 to index
        %swap3A_342 = arith.constant 112 : index
        %swap3A_343 = tpu.vector_load %arg10[%swap3A_341, %swap3A_342] {strides = array<i32>} : memref<80x128xf32, #tpu.memory_space<vmem>>, vector<1x16xf32>,
        %swap3A_344 = vector.shape_cast %swap3A_343 : vector<1x16xf32> to vector<16xf32>
        %swap3A_345 = vector.shape_cast %mul3A_340 : vector<16xf32> to vector<1x16xf32>
        tpu.vector_store %arg10[%swap3A_341, %swap3A_342], %swap3A_345 {strides = array<i32>} : memref<80x128xf32, #tpu.memory_space<vmem>>, vector<1x16xf32>,
        %slice3A_346 = vector.extract_strided_slice %get3A_88 {offsets = [3], sizes = [1], strides = [1]} : vector<16xf32> to vector<1xf32>
        %squeeze3A_347 = vector.extract %slice3A_346[0] : f32 from vector<1xf32>
        %broadcast_in_dim3A_348 = vector.broadcast %squeeze3A_347 : f32 to vector<16xf32>
        %mul3A_349 = arith.constant 16 : i32
        %mul3A_350 = arith.muli %scan3A_83, %mul3A_349 : i32
        %add3A_351 = arith.constant 3 : i32
        %add3A_352 = arith.addi %mul3A_350, %add3A_351 : i32
        %get3A_353 = arith.index_cast %add3A_352 : i32 to index
        %get3A_354 = arith.constant 0 : index
        %get3A_355 = tpu.vector_load %arg10[%get3A_353, %get3A_354] {strides = array<i32>} : memref<80x128xf32, #tpu.memory_space<vmem>>, vector<1x16xf32>,
        %get3A_356 = vector.shape_cast %get3A_355 : vector<1x16xf32> to vector<16xf32>
        %mul3A_357 = arith.mulf %get3A_356, %broadcast_in_dim3A_348 : vector<16xf32>
        %swap3A_358 = arith.index_cast %add3A_352 : i32 to index
        %swap3A_359 = arith.constant 0 : index
        %swap3A_360 = tpu.vector_load %arg10[%swap3A_358, %swap3A_359] {strides = array<i32>} : memref<80x128xf32, #tpu.memory_space<vmem>>, vector<1x16xf32>,
        %swap3A_361 = vector.shape_cast %swap3A_360 : vector<1x16xf32> to vector<16xf32>
        %swap3A_362 = vector.shape_cast %mul3A_357 : vector<16xf32> to vector<1x16xf32>
        tpu.vector_store %arg10[%swap3A_358, %swap3A_359], %swap3A_362 {strides = array<i32>} : memref<80x128xf32, #tpu.memory_space<vmem>>, vector<1x16xf32>,
        %get3A_363 = arith.index_cast %add3A_352 : i32 to index
        %get3A_364 = arith.constant 16 : index
        %get3A_365 = tpu.vector_load %arg10[%get3A_363, %get3A_364] {strides = array<i32>} : memref<80x128xf32, #tpu.memory_space<vmem>>, vector<1x16xf32>,
        %get3A_366 = vector.shape_cast %get3A_365 : vector<1x16xf32> to vector<16xf32>
        %mul3A_367 = arith.mulf %get3A_366, %broadcast_in_dim3A_348 : vector<16xf32>
        %swap3A_368 = arith.index_cast %add3A_352 : i32 to index
        %swap3A_369 = arith.constant 16 : index
        %swap3A_370 = tpu.vector_load %arg10[%swap3A_368, %swap3A_369] {strides = array<i32>} : memref<80x128xf32, #tpu.memory_space<vmem>>, vector<1x16xf32>,
        %swap3A_371 = vector.shape_cast %swap3A_370 : vector<1x16xf32> to vector<16xf32>
        %swap3A_372 = vector.shape_cast %mul3A_367 : vector<16xf32> to vector<1x16xf32>
        tpu.vector_store %arg10[%swap3A_368, %swap3A_369], %swap3A_372 {strides = array<i32>} : memref<80x128xf32, #tpu.memory_space<vmem>>, vector<1x16xf32>,
        %get3A_373 = arith.index_cast %add3A_352 : i32 to index
        %get3A_374 = arith.constant 32 : index
        %get3A_375 = tpu.vector_load %arg10[%get3A_373, %get3A_374] {strides = array<i32>} : memref<80x128xf32, #tpu.memory_space<vmem>>, vector<1x16xf32>,
        %get3A_376 = vector.shape_cast %get3A_375 : vector<1x16xf32> to vector<16xf32>
        %mul3A_377 = arith.mulf %get3A_376, %broadcast_in_dim3A_348 : vector<16xf32>
        %swap3A_378 = arith.index_cast %add3A_352 : i32 to index
        %swap3A_379 = arith.constant 32 : index
        %swap3A_380 = tpu.vector_load %arg10[%swap3A_378, %swap3A_379] {strides = array<i32>} : memref<80x128xf32, #tpu.memory_space<vmem>>, vector<1x16xf32>,
        %swap3A_381 = vector.shape_cast %swap3A_380 : vector<1x16xf32> to vector<16xf32>
        %swap3A_382 = vector.shape_cast %mul3A_377 : vector<16xf32> to vector<1x16xf32>
        tpu.vector_store %arg10[%swap3A_378, %swap3A_379], %swap3A_382 {strides = array<i32>} : memref<80x128xf32, #tpu.memory_space<vmem>>, vector<1x16xf32>,
        %get3A_383 = arith.index_cast %add3A_352 : i32 to index
        %get3A_384 = arith.constant 48 : index
        %get3A_385 = tpu.vector_load %arg10[%get3A_383, %get3A_384] {strides = array<i32>} : memref<80x128xf32, #tpu.memory_space<vmem>>, vector<1x16xf32>,
        %get3A_386 = vector.shape_cast %get3A_385 : vector<1x16xf32> to vector<16xf32>
        %mul3A_387 = arith.mulf %get3A_386, %broadcast_in_dim3A_348 : vector<16xf32>
        %swap3A_388 = arith.index_cast %add3A_352 : i32 to index
        %swap3A_389 = arith.constant 48 : index
        %swap3A_390 = tpu.vector_load %arg10[%swap3A_388, %swap3A_389] {strides = array<i32>} : memref<80x128xf32, #tpu.memory_space<vmem>>, vector<1x16xf32>,
        %swap3A_391 = vector.shape_cast %swap3A_390 : vector<1x16xf32> to vector<16xf32>
        %swap3A_392 = vector.shape_cast %mul3A_387 : vector<16xf32> to vector<1x16xf32>
        tpu.vector_store %arg10[%swap3A_388, %swap3A_389], %swap3A_392 {strides = array<i32>} : memref<80x128xf32, #tpu.memory_space<vmem>>, vector<1x16xf32>,
        %get3A_393 = arith.index_cast %add3A_352 : i32 to index
        %get3A_394 = arith.constant 64 : index
        %get3A_395 = tpu.vector_load %arg10[%get3A_393, %get3A_394] {strides = array<i32>} : memref<80x128xf32, #tpu.memory_space<vmem>>, vector<1x16xf32>,
        %get3A_396 = vector.shape_cast %get3A_395 : vector<1x16xf32> to vector<16xf32>
        %mul3A_397 = arith.mulf %get3A_396, %broadcast_in_dim3A_348 : vector<16xf32>
        %swap3A_398 = arith.index_cast %add3A_352 : i32 to index
        %swap3A_399 = arith.constant 64 : index
        %swap3A_400 = tpu.vector_load %arg10[%swap3A_398, %swap3A_399] {strides = array<i32>} : memref<80x128xf32, #tpu.memory_space<vmem>>, vector<1x16xf32>,
        %swap3A_401 = vector.shape_cast %swap3A_400 : vector<1x16xf32> to vector<16xf32>
        %swap3A_402 = vector.shape_cast %mul3A_397 : vector<16xf32> to vector<1x16xf32>
        tpu.vector_store %arg10[%swap3A_398, %swap3A_399], %swap3A_402 {strides = array<i32>} : memref<80x128xf32, #tpu.memory_space<vmem>>, vector<1x16xf32>,
        %get3A_403 = arith.index_cast %add3A_352 : i32 to index
        %get3A_404 = arith.constant 80 : index
        %get3A_405 = tpu.vector_load %arg10[%get3A_403, %get3A_404] {strides = array<i32>} : memref<80x128xf32, #tpu.memory_space<vmem>>, vector<1x16xf32>,
        %get3A_406 = vector.shape_cast %get3A_405 : vector<1x16xf32> to vector<16xf32>
        %mul3A_407 = arith.mulf %get3A_406, %broadcast_in_dim3A_348 : vector<16xf32>
        %swap3A_408 = arith.index_cast %add3A_352 : i32 to index
        %swap3A_409 = arith.constant 80 : index
        %swap3A_410 = tpu.vector_load %arg10[%swap3A_408, %swap3A_409] {strides = array<i32>} : memref<80x128xf32, #tpu.memory_space<vmem>>, vector<1x16xf32>,
        %swap3A_411 = vector.shape_cast %swap3A_410 : vector<1x16xf32> to vector<16xf32>
        %swap3A_412 = vector.shape_cast %mul3A_407 : vector<16xf32> to vector<1x16xf32>
        tpu.vector_store %arg10[%swap3A_408, %swap3A_409], %swap3A_412 {strides = array<i32>} : memref<80x128xf32, #tpu.memory_space<vmem>>, vector<1x16xf32>,
        %get3A_413 = arith.index_cast %add3A_352 : i32 to index
        %get3A_414 = arith.constant 96 : index
        %get3A_415 = tpu.vector_load %arg10[%get3A_413, %get3A_414] {strides = array<i32>} : memref<80x128xf32, #tpu.memory_space<vmem>>, vector<1x16xf32>,
        %get3A_416 = vector.shape_cast %get3A_415 : vector<1x16xf32> to vector<16xf32>
        %mul3A_417 = arith.mulf %get3A_416, %broadcast_in_dim3A_348 : vector<16xf32>
        %swap3A_418 = arith.index_cast %add3A_352 : i32 to index
        %swap3A_419 = arith.constant 96 : index
        %swap3A_420 = tpu.vector_load %arg10[%swap3A_418, %swap3A_419] {strides = array<i32>} : memref<80x128xf32, #tpu.memory_space<vmem>>, vector<1x16xf32>,
        %swap3A_421 = vector.shape_cast %swap3A_420 : vector<1x16xf32> to vector<16xf32>
        %swap3A_422 = vector.shape_cast %mul3A_417 : vector<16xf32> to vector<1x16xf32>
        tpu.vector_store %arg10[%swap3A_418, %swap3A_419], %swap3A_422 {strides = array<i32>} : memref<80x128xf32, #tpu.memory_space<vmem>>, vector<1x16xf32>,
        %get3A_423 = arith.index_cast %add3A_352 : i32 to index
        %get3A_424 = arith.constant 112 : index
        %get3A_425 = tpu.vector_load %arg10[%get3A_423, %get3A_424] {strides = array<i32>} : memref<80x128xf32, #tpu.memory_space<vmem>>, vector<1x16xf32>,
        %get3A_426 = vector.shape_cast %get3A_425 : vector<1x16xf32> to vector<16xf32>
        %mul3A_427 = arith.mulf %get3A_426, %broadcast_in_dim3A_348 : vector<16xf32>
        %swap3A_428 = arith.index_cast %add3A_352 : i32 to index
        %swap3A_429 = arith.constant 112 : index
        %swap3A_430 = tpu.vector_load %arg10[%swap3A_428, %swap3A_429] {strides = array<i32>} : memref<80x128xf32, #tpu.memory_space<vmem>>, vector<1x16xf32>,
        %swap3A_431 = vector.shape_cast %swap3A_430 : vector<1x16xf32> to vector<16xf32>
        %swap3A_432 = vector.shape_cast %mul3A_427 : vector<16xf32> to vector<1x16xf32>
        tpu.vector_store %arg10[%swap3A_428, %swap3A_429], %swap3A_432 {strides = array<i32>} : memref<80x128xf32, #tpu.memory_space<vmem>>, vector<1x16xf32>,
        %slice3A_433 = vector.extract_strided_slice %get3A_88 {offsets = [4], sizes = [1], strides = [1]} : vector<16xf32> to vector<1xf32>
        %squeeze3A_434 = vector.extract %slice3A_433[0] : f32 from vector<1xf32>
        %broadcast_in_dim3A_435 = vector.broadcast %squeeze3A_434 : f32 to vector<16xf32>
        %mul3A_436 = arith.constant 16 : i32
        %mul3A_437 = arith.muli %scan3A_83, %mul3A_436 : i32
        %add3A_438 = arith.constant 4 : i32
        %add3A_439 = arith.addi %mul3A_437, %add3A_438 : i32
        %get3A_440 = arith.index_cast %add3A_439 : i32 to index
        %get3A_441 = arith.constant 0 : index
        %get3A_442 = tpu.vector_load %arg10[%get3A_440, %get3A_441] {strides = array<i32>} : memref<80x128xf32, #tpu.memory_space<vmem>>, vector<1x16xf32>,
        %get3A_443 = vector.shape_cast %get3A_442 : vector<1x16xf32> to vector<16xf32>
        %mul3A_444 = arith.mulf %get3A_443, %broadcast_in_dim3A_435 : vector<16xf32>
        %swap3A_445 = arith.index_cast %add3A_439 : i32 to index
        %swap3A_446 = arith.constant 0 : index
        %swap3A_447 = tpu.vector_load %arg10[%swap3A_445, %swap3A_446] {strides = array<i32>} : memref<80x128xf32, #tpu.memory_space<vmem>>, vector<1x16xf32>,
        %swap3A_448 = vector.shape_cast %swap3A_447 : vector<1x16xf32> to vector<16xf32>
        %swap3A_449 = vector.shape_cast %mul3A_444 : vector<16xf32> to vector<1x16xf32>
        tpu.vector_store %arg10[%swap3A_445, %swap3A_446], %swap3A_449 {strides = array<i32>} : memref<80x128xf32, #tpu.memory_space<vmem>>, vector<1x16xf32>,
        %get3A_450 = arith.index_cast %add3A_439 : i32 to index
        %get3A_451 = arith.constant 16 : index
        %get3A_452 = tpu.vector_load %arg10[%get3A_450, %get3A_451] {strides = array<i32>} : memref<80x128xf32, #tpu.memory_space<vmem>>, vector<1x16xf32>,
        %get3A_453 = vector.shape_cast %get3A_452 : vector<1x16xf32> to vector<16xf32>
        %mul3A_454 = arith.mulf %get3A_453, %broadcast_in_dim3A_435 : vector<16xf32>
        %swap3A_455 = arith.index_cast %add3A_439 : i32 to index
        %swap3A_456 = arith.constant 16 : index
        %swap3A_457 = tpu.vector_load %arg10[%swap3A_455, %swap3A_456] {strides = array<i32>} : memref<80x128xf32, #tpu.memory_space<vmem>>, vector<1x16xf32>,
        %swap3A_458 = vector.shape_cast %swap3A_457 : vector<1x16xf32> to vector<16xf32>
        %swap3A_459 = vector.shape_cast %mul3A_454 : vector<16xf32> to vector<1x16xf32>
        tpu.vector_store %arg10[%swap3A_455, %swap3A_456], %swap3A_459 {strides = array<i32>} : memref<80x128xf32, #tpu.memory_space<vmem>>, vector<1x16xf32>,
        %get3A_460 = arith.index_cast %add3A_439 : i32 to index
        %get3A_461 = arith.constant 32 : index
        %get3A_462 = tpu.vector_load %arg10[%get3A_460, %get3A_461] {strides = array<i32>} : memref<80x128xf32, #tpu.memory_space<vmem>>, vector<1x16xf32>,
        %get3A_463 = vector.shape_cast %get3A_462 : vector<1x16xf32> to vector<16xf32>
        %mul3A_464 = arith.mulf %get3A_463, %broadcast_in_dim3A_435 : vector<16xf32>
        %swap3A_465 = arith.index_cast %add3A_439 : i32 to index
        %swap3A_466 = arith.constant 32 : index
        %swap3A_467 = tpu.vector_load %arg10[%swap3A_465, %swap3A_466] {strides = array<i32>} : memref<80x128xf32, #tpu.memory_space<vmem>>, vector<1x16xf32>,
        %swap3A_468 = vector.shape_cast %swap3A_467 : vector<1x16xf32> to vector<16xf32>
        %swap3A_469 = vector.shape_cast %mul3A_464 : vector<16xf32> to vector<1x16xf32>
        tpu.vector_store %arg10[%swap3A_465, %swap3A_466], %swap3A_469 {strides = array<i32>} : memref<80x128xf32, #tpu.memory_space<vmem>>, vector<1x16xf32>,
        %get3A_470 = arith.index_cast %add3A_439 : i32 to index
        %get3A_471 = arith.constant 48 : index
        %get3A_472 = tpu.vector_load %arg10[%get3A_470, %get3A_471] {strides = array<i32>} : memref<80x128xf32, #tpu.memory_space<vmem>>, vector<1x16xf32>,
        %get3A_473 = vector.shape_cast %get3A_472 : vector<1x16xf32> to vector<16xf32>
        %mul3A_474 = arith.mulf %get3A_473, %broadcast_in_dim3A_435 : vector<16xf32>
        %swap3A_475 = arith.index_cast %add3A_439 : i32 to index
        %swap3A_476 = arith.constant 48 : index
        %swap3A_477 = tpu.vector_load %arg10[%swap3A_475, %swap3A_476] {strides = array<i32>} : memref<80x128xf32, #tpu.memory_space<vmem>>, vector<1x16xf32>,
        %swap3A_478 = vector.shape_cast %swap3A_477 : vector<1x16xf32> to vector<16xf32>
        %swap3A_479 = vector.shape_cast %mul3A_474 : vector<16xf32> to vector<1x16xf32>
        tpu.vector_store %arg10[%swap3A_475, %swap3A_476], %swap3A_479 {strides = array<i32>} : memref<80x128xf32, #tpu.memory_space<vmem>>, vector<1x16xf32>,
        %get3A_480 = arith.index_cast %add3A_439 : i32 to index
        %get3A_481 = arith.constant 64 : index
        %get3A_482 = tpu.vector_load %arg10[%get3A_480, %get3A_481] {strides = array<i32>} : memref<80x128xf32, #tpu.memory_space<vmem>>, vector<1x16xf32>,
        %get3A_483 = vector.shape_cast %get3A_482 : vector<1x16xf32> to vector<16xf32>
        %mul3A_484 = arith.mulf %get3A_483, %broadcast_in_dim3A_435 : vector<16xf32>
        %swap3A_485 = arith.index_cast %add3A_439 : i32 to index
        %swap3A_486 = arith.constant 64 : index
        %swap3A_487 = tpu.vector_load %arg10[%swap3A_485, %swap3A_486] {strides = array<i32>} : memref<80x128xf32, #tpu.memory_space<vmem>>, vector<1x16xf32>,
        %swap3A_488 = vector.shape_cast %swap3A_487 : vector<1x16xf32> to vector<16xf32>
        %swap3A_489 = vector.shape_cast %mul3A_484 : vector<16xf32> to vector<1x16xf32>
        tpu.vector_store %arg10[%swap3A_485, %swap3A_486], %swap3A_489 {strides = array<i32>} : memref<80x128xf32, #tpu.memory_space<vmem>>, vector<1x16xf32>,
        %get3A_490 = arith.index_cast %add3A_439 : i32 to index
        %get3A_491 = arith.constant 80 : index
        %get3A_492 = tpu.vector_load %arg10[%get3A_490, %get3A_491] {strides = array<i32>} : memref<80x128xf32, #tpu.memory_space<vmem>>, vector<1x16xf32>,
        %get3A_493 = vector.shape_cast %get3A_492 : vector<1x16xf32> to vector<16xf32>
        %mul3A_494 = arith.mulf %get3A_493, %broadcast_in_dim3A_435 : vector<16xf32>
        %swap3A_495 = arith.index_cast %add3A_439 : i32 to index
        %swap3A_496 = arith.constant 80 : index
        %swap3A_497 = tpu.vector_load %arg10[%swap3A_495, %swap3A_496] {strides = array<i32>} : memref<80x128xf32, #tpu.memory_space<vmem>>, vector<1x16xf32>,
        %swap3A_498 = vector.shape_cast %swap3A_497 : vector<1x16xf32> to vector<16xf32>
        %swap3A_499 = vector.shape_cast %mul3A_494 : vector<16xf32> to vector<1x16xf32>
        tpu.vector_store %arg10[%swap3A_495, %swap3A_496], %swap3A_499 {strides = array<i32>} : memref<80x128xf32, #tpu.memory_space<vmem>>, vector<1x16xf32>,
        %get3A_500 = arith.index_cast %add3A_439 : i32 to index
        %get3A_501 = arith.constant 96 : index
        %get3A_502 = tpu.vector_load %arg10[%get3A_500, %get3A_501] {strides = array<i32>} : memref<80x128xf32, #tpu.memory_space<vmem>>, vector<1x16xf32>,
        %get3A_503 = vector.shape_cast %get3A_502 : vector<1x16xf32> to vector<16xf32>
        %mul3A_504 = arith.mulf %get3A_503, %broadcast_in_dim3A_435 : vector<16xf32>
        %swap3A_505 = arith.index_cast %add3A_439 : i32 to index
        %swap3A_506 = arith.constant 96 : index
        %swap3A_507 = tpu.vector_load %arg10[%swap3A_505, %swap3A_506] {strides = array<i32>} : memref<80x128xf32, #tpu.memory_space<vmem>>, vector<1x16xf32>,
        %swap3A_508 = vector.shape_cast %swap3A_507 : vector<1x16xf32> to vector<16xf32>
        %swap3A_509 = vector.shape_cast %mul3A_504 : vector<16xf32> to vector<1x16xf32>
        tpu.vector_store %arg10[%swap3A_505, %swap3A_506], %swap3A_509 {strides = array<i32>} : memref<80x128xf32, #tpu.memory_space<vmem>>, vector<1x16xf32>,
        %get3A_510 = arith.index_cast %add3A_439 : i32 to index
        %get3A_511 = arith.constant 112 : index
        %get3A_512 = tpu.vector_load %arg10[%get3A_510, %get3A_511] {strides = array<i32>} : memref<80x128xf32, #tpu.memory_space<vmem>>, vector<1x16xf32>,
        %get3A_513 = vector.shape_cast %get3A_512 : vector<1x16xf32> to vector<16xf32>
        %mul3A_514 = arith.mulf %get3A_513, %broadcast_in_dim3A_435 : vector<16xf32>
        %swap3A_515 = arith.index_cast %add3A_439 : i32 to index
        %swap3A_516 = arith.constant 112 : index
        %swap3A_517 = tpu.vector_load %arg10[%swap3A_515, %swap3A_516] {strides = array<i32>} : memref<80x128xf32, #tpu.memory_space<vmem>>, vector<1x16xf32>,
        %swap3A_518 = vector.shape_cast %swap3A_517 : vector<1x16xf32> to vector<16xf32>
        %swap3A_519 = vector.shape_cast %mul3A_514 : vector<16xf32> to vector<1x16xf32>
        tpu.vector_store %arg10[%swap3A_515, %swap3A_516], %swap3A_519 {strides = array<i32>} : memref<80x128xf32, #tpu.memory_space<vmem>>, vector<1x16xf32>,
        %slice3A_520 = vector.extract_strided_slice %get3A_88 {offsets = [5], sizes = [1], strides = [1]} : vector<16xf32> to vector<1xf32>
        %squeeze3A_521 = vector.extract %slice3A_520[0] : f32 from vector<1xf32>
        %broadcast_in_dim3A_522 = vector.broadcast %squeeze3A_521 : f32 to vector<16xf32>
        %mul3A_523 = arith.constant 16 : i32
        %mul3A_524 = arith.muli %scan3A_83, %mul3A_523 : i32
        %add3A_525 = arith.constant 5 : i32
        %add3A_526 = arith.addi %mul3A_524, %add3A_525 : i32
        %get3A_527 = arith.index_cast %add3A_526 : i32 to index
        %get3A_528 = arith.constant 0 : index
        %get3A_529 = tpu.vector_load %arg10[%get3A_527, %get3A_528] {strides = array<i32>} : memref<80x128xf32, #tpu.memory_space<vmem>>, vector<1x16xf32>,
        %get3A_530 = vector.shape_cast %get3A_529 : vector<1x16xf32> to vector<16xf32>
        %mul3A_531 = arith.mulf %get3A_530, %broadcast_in_dim3A_522 : vector<16xf32>
        %swap3A_532 = arith.index_cast %add3A_526 : i32 to index
        %swap3A_533 = arith.constant 0 : index
        %swap3A_534 = tpu.vector_load %arg10[%swap3A_532, %swap3A_533] {strides = array<i32>} : memref<80x128xf32, #tpu.memory_space<vmem>>, vector<1x16xf32>,
        %swap3A_535 = vector.shape_cast %swap3A_534 : vector<1x16xf32> to vector<16xf32>
        %swap3A_536 = vector.shape_cast %mul3A_531 : vector<16xf32> to vector<1x16xf32>
        tpu.vector_store %arg10[%swap3A_532, %swap3A_533], %swap3A_536 {strides = array<i32>} : memref<80x128xf32, #tpu.memory_space<vmem>>, vector<1x16xf32>,
        %get3A_537 = arith.index_cast %add3A_526 : i32 to index
        %get3A_538 = arith.constant 16 : index
        %get3A_539 = tpu.vector_load %arg10[%get3A_537, %get3A_538] {strides = array<i32>} : memref<80x128xf32, #tpu.memory_space<vmem>>, vector<1x16xf32>,
        %get3A_540 = vector.shape_cast %get3A_539 : vector<1x16xf32> to vector<16xf32>
        %mul3A_541 = arith.mulf %get3A_540, %broadcast_in_dim3A_522 : vector<16xf32>
        %swap3A_542 = arith.index_cast %add3A_526 : i32 to index
        %swap3A_543 = arith.constant 16 : index
        %swap3A_544 = tpu.vector_load %arg10[%swap3A_542, %swap3A_543] {strides = array<i32>} : memref<80x128xf32, #tpu.memory_space<vmem>>, vector<1x16xf32>,
        %swap3A_545 = vector.shape_cast %swap3A_544 : vector<1x16xf32> to vector<16xf32>
        %swap3A_546 = vector.shape_cast %mul3A_541 : vector<16xf32> to vector<1x16xf32>
        tpu.vector_store %arg10[%swap3A_542, %swap3A_543], %swap3A_546 {strides = array<i32>} : memref<80x128xf32, #tpu.memory_space<vmem>>, vector<1x16xf32>,
        %get3A_547 = arith.index_cast %add3A_526 : i32 to index
        %get3A_548 = arith.constant 32 : index
        %get3A_549 = tpu.vector_load %arg10[%get3A_547, %get3A_548] {strides = array<i32>} : memref<80x128xf32, #tpu.memory_space<vmem>>, vector<1x16xf32>,
        %get3A_550 = vector.shape_cast %get3A_549 : vector<1x16xf32> to vector<16xf32>
        %mul3A_551 = arith.mulf %get3A_550, %broadcast_in_dim3A_522 : vector<16xf32>
        %swap3A_552 = arith.index_cast %add3A_526 : i32 to index
        %swap3A_553 = arith.constant 32 : index
        %swap3A_554 = tpu.vector_load %arg10[%swap3A_552, %swap3A_553] {strides = array<i32>} : memref<80x128xf32, #tpu.memory_space<vmem>>, vector<1x16xf32>,
        %swap3A_555 = vector.shape_cast %swap3A_554 : vector<1x16xf32> to vector<16xf32>
        %swap3A_556 = vector.shape_cast %mul3A_551 : vector<16xf32> to vector<1x16xf32>
        tpu.vector_store %arg10[%swap3A_552, %swap3A_553], %swap3A_556 {strides = array<i32>} : memref<80x128xf32, #tpu.memory_space<vmem>>, vector<1x16xf32>,
        %get3A_557 = arith.index_cast %add3A_526 : i32 to index
        %get3A_558 = arith.constant 48 : index
        %get3A_559 = tpu.vector_load %arg10[%get3A_557, %get3A_558] {strides = array<i32>} : memref<80x128xf32, #tpu.memory_space<vmem>>, vector<1x16xf32>,
        %get3A_560 = vector.shape_cast %get3A_559 : vector<1x16xf32> to vector<16xf32>
        %mul3A_561 = arith.mulf %get3A_560, %broadcast_in_dim3A_522 : vector<16xf32>
        %swap3A_562 = arith.index_cast %add3A_526 : i32 to index
        %swap3A_563 = arith.constant 48 : index
        %swap3A_564 = tpu.vector_load %arg10[%swap3A_562, %swap3A_563] {strides = array<i32>} : memref<80x128xf32, #tpu.memory_space<vmem>>, vector<1x16xf32>,
        %swap3A_565 = vector.shape_cast %swap3A_564 : vector<1x16xf32> to vector<16xf32>
        %swap3A_566 = vector.shape_cast %mul3A_561 : vector<16xf32> to vector<1x16xf32>
        tpu.vector_store %arg10[%swap3A_562, %swap3A_563], %swap3A_566 {strides = array<i32>} : memref<80x128xf32, #tpu.memory_space<vmem>>, vector<1x16xf32>,
        %get3A_567 = arith.index_cast %add3A_526 : i32 to index
        %get3A_568 = arith.constant 64 : index
        %get3A_569 = tpu.vector_load %arg10[%get3A_567, %get3A_568] {strides = array<i32>} : memref<80x128xf32, #tpu.memory_space<vmem>>, vector<1x16xf32>,
        %get3A_570 = vector.shape_cast %get3A_569 : vector<1x16xf32> to vector<16xf32>
        %mul3A_571 = arith.mulf %get3A_570, %broadcast_in_dim3A_522 : vector<16xf32>
        %swap3A_572 = arith.index_cast %add3A_526 : i32 to index
        %swap3A_573 = arith.constant 64 : index
        %swap3A_574 = tpu.vector_load %arg10[%swap3A_572, %swap3A_573] {strides = array<i32>} : memref<80x128xf32, #tpu.memory_space<vmem>>, vector<1x16xf32>,
        %swap3A_575 = vector.shape_cast %swap3A_574 : vector<1x16xf32> to vector<16xf32>
        %swap3A_576 = vector.shape_cast %mul3A_571 : vector<16xf32> to vector<1x16xf32>
        tpu.vector_store %arg10[%swap3A_572, %swap3A_573], %swap3A_576 {strides = array<i32>} : memref<80x128xf32, #tpu.memory_space<vmem>>, vector<1x16xf32>,
        %get3A_577 = arith.index_cast %add3A_526 : i32 to index
        %get3A_578 = arith.constant 80 : index
        %get3A_579 = tpu.vector_load %arg10[%get3A_577, %get3A_578] {strides = array<i32>} : memref<80x128xf32, #tpu.memory_space<vmem>>, vector<1x16xf32>,
        %get3A_580 = vector.shape_cast %get3A_579 : vector<1x16xf32> to vector<16xf32>
        %mul3A_581 = arith.mulf %get3A_580, %broadcast_in_dim3A_522 : vector<16xf32>
        %swap3A_582 = arith.index_cast %add3A_526 : i32 to index
        %swap3A_583 = arith.constant 80 : index
        %swap3A_584 = tpu.vector_load %arg10[%swap3A_582, %swap3A_583] {strides = array<i32>} : memref<80x128xf32, #tpu.memory_space<vmem>>, vector<1x16xf32>,
        %swap3A_585 = vector.shape_cast %swap3A_584 : vector<1x16xf32> to vector<16xf32>
        %swap3A_586 = vector.shape_cast %mul3A_581 : vector<16xf32> to vector<1x16xf32>
        tpu.vector_store %arg10[%swap3A_582, %swap3A_583], %swap3A_586 {strides = array<i32>} : memref<80x128xf32, #tpu.memory_space<vmem>>, vector<1x16xf32>,
        %get3A_587 = arith.index_cast %add3A_526 : i32 to index
        %get3A_588 = arith.constant 96 : index
        %get3A_589 = tpu.vector_load %arg10[%get3A_587, %get3A_588] {strides = array<i32>} : memref<80x128xf32, #tpu.memory_space<vmem>>, vector<1x16xf32>,
        %get3A_590 = vector.shape_cast %get3A_589 : vector<1x16xf32> to vector<16xf32>
        %mul3A_591 = arith.mulf %get3A_590, %broadcast_in_dim3A_522 : vector<16xf32>
        %swap3A_592 = arith.index_cast %add3A_526 : i32 to index
        %swap3A_593 = arith.constant 96 : index
        %swap3A_594 = tpu.vector_load %arg10[%swap3A_592, %swap3A_593] {strides = array<i32>} : memref<80x128xf32, #tpu.memory_space<vmem>>, vector<1x16xf32>,
        %swap3A_595 = vector.shape_cast %swap3A_594 : vector<1x16xf32> to vector<16xf32>
        %swap3A_596 = vector.shape_cast %mul3A_591 : vector<16xf32> to vector<1x16xf32>
        tpu.vector_store %arg10[%swap3A_592, %swap3A_593], %swap3A_596 {strides = array<i32>} : memref<80x128xf32, #tpu.memory_space<vmem>>, vector<1x16xf32>,
        %get3A_597 = arith.index_cast %add3A_526 : i32 to index
        %get3A_598 = arith.constant 112 : index
        %get3A_599 = tpu.vector_load %arg10[%get3A_597, %get3A_598] {strides = array<i32>} : memref<80x128xf32, #tpu.memory_space<vmem>>, vector<1x16xf32>,
        %get3A_600 = vector.shape_cast %get3A_599 : vector<1x16xf32> to vector<16xf32>
        %mul3A_601 = arith.mulf %get3A_600, %broadcast_in_dim3A_522 : vector<16xf32>
        %swap3A_602 = arith.index_cast %add3A_526 : i32 to index
        %swap3A_603 = arith.constant 112 : index
        %swap3A_604 = tpu.vector_load %arg10[%swap3A_602, %swap3A_603] {strides = array<i32>} : memref<80x128xf32, #tpu.memory_space<vmem>>, vector<1x16xf32>,
        %swap3A_605 = vector.shape_cast %swap3A_604 : vector<1x16xf32> to vector<16xf32>
        %swap3A_606 = vector.shape_cast %mul3A_601 : vector<16xf32> to vector<1x16xf32>
        tpu.vector_store %arg10[%swap3A_602, %swap3A_603], %swap3A_606 {strides = array<i32>} : memref<80x128xf32, #tpu.memory_space<vmem>>, vector<1x16xf32>,
        %slice3A_607 = vector.extract_strided_slice %get3A_88 {offsets = [6], sizes = [1], strides = [1]} : vector<16xf32> to vector<1xf32>
        %squeeze3A_608 = vector.extract %slice3A_607[0] : f32 from vector<1xf32>
        %broadcast_in_dim3A_609 = vector.broadcast %squeeze3A_608 : f32 to vector<16xf32>
        %mul3A_610 = arith.constant 16 : i32
        %mul3A_611 = arith.muli %scan3A_83, %mul3A_610 : i32
        %add3A_612 = arith.constant 6 : i32
        %add3A_613 = arith.addi %mul3A_611, %add3A_612 : i32
        %get3A_614 = arith.index_cast %add3A_613 : i32 to index
        %get3A_615 = arith.constant 0 : index
        %get3A_616 = tpu.vector_load %arg10[%get3A_614, %get3A_615] {strides = array<i32>} : memref<80x128xf32, #tpu.memory_space<vmem>>, vector<1x16xf32>,
        %get3A_617 = vector.shape_cast %get3A_616 : vector<1x16xf32> to vector<16xf32>
        %mul3A_618 = arith.mulf %get3A_617, %broadcast_in_dim3A_609 : vector<16xf32>
        %swap3A_619 = arith.index_cast %add3A_613 : i32 to index
        %swap3A_620 = arith.constant 0 : index
        %swap3A_621 = tpu.vector_load %arg10[%swap3A_619, %swap3A_620] {strides = array<i32>} : memref<80x128xf32, #tpu.memory_space<vmem>>, vector<1x16xf32>,
        %swap3A_622 = vector.shape_cast %swap3A_621 : vector<1x16xf32> to vector<16xf32>
        %swap3A_623 = vector.shape_cast %mul3A_618 : vector<16xf32> to vector<1x16xf32>
        tpu.vector_store %arg10[%swap3A_619, %swap3A_620], %swap3A_623 {strides = array<i32>} : memref<80x128xf32, #tpu.memory_space<vmem>>, vector<1x16xf32>,
        %get3A_624 = arith.index_cast %add3A_613 : i32 to index
        %get3A_625 = arith.constant 16 : index
        %get3A_626 = tpu.vector_load %arg10[%get3A_624, %get3A_625] {strides = array<i32>} : memref<80x128xf32, #tpu.memory_space<vmem>>, vector<1x16xf32>,
        %get3A_627 = vector.shape_cast %get3A_626 : vector<1x16xf32> to vector<16xf32>
        %mul3A_628 = arith.mulf %get3A_627, %broadcast_in_dim3A_609 : vector<16xf32>
        %swap3A_629 = arith.index_cast %add3A_613 : i32 to index
        %swap3A_630 = arith.constant 16 : index
        %swap3A_631 = tpu.vector_load %arg10[%swap3A_629, %swap3A_630] {strides = array<i32>} : memref<80x128xf32, #tpu.memory_space<vmem>>, vector<1x16xf32>,
        %swap3A_632 = vector.shape_cast %swap3A_631 : vector<1x16xf32> to vector<16xf32>
        %swap3A_633 = vector.shape_cast %mul3A_628 : vector<16xf32> to vector<1x16xf32>
        tpu.vector_store %arg10[%swap3A_629, %swap3A_630], %swap3A_633 {strides = array<i32>} : memref<80x128xf32, #tpu.memory_space<vmem>>, vector<1x16xf32>,
        %get3A_634 = arith.index_cast %add3A_613 : i32 to index
        %get3A_635 = arith.constant 32 : index
        %get3A_636 = tpu.vector_load %arg10[%get3A_634, %get3A_635] {strides = array<i32>} : memref<80x128xf32, #tpu.memory_space<vmem>>, vector<1x16xf32>,
        %get3A_637 = vector.shape_cast %get3A_636 : vector<1x16xf32> to vector<16xf32>
        %mul3A_638 = arith.mulf %get3A_637, %broadcast_in_dim3A_609 : vector<16xf32>
        %swap3A_639 = arith.index_cast %add3A_613 : i32 to index
        %swap3A_640 = arith.constant 32 : index
        %swap3A_641 = tpu.vector_load %arg10[%swap3A_639, %swap3A_640] {strides = array<i32>} : memref<80x128xf32, #tpu.memory_space<vmem>>, vector<1x16xf32>,
        %swap3A_642 = vector.shape_cast %swap3A_641 : vector<1x16xf32> to vector<16xf32>
        %swap3A_643 = vector.shape_cast %mul3A_638 : vector<16xf32> to vector<1x16xf32>
        tpu.vector_store %arg10[%swap3A_639, %swap3A_640], %swap3A_643 {strides = array<i32>} : memref<80x128xf32, #tpu.memory_space<vmem>>, vector<1x16xf32>,
        %get3A_644 = arith.index_cast %add3A_613 : i32 to index
        %get3A_645 = arith.constant 48 : index
        %get3A_646 = tpu.vector_load %arg10[%get3A_644, %get3A_645] {strides = array<i32>} : memref<80x128xf32, #tpu.memory_space<vmem>>, vector<1x16xf32>,
        %get3A_647 = vector.shape_cast %get3A_646 : vector<1x16xf32> to vector<16xf32>
        %mul3A_648 = arith.mulf %get3A_647, %broadcast_in_dim3A_609 : vector<16xf32>
        %swap3A_649 = arith.index_cast %add3A_613 : i32 to index
        %swap3A_650 = arith.constant 48 : index
        %swap3A_651 = tpu.vector_load %arg10[%swap3A_649, %swap3A_650] {strides = array<i32>} : memref<80x128xf32, #tpu.memory_space<vmem>>, vector<1x16xf32>,
        %swap3A_652 = vector.shape_cast %swap3A_651 : vector<1x16xf32> to vector<16xf32>
        %swap3A_653 = vector.shape_cast %mul3A_648 : vector<16xf32> to vector<1x16xf32>
        tpu.vector_store %arg10[%swap3A_649, %swap3A_650], %swap3A_653 {strides = array<i32>} : memref<80x128xf32, #tpu.memory_space<vmem>>, vector<1x16xf32>,
        %get3A_654 = arith.index_cast %add3A_613 : i32 to index
        %get3A_655 = arith.constant 64 : index
        %get3A_656 = tpu.vector_load %arg10[%get3A_654, %get3A_655] {strides = array<i32>} : memref<80x128xf32, #tpu.memory_space<vmem>>, vector<1x16xf32>,
        %get3A_657 = vector.shape_cast %get3A_656 : vector<1x16xf32> to vector<16xf32>
        %mul3A_658 = arith.mulf %get3A_657, %broadcast_in_dim3A_609 : vector<16xf32>
        %swap3A_659 = arith.index_cast %add3A_613 : i32 to index
        %swap3A_660 = arith.constant 64 : index
        %swap3A_661 = tpu.vector_load %arg10[%swap3A_659, %swap3A_660] {strides = array<i32>} : memref<80x128xf32, #tpu.memory_space<vmem>>, vector<1x16xf32>,
        %swap3A_662 = vector.shape_cast %swap3A_661 : vector<1x16xf32> to vector<16xf32>
        %swap3A_663 = vector.shape_cast %mul3A_658 : vector<16xf32> to vector<1x16xf32>
        tpu.vector_store %arg10[%swap3A_659, %swap3A_660], %swap3A_663 {strides = array<i32>} : memref<80x128xf32, #tpu.memory_space<vmem>>, vector<1x16xf32>,
        %get3A_664 = arith.index_cast %add3A_613 : i32 to index
        %get3A_665 = arith.constant 80 : index
        %get3A_666 = tpu.vector_load %arg10[%get3A_664, %get3A_665] {strides = array<i32>} : memref<80x128xf32, #tpu.memory_space<vmem>>, vector<1x16xf32>,
        %get3A_667 = vector.shape_cast %get3A_666 : vector<1x16xf32> to vector<16xf32>
        %mul3A_668 = arith.mulf %get3A_667, %broadcast_in_dim3A_609 : vector<16xf32>
        %swap3A_669 = arith.index_cast %add3A_613 : i32 to index
        %swap3A_670 = arith.constant 80 : index
        %swap3A_671 = tpu.vector_load %arg10[%swap3A_669, %swap3A_670] {strides = array<i32>} : memref<80x128xf32, #tpu.memory_space<vmem>>, vector<1x16xf32>,
        %swap3A_672 = vector.shape_cast %swap3A_671 : vector<1x16xf32> to vector<16xf32>
        %swap3A_673 = vector.shape_cast %mul3A_668 : vector<16xf32> to vector<1x16xf32>
        tpu.vector_store %arg10[%swap3A_669, %swap3A_670], %swap3A_673 {strides = array<i32>} : memref<80x128xf32, #tpu.memory_space<vmem>>, vector<1x16xf32>,
        %get3A_674 = arith.index_cast %add3A_613 : i32 to index
        %get3A_675 = arith.constant 96 : index
        %get3A_676 = tpu.vector_load %arg10[%get3A_674, %get3A_675] {strides = array<i32>} : memref<80x128xf32, #tpu.memory_space<vmem>>, vector<1x16xf32>,
        %get3A_677 = vector.shape_cast %get3A_676 : vector<1x16xf32> to vector<16xf32>
        %mul3A_678 = arith.mulf %get3A_677, %broadcast_in_dim3A_609 : vector<16xf32>
        %swap3A_679 = arith.index_cast %add3A_613 : i32 to index
        %swap3A_680 = arith.constant 96 : index
        %swap3A_681 = tpu.vector_load %arg10[%swap3A_679, %swap3A_680] {strides = array<i32>} : memref<80x128xf32, #tpu.memory_space<vmem>>, vector<1x16xf32>,
        %swap3A_682 = vector.shape_cast %swap3A_681 : vector<1x16xf32> to vector<16xf32>
        %swap3A_683 = vector.shape_cast %mul3A_678 : vector<16xf32> to vector<1x16xf32>
        tpu.vector_store %arg10[%swap3A_679, %swap3A_680], %swap3A_683 {strides = array<i32>} : memref<80x128xf32, #tpu.memory_space<vmem>>, vector<1x16xf32>,
        %get3A_684 = arith.index_cast %add3A_613 : i32 to index
        %get3A_685 = arith.constant 112 : index
        %get3A_686 = tpu.vector_load %arg10[%get3A_684, %get3A_685] {strides = array<i32>} : memref<80x128xf32, #tpu.memory_space<vmem>>, vector<1x16xf32>,
        %get3A_687 = vector.shape_cast %get3A_686 : vector<1x16xf32> to vector<16xf32>
        %mul3A_688 = arith.mulf %get3A_687, %broadcast_in_dim3A_609 : vector<16xf32>
        %swap3A_689 = arith.index_cast %add3A_613 : i32 to index
        %swap3A_690 = arith.constant 112 : index
        %swap3A_691 = tpu.vector_load %arg10[%swap3A_689, %swap3A_690] {strides = array<i32>} : memref<80x128xf32, #tpu.memory_space<vmem>>, vector<1x16xf32>,
        %swap3A_692 = vector.shape_cast %swap3A_691 : vector<1x16xf32> to vector<16xf32>
        %swap3A_693 = vector.shape_cast %mul3A_688 : vector<16xf32> to vector<1x16xf32>
        tpu.vector_store %arg10[%swap3A_689, %swap3A_690], %swap3A_693 {strides = array<i32>} : memref<80x128xf32, #tpu.memory_space<vmem>>, vector<1x16xf32>,
        %slice3A_694 = vector.extract_strided_slice %get3A_88 {offsets = [7], sizes = [1], strides = [1]} : vector<16xf32> to vector<1xf32>
        %squeeze3A_695 = vector.extract %slice3A_694[0] : f32 from vector<1xf32>
        %broadcast_in_dim3A_696 = vector.broadcast %squeeze3A_695 : f32 to vector<16xf32>
        %mul3A_697 = arith.constant 16 : i32
        %mul3A_698 = arith.muli %scan3A_83, %mul3A_697 : i32
        %add3A_699 = arith.constant 7 : i32
        %add3A_700 = arith.addi %mul3A_698, %add3A_699 : i32
        %get3A_701 = arith.index_cast %add3A_700 : i32 to index
        %get3A_702 = arith.constant 0 : index
        %get3A_703 = tpu.vector_load %arg10[%get3A_701, %get3A_702] {strides = array<i32>} : memref<80x128xf32, #tpu.memory_space<vmem>>, vector<1x16xf32>,
        %get3A_704 = vector.shape_cast %get3A_703 : vector<1x16xf32> to vector<16xf32>
        %mul3A_705 = arith.mulf %get3A_704, %broadcast_in_dim3A_696 : vector<16xf32>
        %swap3A_706 = arith.index_cast %add3A_700 : i32 to index
        %swap3A_707 = arith.constant 0 : index
        %swap3A_708 = tpu.vector_load %arg10[%swap3A_706, %swap3A_707] {strides = array<i32>} : memref<80x128xf32, #tpu.memory_space<vmem>>, vector<1x16xf32>,
        %swap3A_709 = vector.shape_cast %swap3A_708 : vector<1x16xf32> to vector<16xf32>
        %swap3A_710 = vector.shape_cast %mul3A_705 : vector<16xf32> to vector<1x16xf32>
        tpu.vector_store %arg10[%swap3A_706, %swap3A_707], %swap3A_710 {strides = array<i32>} : memref<80x128xf32, #tpu.memory_space<vmem>>, vector<1x16xf32>,
        %get3A_711 = arith.index_cast %add3A_700 : i32 to index
        %get3A_712 = arith.constant 16 : index
        %get3A_713 = tpu.vector_load %arg10[%get3A_711, %get3A_712] {strides = array<i32>} : memref<80x128xf32, #tpu.memory_space<vmem>>, vector<1x16xf32>,
        %get3A_714 = vector.shape_cast %get3A_713 : vector<1x16xf32> to vector<16xf32>
        %mul3A_715 = arith.mulf %get3A_714, %broadcast_in_dim3A_696 : vector<16xf32>
        %swap3A_716 = arith.index_cast %add3A_700 : i32 to index
        %swap3A_717 = arith.constant 16 : index
        %swap3A_718 = tpu.vector_load %arg10[%swap3A_716, %swap3A_717] {strides = array<i32>} : memref<80x128xf32, #tpu.memory_space<vmem>>, vector<1x16xf32>,
        %swap3A_719 = vector.shape_cast %swap3A_718 : vector<1x16xf32> to vector<16xf32>
        %swap3A_720 = vector.shape_cast %mul3A_715 : vector<16xf32> to vector<1x16xf32>
        tpu.vector_store %arg10[%swap3A_716, %swap3A_717], %swap3A_720 {strides = array<i32>} : memref<80x128xf32, #tpu.memory_space<vmem>>, vector<1x16xf32>,
        %get3A_721 = arith.index_cast %add3A_700 : i32 to index
        %get3A_722 = arith.constant 32 : index
        %get3A_723 = tpu.vector_load %arg10[%get3A_721, %get3A_722] {strides = array<i32>} : memref<80x128xf32, #tpu.memory_space<vmem>>, vector<1x16xf32>,
        %get3A_724 = vector.shape_cast %get3A_723 : vector<1x16xf32> to vector<16xf32>
        %mul3A_725 = arith.mulf %get3A_724, %broadcast_in_dim3A_696 : vector<16xf32>
        %swap3A_726 = arith.index_cast %add3A_700 : i32 to index
        %swap3A_727 = arith.constant 32 : index
        %swap3A_728 = tpu.vector_load %arg10[%swap3A_726, %swap3A_727] {strides = array<i32>} : memref<80x128xf32, #tpu.memory_space<vmem>>, vector<1x16xf32>,
        %swap3A_729 = vector.shape_cast %swap3A_728 : vector<1x16xf32> to vector<16xf32>
        %swap3A_730 = vector.shape_cast %mul3A_725 : vector<16xf32> to vector<1x16xf32>
        tpu.vector_store %arg10[%swap3A_726, %swap3A_727], %swap3A_730 {strides = array<i32>} : memref<80x128xf32, #tpu.memory_space<vmem>>, vector<1x16xf32>,
        %get3A_731 = arith.index_cast %add3A_700 : i32 to index
        %get3A_732 = arith.constant 48 : index
        %get3A_733 = tpu.vector_load %arg10[%get3A_731, %get3A_732] {strides = array<i32>} : memref<80x128xf32, #tpu.memory_space<vmem>>, vector<1x16xf32>,
        %get3A_734 = vector.shape_cast %get3A_733 : vector<1x16xf32> to vector<16xf32>
        %mul3A_735 = arith.mulf %get3A_734, %broadcast_in_dim3A_696 : vector<16xf32>
        %swap3A_736 = arith.index_cast %add3A_700 : i32 to index
        %swap3A_737 = arith.constant 48 : index
        %swap3A_738 = tpu.vector_load %arg10[%swap3A_736, %swap3A_737] {strides = array<i32>} : memref<80x128xf32, #tpu.memory_space<vmem>>, vector<1x16xf32>,
        %swap3A_739 = vector.shape_cast %swap3A_738 : vector<1x16xf32> to vector<16xf32>
        %swap3A_740 = vector.shape_cast %mul3A_735 : vector<16xf32> to vector<1x16xf32>
        tpu.vector_store %arg10[%swap3A_736, %swap3A_737], %swap3A_740 {strides = array<i32>} : memref<80x128xf32, #tpu.memory_space<vmem>>, vector<1x16xf32>,
        %get3A_741 = arith.index_cast %add3A_700 : i32 to index
        %get3A_742 = arith.constant 64 : index
        %get3A_743 = tpu.vector_load %arg10[%get3A_741, %get3A_742] {strides = array<i32>} : memref<80x128xf32, #tpu.memory_space<vmem>>, vector<1x16xf32>,
        %get3A_744 = vector.shape_cast %get3A_743 : vector<1x16xf32> to vector<16xf32>
        %mul3A_745 = arith.mulf %get3A_744, %broadcast_in_dim3A_696 : vector<16xf32>
        %swap3A_746 = arith.index_cast %add3A_700 : i32 to index
        %swap3A_747 = arith.constant 64 : index
        %swap3A_748 = tpu.vector_load %arg10[%swap3A_746, %swap3A_747] {strides = array<i32>} : memref<80x128xf32, #tpu.memory_space<vmem>>, vector<1x16xf32>,
        %swap3A_749 = vector.shape_cast %swap3A_748 : vector<1x16xf32> to vector<16xf32>
        %swap3A_750 = vector.shape_cast %mul3A_745 : vector<16xf32> to vector<1x16xf32>
        tpu.vector_store %arg10[%swap3A_746, %swap3A_747], %swap3A_750 {strides = array<i32>} : memref<80x128xf32, #tpu.memory_space<vmem>>, vector<1x16xf32>,
        %get3A_751 = arith.index_cast %add3A_700 : i32 to index
        %get3A_752 = arith.constant 80 : index
        %get3A_753 = tpu.vector_load %arg10[%get3A_751, %get3A_752] {strides = array<i32>} : memref<80x128xf32, #tpu.memory_space<vmem>>, vector<1x16xf32>,
        %get3A_754 = vector.shape_cast %get3A_753 : vector<1x16xf32> to vector<16xf32>
        %mul3A_755 = arith.mulf %get3A_754, %broadcast_in_dim3A_696 : vector<16xf32>
        %swap3A_756 = arith.index_cast %add3A_700 : i32 to index
        %swap3A_757 = arith.constant 80 : index
        %swap3A_758 = tpu.vector_load %arg10[%swap3A_756, %swap3A_757] {strides = array<i32>} : memref<80x128xf32, #tpu.memory_space<vmem>>, vector<1x16xf32>,
        %swap3A_759 = vector.shape_cast %swap3A_758 : vector<1x16xf32> to vector<16xf32>
        %swap3A_760 = vector.shape_cast %mul3A_755 : vector<16xf32> to vector<1x16xf32>
        tpu.vector_store %arg10[%swap3A_756, %swap3A_757], %swap3A_760 {strides = array<i32>} : memref<80x128xf32, #tpu.memory_space<vmem>>, vector<1x16xf32>,
        %get3A_761 = arith.index_cast %add3A_700 : i32 to index
        %get3A_762 = arith.constant 96 : index
        %get3A_763 = tpu.vector_load %arg10[%get3A_761, %get3A_762] {strides = array<i32>} : memref<80x128xf32, #tpu.memory_space<vmem>>, vector<1x16xf32>,
        %get3A_764 = vector.shape_cast %get3A_763 : vector<1x16xf32> to vector<16xf32>
        %mul3A_765 = arith.mulf %get3A_764, %broadcast_in_dim3A_696 : vector<16xf32>
        %swap3A_766 = arith.index_cast %add3A_700 : i32 to index
        %swap3A_767 = arith.constant 96 : index
        %swap3A_768 = tpu.vector_load %arg10[%swap3A_766, %swap3A_767] {strides = array<i32>} : memref<80x128xf32, #tpu.memory_space<vmem>>, vector<1x16xf32>,
        %swap3A_769 = vector.shape_cast %swap3A_768 : vector<1x16xf32> to vector<16xf32>
        %swap3A_770 = vector.shape_cast %mul3A_765 : vector<16xf32> to vector<1x16xf32>
        tpu.vector_store %arg10[%swap3A_766, %swap3A_767], %swap3A_770 {strides = array<i32>} : memref<80x128xf32, #tpu.memory_space<vmem>>, vector<1x16xf32>,
        %get3A_771 = arith.index_cast %add3A_700 : i32 to index
        %get3A_772 = arith.constant 112 : index
        %get3A_773 = tpu.vector_load %arg10[%get3A_771, %get3A_772] {strides = array<i32>} : memref<80x128xf32, #tpu.memory_space<vmem>>, vector<1x16xf32>,
        %get3A_774 = vector.shape_cast %get3A_773 : vector<1x16xf32> to vector<16xf32>
        %mul3A_775 = arith.mulf %get3A_774, %broadcast_in_dim3A_696 : vector<16xf32>
        %swap3A_776 = arith.index_cast %add3A_700 : i32 to index
        %swap3A_777 = arith.constant 112 : index
        %swap3A_778 = tpu.vector_load %arg10[%swap3A_776, %swap3A_777] {strides = array<i32>} : memref<80x128xf32, #tpu.memory_space<vmem>>, vector<1x16xf32>,
        %swap3A_779 = vector.shape_cast %swap3A_778 : vector<1x16xf32> to vector<16xf32>
        %swap3A_780 = vector.shape_cast %mul3A_775 : vector<16xf32> to vector<1x16xf32>
        tpu.vector_store %arg10[%swap3A_776, %swap3A_777], %swap3A_780 {strides = array<i32>} : memref<80x128xf32, #tpu.memory_space<vmem>>, vector<1x16xf32>,
        %slice3A_781 = vector.extract_strided_slice %get3A_88 {offsets = [8], sizes = [1], strides = [1]} : vector<16xf32> to vector<1xf32>
        %squeeze3A_782 = vector.extract %slice3A_781[0] : f32 from vector<1xf32>
        %broadcast_in_dim3A_783 = vector.broadcast %squeeze3A_782 : f32 to vector<16xf32>
        %mul3A_784 = arith.constant 16 : i32
        %mul3A_785 = arith.muli %scan3A_83, %mul3A_784 : i32
        %add3A_786 = arith.constant 8 : i32
        %add3A_787 = arith.addi %mul3A_785, %add3A_786 : i32
        %get3A_788 = arith.index_cast %add3A_787 : i32 to index
        %get3A_789 = arith.constant 0 : index
        %get3A_790 = tpu.vector_load %arg10[%get3A_788, %get3A_789] {strides = array<i32>} : memref<80x128xf32, #tpu.memory_space<vmem>>, vector<1x16xf32>,
        %get3A_791 = vector.shape_cast %get3A_790 : vector<1x16xf32> to vector<16xf32>
        %mul3A_792 = arith.mulf %get3A_791, %broadcast_in_dim3A_783 : vector<16xf32>
        %swap3A_793 = arith.index_cast %add3A_787 : i32 to index
        %swap3A_794 = arith.constant 0 : index
        %swap3A_795 = tpu.vector_load %arg10[%swap3A_793, %swap3A_794] {strides = array<i32>} : memref<80x128xf32, #tpu.memory_space<vmem>>, vector<1x16xf32>,
        %swap3A_796 = vector.shape_cast %swap3A_795 : vector<1x16xf32> to vector<16xf32>
        %swap3A_797 = vector.shape_cast %mul3A_792 : vector<16xf32> to vector<1x16xf32>
        tpu.vector_store %arg10[%swap3A_793, %swap3A_794], %swap3A_797 {strides = array<i32>} : memref<80x128xf32, #tpu.memory_space<vmem>>, vector<1x16xf32>,
        %get3A_798 = arith.index_cast %add3A_787 : i32 to index
        %get3A_799 = arith.constant 16 : index
        %get3A_800 = tpu.vector_load %arg10[%get3A_798, %get3A_799] {strides = array<i32>} : memref<80x128xf32, #tpu.memory_space<vmem>>, vector<1x16xf32>,
        %get3A_801 = vector.shape_cast %get3A_800 : vector<1x16xf32> to vector<16xf32>
        %mul3A_802 = arith.mulf %get3A_801, %broadcast_in_dim3A_783 : vector<16xf32>
        %swap3A_803 = arith.index_cast %add3A_787 : i32 to index
        %swap3A_804 = arith.constant 16 : index
        %swap3A_805 = tpu.vector_load %arg10[%swap3A_803, %swap3A_804] {strides = array<i32>} : memref<80x128xf32, #tpu.memory_space<vmem>>, vector<1x16xf32>,
        %swap3A_806 = vector.shape_cast %swap3A_805 : vector<1x16xf32> to vector<16xf32>
        %swap3A_807 = vector.shape_cast %mul3A_802 : vector<16xf32> to vector<1x16xf32>
        tpu.vector_store %arg10[%swap3A_803, %swap3A_804], %swap3A_807 {strides = array<i32>} : memref<80x128xf32, #tpu.memory_space<vmem>>, vector<1x16xf32>,
        %get3A_808 = arith.index_cast %add3A_787 : i32 to index
        %get3A_809 = arith.constant 32 : index
        %get3A_810 = tpu.vector_load %arg10[%get3A_808, %get3A_809] {strides = array<i32>} : memref<80x128xf32, #tpu.memory_space<vmem>>, vector<1x16xf32>,
        %get3A_811 = vector.shape_cast %get3A_810 : vector<1x16xf32> to vector<16xf32>
        %mul3A_812 = arith.mulf %get3A_811, %broadcast_in_dim3A_783 : vector<16xf32>
        %swap3A_813 = arith.index_cast %add3A_787 : i32 to index
        %swap3A_814 = arith.constant 32 : index
        %swap3A_815 = tpu.vector_load %arg10[%swap3A_813, %swap3A_814] {strides = array<i32>} : memref<80x128xf32, #tpu.memory_space<vmem>>, vector<1x16xf32>,
        %swap3A_816 = vector.shape_cast %swap3A_815 : vector<1x16xf32> to vector<16xf32>
        %swap3A_817 = vector.shape_cast %mul3A_812 : vector<16xf32> to vector<1x16xf32>
        tpu.vector_store %arg10[%swap3A_813, %swap3A_814], %swap3A_817 {strides = array<i32>} : memref<80x128xf32, #tpu.memory_space<vmem>>, vector<1x16xf32>,
        %get3A_818 = arith.index_cast %add3A_787 : i32 to index
        %get3A_819 = arith.constant 48 : index
        %get3A_820 = tpu.vector_load %arg10[%get3A_818, %get3A_819] {strides = array<i32>} : memref<80x128xf32, #tpu.memory_space<vmem>>, vector<1x16xf32>,
        %get3A_821 = vector.shape_cast %get3A_820 : vector<1x16xf32> to vector<16xf32>
        %mul3A_822 = arith.mulf %get3A_821, %broadcast_in_dim3A_783 : vector<16xf32>
        %swap3A_823 = arith.index_cast %add3A_787 : i32 to index
        %swap3A_824 = arith.constant 48 : index
        %swap3A_825 = tpu.vector_load %arg10[%swap3A_823, %swap3A_824] {strides = array<i32>} : memref<80x128xf32, #tpu.memory_space<vmem>>, vector<1x16xf32>,
        %swap3A_826 = vector.shape_cast %swap3A_825 : vector<1x16xf32> to vector<16xf32>
        %swap3A_827 = vector.shape_cast %mul3A_822 : vector<16xf32> to vector<1x16xf32>
        tpu.vector_store %arg10[%swap3A_823, %swap3A_824], %swap3A_827 {strides = array<i32>} : memref<80x128xf32, #tpu.memory_space<vmem>>, vector<1x16xf32>,
        %get3A_828 = arith.index_cast %add3A_787 : i32 to index
        %get3A_829 = arith.constant 64 : index
        %get3A_830 = tpu.vector_load %arg10[%get3A_828, %get3A_829] {strides = array<i32>} : memref<80x128xf32, #tpu.memory_space<vmem>>, vector<1x16xf32>,
        %get3A_831 = vector.shape_cast %get3A_830 : vector<1x16xf32> to vector<16xf32>
        %mul3A_832 = arith.mulf %get3A_831, %broadcast_in_dim3A_783 : vector<16xf32>
        %swap3A_833 = arith.index_cast %add3A_787 : i32 to index
        %swap3A_834 = arith.constant 64 : index
        %swap3A_835 = tpu.vector_load %arg10[%swap3A_833, %swap3A_834] {strides = array<i32>} : memref<80x128xf32, #tpu.memory_space<vmem>>, vector<1x16xf32>,
        %swap3A_836 = vector.shape_cast %swap3A_835 : vector<1x16xf32> to vector<16xf32>
        %swap3A_837 = vector.shape_cast %mul3A_832 : vector<16xf32> to vector<1x16xf32>
        tpu.vector_store %arg10[%swap3A_833, %swap3A_834], %swap3A_837 {strides = array<i32>} : memref<80x128xf32, #tpu.memory_space<vmem>>, vector<1x16xf32>,
        %get3A_838 = arith.index_cast %add3A_787 : i32 to index
        %get3A_839 = arith.constant 80 : index
        %get3A_840 = tpu.vector_load %arg10[%get3A_838, %get3A_839] {strides = array<i32>} : memref<80x128xf32, #tpu.memory_space<vmem>>, vector<1x16xf32>,
        %get3A_841 = vector.shape_cast %get3A_840 : vector<1x16xf32> to vector<16xf32>
        %mul3A_842 = arith.mulf %get3A_841, %broadcast_in_dim3A_783 : vector<16xf32>
        %swap3A_843 = arith.index_cast %add3A_787 : i32 to index
        %swap3A_844 = arith.constant 80 : index
        %swap3A_845 = tpu.vector_load %arg10[%swap3A_843, %swap3A_844] {strides = array<i32>} : memref<80x128xf32, #tpu.memory_space<vmem>>, vector<1x16xf32>,
        %swap3A_846 = vector.shape_cast %swap3A_845 : vector<1x16xf32> to vector<16xf32>
        %swap3A_847 = vector.shape_cast %mul3A_842 : vector<16xf32> to vector<1x16xf32>
        tpu.vector_store %arg10[%swap3A_843, %swap3A_844], %swap3A_847 {strides = array<i32>} : memref<80x128xf32, #tpu.memory_space<vmem>>, vector<1x16xf32>,
        %get3A_848 = arith.index_cast %add3A_787 : i32 to index
        %get3A_849 = arith.constant 96 : index
        %get3A_850 = tpu.vector_load %arg10[%get3A_848, %get3A_849] {strides = array<i32>} : memref<80x128xf32, #tpu.memory_space<vmem>>, vector<1x16xf32>,
        %get3A_851 = vector.shape_cast %get3A_850 : vector<1x16xf32> to vector<16xf32>
        %mul3A_852 = arith.mulf %get3A_851, %broadcast_in_dim3A_783 : vector<16xf32>
        %swap3A_853 = arith.index_cast %add3A_787 : i32 to index
        %swap3A_854 = arith.constant 96 : index
        %swap3A_855 = tpu.vector_load %arg10[%swap3A_853, %swap3A_854] {strides = array<i32>} : memref<80x128xf32, #tpu.memory_space<vmem>>, vector<1x16xf32>,
        %swap3A_856 = vector.shape_cast %swap3A_855 : vector<1x16xf32> to vector<16xf32>
        %swap3A_857 = vector.shape_cast %mul3A_852 : vector<16xf32> to vector<1x16xf32>
        tpu.vector_store %arg10[%swap3A_853, %swap3A_854], %swap3A_857 {strides = array<i32>} : memref<80x128xf32, #tpu.memory_space<vmem>>, vector<1x16xf32>,
        %get3A_858 = arith.index_cast %add3A_787 : i32 to index
        %get3A_859 = arith.constant 112 : index
        %get3A_860 = tpu.vector_load %arg10[%get3A_858, %get3A_859] {strides = array<i32>} : memref<80x128xf32, #tpu.memory_space<vmem>>, vector<1x16xf32>,
        %get3A_861 = vector.shape_cast %get3A_860 : vector<1x16xf32> to vector<16xf32>
        %mul3A_862 = arith.mulf %get3A_861, %broadcast_in_dim3A_783 : vector<16xf32>
        %swap3A_863 = arith.index_cast %add3A_787 : i32 to index
        %swap3A_864 = arith.constant 112 : index
        %swap3A_865 = tpu.vector_load %arg10[%swap3A_863, %swap3A_864] {strides = array<i32>} : memref<80x128xf32, #tpu.memory_space<vmem>>, vector<1x16xf32>,
        %swap3A_866 = vector.shape_cast %swap3A_865 : vector<1x16xf32> to vector<16xf32>
        %swap3A_867 = vector.shape_cast %mul3A_862 : vector<16xf32> to vector<1x16xf32>
        tpu.vector_store %arg10[%swap3A_863, %swap3A_864], %swap3A_867 {strides = array<i32>} : memref<80x128xf32, #tpu.memory_space<vmem>>, vector<1x16xf32>,
        %slice3A_868 = vector.extract_strided_slice %get3A_88 {offsets = [9], sizes = [1], strides = [1]} : vector<16xf32> to vector<1xf32>
        %squeeze3A_869 = vector.extract %slice3A_868[0] : f32 from vector<1xf32>
        %broadcast_in_dim3A_870 = vector.broadcast %squeeze3A_869 : f32 to vector<16xf32>
        %mul3A_871 = arith.constant 16 : i32
        %mul3A_872 = arith.muli %scan3A_83, %mul3A_871 : i32
        %add3A_873 = arith.constant 9 : i32
        %add3A_874 = arith.addi %mul3A_872, %add3A_873 : i32
        %get3A_875 = arith.index_cast %add3A_874 : i32 to index
        %get3A_876 = arith.constant 0 : index
        %get3A_877 = tpu.vector_load %arg10[%get3A_875, %get3A_876] {strides = array<i32>} : memref<80x128xf32, #tpu.memory_space<vmem>>, vector<1x16xf32>,
        %get3A_878 = vector.shape_cast %get3A_877 : vector<1x16xf32> to vector<16xf32>
        %mul3A_879 = arith.mulf %get3A_878, %broadcast_in_dim3A_870 : vector<16xf32>
        %swap3A_880 = arith.index_cast %add3A_874 : i32 to index
        %swap3A_881 = arith.constant 0 : index
        %swap3A_882 = tpu.vector_load %arg10[%swap3A_880, %swap3A_881] {strides = array<i32>} : memref<80x128xf32, #tpu.memory_space<vmem>>, vector<1x16xf32>,
        %swap3A_883 = vector.shape_cast %swap3A_882 : vector<1x16xf32> to vector<16xf32>
        %swap3A_884 = vector.shape_cast %mul3A_879 : vector<16xf32> to vector<1x16xf32>
        tpu.vector_store %arg10[%swap3A_880, %swap3A_881], %swap3A_884 {strides = array<i32>} : memref<80x128xf32, #tpu.memory_space<vmem>>, vector<1x16xf32>,
        %get3A_885 = arith.index_cast %add3A_874 : i32 to index
        %get3A_886 = arith.constant 16 : index
        %get3A_887 = tpu.vector_load %arg10[%get3A_885, %get3A_886] {strides = array<i32>} : memref<80x128xf32, #tpu.memory_space<vmem>>, vector<1x16xf32>,
        %get3A_888 = vector.shape_cast %get3A_887 : vector<1x16xf32> to vector<16xf32>
        %mul3A_889 = arith.mulf %get3A_888, %broadcast_in_dim3A_870 : vector<16xf32>
        %swap3A_890 = arith.index_cast %add3A_874 : i32 to index
        %swap3A_891 = arith.constant 16 : index
        %swap3A_892 = tpu.vector_load %arg10[%swap3A_890, %swap3A_891] {strides = array<i32>} : memref<80x128xf32, #tpu.memory_space<vmem>>, vector<1x16xf32>,
        %swap3A_893 = vector.shape_cast %swap3A_892 : vector<1x16xf32> to vector<16xf32>
        %swap3A_894 = vector.shape_cast %mul3A_889 : vector<16xf32> to vector<1x16xf32>
        tpu.vector_store %arg10[%swap3A_890, %swap3A_891], %swap3A_894 {strides = array<i32>} : memref<80x128xf32, #tpu.memory_space<vmem>>, vector<1x16xf32>,
        %get3A_895 = arith.index_cast %add3A_874 : i32 to index
        %get3A_896 = arith.constant 32 : index
        %get3A_897 = tpu.vector_load %arg10[%get3A_895, %get3A_896] {strides = array<i32>} : memref<80x128xf32, #tpu.memory_space<vmem>>, vector<1x16xf32>,
        %get3A_898 = vector.shape_cast %get3A_897 : vector<1x16xf32> to vector<16xf32>
        %mul3A_899 = arith.mulf %get3A_898, %broadcast_in_dim3A_870 : vector<16xf32>
        %swap3A_900 = arith.index_cast %add3A_874 : i32 to index
        %swap3A_901 = arith.constant 32 : index
        %swap3A_902 = tpu.vector_load %arg10[%swap3A_900, %swap3A_901] {strides = array<i32>} : memref<80x128xf32, #tpu.memory_space<vmem>>, vector<1x16xf32>,
        %swap3A_903 = vector.shape_cast %swap3A_902 : vector<1x16xf32> to vector<16xf32>
        %swap3A_904 = vector.shape_cast %mul3A_899 : vector<16xf32> to vector<1x16xf32>
        tpu.vector_store %arg10[%swap3A_900, %swap3A_901], %swap3A_904 {strides = array<i32>} : memref<80x128xf32, #tpu.memory_space<vmem>>, vector<1x16xf32>,
        %get3A_905 = arith.index_cast %add3A_874 : i32 to index
        %get3A_906 = arith.constant 48 : index
        %get3A_907 = tpu.vector_load %arg10[%get3A_905, %get3A_906] {strides = array<i32>} : memref<80x128xf32, #tpu.memory_space<vmem>>, vector<1x16xf32>,
        %get3A_908 = vector.shape_cast %get3A_907 : vector<1x16xf32> to vector<16xf32>
        %mul3A_909 = arith.mulf %get3A_908, %broadcast_in_dim3A_870 : vector<16xf32>
        %swap3A_910 = arith.index_cast %add3A_874 : i32 to index
        %swap3A_911 = arith.constant 48 : index
        %swap3A_912 = tpu.vector_load %arg10[%swap3A_910, %swap3A_911] {strides = array<i32>} : memref<80x128xf32, #tpu.memory_space<vmem>>, vector<1x16xf32>,
        %swap3A_913 = vector.shape_cast %swap3A_912 : vector<1x16xf32> to vector<16xf32>
        %swap3A_914 = vector.shape_cast %mul3A_909 : vector<16xf32> to vector<1x16xf32>
        tpu.vector_store %arg10[%swap3A_910, %swap3A_911], %swap3A_914 {strides = array<i32>} : memref<80x128xf32, #tpu.memory_space<vmem>>, vector<1x16xf32>,
        %get3A_915 = arith.index_cast %add3A_874 : i32 to index
        %get3A_916 = arith.constant 64 : index
        %get3A_917 = tpu.vector_load %arg10[%get3A_915, %get3A_916] {strides = array<i32>} : memref<80x128xf32, #tpu.memory_space<vmem>>, vector<1x16xf32>,
        %get3A_918 = vector.shape_cast %get3A_917 : vector<1x16xf32> to vector<16xf32>
        %mul3A_919 = arith.mulf %get3A_918, %broadcast_in_dim3A_870 : vector<16xf32>
        %swap3A_920 = arith.index_cast %add3A_874 : i32 to index
        %swap3A_921 = arith.constant 64 : index
        %swap3A_922 = tpu.vector_load %arg10[%swap3A_920, %swap3A_921] {strides = array<i32>} : memref<80x128xf32, #tpu.memory_space<vmem>>, vector<1x16xf32>,
        %swap3A_923 = vector.shape_cast %swap3A_922 : vector<1x16xf32> to vector<16xf32>
        %swap3A_924 = vector.shape_cast %mul3A_919 : vector<16xf32> to vector<1x16xf32>
        tpu.vector_store %arg10[%swap3A_920, %swap3A_921], %swap3A_924 {strides = array<i32>} : memref<80x128xf32, #tpu.memory_space<vmem>>, vector<1x16xf32>,
        %get3A_925 = arith.index_cast %add3A_874 : i32 to index
        %get3A_926 = arith.constant 80 : index
        %get3A_927 = tpu.vector_load %arg10[%get3A_925, %get3A_926] {strides = array<i32>} : memref<80x128xf32, #tpu.memory_space<vmem>>, vector<1x16xf32>,
        %get3A_928 = vector.shape_cast %get3A_927 : vector<1x16xf32> to vector<16xf32>
        %mul3A_929 = arith.mulf %get3A_928, %broadcast_in_dim3A_870 : vector<16xf32>
        %swap3A_930 = arith.index_cast %add3A_874 : i32 to index
        %swap3A_931 = arith.constant 80 : index
        %swap3A_932 = tpu.vector_load %arg10[%swap3A_930, %swap3A_931] {strides = array<i32>} : memref<80x128xf32, #tpu.memory_space<vmem>>, vector<1x16xf32>,
        %swap3A_933 = vector.shape_cast %swap3A_932 : vector<1x16xf32> to vector<16xf32>
        %swap3A_934 = vector.shape_cast %mul3A_929 : vector<16xf32> to vector<1x16xf32>
        tpu.vector_store %arg10[%swap3A_930, %swap3A_931], %swap3A_934 {strides = array<i32>} : memref<80x128xf32, #tpu.memory_space<vmem>>, vector<1x16xf32>,
        %get3A_935 = arith.index_cast %add3A_874 : i32 to index
        %get3A_936 = arith.constant 96 : index
        %get3A_937 = tpu.vector_load %arg10[%get3A_935, %get3A_936] {strides = array<i32>} : memref<80x128xf32, #tpu.memory_space<vmem>>, vector<1x16xf32>,
        %get3A_938 = vector.shape_cast %get3A_937 : vector<1x16xf32> to vector<16xf32>
        %mul3A_939 = arith.mulf %get3A_938, %broadcast_in_dim3A_870 : vector<16xf32>
        %swap3A_940 = arith.index_cast %add3A_874 : i32 to index
        %swap3A_941 = arith.constant 96 : index
        %swap3A_942 = tpu.vector_load %arg10[%swap3A_940, %swap3A_941] {strides = array<i32>} : memref<80x128xf32, #tpu.memory_space<vmem>>, vector<1x16xf32>,
        %swap3A_943 = vector.shape_cast %swap3A_942 : vector<1x16xf32> to vector<16xf32>
        %swap3A_944 = vector.shape_cast %mul3A_939 : vector<16xf32> to vector<1x16xf32>
        tpu.vector_store %arg10[%swap3A_940, %swap3A_941], %swap3A_944 {strides = array<i32>} : memref<80x128xf32, #tpu.memory_space<vmem>>, vector<1x16xf32>,
        %get3A_945 = arith.index_cast %add3A_874 : i32 to index
        %get3A_946 = arith.constant 112 : index
        %get3A_947 = tpu.vector_load %arg10[%get3A_945, %get3A_946] {strides = array<i32>} : memref<80x128xf32, #tpu.memory_space<vmem>>, vector<1x16xf32>,
        %get3A_948 = vector.shape_cast %get3A_947 : vector<1x16xf32> to vector<16xf32>
        %mul3A_949 = arith.mulf %get3A_948, %broadcast_in_dim3A_870 : vector<16xf32>
        %swap3A_950 = arith.index_cast %add3A_874 : i32 to index
        %swap3A_951 = arith.constant 112 : index
        %swap3A_952 = tpu.vector_load %arg10[%swap3A_950, %swap3A_951] {strides = array<i32>} : memref<80x128xf32, #tpu.memory_space<vmem>>, vector<1x16xf32>,
        %swap3A_953 = vector.shape_cast %swap3A_952 : vector<1x16xf32> to vector<16xf32>
        %swap3A_954 = vector.shape_cast %mul3A_949 : vector<16xf32> to vector<1x16xf32>
        tpu.vector_store %arg10[%swap3A_950, %swap3A_951], %swap3A_954 {strides = array<i32>} : memref<80x128xf32, #tpu.memory_space<vmem>>, vector<1x16xf32>,
        %slice3A_955 = vector.extract_strided_slice %get3A_88 {offsets = [10], sizes = [1], strides = [1]} : vector<16xf32> to vector<1xf32>
        %squeeze3A_956 = vector.extract %slice3A_955[0] : f32 from vector<1xf32>
        %broadcast_in_dim3A_957 = vector.broadcast %squeeze3A_956 : f32 to vector<16xf32>
        %mul3A_958 = arith.constant 16 : i32
        %mul3A_959 = arith.muli %scan3A_83, %mul3A_958 : i32
        %add3A_960 = arith.constant 10 : i32
        %add3A_961 = arith.addi %mul3A_959, %add3A_960 : i32
        %get3A_962 = arith.index_cast %add3A_961 : i32 to index
        %get3A_963 = arith.constant 0 : index
        %get3A_964 = tpu.vector_load %arg10[%get3A_962, %get3A_963] {strides = array<i32>} : memref<80x128xf32, #tpu.memory_space<vmem>>, vector<1x16xf32>,
        %get3A_965 = vector.shape_cast %get3A_964 : vector<1x16xf32> to vector<16xf32>
        %mul3A_966 = arith.mulf %get3A_965, %broadcast_in_dim3A_957 : vector<16xf32>
        %swap3A_967 = arith.index_cast %add3A_961 : i32 to index
        %swap3A_968 = arith.constant 0 : index
        %swap3A_969 = tpu.vector_load %arg10[%swap3A_967, %swap3A_968] {strides = array<i32>} : memref<80x128xf32, #tpu.memory_space<vmem>>, vector<1x16xf32>,
        %swap3A_970 = vector.shape_cast %swap3A_969 : vector<1x16xf32> to vector<16xf32>
        %swap3A_971 = vector.shape_cast %mul3A_966 : vector<16xf32> to vector<1x16xf32>
        tpu.vector_store %arg10[%swap3A_967, %swap3A_968], %swap3A_971 {strides = array<i32>} : memref<80x128xf32, #tpu.memory_space<vmem>>, vector<1x16xf32>,
        %get3A_972 = arith.index_cast %add3A_961 : i32 to index
        %get3A_973 = arith.constant 16 : index
        %get3A_974 = tpu.vector_load %arg10[%get3A_972, %get3A_973] {strides = array<i32>} : memref<80x128xf32, #tpu.memory_space<vmem>>, vector<1x16xf32>,
        %get3A_975 = vector.shape_cast %get3A_974 : vector<1x16xf32> to vector<16xf32>
        %mul3A_976 = arith.mulf %get3A_975, %broadcast_in_dim3A_957 : vector<16xf32>
        %swap3A_977 = arith.index_cast %add3A_961 : i32 to index
        %swap3A_978 = arith.constant 16 : index
        %swap3A_979 = tpu.vector_load %arg10[%swap3A_977, %swap3A_978] {strides = array<i32>} : memref<80x128xf32, #tpu.memory_space<vmem>>, vector<1x16xf32>,
        %swap3A_980 = vector.shape_cast %swap3A_979 : vector<1x16xf32> to vector<16xf32>
        %swap3A_981 = vector.shape_cast %mul3A_976 : vector<16xf32> to vector<1x16xf32>
        tpu.vector_store %arg10[%swap3A_977, %swap3A_978], %swap3A_981 {strides = array<i32>} : memref<80x128xf32, #tpu.memory_space<vmem>>, vector<1x16xf32>,
        %get3A_982 = arith.index_cast %add3A_961 : i32 to index
        %get3A_983 = arith.constant 32 : index
        %get3A_984 = tpu.vector_load %arg10[%get3A_982, %get3A_983] {strides = array<i32>} : memref<80x128xf32, #tpu.memory_space<vmem>>, vector<1x16xf32>,
        %get3A_985 = vector.shape_cast %get3A_984 : vector<1x16xf32> to vector<16xf32>
        %mul3A_986 = arith.mulf %get3A_985, %broadcast_in_dim3A_957 : vector<16xf32>
        %swap3A_987 = arith.index_cast %add3A_961 : i32 to index
        %swap3A_988 = arith.constant 32 : index
        %swap3A_989 = tpu.vector_load %arg10[%swap3A_987, %swap3A_988] {strides = array<i32>} : memref<80x128xf32, #tpu.memory_space<vmem>>, vector<1x16xf32>,
        %swap3A_990 = vector.shape_cast %swap3A_989 : vector<1x16xf32> to vector<16xf32>
        %swap3A_991 = vector.shape_cast %mul3A_986 : vector<16xf32> to vector<1x16xf32>
        tpu.vector_store %arg10[%swap3A_987, %swap3A_988], %swap3A_991 {strides = array<i32>} : memref<80x128xf32, #tpu.memory_space<vmem>>, vector<1x16xf32>,
        %get3A_992 = arith.index_cast %add3A_961 : i32 to index
        %get3A_993 = arith.constant 48 : index
        %get3A_994 = tpu.vector_load %arg10[%get3A_992, %get3A_993] {strides = array<i32>} : memref<80x128xf32, #tpu.memory_space<vmem>>, vector<1x16xf32>,
        %get3A_995 = vector.shape_cast %get3A_994 : vector<1x16xf32> to vector<16xf32>
        %mul3A_996 = arith.mulf %get3A_995, %broadcast_in_dim3A_957 : vector<16xf32>
        %swap3A_997 = arith.index_cast %add3A_961 : i32 to index
        %swap3A_998 = arith.constant 48 : index
        %swap3A_999 = tpu.vector_load %arg10[%swap3A_997, %swap3A_998] {strides = array<i32>} : memref<80x128xf32, #tpu.memory_space<vmem>>, vector<1x16xf32>,
        %swap3A_1000 = vector.shape_cast %swap3A_999 : vector<1x16xf32> to vector<16xf32>
        %swap3A_1001 = vector.shape_cast %mul3A_996 : vector<16xf32> to vector<1x16xf32>
        tpu.vector_store %arg10[%swap3A_997, %swap3A_998], %swap3A_1001 {strides = array<i32>} : memref<80x128xf32, #tpu.memory_space<vmem>>, vector<1x16xf32>,
        %get3A_1002 = arith.index_cast %add3A_961 : i32 to index
        %get3A_1003 = arith.constant 64 : index
        %get3A_1004 = tpu.vector_load %arg10[%get3A_1002, %get3A_1003] {strides = array<i32>} : memref<80x128xf32, #tpu.memory_space<vmem>>, vector<1x16xf32>,
        %get3A_1005 = vector.shape_cast %get3A_1004 : vector<1x16xf32> to vector<16xf32>
        %mul3A_1006 = arith.mulf %get3A_1005, %broadcast_in_dim3A_957 : vector<16xf32>
        %swap3A_1007 = arith.index_cast %add3A_961 : i32 to index
        %swap3A_1008 = arith.constant 64 : index
        %swap3A_1009 = tpu.vector_load %arg10[%swap3A_1007, %swap3A_1008] {strides = array<i32>} : memref<80x128xf32, #tpu.memory_space<vmem>>, vector<1x16xf32>,
        %swap3A_1010 = vector.shape_cast %swap3A_1009 : vector<1x16xf32> to vector<16xf32>
        %swap3A_1011 = vector.shape_cast %mul3A_1006 : vector<16xf32> to vector<1x16xf32>
        tpu.vector_store %arg10[%swap3A_1007, %swap3A_1008], %swap3A_1011 {strides = array<i32>} : memref<80x128xf32, #tpu.memory_space<vmem>>, vector<1x16xf32>,
        %get3A_1012 = arith.index_cast %add3A_961 : i32 to index
        %get3A_1013 = arith.constant 80 : index
        %get3A_1014 = tpu.vector_load %arg10[%get3A_1012, %get3A_1013] {strides = array<i32>} : memref<80x128xf32, #tpu.memory_space<vmem>>, vector<1x16xf32>,
        %get3A_1015 = vector.shape_cast %get3A_1014 : vector<1x16xf32> to vector<16xf32>
        %mul3A_1016 = arith.mulf %get3A_1015, %broadcast_in_dim3A_957 : vector<16xf32>
        %swap3A_1017 = arith.index_cast %add3A_961 : i32 to index
        %swap3A_1018 = arith.constant 80 : index
        %swap3A_1019 = tpu.vector_load %arg10[%swap3A_1017, %swap3A_1018] {strides = array<i32>} : memref<80x128xf32, #tpu.memory_space<vmem>>, vector<1x16xf32>,
        %swap3A_1020 = vector.shape_cast %swap3A_1019 : vector<1x16xf32> to vector<16xf32>
        %swap3A_1021 = vector.shape_cast %mul3A_1016 : vector<16xf32> to vector<1x16xf32>
        tpu.vector_store %arg10[%swap3A_1017, %swap3A_1018], %swap3A_1021 {strides = array<i32>} : memref<80x128xf32, #tpu.memory_space<vmem>>, vector<1x16xf32>,
        %get3A_1022 = arith.index_cast %add3A_961 : i32 to index
        %get3A_1023 = arith.constant 96 : index
        %get3A_1024 = tpu.vector_load %arg10[%get3A_1022, %get3A_1023] {strides = array<i32>} : memref<80x128xf32, #tpu.memory_space<vmem>>, vector<1x16xf32>,
        %get3A_1025 = vector.shape_cast %get3A_1024 : vector<1x16xf32> to vector<16xf32>
        %mul3A_1026 = arith.mulf %get3A_1025, %broadcast_in_dim3A_957 : vector<16xf32>
        %swap3A_1027 = arith.index_cast %add3A_961 : i32 to index
        %swap3A_1028 = arith.constant 96 : index
        %swap3A_1029 = tpu.vector_load %arg10[%swap3A_1027, %swap3A_1028] {strides = array<i32>} : memref<80x128xf32, #tpu.memory_space<vmem>>, vector<1x16xf32>,
        %swap3A_1030 = vector.shape_cast %swap3A_1029 : vector<1x16xf32> to vector<16xf32>
        %swap3A_1031 = vector.shape_cast %mul3A_1026 : vector<16xf32> to vector<1x16xf32>
        tpu.vector_store %arg10[%swap3A_1027, %swap3A_1028], %swap3A_1031 {strides = array<i32>} : memref<80x128xf32, #tpu.memory_space<vmem>>, vector<1x16xf32>,
        %get3A_1032 = arith.index_cast %add3A_961 : i32 to index
        %get3A_1033 = arith.constant 112 : index
        %get3A_1034 = tpu.vector_load %arg10[%get3A_1032, %get3A_1033] {strides = array<i32>} : memref<80x128xf32, #tpu.memory_space<vmem>>, vector<1x16xf32>,
        %get3A_1035 = vector.shape_cast %get3A_1034 : vector<1x16xf32> to vector<16xf32>
        %mul3A_1036 = arith.mulf %get3A_1035, %broadcast_in_dim3A_957 : vector<16xf32>
        %swap3A_1037 = arith.index_cast %add3A_961 : i32 to index
        %swap3A_1038 = arith.constant 112 : index
        %swap3A_1039 = tpu.vector_load %arg10[%swap3A_1037, %swap3A_1038] {strides = array<i32>} : memref<80x128xf32, #tpu.memory_space<vmem>>, vector<1x16xf32>,
        %swap3A_1040 = vector.shape_cast %swap3A_1039 : vector<1x16xf32> to vector<16xf32>
        %swap3A_1041 = vector.shape_cast %mul3A_1036 : vector<16xf32> to vector<1x16xf32>
        tpu.vector_store %arg10[%swap3A_1037, %swap3A_1038], %swap3A_1041 {strides = array<i32>} : memref<80x128xf32, #tpu.memory_space<vmem>>, vector<1x16xf32>,
        %slice3A_1042 = vector.extract_strided_slice %get3A_88 {offsets = [11], sizes = [1], strides = [1]} : vector<16xf32> to vector<1xf32>
        %squeeze3A_1043 = vector.extract %slice3A_1042[0] : f32 from vector<1xf32>
        %broadcast_in_dim3A_1044 = vector.broadcast %squeeze3A_1043 : f32 to vector<16xf32>
        %mul3A_1045 = arith.constant 16 : i32
        %mul3A_1046 = arith.muli %scan3A_83, %mul3A_1045 : i32
        %add3A_1047 = arith.constant 11 : i32
        %add3A_1048 = arith.addi %mul3A_1046, %add3A_1047 : i32
        %get3A_1049 = arith.index_cast %add3A_1048 : i32 to index
        %get3A_1050 = arith.constant 0 : index
        %get3A_1051 = tpu.vector_load %arg10[%get3A_1049, %get3A_1050] {strides = array<i32>} : memref<80x128xf32, #tpu.memory_space<vmem>>, vector<1x16xf32>,
        %get3A_1052 = vector.shape_cast %get3A_1051 : vector<1x16xf32> to vector<16xf32>
        %mul3A_1053 = arith.mulf %get3A_1052, %broadcast_in_dim3A_1044 : vector<16xf32>
        %swap3A_1054 = arith.index_cast %add3A_1048 : i32 to index
        %swap3A_1055 = arith.constant 0 : index
        %swap3A_1056 = tpu.vector_load %arg10[%swap3A_1054, %swap3A_1055] {strides = array<i32>} : memref<80x128xf32, #tpu.memory_space<vmem>>, vector<1x16xf32>,
        %swap3A_1057 = vector.shape_cast %swap3A_1056 : vector<1x16xf32> to vector<16xf32>
        %swap3A_1058 = vector.shape_cast %mul3A_1053 : vector<16xf32> to vector<1x16xf32>
        tpu.vector_store %arg10[%swap3A_1054, %swap3A_1055], %swap3A_1058 {strides = array<i32>} : memref<80x128xf32, #tpu.memory_space<vmem>>, vector<1x16xf32>,
        %get3A_1059 = arith.index_cast %add3A_1048 : i32 to index
        %get3A_1060 = arith.constant 16 : index
        %get3A_1061 = tpu.vector_load %arg10[%get3A_1059, %get3A_1060] {strides = array<i32>} : memref<80x128xf32, #tpu.memory_space<vmem>>, vector<1x16xf32>,
        %get3A_1062 = vector.shape_cast %get3A_1061 : vector<1x16xf32> to vector<16xf32>
        %mul3A_1063 = arith.mulf %get3A_1062, %broadcast_in_dim3A_1044 : vector<16xf32>
        %swap3A_1064 = arith.index_cast %add3A_1048 : i32 to index
        %swap3A_1065 = arith.constant 16 : index
        %swap3A_1066 = tpu.vector_load %arg10[%swap3A_1064, %swap3A_1065] {strides = array<i32>} : memref<80x128xf32, #tpu.memory_space<vmem>>, vector<1x16xf32>,
        %swap3A_1067 = vector.shape_cast %swap3A_1066 : vector<1x16xf32> to vector<16xf32>
        %swap3A_1068 = vector.shape_cast %mul3A_1063 : vector<16xf32> to vector<1x16xf32>
        tpu.vector_store %arg10[%swap3A_1064, %swap3A_1065], %swap3A_1068 {strides = array<i32>} : memref<80x128xf32, #tpu.memory_space<vmem>>, vector<1x16xf32>,
        %get3A_1069 = arith.index_cast %add3A_1048 : i32 to index
        %get3A_1070 = arith.constant 32 : index
        %get3A_1071 = tpu.vector_load %arg10[%get3A_1069, %get3A_1070] {strides = array<i32>} : memref<80x128xf32, #tpu.memory_space<vmem>>, vector<1x16xf32>,
        %get3A_1072 = vector.shape_cast %get3A_1071 : vector<1x16xf32> to vector<16xf32>
        %mul3A_1073 = arith.mulf %get3A_1072, %broadcast_in_dim3A_1044 : vector<16xf32>
        %swap3A_1074 = arith.index_cast %add3A_1048 : i32 to index
        %swap3A_1075 = arith.constant 32 : index
        %swap3A_1076 = tpu.vector_load %arg10[%swap3A_1074, %swap3A_1075] {strides = array<i32>} : memref<80x128xf32, #tpu.memory_space<vmem>>, vector<1x16xf32>,
        %swap3A_1077 = vector.shape_cast %swap3A_1076 : vector<1x16xf32> to vector<16xf32>
        %swap3A_1078 = vector.shape_cast %mul3A_1073 : vector<16xf32> to vector<1x16xf32>
        tpu.vector_store %arg10[%swap3A_1074, %swap3A_1075], %swap3A_1078 {strides = array<i32>} : memref<80x128xf32, #tpu.memory_space<vmem>>, vector<1x16xf32>,
        %get3A_1079 = arith.index_cast %add3A_1048 : i32 to index
        %get3A_1080 = arith.constant 48 : index
        %get3A_1081 = tpu.vector_load %arg10[%get3A_1079, %get3A_1080] {strides = array<i32>} : memref<80x128xf32, #tpu.memory_space<vmem>>, vector<1x16xf32>,
        %get3A_1082 = vector.shape_cast %get3A_1081 : vector<1x16xf32> to vector<16xf32>
        %mul3A_1083 = arith.mulf %get3A_1082, %broadcast_in_dim3A_1044 : vector<16xf32>
        %swap3A_1084 = arith.index_cast %add3A_1048 : i32 to index
        %swap3A_1085 = arith.constant 48 : index
        %swap3A_1086 = tpu.vector_load %arg10[%swap3A_1084, %swap3A_1085] {strides = array<i32>} : memref<80x128xf32, #tpu.memory_space<vmem>>, vector<1x16xf32>,
        %swap3A_1087 = vector.shape_cast %swap3A_1086 : vector<1x16xf32> to vector<16xf32>
        %swap3A_1088 = vector.shape_cast %mul3A_1083 : vector<16xf32> to vector<1x16xf32>
        tpu.vector_store %arg10[%swap3A_1084, %swap3A_1085], %swap3A_1088 {strides = array<i32>} : memref<80x128xf32, #tpu.memory_space<vmem>>, vector<1x16xf32>,
        %get3A_1089 = arith.index_cast %add3A_1048 : i32 to index
        %get3A_1090 = arith.constant 64 : index
        %get3A_1091 = tpu.vector_load %arg10[%get3A_1089, %get3A_1090] {strides = array<i32>} : memref<80x128xf32, #tpu.memory_space<vmem>>, vector<1x16xf32>,
        %get3A_1092 = vector.shape_cast %get3A_1091 : vector<1x16xf32> to vector<16xf32>
        %mul3A_1093 = arith.mulf %get3A_1092, %broadcast_in_dim3A_1044 : vector<16xf32>
        %swap3A_1094 = arith.index_cast %add3A_1048 : i32 to index
        %swap3A_1095 = arith.constant 64 : index
        %swap3A_1096 = tpu.vector_load %arg10[%swap3A_1094, %swap3A_1095] {strides = array<i32>} : memref<80x128xf32, #tpu.memory_space<vmem>>, vector<1x16xf32>,
        %swap3A_1097 = vector.shape_cast %swap3A_1096 : vector<1x16xf32> to vector<16xf32>
        %swap3A_1098 = vector.shape_cast %mul3A_1093 : vector<16xf32> to vector<1x16xf32>
        tpu.vector_store %arg10[%swap3A_1094, %swap3A_1095], %swap3A_1098 {strides = array<i32>} : memref<80x128xf32, #tpu.memory_space<vmem>>, vector<1x16xf32>,
        %get3A_1099 = arith.index_cast %add3A_1048 : i32 to index
        %get3A_1100 = arith.constant 80 : index
        %get3A_1101 = tpu.vector_load %arg10[%get3A_1099, %get3A_1100] {strides = array<i32>} : memref<80x128xf32, #tpu.memory_space<vmem>>, vector<1x16xf32>,
        %get3A_1102 = vector.shape_cast %get3A_1101 : vector<1x16xf32> to vector<16xf32>
        %mul3A_1103 = arith.mulf %get3A_1102, %broadcast_in_dim3A_1044 : vector<16xf32>
        %swap3A_1104 = arith.index_cast %add3A_1048 : i32 to index
        %swap3A_1105 = arith.constant 80 : index
        %swap3A_1106 = tpu.vector_load %arg10[%swap3A_1104, %swap3A_1105] {strides = array<i32>} : memref<80x128xf32, #tpu.memory_space<vmem>>, vector<1x16xf32>,
        %swap3A_1107 = vector.shape_cast %swap3A_1106 : vector<1x16xf32> to vector<16xf32>
        %swap3A_1108 = vector.shape_cast %mul3A_1103 : vector<16xf32> to vector<1x16xf32>
        tpu.vector_store %arg10[%swap3A_1104, %swap3A_1105], %swap3A_1108 {strides = array<i32>} : memref<80x128xf32, #tpu.memory_space<vmem>>, vector<1x16xf32>,
        %get3A_1109 = arith.index_cast %add3A_1048 : i32 to index
        %get3A_1110 = arith.constant 96 : index
        %get3A_1111 = tpu.vector_load %arg10[%get3A_1109, %get3A_1110] {strides = array<i32>} : memref<80x128xf32, #tpu.memory_space<vmem>>, vector<1x16xf32>,
        %get3A_1112 = vector.shape_cast %get3A_1111 : vector<1x16xf32> to vector<16xf32>
        %mul3A_1113 = arith.mulf %get3A_1112, %broadcast_in_dim3A_1044 : vector<16xf32>
        %swap3A_1114 = arith.index_cast %add3A_1048 : i32 to index
        %swap3A_1115 = arith.constant 96 : index
        %swap3A_1116 = tpu.vector_load %arg10[%swap3A_1114, %swap3A_1115] {strides = array<i32>} : memref<80x128xf32, #tpu.memory_space<vmem>>, vector<1x16xf32>,
        %swap3A_1117 = vector.shape_cast %swap3A_1116 : vector<1x16xf32> to vector<16xf32>
        %swap3A_1118 = vector.shape_cast %mul3A_1113 : vector<16xf32> to vector<1x16xf32>
        tpu.vector_store %arg10[%swap3A_1114, %swap3A_1115], %swap3A_1118 {strides = array<i32>} : memref<80x128xf32, #tpu.memory_space<vmem>>, vector<1x16xf32>,
        %get3A_1119 = arith.index_cast %add3A_1048 : i32 to index
        %get3A_1120 = arith.constant 112 : index
        %get3A_1121 = tpu.vector_load %arg10[%get3A_1119, %get3A_1120] {strides = array<i32>} : memref<80x128xf32, #tpu.memory_space<vmem>>, vector<1x16xf32>,
        %get3A_1122 = vector.shape_cast %get3A_1121 : vector<1x16xf32> to vector<16xf32>
        %mul3A_1123 = arith.mulf %get3A_1122, %broadcast_in_dim3A_1044 : vector<16xf32>
        %swap3A_1124 = arith.index_cast %add3A_1048 : i32 to index
        %swap3A_1125 = arith.constant 112 : index
        %swap3A_1126 = tpu.vector_load %arg10[%swap3A_1124, %swap3A_1125] {strides = array<i32>} : memref<80x128xf32, #tpu.memory_space<vmem>>, vector<1x16xf32>,
        %swap3A_1127 = vector.shape_cast %swap3A_1126 : vector<1x16xf32> to vector<16xf32>
        %swap3A_1128 = vector.shape_cast %mul3A_1123 : vector<16xf32> to vector<1x16xf32>
        tpu.vector_store %arg10[%swap3A_1124, %swap3A_1125], %swap3A_1128 {strides = array<i32>} : memref<80x128xf32, #tpu.memory_space<vmem>>, vector<1x16xf32>,
        %slice3A_1129 = vector.extract_strided_slice %get3A_88 {offsets = [12], sizes = [1], strides = [1]} : vector<16xf32> to vector<1xf32>
        %squeeze3A_1130 = vector.extract %slice3A_1129[0] : f32 from vector<1xf32>
        %broadcast_in_dim3A_1131 = vector.broadcast %squeeze3A_1130 : f32 to vector<16xf32>
        %mul3A_1132 = arith.constant 16 : i32
        %mul3A_1133 = arith.muli %scan3A_83, %mul3A_1132 : i32
        %add3A_1134 = arith.constant 12 : i32
        %add3A_1135 = arith.addi %mul3A_1133, %add3A_1134 : i32
        %get3A_1136 = arith.index_cast %add3A_1135 : i32 to index
        %get3A_1137 = arith.constant 0 : index
        %get3A_1138 = tpu.vector_load %arg10[%get3A_1136, %get3A_1137] {strides = array<i32>} : memref<80x128xf32, #tpu.memory_space<vmem>>, vector<1x16xf32>,
        %get3A_1139 = vector.shape_cast %get3A_1138 : vector<1x16xf32> to vector<16xf32>
        %mul3A_1140 = arith.mulf %get3A_1139, %broadcast_in_dim3A_1131 : vector<16xf32>
        %swap3A_1141 = arith.index_cast %add3A_1135 : i32 to index
        %swap3A_1142 = arith.constant 0 : index
        %swap3A_1143 = tpu.vector_load %arg10[%swap3A_1141, %swap3A_1142] {strides = array<i32>} : memref<80x128xf32, #tpu.memory_space<vmem>>, vector<1x16xf32>,
        %swap3A_1144 = vector.shape_cast %swap3A_1143 : vector<1x16xf32> to vector<16xf32>
        %swap3A_1145 = vector.shape_cast %mul3A_1140 : vector<16xf32> to vector<1x16xf32>
        tpu.vector_store %arg10[%swap3A_1141, %swap3A_1142], %swap3A_1145 {strides = array<i32>} : memref<80x128xf32, #tpu.memory_space<vmem>>, vector<1x16xf32>,
        %get3A_1146 = arith.index_cast %add3A_1135 : i32 to index
        %get3A_1147 = arith.constant 16 : index
        %get3A_1148 = tpu.vector_load %arg10[%get3A_1146, %get3A_1147] {strides = array<i32>} : memref<80x128xf32, #tpu.memory_space<vmem>>, vector<1x16xf32>,
        %get3A_1149 = vector.shape_cast %get3A_1148 : vector<1x16xf32> to vector<16xf32>
        %mul3A_1150 = arith.mulf %get3A_1149, %broadcast_in_dim3A_1131 : vector<16xf32>
        %swap3A_1151 = arith.index_cast %add3A_1135 : i32 to index
        %swap3A_1152 = arith.constant 16 : index
        %swap3A_1153 = tpu.vector_load %arg10[%swap3A_1151, %swap3A_1152] {strides = array<i32>} : memref<80x128xf32, #tpu.memory_space<vmem>>, vector<1x16xf32>,
        %swap3A_1154 = vector.shape_cast %swap3A_1153 : vector<1x16xf32> to vector<16xf32>
        %swap3A_1155 = vector.shape_cast %mul3A_1150 : vector<16xf32> to vector<1x16xf32>
        tpu.vector_store %arg10[%swap3A_1151, %swap3A_1152], %swap3A_1155 {strides = array<i32>} : memref<80x128xf32, #tpu.memory_space<vmem>>, vector<1x16xf32>,
        %get3A_1156 = arith.index_cast %add3A_1135 : i32 to index
        %get3A_1157 = arith.constant 32 : index
        %get3A_1158 = tpu.vector_load %arg10[%get3A_1156, %get3A_1157] {strides = array<i32>} : memref<80x128xf32, #tpu.memory_space<vmem>>, vector<1x16xf32>,
        %get3A_1159 = vector.shape_cast %get3A_1158 : vector<1x16xf32> to vector<16xf32>
        %mul3A_1160 = arith.mulf %get3A_1159, %broadcast_in_dim3A_1131 : vector<16xf32>
        %swap3A_1161 = arith.index_cast %add3A_1135 : i32 to index
        %swap3A_1162 = arith.constant 32 : index
        %swap3A_1163 = tpu.vector_load %arg10[%swap3A_1161, %swap3A_1162] {strides = array<i32>} : memref<80x128xf32, #tpu.memory_space<vmem>>, vector<1x16xf32>,
        %swap3A_1164 = vector.shape_cast %swap3A_1163 : vector<1x16xf32> to vector<16xf32>
        %swap3A_1165 = vector.shape_cast %mul3A_1160 : vector<16xf32> to vector<1x16xf32>
        tpu.vector_store %arg10[%swap3A_1161, %swap3A_1162], %swap3A_1165 {strides = array<i32>} : memref<80x128xf32, #tpu.memory_space<vmem>>, vector<1x16xf32>,
        %get3A_1166 = arith.index_cast %add3A_1135 : i32 to index
        %get3A_1167 = arith.constant 48 : index
        %get3A_1168 = tpu.vector_load %arg10[%get3A_1166, %get3A_1167] {strides = array<i32>} : memref<80x128xf32, #tpu.memory_space<vmem>>, vector<1x16xf32>,
        %get3A_1169 = vector.shape_cast %get3A_1168 : vector<1x16xf32> to vector<16xf32>
        %mul3A_1170 = arith.mulf %get3A_1169, %broadcast_in_dim3A_1131 : vector<16xf32>
        %swap3A_1171 = arith.index_cast %add3A_1135 : i32 to index
        %swap3A_1172 = arith.constant 48 : index
        %swap3A_1173 = tpu.vector_load %arg10[%swap3A_1171, %swap3A_1172] {strides = array<i32>} : memref<80x128xf32, #tpu.memory_space<vmem>>, vector<1x16xf32>,
        %swap3A_1174 = vector.shape_cast %swap3A_1173 : vector<1x16xf32> to vector<16xf32>
        %swap3A_1175 = vector.shape_cast %mul3A_1170 : vector<16xf32> to vector<1x16xf32>
        tpu.vector_store %arg10[%swap3A_1171, %swap3A_1172], %swap3A_1175 {strides = array<i32>} : memref<80x128xf32, #tpu.memory_space<vmem>>, vector<1x16xf32>,
        %get3A_1176 = arith.index_cast %add3A_1135 : i32 to index
        %get3A_1177 = arith.constant 64 : index
        %get3A_1178 = tpu.vector_load %arg10[%get3A_1176, %get3A_1177] {strides = array<i32>} : memref<80x128xf32, #tpu.memory_space<vmem>>, vector<1x16xf32>,
        %get3A_1179 = vector.shape_cast %get3A_1178 : vector<1x16xf32> to vector<16xf32>
        %mul3A_1180 = arith.mulf %get3A_1179, %broadcast_in_dim3A_1131 : vector<16xf32>
        %swap3A_1181 = arith.index_cast %add3A_1135 : i32 to index
        %swap3A_1182 = arith.constant 64 : index
        %swap3A_1183 = tpu.vector_load %arg10[%swap3A_1181, %swap3A_1182] {strides = array<i32>} : memref<80x128xf32, #tpu.memory_space<vmem>>, vector<1x16xf32>,
        %swap3A_1184 = vector.shape_cast %swap3A_1183 : vector<1x16xf32> to vector<16xf32>
        %swap3A_1185 = vector.shape_cast %mul3A_1180 : vector<16xf32> to vector<1x16xf32>
        tpu.vector_store %arg10[%swap3A_1181, %swap3A_1182], %swap3A_1185 {strides = array<i32>} : memref<80x128xf32, #tpu.memory_space<vmem>>, vector<1x16xf32>,
        %get3A_1186 = arith.index_cast %add3A_1135 : i32 to index
        %get3A_1187 = arith.constant 80 : index
        %get3A_1188 = tpu.vector_load %arg10[%get3A_1186, %get3A_1187] {strides = array<i32>} : memref<80x128xf32, #tpu.memory_space<vmem>>, vector<1x16xf32>,
        %get3A_1189 = vector.shape_cast %get3A_1188 : vector<1x16xf32> to vector<16xf32>
        %mul3A_1190 = arith.mulf %get3A_1189, %broadcast_in_dim3A_1131 : vector<16xf32>
        %swap3A_1191 = arith.index_cast %add3A_1135 : i32 to index
        %swap3A_1192 = arith.constant 80 : index
        %swap3A_1193 = tpu.vector_load %arg10[%swap3A_1191, %swap3A_1192] {strides = array<i32>} : memref<80x128xf32, #tpu.memory_space<vmem>>, vector<1x16xf32>,
        %swap3A_1194 = vector.shape_cast %swap3A_1193 : vector<1x16xf32> to vector<16xf32>
        %swap3A_1195 = vector.shape_cast %mul3A_1190 : vector<16xf32> to vector<1x16xf32>
        tpu.vector_store %arg10[%swap3A_1191, %swap3A_1192], %swap3A_1195 {strides = array<i32>} : memref<80x128xf32, #tpu.memory_space<vmem>>, vector<1x16xf32>,
        %get3A_1196 = arith.index_cast %add3A_1135 : i32 to index
        %get3A_1197 = arith.constant 96 : index
        %get3A_1198 = tpu.vector_load %arg10[%get3A_1196, %get3A_1197] {strides = array<i32>} : memref<80x128xf32, #tpu.memory_space<vmem>>, vector<1x16xf32>,
        %get3A_1199 = vector.shape_cast %get3A_1198 : vector<1x16xf32> to vector<16xf32>
        %mul3A_1200 = arith.mulf %get3A_1199, %broadcast_in_dim3A_1131 : vector<16xf32>
        %swap3A_1201 = arith.index_cast %add3A_1135 : i32 to index
        %swap3A_1202 = arith.constant 96 : index
        %swap3A_1203 = tpu.vector_load %arg10[%swap3A_1201, %swap3A_1202] {strides = array<i32>} : memref<80x128xf32, #tpu.memory_space<vmem>>, vector<1x16xf32>,
        %swap3A_1204 = vector.shape_cast %swap3A_1203 : vector<1x16xf32> to vector<16xf32>
        %swap3A_1205 = vector.shape_cast %mul3A_1200 : vector<16xf32> to vector<1x16xf32>
        tpu.vector_store %arg10[%swap3A_1201, %swap3A_1202], %swap3A_1205 {strides = array<i32>} : memref<80x128xf32, #tpu.memory_space<vmem>>, vector<1x16xf32>,
        %get3A_1206 = arith.index_cast %add3A_1135 : i32 to index
        %get3A_1207 = arith.constant 112 : index
        %get3A_1208 = tpu.vector_load %arg10[%get3A_1206, %get3A_1207] {strides = array<i32>} : memref<80x128xf32, #tpu.memory_space<vmem>>, vector<1x16xf32>,
        %get3A_1209 = vector.shape_cast %get3A_1208 : vector<1x16xf32> to vector<16xf32>
        %mul3A_1210 = arith.mulf %get3A_1209, %broadcast_in_dim3A_1131 : vector<16xf32>
        %swap3A_1211 = arith.index_cast %add3A_1135 : i32 to index
        %swap3A_1212 = arith.constant 112 : index
        %swap3A_1213 = tpu.vector_load %arg10[%swap3A_1211, %swap3A_1212] {strides = array<i32>} : memref<80x128xf32, #tpu.memory_space<vmem>>, vector<1x16xf32>,
        %swap3A_1214 = vector.shape_cast %swap3A_1213 : vector<1x16xf32> to vector<16xf32>
        %swap3A_1215 = vector.shape_cast %mul3A_1210 : vector<16xf32> to vector<1x16xf32>
        tpu.vector_store %arg10[%swap3A_1211, %swap3A_1212], %swap3A_1215 {strides = array<i32>} : memref<80x128xf32, #tpu.memory_space<vmem>>, vector<1x16xf32>,
        %slice3A_1216 = vector.extract_strided_slice %get3A_88 {offsets = [13], sizes = [1], strides = [1]} : vector<16xf32> to vector<1xf32>
        %squeeze3A_1217 = vector.extract %slice3A_1216[0] : f32 from vector<1xf32>
        %broadcast_in_dim3A_1218 = vector.broadcast %squeeze3A_1217 : f32 to vector<16xf32>
        %mul3A_1219 = arith.constant 16 : i32
        %mul3A_1220 = arith.muli %scan3A_83, %mul3A_1219 : i32
        %add3A_1221 = arith.constant 13 : i32
        %add3A_1222 = arith.addi %mul3A_1220, %add3A_1221 : i32
        %get3A_1223 = arith.index_cast %add3A_1222 : i32 to index
        %get3A_1224 = arith.constant 0 : index
        %get3A_1225 = tpu.vector_load %arg10[%get3A_1223, %get3A_1224] {strides = array<i32>} : memref<80x128xf32, #tpu.memory_space<vmem>>, vector<1x16xf32>,
        %get3A_1226 = vector.shape_cast %get3A_1225 : vector<1x16xf32> to vector<16xf32>
        %mul3A_1227 = arith.mulf %get3A_1226, %broadcast_in_dim3A_1218 : vector<16xf32>
        %swap3A_1228 = arith.index_cast %add3A_1222 : i32 to index
        %swap3A_1229 = arith.constant 0 : index
        %swap3A_1230 = tpu.vector_load %arg10[%swap3A_1228, %swap3A_1229] {strides = array<i32>} : memref<80x128xf32, #tpu.memory_space<vmem>>, vector<1x16xf32>,
        %swap3A_1231 = vector.shape_cast %swap3A_1230 : vector<1x16xf32> to vector<16xf32>
        %swap3A_1232 = vector.shape_cast %mul3A_1227 : vector<16xf32> to vector<1x16xf32>
        tpu.vector_store %arg10[%swap3A_1228, %swap3A_1229], %swap3A_1232 {strides = array<i32>} : memref<80x128xf32, #tpu.memory_space<vmem>>, vector<1x16xf32>,
        %get3A_1233 = arith.index_cast %add3A_1222 : i32 to index
        %get3A_1234 = arith.constant 16 : index
        %get3A_1235 = tpu.vector_load %arg10[%get3A_1233, %get3A_1234] {strides = array<i32>} : memref<80x128xf32, #tpu.memory_space<vmem>>, vector<1x16xf32>,
        %get3A_1236 = vector.shape_cast %get3A_1235 : vector<1x16xf32> to vector<16xf32>
        %mul3A_1237 = arith.mulf %get3A_1236, %broadcast_in_dim3A_1218 : vector<16xf32>
        %swap3A_1238 = arith.index_cast %add3A_1222 : i32 to index
        %swap3A_1239 = arith.constant 16 : index
        %swap3A_1240 = tpu.vector_load %arg10[%swap3A_1238, %swap3A_1239] {strides = array<i32>} : memref<80x128xf32, #tpu.memory_space<vmem>>, vector<1x16xf32>,
        %swap3A_1241 = vector.shape_cast %swap3A_1240 : vector<1x16xf32> to vector<16xf32>
        %swap3A_1242 = vector.shape_cast %mul3A_1237 : vector<16xf32> to vector<1x16xf32>
        tpu.vector_store %arg10[%swap3A_1238, %swap3A_1239], %swap3A_1242 {strides = array<i32>} : memref<80x128xf32, #tpu.memory_space<vmem>>, vector<1x16xf32>,
        %get3A_1243 = arith.index_cast %add3A_1222 : i32 to index
        %get3A_1244 = arith.constant 32 : index
        %get3A_1245 = tpu.vector_load %arg10[%get3A_1243, %get3A_1244] {strides = array<i32>} : memref<80x128xf32, #tpu.memory_space<vmem>>, vector<1x16xf32>,
        %get3A_1246 = vector.shape_cast %get3A_1245 : vector<1x16xf32> to vector<16xf32>
        %mul3A_1247 = arith.mulf %get3A_1246, %broadcast_in_dim3A_1218 : vector<16xf32>
        %swap3A_1248 = arith.index_cast %add3A_1222 : i32 to index
        %swap3A_1249 = arith.constant 32 : index
        %swap3A_1250 = tpu.vector_load %arg10[%swap3A_1248, %swap3A_1249] {strides = array<i32>} : memref<80x128xf32, #tpu.memory_space<vmem>>, vector<1x16xf32>,
        %swap3A_1251 = vector.shape_cast %swap3A_1250 : vector<1x16xf32> to vector<16xf32>
        %swap3A_1252 = vector.shape_cast %mul3A_1247 : vector<16xf32> to vector<1x16xf32>
        tpu.vector_store %arg10[%swap3A_1248, %swap3A_1249], %swap3A_1252 {strides = array<i32>} : memref<80x128xf32, #tpu.memory_space<vmem>>, vector<1x16xf32>,
        %get3A_1253 = arith.index_cast %add3A_1222 : i32 to index
        %get3A_1254 = arith.constant 48 : index
        %get3A_1255 = tpu.vector_load %arg10[%get3A_1253, %get3A_1254] {strides = array<i32>} : memref<80x128xf32, #tpu.memory_space<vmem>>, vector<1x16xf32>,
        %get3A_1256 = vector.shape_cast %get3A_1255 : vector<1x16xf32> to vector<16xf32>
        %mul3A_1257 = arith.mulf %get3A_1256, %broadcast_in_dim3A_1218 : vector<16xf32>
        %swap3A_1258 = arith.index_cast %add3A_1222 : i32 to index
        %swap3A_1259 = arith.constant 48 : index
        %swap3A_1260 = tpu.vector_load %arg10[%swap3A_1258, %swap3A_1259] {strides = array<i32>} : memref<80x128xf32, #tpu.memory_space<vmem>>, vector<1x16xf32>,
        %swap3A_1261 = vector.shape_cast %swap3A_1260 : vector<1x16xf32> to vector<16xf32>
        %swap3A_1262 = vector.shape_cast %mul3A_1257 : vector<16xf32> to vector<1x16xf32>
        tpu.vector_store %arg10[%swap3A_1258, %swap3A_1259], %swap3A_1262 {strides = array<i32>} : memref<80x128xf32, #tpu.memory_space<vmem>>, vector<1x16xf32>,
        %get3A_1263 = arith.index_cast %add3A_1222 : i32 to index
        %get3A_1264 = arith.constant 64 : index
        %get3A_1265 = tpu.vector_load %arg10[%get3A_1263, %get3A_1264] {strides = array<i32>} : memref<80x128xf32, #tpu.memory_space<vmem>>, vector<1x16xf32>,
        %get3A_1266 = vector.shape_cast %get3A_1265 : vector<1x16xf32> to vector<16xf32>
        %mul3A_1267 = arith.mulf %get3A_1266, %broadcast_in_dim3A_1218 : vector<16xf32>
        %swap3A_1268 = arith.index_cast %add3A_1222 : i32 to index
        %swap3A_1269 = arith.constant 64 : index
        %swap3A_1270 = tpu.vector_load %arg10[%swap3A_1268, %swap3A_1269] {strides = array<i32>} : memref<80x128xf32, #tpu.memory_space<vmem>>, vector<1x16xf32>,
        %swap3A_1271 = vector.shape_cast %swap3A_1270 : vector<1x16xf32> to vector<16xf32>
        %swap3A_1272 = vector.shape_cast %mul3A_1267 : vector<16xf32> to vector<1x16xf32>
        tpu.vector_store %arg10[%swap3A_1268, %swap3A_1269], %swap3A_1272 {strides = array<i32>} : memref<80x128xf32, #tpu.memory_space<vmem>>, vector<1x16xf32>,
        %get3A_1273 = arith.index_cast %add3A_1222 : i32 to index
        %get3A_1274 = arith.constant 80 : index
        %get3A_1275 = tpu.vector_load %arg10[%get3A_1273, %get3A_1274] {strides = array<i32>} : memref<80x128xf32, #tpu.memory_space<vmem>>, vector<1x16xf32>,
        %get3A_1276 = vector.shape_cast %get3A_1275 : vector<1x16xf32> to vector<16xf32>
        %mul3A_1277 = arith.mulf %get3A_1276, %broadcast_in_dim3A_1218 : vector<16xf32>
        %swap3A_1278 = arith.index_cast %add3A_1222 : i32 to index
        %swap3A_1279 = arith.constant 80 : index
        %swap3A_1280 = tpu.vector_load %arg10[%swap3A_1278, %swap3A_1279] {strides = array<i32>} : memref<80x128xf32, #tpu.memory_space<vmem>>, vector<1x16xf32>,
        %swap3A_1281 = vector.shape_cast %swap3A_1280 : vector<1x16xf32> to vector<16xf32>
        %swap3A_1282 = vector.shape_cast %mul3A_1277 : vector<16xf32> to vector<1x16xf32>
        tpu.vector_store %arg10[%swap3A_1278, %swap3A_1279], %swap3A_1282 {strides = array<i32>} : memref<80x128xf32, #tpu.memory_space<vmem>>, vector<1x16xf32>,
        %get3A_1283 = arith.index_cast %add3A_1222 : i32 to index
        %get3A_1284 = arith.constant 96 : index
        %get3A_1285 = tpu.vector_load %arg10[%get3A_1283, %get3A_1284] {strides = array<i32>} : memref<80x128xf32, #tpu.memory_space<vmem>>, vector<1x16xf32>,
        %get3A_1286 = vector.shape_cast %get3A_1285 : vector<1x16xf32> to vector<16xf32>
        %mul3A_1287 = arith.mulf %get3A_1286, %broadcast_in_dim3A_1218 : vector<16xf32>
        %swap3A_1288 = arith.index_cast %add3A_1222 : i32 to index
        %swap3A_1289 = arith.constant 96 : index
        %swap3A_1290 = tpu.vector_load %arg10[%swap3A_1288, %swap3A_1289] {strides = array<i32>} : memref<80x128xf32, #tpu.memory_space<vmem>>, vector<1x16xf32>,
        %swap3A_1291 = vector.shape_cast %swap3A_1290 : vector<1x16xf32> to vector<16xf32>
        %swap3A_1292 = vector.shape_cast %mul3A_1287 : vector<16xf32> to vector<1x16xf32>
        tpu.vector_store %arg10[%swap3A_1288, %swap3A_1289], %swap3A_1292 {strides = array<i32>} : memref<80x128xf32, #tpu.memory_space<vmem>>, vector<1x16xf32>,
        %get3A_1293 = arith.index_cast %add3A_1222 : i32 to index
        %get3A_1294 = arith.constant 112 : index
        %get3A_1295 = tpu.vector_load %arg10[%get3A_1293, %get3A_1294] {strides = array<i32>} : memref<80x128xf32, #tpu.memory_space<vmem>>, vector<1x16xf32>,
        %get3A_1296 = vector.shape_cast %get3A_1295 : vector<1x16xf32> to vector<16xf32>
        %mul3A_1297 = arith.mulf %get3A_1296, %broadcast_in_dim3A_1218 : vector<16xf32>
        %swap3A_1298 = arith.index_cast %add3A_1222 : i32 to index
        %swap3A_1299 = arith.constant 112 : index
        %swap3A_1300 = tpu.vector_load %arg10[%swap3A_1298, %swap3A_1299] {strides = array<i32>} : memref<80x128xf32, #tpu.memory_space<vmem>>, vector<1x16xf32>,
        %swap3A_1301 = vector.shape_cast %swap3A_1300 : vector<1x16xf32> to vector<16xf32>
        %swap3A_1302 = vector.shape_cast %mul3A_1297 : vector<16xf32> to vector<1x16xf32>
        tpu.vector_store %arg10[%swap3A_1298, %swap3A_1299], %swap3A_1302 {strides = array<i32>} : memref<80x128xf32, #tpu.memory_space<vmem>>, vector<1x16xf32>,
        %slice3A_1303 = vector.extract_strided_slice %get3A_88 {offsets = [14], sizes = [1], strides = [1]} : vector<16xf32> to vector<1xf32>
        %squeeze3A_1304 = vector.extract %slice3A_1303[0] : f32 from vector<1xf32>
        %broadcast_in_dim3A_1305 = vector.broadcast %squeeze3A_1304 : f32 to vector<16xf32>
        %mul3A_1306 = arith.constant 16 : i32
        %mul3A_1307 = arith.muli %scan3A_83, %mul3A_1306 : i32
        %add3A_1308 = arith.constant 14 : i32
        %add3A_1309 = arith.addi %mul3A_1307, %add3A_1308 : i32
        %get3A_1310 = arith.index_cast %add3A_1309 : i32 to index
        %get3A_1311 = arith.constant 0 : index
        %get3A_1312 = tpu.vector_load %arg10[%get3A_1310, %get3A_1311] {strides = array<i32>} : memref<80x128xf32, #tpu.memory_space<vmem>>, vector<1x16xf32>,
        %get3A_1313 = vector.shape_cast %get3A_1312 : vector<1x16xf32> to vector<16xf32>
        %mul3A_1314 = arith.mulf %get3A_1313, %broadcast_in_dim3A_1305 : vector<16xf32>
        %swap3A_1315 = arith.index_cast %add3A_1309 : i32 to index
        %swap3A_1316 = arith.constant 0 : index
        %swap3A_1317 = tpu.vector_load %arg10[%swap3A_1315, %swap3A_1316] {strides = array<i32>} : memref<80x128xf32, #tpu.memory_space<vmem>>, vector<1x16xf32>,
        %swap3A_1318 = vector.shape_cast %swap3A_1317 : vector<1x16xf32> to vector<16xf32>
        %swap3A_1319 = vector.shape_cast %mul3A_1314 : vector<16xf32> to vector<1x16xf32>
        tpu.vector_store %arg10[%swap3A_1315, %swap3A_1316], %swap3A_1319 {strides = array<i32>} : memref<80x128xf32, #tpu.memory_space<vmem>>, vector<1x16xf32>,
        %get3A_1320 = arith.index_cast %add3A_1309 : i32 to index
        %get3A_1321 = arith.constant 16 : index
        %get3A_1322 = tpu.vector_load %arg10[%get3A_1320, %get3A_1321] {strides = array<i32>} : memref<80x128xf32, #tpu.memory_space<vmem>>, vector<1x16xf32>,
        %get3A_1323 = vector.shape_cast %get3A_1322 : vector<1x16xf32> to vector<16xf32>
        %mul3A_1324 = arith.mulf %get3A_1323, %broadcast_in_dim3A_1305 : vector<16xf32>
        %swap3A_1325 = arith.index_cast %add3A_1309 : i32 to index
        %swap3A_1326 = arith.constant 16 : index
        %swap3A_1327 = tpu.vector_load %arg10[%swap3A_1325, %swap3A_1326] {strides = array<i32>} : memref<80x128xf32, #tpu.memory_space<vmem>>, vector<1x16xf32>,
        %swap3A_1328 = vector.shape_cast %swap3A_1327 : vector<1x16xf32> to vector<16xf32>
        %swap3A_1329 = vector.shape_cast %mul3A_1324 : vector<16xf32> to vector<1x16xf32>
        tpu.vector_store %arg10[%swap3A_1325, %swap3A_1326], %swap3A_1329 {strides = array<i32>} : memref<80x128xf32, #tpu.memory_space<vmem>>, vector<1x16xf32>,
        %get3A_1330 = arith.index_cast %add3A_1309 : i32 to index
        %get3A_1331 = arith.constant 32 : index
        %get3A_1332 = tpu.vector_load %arg10[%get3A_1330, %get3A_1331] {strides = array<i32>} : memref<80x128xf32, #tpu.memory_space<vmem>>, vector<1x16xf32>,
        %get3A_1333 = vector.shape_cast %get3A_1332 : vector<1x16xf32> to vector<16xf32>
        %mul3A_1334 = arith.mulf %get3A_1333, %broadcast_in_dim3A_1305 : vector<16xf32>
        %swap3A_1335 = arith.index_cast %add3A_1309 : i32 to index
        %swap3A_1336 = arith.constant 32 : index
        %swap3A_1337 = tpu.vector_load %arg10[%swap3A_1335, %swap3A_1336] {strides = array<i32>} : memref<80x128xf32, #tpu.memory_space<vmem>>, vector<1x16xf32>,
        %swap3A_1338 = vector.shape_cast %swap3A_1337 : vector<1x16xf32> to vector<16xf32>
        %swap3A_1339 = vector.shape_cast %mul3A_1334 : vector<16xf32> to vector<1x16xf32>
        tpu.vector_store %arg10[%swap3A_1335, %swap3A_1336], %swap3A_1339 {strides = array<i32>} : memref<80x128xf32, #tpu.memory_space<vmem>>, vector<1x16xf32>,
        %get3A_1340 = arith.index_cast %add3A_1309 : i32 to index
        %get3A_1341 = arith.constant 48 : index
        %get3A_1342 = tpu.vector_load %arg10[%get3A_1340, %get3A_1341] {strides = array<i32>} : memref<80x128xf32, #tpu.memory_space<vmem>>, vector<1x16xf32>,
        %get3A_1343 = vector.shape_cast %get3A_1342 : vector<1x16xf32> to vector<16xf32>
        %mul3A_1344 = arith.mulf %get3A_1343, %broadcast_in_dim3A_1305 : vector<16xf32>
        %swap3A_1345 = arith.index_cast %add3A_1309 : i32 to index
        %swap3A_1346 = arith.constant 48 : index
        %swap3A_1347 = tpu.vector_load %arg10[%swap3A_1345, %swap3A_1346] {strides = array<i32>} : memref<80x128xf32, #tpu.memory_space<vmem>>, vector<1x16xf32>,
        %swap3A_1348 = vector.shape_cast %swap3A_1347 : vector<1x16xf32> to vector<16xf32>
        %swap3A_1349 = vector.shape_cast %mul3A_1344 : vector<16xf32> to vector<1x16xf32>
        tpu.vector_store %arg10[%swap3A_1345, %swap3A_1346], %swap3A_1349 {strides = array<i32>} : memref<80x128xf32, #tpu.memory_space<vmem>>, vector<1x16xf32>,
        %get3A_1350 = arith.index_cast %add3A_1309 : i32 to index
        %get3A_1351 = arith.constant 64 : index
        %get3A_1352 = tpu.vector_load %arg10[%get3A_1350, %get3A_1351] {strides = array<i32>} : memref<80x128xf32, #tpu.memory_space<vmem>>, vector<1x16xf32>,
        %get3A_1353 = vector.shape_cast %get3A_1352 : vector<1x16xf32> to vector<16xf32>
        %mul3A_1354 = arith.mulf %get3A_1353, %broadcast_in_dim3A_1305 : vector<16xf32>
        %swap3A_1355 = arith.index_cast %add3A_1309 : i32 to index
        %swap3A_1356 = arith.constant 64 : index
        %swap3A_1357 = tpu.vector_load %arg10[%swap3A_1355, %swap3A_1356] {strides = array<i32>} : memref<80x128xf32, #tpu.memory_space<vmem>>, vector<1x16xf32>,
        %swap3A_1358 = vector.shape_cast %swap3A_1357 : vector<1x16xf32> to vector<16xf32>
        %swap3A_1359 = vector.shape_cast %mul3A_1354 : vector<16xf32> to vector<1x16xf32>
        tpu.vector_store %arg10[%swap3A_1355, %swap3A_1356], %swap3A_1359 {strides = array<i32>} : memref<80x128xf32, #tpu.memory_space<vmem>>, vector<1x16xf32>,
        %get3A_1360 = arith.index_cast %add3A_1309 : i32 to index
        %get3A_1361 = arith.constant 80 : index
        %get3A_1362 = tpu.vector_load %arg10[%get3A_1360, %get3A_1361] {strides = array<i32>} : memref<80x128xf32, #tpu.memory_space<vmem>>, vector<1x16xf32>,
        %get3A_1363 = vector.shape_cast %get3A_1362 : vector<1x16xf32> to vector<16xf32>
        %mul3A_1364 = arith.mulf %get3A_1363, %broadcast_in_dim3A_1305 : vector<16xf32>
        %swap3A_1365 = arith.index_cast %add3A_1309 : i32 to index
        %swap3A_1366 = arith.constant 80 : index
        %swap3A_1367 = tpu.vector_load %arg10[%swap3A_1365, %swap3A_1366] {strides = array<i32>} : memref<80x128xf32, #tpu.memory_space<vmem>>, vector<1x16xf32>,
        %swap3A_1368 = vector.shape_cast %swap3A_1367 : vector<1x16xf32> to vector<16xf32>
        %swap3A_1369 = vector.shape_cast %mul3A_1364 : vector<16xf32> to vector<1x16xf32>
        tpu.vector_store %arg10[%swap3A_1365, %swap3A_1366], %swap3A_1369 {strides = array<i32>} : memref<80x128xf32, #tpu.memory_space<vmem>>, vector<1x16xf32>,
        %get3A_1370 = arith.index_cast %add3A_1309 : i32 to index
        %get3A_1371 = arith.constant 96 : index
        %get3A_1372 = tpu.vector_load %arg10[%get3A_1370, %get3A_1371] {strides = array<i32>} : memref<80x128xf32, #tpu.memory_space<vmem>>, vector<1x16xf32>,
        %get3A_1373 = vector.shape_cast %get3A_1372 : vector<1x16xf32> to vector<16xf32>
        %mul3A_1374 = arith.mulf %get3A_1373, %broadcast_in_dim3A_1305 : vector<16xf32>
        %swap3A_1375 = arith.index_cast %add3A_1309 : i32 to index
        %swap3A_1376 = arith.constant 96 : index
        %swap3A_1377 = tpu.vector_load %arg10[%swap3A_1375, %swap3A_1376] {strides = array<i32>} : memref<80x128xf32, #tpu.memory_space<vmem>>, vector<1x16xf32>,
        %swap3A_1378 = vector.shape_cast %swap3A_1377 : vector<1x16xf32> to vector<16xf32>
        %swap3A_1379 = vector.shape_cast %mul3A_1374 : vector<16xf32> to vector<1x16xf32>
        tpu.vector_store %arg10[%swap3A_1375, %swap3A_1376], %swap3A_1379 {strides = array<i32>} : memref<80x128xf32, #tpu.memory_space<vmem>>, vector<1x16xf32>,
        %get3A_1380 = arith.index_cast %add3A_1309 : i32 to index
        %get3A_1381 = arith.constant 112 : index
        %get3A_1382 = tpu.vector_load %arg10[%get3A_1380, %get3A_1381] {strides = array<i32>} : memref<80x128xf32, #tpu.memory_space<vmem>>, vector<1x16xf32>,
        %get3A_1383 = vector.shape_cast %get3A_1382 : vector<1x16xf32> to vector<16xf32>
        %mul3A_1384 = arith.mulf %get3A_1383, %broadcast_in_dim3A_1305 : vector<16xf32>
        %swap3A_1385 = arith.index_cast %add3A_1309 : i32 to index
        %swap3A_1386 = arith.constant 112 : index
        %swap3A_1387 = tpu.vector_load %arg10[%swap3A_1385, %swap3A_1386] {strides = array<i32>} : memref<80x128xf32, #tpu.memory_space<vmem>>, vector<1x16xf32>,
        %swap3A_1388 = vector.shape_cast %swap3A_1387 : vector<1x16xf32> to vector<16xf32>
        %swap3A_1389 = vector.shape_cast %mul3A_1384 : vector<16xf32> to vector<1x16xf32>
        tpu.vector_store %arg10[%swap3A_1385, %swap3A_1386], %swap3A_1389 {strides = array<i32>} : memref<80x128xf32, #tpu.memory_space<vmem>>, vector<1x16xf32>,
        %slice3A_1390 = vector.extract_strided_slice %get3A_88 {offsets = [15], sizes = [1], strides = [1]} : vector<16xf32> to vector<1xf32>
        %squeeze3A_1391 = vector.extract %slice3A_1390[0] : f32 from vector<1xf32>
        %broadcast_in_dim3A_1392 = vector.broadcast %squeeze3A_1391 : f32 to vector<16xf32>
        %mul3A_1393 = arith.constant 16 : i32
        %mul3A_1394 = arith.muli %scan3A_83, %mul3A_1393 : i32
        %add3A_1395 = arith.constant 15 : i32
        %add3A_1396 = arith.addi %mul3A_1394, %add3A_1395 : i32
        %get3A_1397 = arith.index_cast %add3A_1396 : i32 to index
        %get3A_1398 = arith.constant 0 : index
        %get3A_1399 = tpu.vector_load %arg10[%get3A_1397, %get3A_1398] {strides = array<i32>} : memref<80x128xf32, #tpu.memory_space<vmem>>, vector<1x16xf32>,
        %get3A_1400 = vector.shape_cast %get3A_1399 : vector<1x16xf32> to vector<16xf32>
        %mul3A_1401 = arith.mulf %get3A_1400, %broadcast_in_dim3A_1392 : vector<16xf32>
        %swap3A_1402 = arith.index_cast %add3A_1396 : i32 to index
        %swap3A_1403 = arith.constant 0 : index
        %swap3A_1404 = tpu.vector_load %arg10[%swap3A_1402, %swap3A_1403] {strides = array<i32>} : memref<80x128xf32, #tpu.memory_space<vmem>>, vector<1x16xf32>,
        %swap3A_1405 = vector.shape_cast %swap3A_1404 : vector<1x16xf32> to vector<16xf32>
        %swap3A_1406 = vector.shape_cast %mul3A_1401 : vector<16xf32> to vector<1x16xf32>
        tpu.vector_store %arg10[%swap3A_1402, %swap3A_1403], %swap3A_1406 {strides = array<i32>} : memref<80x128xf32, #tpu.memory_space<vmem>>, vector<1x16xf32>,
        %get3A_1407 = arith.index_cast %add3A_1396 : i32 to index
        %get3A_1408 = arith.constant 16 : index
        %get3A_1409 = tpu.vector_load %arg10[%get3A_1407, %get3A_1408] {strides = array<i32>} : memref<80x128xf32, #tpu.memory_space<vmem>>, vector<1x16xf32>,
        %get3A_1410 = vector.shape_cast %get3A_1409 : vector<1x16xf32> to vector<16xf32>
        %mul3A_1411 = arith.mulf %get3A_1410, %broadcast_in_dim3A_1392 : vector<16xf32>
        %swap3A_1412 = arith.index_cast %add3A_1396 : i32 to index
        %swap3A_1413 = arith.constant 16 : index
        %swap3A_1414 = tpu.vector_load %arg10[%swap3A_1412, %swap3A_1413] {strides = array<i32>} : memref<80x128xf32, #tpu.memory_space<vmem>>, vector<1x16xf32>,
        %swap3A_1415 = vector.shape_cast %swap3A_1414 : vector<1x16xf32> to vector<16xf32>
        %swap3A_1416 = vector.shape_cast %mul3A_1411 : vector<16xf32> to vector<1x16xf32>
        tpu.vector_store %arg10[%swap3A_1412, %swap3A_1413], %swap3A_1416 {strides = array<i32>} : memref<80x128xf32, #tpu.memory_space<vmem>>, vector<1x16xf32>,
        %get3A_1417 = arith.index_cast %add3A_1396 : i32 to index
        %get3A_1418 = arith.constant 32 : index
        %get3A_1419 = tpu.vector_load %arg10[%get3A_1417, %get3A_1418] {strides = array<i32>} : memref<80x128xf32, #tpu.memory_space<vmem>>, vector<1x16xf32>,
        %get3A_1420 = vector.shape_cast %get3A_1419 : vector<1x16xf32> to vector<16xf32>
        %mul3A_1421 = arith.mulf %get3A_1420, %broadcast_in_dim3A_1392 : vector<16xf32>
        %swap3A_1422 = arith.index_cast %add3A_1396 : i32 to index
        %swap3A_1423 = arith.constant 32 : index
        %swap3A_1424 = tpu.vector_load %arg10[%swap3A_1422, %swap3A_1423] {strides = array<i32>} : memref<80x128xf32, #tpu.memory_space<vmem>>, vector<1x16xf32>,
        %swap3A_1425 = vector.shape_cast %swap3A_1424 : vector<1x16xf32> to vector<16xf32>
        %swap3A_1426 = vector.shape_cast %mul3A_1421 : vector<16xf32> to vector<1x16xf32>
        tpu.vector_store %arg10[%swap3A_1422, %swap3A_1423], %swap3A_1426 {strides = array<i32>} : memref<80x128xf32, #tpu.memory_space<vmem>>, vector<1x16xf32>,
        %get3A_1427 = arith.index_cast %add3A_1396 : i32 to index
        %get3A_1428 = arith.constant 48 : index
        %get3A_1429 = tpu.vector_load %arg10[%get3A_1427, %get3A_1428] {strides = array<i32>} : memref<80x128xf32, #tpu.memory_space<vmem>>, vector<1x16xf32>,
        %get3A_1430 = vector.shape_cast %get3A_1429 : vector<1x16xf32> to vector<16xf32>
        %mul3A_1431 = arith.mulf %get3A_1430, %broadcast_in_dim3A_1392 : vector<16xf32>
        %swap3A_1432 = arith.index_cast %add3A_1396 : i32 to index
        %swap3A_1433 = arith.constant 48 : index
        %swap3A_1434 = tpu.vector_load %arg10[%swap3A_1432, %swap3A_1433] {strides = array<i32>} : memref<80x128xf32, #tpu.memory_space<vmem>>, vector<1x16xf32>,
        %swap3A_1435 = vector.shape_cast %swap3A_1434 : vector<1x16xf32> to vector<16xf32>
        %swap3A_1436 = vector.shape_cast %mul3A_1431 : vector<16xf32> to vector<1x16xf32>
        tpu.vector_store %arg10[%swap3A_1432, %swap3A_1433], %swap3A_1436 {strides = array<i32>} : memref<80x128xf32, #tpu.memory_space<vmem>>, vector<1x16xf32>,
        %get3A_1437 = arith.index_cast %add3A_1396 : i32 to index
        %get3A_1438 = arith.constant 64 : index
        %get3A_1439 = tpu.vector_load %arg10[%get3A_1437, %get3A_1438] {strides = array<i32>} : memref<80x128xf32, #tpu.memory_space<vmem>>, vector<1x16xf32>,
        %get3A_1440 = vector.shape_cast %get3A_1439 : vector<1x16xf32> to vector<16xf32>
        %mul3A_1441 = arith.mulf %get3A_1440, %broadcast_in_dim3A_1392 : vector<16xf32>
        %swap3A_1442 = arith.index_cast %add3A_1396 : i32 to index
        %swap3A_1443 = arith.constant 64 : index
        %swap3A_1444 = tpu.vector_load %arg10[%swap3A_1442, %swap3A_1443] {strides = array<i32>} : memref<80x128xf32, #tpu.memory_space<vmem>>, vector<1x16xf32>,
        %swap3A_1445 = vector.shape_cast %swap3A_1444 : vector<1x16xf32> to vector<16xf32>
        %swap3A_1446 = vector.shape_cast %mul3A_1441 : vector<16xf32> to vector<1x16xf32>
        tpu.vector_store %arg10[%swap3A_1442, %swap3A_1443], %swap3A_1446 {strides = array<i32>} : memref<80x128xf32, #tpu.memory_space<vmem>>, vector<1x16xf32>,
        %get3A_1447 = arith.index_cast %add3A_1396 : i32 to index
        %get3A_1448 = arith.constant 80 : index
        %get3A_1449 = tpu.vector_load %arg10[%get3A_1447, %get3A_1448] {strides = array<i32>} : memref<80x128xf32, #tpu.memory_space<vmem>>, vector<1x16xf32>,
        %get3A_1450 = vector.shape_cast %get3A_1449 : vector<1x16xf32> to vector<16xf32>
        %mul3A_1451 = arith.mulf %get3A_1450, %broadcast_in_dim3A_1392 : vector<16xf32>
        %swap3A_1452 = arith.index_cast %add3A_1396 : i32 to index
        %swap3A_1453 = arith.constant 80 : index
        %swap3A_1454 = tpu.vector_load %arg10[%swap3A_1452, %swap3A_1453] {strides = array<i32>} : memref<80x128xf32, #tpu.memory_space<vmem>>, vector<1x16xf32>,
        %swap3A_1455 = vector.shape_cast %swap3A_1454 : vector<1x16xf32> to vector<16xf32>
        %swap3A_1456 = vector.shape_cast %mul3A_1451 : vector<16xf32> to vector<1x16xf32>
        tpu.vector_store %arg10[%swap3A_1452, %swap3A_1453], %swap3A_1456 {strides = array<i32>} : memref<80x128xf32, #tpu.memory_space<vmem>>, vector<1x16xf32>,
        %get3A_1457 = arith.index_cast %add3A_1396 : i32 to index
        %get3A_1458 = arith.constant 96 : index
        %get3A_1459 = tpu.vector_load %arg10[%get3A_1457, %get3A_1458] {strides = array<i32>} : memref<80x128xf32, #tpu.memory_space<vmem>>, vector<1x16xf32>,
        %get3A_1460 = vector.shape_cast %get3A_1459 : vector<1x16xf32> to vector<16xf32>
        %mul3A_1461 = arith.mulf %get3A_1460, %broadcast_in_dim3A_1392 : vector<16xf32>
        %swap3A_1462 = arith.index_cast %add3A_1396 : i32 to index
        %swap3A_1463 = arith.constant 96 : index
        %swap3A_1464 = tpu.vector_load %arg10[%swap3A_1462, %swap3A_1463] {strides = array<i32>} : memref<80x128xf32, #tpu.memory_space<vmem>>, vector<1x16xf32>,
        %swap3A_1465 = vector.shape_cast %swap3A_1464 : vector<1x16xf32> to vector<16xf32>
        %swap3A_1466 = vector.shape_cast %mul3A_1461 : vector<16xf32> to vector<1x16xf32>
        tpu.vector_store %arg10[%swap3A_1462, %swap3A_1463], %swap3A_1466 {strides = array<i32>} : memref<80x128xf32, #tpu.memory_space<vmem>>, vector<1x16xf32>,
        %get3A_1467 = arith.index_cast %add3A_1396 : i32 to index
        %get3A_1468 = arith.constant 112 : index
        %get3A_1469 = tpu.vector_load %arg10[%get3A_1467, %get3A_1468] {strides = array<i32>} : memref<80x128xf32, #tpu.memory_space<vmem>>, vector<1x16xf32>,
        %get3A_1470 = vector.shape_cast %get3A_1469 : vector<1x16xf32> to vector<16xf32>
        %mul3A_1471 = arith.mulf %get3A_1470, %broadcast_in_dim3A_1392 : vector<16xf32>
        %swap3A_1472 = arith.index_cast %add3A_1396 : i32 to index
        %swap3A_1473 = arith.constant 112 : index
        %swap3A_1474 = tpu.vector_load %arg10[%swap3A_1472, %swap3A_1473] {strides = array<i32>} : memref<80x128xf32, #tpu.memory_space<vmem>>, vector<1x16xf32>,
        %swap3A_1475 = vector.shape_cast %swap3A_1474 : vector<1x16xf32> to vector<16xf32>
        %swap3A_1476 = vector.shape_cast %mul3A_1471 : vector<16xf32> to vector<1x16xf32>
        tpu.vector_store %arg10[%swap3A_1472, %swap3A_1473], %swap3A_1476 {strides = array<i32>} : memref<80x128xf32, #tpu.memory_space<vmem>>, vector<1x16xf32>,
        %scan3A_1477 = arith.constant 0 : i32
        scf.yield %scan3A_1477 : i32
      }
      %scan3A_81 = arith.constant 5 : i32
      "tpu.region"() ({
        %run_scoped3A = tpu.sem_alloc : memref<!tpu.dma_semaphore, #tpu.memory_space<semaphore_mem>>
        %dma_start3A = arith.constant 0 : i32
        %dma_start3A_83 = arith.constant 0 : i32
        %dma_start3A_84 = tpu.memref_slice %arg12[%dma_start3A, %dma_start3A_83] : memref<10000x128xf32, #tpu.memory_space<vmem_shared>> -> memref<10000x128xf32, #tpu.memory_space<vmem_shared>>
        tpu.enqueue_indirect_dma source(%arg10 : memref<80x128xf32, #tpu.memory_space<vmem>>) target(%dma_start3A_84 : memref<10000x128xf32, #tpu.memory_space<vmem_shared>>) offsets(%arg8 : memref<80xi32, #tpu.memory_space<vmem>>) semaphore(%run_scoped3A : memref<!tpu.dma_semaphore, #tpu.memory_space<semaphore_mem>>) {add = true}
        %dma_wait3A = arith.constant 0 : i32
        %dma_wait3A_85 = arith.constant 0 : i32
        %dma_wait3A_86 = tpu.memref_slice %arg12[%dma_wait3A, %dma_wait3A_85] : memref<10000x128xf32, #tpu.memory_space<vmem_shared>> -> memref<10000x128xf32, #tpu.memory_space<vmem_shared>>
        tpu.wait_indirect_dma semaphore(%run_scoped3A : memref<!tpu.dma_semaphore, #tpu.memory_space<semaphore_mem>>) src(%arg10 : memref<80x128xf32, #tpu.memory_space<vmem>>) dst(%dma_wait3A_86 : memref<10000x128xf32, #tpu.memory_space<vmem_shared>>)
        tpu.yield
      }) : () -> ()
      %scan3A_82 = arith.constant 0 : i32
      scf.yield %scan3A_82 : i32
    }
    %scan3A_38 = arith.constant 125 : i32
    %barrier3A_39 = arith.constant 0 : index
    tpu.barrier barrier_id(%barrier3A_39)
    %add3A_40 = arith.constant 0 : i32
    %add3A_41 = arith.addi %arg1, %add3A_40 : i32
    %lt3A_42 = arith.constant 50 : i32
    %lt3A_43 = arith.cmpi slt, %add3A_41, %lt3A_42 : i32
    %convert_element_type3A_44 = arith.extui %lt3A_43 : i1 to i32
    %cond3A_45 = arith.constant 0 : i32
    %cond3A_46 = arith.cmpi ne, %convert_element_type3A_44, %cond3A_45 : i32
    scf.if %cond3A_46 {
      %mul3A_68 = arith.constant 200 : i32
      %mul3A_69 = arith.muli %add3A_41, %mul3A_68 : i32
      "tpu.region"() ({
        %run_scoped3A = tpu.sem_alloc : memref<!tpu.dma_semaphore, #tpu.memory_space<semaphore_mem>>
        %dma_start3A = arith.constant 0 : i32
        %dma_start3A_70 = arith.constant 0 : i32
        %dma_start3A_71 = tpu.memref_slice %arg6[%arg0, %dma_start3A, %dma_start3A_70] : memref<2x10000x128xf32, #tpu.memory_space<hbm>> -> memref<1x10000x128xf32, #tpu.memory_space<hbm>>
        %dma_start3A_72 = tpu.memref_squeeze %dma_start3A_71 : memref<1x10000x128xf32, #tpu.memory_space<hbm>> -> memref<10000x128xf32, #tpu.memory_space<hbm>>
        %dma_start3A_73 = arith.constant 0 : i32
        %dma_start3A_74 = tpu.memref_slice %dma_start3A_72[%mul3A_69, %dma_start3A_73] : memref<10000x128xf32, #tpu.memory_space<hbm>> -> memref<200x128xf32, #tpu.memory_space<hbm>>
        %dma_start3A_75 = arith.constant 0 : i32
        %dma_start3A_76 = tpu.memref_slice %arg12[%mul3A_69, %dma_start3A_75] : memref<10000x128xf32, #tpu.memory_space<vmem_shared>> -> memref<200x128xf32, #tpu.memory_space<vmem_shared>>
        tpu.enqueue_dma source(%dma_start3A_76 : memref<200x128xf32, #tpu.memory_space<vmem_shared>>) target(%dma_start3A_74 : memref<200x128xf32, #tpu.memory_space<hbm>>) target_semaphore(%run_scoped3A : memref<!tpu.dma_semaphore, #tpu.memory_space<semaphore_mem>>)
        %dma_wait3A = arith.constant 0 : i32
        %dma_wait3A_77 = arith.constant 0 : i32
        %dma_wait3A_78 = tpu.memref_slice %arg6[%arg0, %dma_wait3A, %dma_wait3A_77] : memref<2x10000x128xf32, #tpu.memory_space<hbm>> -> memref<1x10000x128xf32, #tpu.memory_space<hbm>>
        %dma_wait3A_79 = tpu.memref_squeeze %dma_wait3A_78 : memref<1x10000x128xf32, #tpu.memory_space<hbm>> -> memref<10000x128xf32, #tpu.memory_space<hbm>>
        %dma_wait3A_80 = arith.constant 0 : i32
        %dma_wait3A_81 = tpu.memref_slice %dma_wait3A_79[%mul3A_69, %dma_wait3A_80] : memref<10000x128xf32, #tpu.memory_space<hbm>> -> memref<200x128xf32, #tpu.memory_space<hbm>>
        %dma_wait3A_82 = arith.constant 0 : i32
        %dma_wait3A_83 = tpu.memref_slice %arg12[%mul3A_69, %dma_wait3A_82] : memref<10000x128xf32, #tpu.memory_space<vmem_shared>> -> memref<200x128xf32, #tpu.memory_space<vmem_shared>>
        tpu.wait_dma2 semaphore(%run_scoped3A : memref<!tpu.dma_semaphore, #tpu.memory_space<semaphore_mem>>) src(%dma_wait3A_83 : memref<200x128xf32, #tpu.memory_space<vmem_shared>>) dst(%dma_wait3A_81 : memref<200x128xf32, #tpu.memory_space<hbm>>)
        tpu.yield
      }) : () -> ()
    } else {
    }
    %add3A_47 = arith.constant 16 : i32
    %add3A_48 = arith.addi %arg1, %add3A_47 : i32
    %lt3A_49 = arith.constant 50 : i32
    %lt3A_50 = arith.cmpi slt, %add3A_48, %lt3A_49 : i32
    %convert_element_type3A_51 = arith.extui %lt3A_50 : i1 to i32
    %cond3A_52 = arith.constant 0 : i32
    %cond3A_53 = arith.cmpi ne, %convert_element_type3A_51, %cond3A_52 : i32
    scf.if %cond3A_53 {
      %mul3A_68 = arith.constant 200 : i32
      %mul3A_69 = arith.muli %add3A_48, %mul3A_68 : i32
      "tpu.region"() ({
        %run_scoped3A = tpu.sem_alloc : memref<!tpu.dma_semaphore, #tpu.memory_space<semaphore_mem>>
        %dma_start3A = arith.constant 0 : i32
        %dma_start3A_70 = arith.constant 0 : i32
        %dma_start3A_71 = tpu.memref_slice %arg6[%arg0, %dma_start3A, %dma_start3A_70] : memref<2x10000x128xf32, #tpu.memory_space<hbm>> -> memref<1x10000x128xf32, #tpu.memory_space<hbm>>
        %dma_start3A_72 = tpu.memref_squeeze %dma_start3A_71 : memref<1x10000x128xf32, #tpu.memory_space<hbm>> -> memref<10000x128xf32, #tpu.memory_space<hbm>>
        %dma_start3A_73 = arith.constant 0 : i32
        %dma_start3A_74 = tpu.memref_slice %dma_start3A_72[%mul3A_69, %dma_start3A_73] : memref<10000x128xf32, #tpu.memory_space<hbm>> -> memref<200x128xf32, #tpu.memory_space<hbm>>
        %dma_start3A_75 = arith.constant 0 : i32
        %dma_start3A_76 = tpu.memref_slice %arg12[%mul3A_69, %dma_start3A_75] : memref<10000x128xf32, #tpu.memory_space<vmem_shared>> -> memref<200x128xf32, #tpu.memory_space<vmem_shared>>
        tpu.enqueue_dma source(%dma_start3A_76 : memref<200x128xf32, #tpu.memory_space<vmem_shared>>) target(%dma_start3A_74 : memref<200x128xf32, #tpu.memory_space<hbm>>) target_semaphore(%run_scoped3A : memref<!tpu.dma_semaphore, #tpu.memory_space<semaphore_mem>>)
        %dma_wait3A = arith.constant 0 : i32
        %dma_wait3A_77 = arith.constant 0 : i32
        %dma_wait3A_78 = tpu.memref_slice %arg6[%arg0, %dma_wait3A, %dma_wait3A_77] : memref<2x10000x128xf32, #tpu.memory_space<hbm>> -> memref<1x10000x128xf32, #tpu.memory_space<hbm>>
        %dma_wait3A_79 = tpu.memref_squeeze %dma_wait3A_78 : memref<1x10000x128xf32, #tpu.memory_space<hbm>> -> memref<10000x128xf32, #tpu.memory_space<hbm>>
        %dma_wait3A_80 = arith.constant 0 : i32
        %dma_wait3A_81 = tpu.memref_slice %dma_wait3A_79[%mul3A_69, %dma_wait3A_80] : memref<10000x128xf32, #tpu.memory_space<hbm>> -> memref<200x128xf32, #tpu.memory_space<hbm>>
        %dma_wait3A_82 = arith.constant 0 : i32
        %dma_wait3A_83 = tpu.memref_slice %arg12[%mul3A_69, %dma_wait3A_82] : memref<10000x128xf32, #tpu.memory_space<vmem_shared>> -> memref<200x128xf32, #tpu.memory_space<vmem_shared>>
        tpu.wait_dma2 semaphore(%run_scoped3A : memref<!tpu.dma_semaphore, #tpu.memory_space<semaphore_mem>>) src(%dma_wait3A_83 : memref<200x128xf32, #tpu.memory_space<vmem_shared>>) dst(%dma_wait3A_81 : memref<200x128xf32, #tpu.memory_space<hbm>>)
        tpu.yield
      }) : () -> ()
    } else {
    }
    %add3A_54 = arith.constant 32 : i32
    %add3A_55 = arith.addi %arg1, %add3A_54 : i32
    %lt3A_56 = arith.constant 50 : i32
    %lt3A_57 = arith.cmpi slt, %add3A_55, %lt3A_56 : i32
    %convert_element_type3A_58 = arith.extui %lt3A_57 : i1 to i32
    %cond3A_59 = arith.constant 0 : i32
    %cond3A_60 = arith.cmpi ne, %convert_element_type3A_58, %cond3A_59 : i32
    scf.if %cond3A_60 {
      %mul3A_68 = arith.constant 200 : i32
      %mul3A_69 = arith.muli %add3A_55, %mul3A_68 : i32
      "tpu.region"() ({
        %run_scoped3A = tpu.sem_alloc : memref<!tpu.dma_semaphore, #tpu.memory_space<semaphore_mem>>
        %dma_start3A = arith.constant 0 : i32
        %dma_start3A_70 = arith.constant 0 : i32
        %dma_start3A_71 = tpu.memref_slice %arg6[%arg0, %dma_start3A, %dma_start3A_70] : memref<2x10000x128xf32, #tpu.memory_space<hbm>> -> memref<1x10000x128xf32, #tpu.memory_space<hbm>>
        %dma_start3A_72 = tpu.memref_squeeze %dma_start3A_71 : memref<1x10000x128xf32, #tpu.memory_space<hbm>> -> memref<10000x128xf32, #tpu.memory_space<hbm>>
        %dma_start3A_73 = arith.constant 0 : i32
        %dma_start3A_74 = tpu.memref_slice %dma_start3A_72[%mul3A_69, %dma_start3A_73] : memref<10000x128xf32, #tpu.memory_space<hbm>> -> memref<200x128xf32, #tpu.memory_space<hbm>>
        %dma_start3A_75 = arith.constant 0 : i32
        %dma_start3A_76 = tpu.memref_slice %arg12[%mul3A_69, %dma_start3A_75] : memref<10000x128xf32, #tpu.memory_space<vmem_shared>> -> memref<200x128xf32, #tpu.memory_space<vmem_shared>>
        tpu.enqueue_dma source(%dma_start3A_76 : memref<200x128xf32, #tpu.memory_space<vmem_shared>>) target(%dma_start3A_74 : memref<200x128xf32, #tpu.memory_space<hbm>>) target_semaphore(%run_scoped3A : memref<!tpu.dma_semaphore, #tpu.memory_space<semaphore_mem>>)
        %dma_wait3A = arith.constant 0 : i32
        %dma_wait3A_77 = arith.constant 0 : i32
        %dma_wait3A_78 = tpu.memref_slice %arg6[%arg0, %dma_wait3A, %dma_wait3A_77] : memref<2x10000x128xf32, #tpu.memory_space<hbm>> -> memref<1x10000x128xf32, #tpu.memory_space<hbm>>
        %dma_wait3A_79 = tpu.memref_squeeze %dma_wait3A_78 : memref<1x10000x128xf32, #tpu.memory_space<hbm>> -> memref<10000x128xf32, #tpu.memory_space<hbm>>
        %dma_wait3A_80 = arith.constant 0 : i32
        %dma_wait3A_81 = tpu.memref_slice %dma_wait3A_79[%mul3A_69, %dma_wait3A_80] : memref<10000x128xf32, #tpu.memory_space<hbm>> -> memref<200x128xf32, #tpu.memory_space<hbm>>
        %dma_wait3A_82 = arith.constant 0 : i32
        %dma_wait3A_83 = tpu.memref_slice %arg12[%mul3A_69, %dma_wait3A_82] : memref<10000x128xf32, #tpu.memory_space<vmem_shared>> -> memref<200x128xf32, #tpu.memory_space<vmem_shared>>
        tpu.wait_dma2 semaphore(%run_scoped3A : memref<!tpu.dma_semaphore, #tpu.memory_space<semaphore_mem>>) src(%dma_wait3A_83 : memref<200x128xf32, #tpu.memory_space<vmem_shared>>) dst(%dma_wait3A_81 : memref<200x128xf32, #tpu.memory_space<hbm>>)
        tpu.yield
      }) : () -> ()
    } else {
    }
    %add3A_61 = arith.constant 48 : i32
    %add3A_62 = arith.addi %arg1, %add3A_61 : i32
    %lt3A_63 = arith.constant 50 : i32
    %lt3A_64 = arith.cmpi slt, %add3A_62, %lt3A_63 : i32
    %convert_element_type3A_65 = arith.extui %lt3A_64 : i1 to i32
    %cond3A_66 = arith.constant 0 : i32
    %cond3A_67 = arith.cmpi ne, %convert_element_type3A_65, %cond3A_66 : i32
    scf.if %cond3A_67 {
      %mul3A_68 = arith.constant 200 : i32
      %mul3A_69 = arith.muli %add3A_62, %mul3A_68 : i32
      "tpu.region"() ({
        %run_scoped3A = tpu.sem_alloc : memref<!tpu.dma_semaphore, #tpu.memory_space<semaphore_mem>>
        %dma_start3A = arith.constant 0 : i32
        %dma_start3A_70 = arith.constant 0 : i32
        %dma_start3A_71 = tpu.memref_slice %arg6[%arg0, %dma_start3A, %dma_start3A_70] : memref<2x10000x128xf32, #tpu.memory_space<hbm>> -> memref<1x10000x128xf32, #tpu.memory_space<hbm>>
        %dma_start3A_72 = tpu.memref_squeeze %dma_start3A_71 : memref<1x10000x128xf32, #tpu.memory_space<hbm>> -> memref<10000x128xf32, #tpu.memory_space<hbm>>
        %dma_start3A_73 = arith.constant 0 : i32
        %dma_start3A_74 = tpu.memref_slice %dma_start3A_72[%mul3A_69, %dma_start3A_73] : memref<10000x128xf32, #tpu.memory_space<hbm>> -> memref<200x128xf32, #tpu.memory_space<hbm>>
        %dma_start3A_75 = arith.constant 0 : i32
        %dma_start3A_76 = tpu.memref_slice %arg12[%mul3A_69, %dma_start3A_75] : memref<10000x128xf32, #tpu.memory_space<vmem_shared>> -> memref<200x128xf32, #tpu.memory_space<vmem_shared>>
        tpu.enqueue_dma source(%dma_start3A_76 : memref<200x128xf32, #tpu.memory_space<vmem_shared>>) target(%dma_start3A_74 : memref<200x128xf32, #tpu.memory_space<hbm>>) target_semaphore(%run_scoped3A : memref<!tpu.dma_semaphore, #tpu.memory_space<semaphore_mem>>)
        %dma_wait3A = arith.constant 0 : i32
        %dma_wait3A_77 = arith.constant 0 : i32
        %dma_wait3A_78 = tpu.memref_slice %arg6[%arg0, %dma_wait3A, %dma_wait3A_77] : memref<2x10000x128xf32, #tpu.memory_space<hbm>> -> memref<1x10000x128xf32, #tpu.memory_space<hbm>>
        %dma_wait3A_79 = tpu.memref_squeeze %dma_wait3A_78 : memref<1x10000x128xf32, #tpu.memory_space<hbm>> -> memref<10000x128xf32, #tpu.memory_space<hbm>>
        %dma_wait3A_80 = arith.constant 0 : i32
        %dma_wait3A_81 = tpu.memref_slice %dma_wait3A_79[%mul3A_69, %dma_wait3A_80] : memref<10000x128xf32, #tpu.memory_space<hbm>> -> memref<200x128xf32, #tpu.memory_space<hbm>>
        %dma_wait3A_82 = arith.constant 0 : i32
        %dma_wait3A_83 = tpu.memref_slice %arg12[%mul3A_69, %dma_wait3A_82] : memref<10000x128xf32, #tpu.memory_space<vmem_shared>> -> memref<200x128xf32, #tpu.memory_space<vmem_shared>>
        tpu.wait_dma2 semaphore(%run_scoped3A : memref<!tpu.dma_semaphore, #tpu.memory_space<semaphore_mem>>) src(%dma_wait3A_83 : memref<200x128xf32, #tpu.memory_space<vmem_shared>>) dst(%dma_wait3A_81 : memref<200x128xf32, #tpu.memory_space<hbm>>)
        tpu.yield
      }) : () -> ()
    } else {
    }
    return
  }
}

#map = affine_map<(d0, d1) -> (0)>
module attributes {stable_mosaic.version = 14 : i64} {
  func.func @body(%arg0: i32, %arg1: i32, %arg2: memref<320000xi32, #tpu.memory_space<hbm>>, %arg3: memref<320000xi32, #tpu.memory_space<hbm>>, %arg4: memref<320000xi32, #tpu.memory_space<hbm>>, %arg5: memref<320000xi32, #tpu.memory_space<hbm>>, %arg6: memref<320000xf32, #tpu.memory_space<hbm>>, %arg7: memref<80xi32, #tpu.memory_space<vmem>>, %arg8: memref<80xi32, #tpu.memory_space<vmem>>, %arg9: memref<80xi32, #tpu.memory_space<vmem>>, %arg10: memref<80xi32, #tpu.memory_space<vmem>>, %arg11: memref<80xi32, #tpu.memory_space<vmem>>, %arg12: memref<80xf32, #tpu.memory_space<vmem>>, %arg13: memref<2000xf32, #tpu.memory_space<vmem>>, %arg14: memref<160000xf32, #tpu.memory_space<vmem_shared>>) attributes {dimension_semantics = [#tpu.dimension_semantics<core_parallel>, #tpu.dimension_semantics<subcore_parallel>], iteration_bounds = array<i64: 2, 16>, scalar_prefetch = 0 : i64, scratch_operands = 8 : i64, tpu.core_type = #tpu.core_type<sc_vector_subcore>, window_params = [{transform_indices = #map}, {transform_indices = #map}, {transform_indices = #map}, {transform_indices = #map}, {transform_indices = #map}]} {
    %eq3A = arith.constant 0 : i32
    %eq3A_0 = arith.cmpi eq, %arg0, %eq3A : i32
    %convert_element_type3A = arith.extui %eq3A_0 : i1 to i32
    %cond3A = arith.constant 0 : i32
    %cond3A_1 = arith.cmpi ne, %convert_element_type3A, %cond3A : i32
    scf.if %cond3A_1 {
      %scan3A = arith.constant 0 : i32
      %scan3A_2 = arith.constant 0 : i32
      %scan3A_3 = arith.constant 125 : i32
      %scan3A_4 = arith.addi %scan3A_2, %scan3A_3 : i32
      %scan3A_5 = arith.constant 1 : i32
      %scan3A_6 = scf.for %scan3A_56 = %scan3A_2 to %scan3A_4 step %scan3A_5 iter_args(%scan3A_57 = %scan3A) -> (i32)  : i32 {
        %broadcast_in_dim3A = arith.constant 0.000000e+00 : f32
        %broadcast_in_dim3A_58 = vector.broadcast %broadcast_in_dim3A : f32 to vector<16xf32>
        %mul3A_59 = arith.constant 16 : i32
        %mul3A_60 = arith.muli %scan3A_56, %mul3A_59 : i32
        %swap3A = arith.index_cast %mul3A_60 : i32 to index
        %swap3A_61 = tpu.vector_load %arg13[%swap3A] {strides = array<i32>} : memref<2000xf32, #tpu.memory_space<vmem>>, vector<16xf32>,
        %swap3A_62 = vector.shape_cast %swap3A_61 : vector<16xf32> to vector<16xf32>
        %swap3A_63 = vector.shape_cast %broadcast_in_dim3A_58 : vector<16xf32> to vector<16xf32>
        tpu.vector_store %arg13[%swap3A], %swap3A_63 {strides = array<i32>} : memref<2000xf32, #tpu.memory_space<vmem>>, vector<16xf32>,
        %scan3A_64 = arith.constant 0 : i32
        scf.yield %scan3A_64 : i32
      }
      %scan3A_7 = arith.constant 125 : i32
      %mul3A = arith.constant 10000 : i32
      %mul3A_8 = arith.muli %arg1, %mul3A : i32
      %add3A = arith.constant 0 : i32
      %add3A_9 = arith.addi %mul3A_8, %add3A : i32
      "tpu.region"() ({
        %run_scoped3A = tpu.sem_alloc : memref<!tpu.dma_semaphore, #tpu.memory_space<semaphore_mem>>
        %dma_start3A = tpu.memref_slice %arg14[%add3A_9] : memref<160000xf32, #tpu.memory_space<vmem_shared>> -> memref<2000xf32, #tpu.memory_space<vmem_shared>>
        %dma_start3A_56 = tpu.memref_slice %arg14[%add3A_9] : memref<160000xf32, #tpu.memory_space<vmem_shared>> -> memref<2000xf32, #tpu.memory_space<vmem_shared>>
        tpu.enqueue_dma source(%arg13 : memref<2000xf32, #tpu.memory_space<vmem>>) target(%dma_start3A_56 : memref<2000xf32, #tpu.memory_space<vmem_shared>>) target_semaphore(%run_scoped3A : memref<!tpu.dma_semaphore, #tpu.memory_space<semaphore_mem>>)
        %dma_wait3A = tpu.memref_slice %arg14[%add3A_9] : memref<160000xf32, #tpu.memory_space<vmem_shared>> -> memref<2000xf32, #tpu.memory_space<vmem_shared>>
        %dma_wait3A_57 = tpu.memref_slice %arg14[%add3A_9] : memref<160000xf32, #tpu.memory_space<vmem_shared>> -> memref<2000xf32, #tpu.memory_space<vmem_shared>>
        tpu.wait_dma2 semaphore(%run_scoped3A : memref<!tpu.dma_semaphore, #tpu.memory_space<semaphore_mem>>) src(%arg13 : memref<2000xf32, #tpu.memory_space<vmem>>) dst(%dma_wait3A_57 : memref<2000xf32, #tpu.memory_space<vmem_shared>>)
        tpu.yield
      }) : () -> ()
      %mul3A_10 = arith.constant 10000 : i32
      %mul3A_11 = arith.muli %arg1, %mul3A_10 : i32
      %add3A_12 = arith.constant 2000 : i32
      %add3A_13 = arith.addi %mul3A_11, %add3A_12 : i32
      "tpu.region"() ({
        %run_scoped3A = tpu.sem_alloc : memref<!tpu.dma_semaphore, #tpu.memory_space<semaphore_mem>>
        %dma_start3A = tpu.memref_slice %arg14[%add3A_13] : memref<160000xf32, #tpu.memory_space<vmem_shared>> -> memref<2000xf32, #tpu.memory_space<vmem_shared>>
        %dma_start3A_56 = tpu.memref_slice %arg14[%add3A_13] : memref<160000xf32, #tpu.memory_space<vmem_shared>> -> memref<2000xf32, #tpu.memory_space<vmem_shared>>
        tpu.enqueue_dma source(%arg13 : memref<2000xf32, #tpu.memory_space<vmem>>) target(%dma_start3A_56 : memref<2000xf32, #tpu.memory_space<vmem_shared>>) target_semaphore(%run_scoped3A : memref<!tpu.dma_semaphore, #tpu.memory_space<semaphore_mem>>)
        %dma_wait3A = tpu.memref_slice %arg14[%add3A_13] : memref<160000xf32, #tpu.memory_space<vmem_shared>> -> memref<2000xf32, #tpu.memory_space<vmem_shared>>
        %dma_wait3A_57 = tpu.memref_slice %arg14[%add3A_13] : memref<160000xf32, #tpu.memory_space<vmem_shared>> -> memref<2000xf32, #tpu.memory_space<vmem_shared>>
        tpu.wait_dma2 semaphore(%run_scoped3A : memref<!tpu.dma_semaphore, #tpu.memory_space<semaphore_mem>>) src(%arg13 : memref<2000xf32, #tpu.memory_space<vmem>>) dst(%dma_wait3A_57 : memref<2000xf32, #tpu.memory_space<vmem_shared>>)
        tpu.yield
      }) : () -> ()
      %mul3A_14 = arith.constant 10000 : i32
      %mul3A_15 = arith.muli %arg1, %mul3A_14 : i32
      %add3A_16 = arith.constant 4000 : i32
      %add3A_17 = arith.addi %mul3A_15, %add3A_16 : i32
      "tpu.region"() ({
        %run_scoped3A = tpu.sem_alloc : memref<!tpu.dma_semaphore, #tpu.memory_space<semaphore_mem>>
        %dma_start3A = tpu.memref_slice %arg14[%add3A_17] : memref<160000xf32, #tpu.memory_space<vmem_shared>> -> memref<2000xf32, #tpu.memory_space<vmem_shared>>
        %dma_start3A_56 = tpu.memref_slice %arg14[%add3A_17] : memref<160000xf32, #tpu.memory_space<vmem_shared>> -> memref<2000xf32, #tpu.memory_space<vmem_shared>>
        tpu.enqueue_dma source(%arg13 : memref<2000xf32, #tpu.memory_space<vmem>>) target(%dma_start3A_56 : memref<2000xf32, #tpu.memory_space<vmem_shared>>) target_semaphore(%run_scoped3A : memref<!tpu.dma_semaphore, #tpu.memory_space<semaphore_mem>>)
        %dma_wait3A = tpu.memref_slice %arg14[%add3A_17] : memref<160000xf32, #tpu.memory_space<vmem_shared>> -> memref<2000xf32, #tpu.memory_space<vmem_shared>>
        %dma_wait3A_57 = tpu.memref_slice %arg14[%add3A_17] : memref<160000xf32, #tpu.memory_space<vmem_shared>> -> memref<2000xf32, #tpu.memory_space<vmem_shared>>
        tpu.wait_dma2 semaphore(%run_scoped3A : memref<!tpu.dma_semaphore, #tpu.memory_space<semaphore_mem>>) src(%arg13 : memref<2000xf32, #tpu.memory_space<vmem>>) dst(%dma_wait3A_57 : memref<2000xf32, #tpu.memory_space<vmem_shared>>)
        tpu.yield
      }) : () -> ()
      %mul3A_18 = arith.constant 10000 : i32
      %mul3A_19 = arith.muli %arg1, %mul3A_18 : i32
      %add3A_20 = arith.constant 6000 : i32
      %add3A_21 = arith.addi %mul3A_19, %add3A_20 : i32
      "tpu.region"() ({
        %run_scoped3A = tpu.sem_alloc : memref<!tpu.dma_semaphore, #tpu.memory_space<semaphore_mem>>
        %dma_start3A = tpu.memref_slice %arg14[%add3A_21] : memref<160000xf32, #tpu.memory_space<vmem_shared>> -> memref<2000xf32, #tpu.memory_space<vmem_shared>>
        %dma_start3A_56 = tpu.memref_slice %arg14[%add3A_21] : memref<160000xf32, #tpu.memory_space<vmem_shared>> -> memref<2000xf32, #tpu.memory_space<vmem_shared>>
        tpu.enqueue_dma source(%arg13 : memref<2000xf32, #tpu.memory_space<vmem>>) target(%dma_start3A_56 : memref<2000xf32, #tpu.memory_space<vmem_shared>>) target_semaphore(%run_scoped3A : memref<!tpu.dma_semaphore, #tpu.memory_space<semaphore_mem>>)
        %dma_wait3A = tpu.memref_slice %arg14[%add3A_21] : memref<160000xf32, #tpu.memory_space<vmem_shared>> -> memref<2000xf32, #tpu.memory_space<vmem_shared>>
        %dma_wait3A_57 = tpu.memref_slice %arg14[%add3A_21] : memref<160000xf32, #tpu.memory_space<vmem_shared>> -> memref<2000xf32, #tpu.memory_space<vmem_shared>>
        tpu.wait_dma2 semaphore(%run_scoped3A : memref<!tpu.dma_semaphore, #tpu.memory_space<semaphore_mem>>) src(%arg13 : memref<2000xf32, #tpu.memory_space<vmem>>) dst(%dma_wait3A_57 : memref<2000xf32, #tpu.memory_space<vmem_shared>>)
        tpu.yield
      }) : () -> ()
      %mul3A_22 = arith.constant 10000 : i32
      %mul3A_23 = arith.muli %arg1, %mul3A_22 : i32
      %add3A_24 = arith.constant 8000 : i32
      %add3A_25 = arith.addi %mul3A_23, %add3A_24 : i32
      "tpu.region"() ({
        %run_scoped3A = tpu.sem_alloc : memref<!tpu.dma_semaphore, #tpu.memory_space<semaphore_mem>>
        %dma_start3A = tpu.memref_slice %arg14[%add3A_25] : memref<160000xf32, #tpu.memory_space<vmem_shared>> -> memref<2000xf32, #tpu.memory_space<vmem_shared>>
        %dma_start3A_56 = tpu.memref_slice %arg14[%add3A_25] : memref<160000xf32, #tpu.memory_space<vmem_shared>> -> memref<2000xf32, #tpu.memory_space<vmem_shared>>
        tpu.enqueue_dma source(%arg13 : memref<2000xf32, #tpu.memory_space<vmem>>) target(%dma_start3A_56 : memref<2000xf32, #tpu.memory_space<vmem_shared>>) target_semaphore(%run_scoped3A : memref<!tpu.dma_semaphore, #tpu.memory_space<semaphore_mem>>)
        %dma_wait3A = tpu.memref_slice %arg14[%add3A_25] : memref<160000xf32, #tpu.memory_space<vmem_shared>> -> memref<2000xf32, #tpu.memory_space<vmem_shared>>
        %dma_wait3A_57 = tpu.memref_slice %arg14[%add3A_25] : memref<160000xf32, #tpu.memory_space<vmem_shared>> -> memref<2000xf32, #tpu.memory_space<vmem_shared>>
        tpu.wait_dma2 semaphore(%run_scoped3A : memref<!tpu.dma_semaphore, #tpu.memory_space<semaphore_mem>>) src(%arg13 : memref<2000xf32, #tpu.memory_space<vmem>>) dst(%dma_wait3A_57 : memref<2000xf32, #tpu.memory_space<vmem_shared>>)
        tpu.yield
      }) : () -> ()
      %scan3A_26 = arith.constant 0 : i32
      %scan3A_27 = arith.constant 0 : i32
      %scan3A_28 = arith.constant 5 : i32
      %scan3A_29 = arith.addi %scan3A_27, %scan3A_28 : i32
      %scan3A_30 = arith.constant 1 : i32
      %scan3A_31 = scf.for %scan3A_56 = %scan3A_27 to %scan3A_29 step %scan3A_30 iter_args(%scan3A_57 = %scan3A_26) -> (i32)  : i32 {
        %broadcast_in_dim3A = arith.constant 1.000000e+00 : f32
        %broadcast_in_dim3A_58 = vector.broadcast %broadcast_in_dim3A : f32 to vector<16xf32>
        %mul3A_59 = arith.constant 16 : i32
        %mul3A_60 = arith.muli %scan3A_56, %mul3A_59 : i32
        %swap3A = arith.index_cast %mul3A_60 : i32 to index
        %swap3A_61 = tpu.vector_load %arg12[%swap3A] {strides = array<i32>} : memref<80xf32, #tpu.memory_space<vmem>>, vector<16xf32>,
        %swap3A_62 = vector.shape_cast %swap3A_61 : vector<16xf32> to vector<16xf32>
        %swap3A_63 = vector.shape_cast %broadcast_in_dim3A_58 : vector<16xf32> to vector<16xf32>
        tpu.vector_store %arg12[%swap3A], %swap3A_63 {strides = array<i32>} : memref<80xf32, #tpu.memory_space<vmem>>, vector<16xf32>,
        %scan3A_64 = arith.constant 0 : i32
        scf.yield %scan3A_64 : i32
      }
      %scan3A_32 = arith.constant 5 : i32
      %barrier3A = arith.constant 0 : index
      tpu.barrier barrier_id(%barrier3A)
      %scan3A_33 = arith.constant 0 : i32
      %scan3A_34 = arith.constant 0 : i32
      %scan3A_35 = arith.constant 250 : i32
      %scan3A_36 = arith.addi %scan3A_34, %scan3A_35 : i32
      %scan3A_37 = arith.constant 1 : i32
      %scan3A_38 = scf.for %scan3A_56 = %scan3A_34 to %scan3A_36 step %scan3A_37 iter_args(%scan3A_57 = %scan3A_33) -> (i32)  : i32 {
        %mul3A_58 = arith.constant 20000 : i32
        %mul3A_59 = arith.muli %arg1, %mul3A_58 : i32
        %mul3A_60 = arith.constant 80 : i32
        %mul3A_61 = arith.muli %scan3A_56, %mul3A_60 : i32
        %add3A_62 = arith.addi %mul3A_59, %mul3A_61 : i32
        "tpu.region"() ({
          %run_scoped3A = tpu.sem_alloc : memref<!tpu.dma_semaphore, #tpu.memory_space<semaphore_mem>>
          %dma_start3A = tpu.memref_slice %arg2[%add3A_62] : memref<320000xi32, #tpu.memory_space<hbm>> -> memref<80xi32, #tpu.memory_space<hbm>>
          %dma_start3A_71 = tpu.memref_slice %arg2[%add3A_62] : memref<320000xi32, #tpu.memory_space<hbm>> -> memref<80xi32, #tpu.memory_space<hbm>>
          tpu.enqueue_dma source(%dma_start3A_71 : memref<80xi32, #tpu.memory_space<hbm>>) target(%arg7 : memref<80xi32, #tpu.memory_space<vmem>>) target_semaphore(%run_scoped3A : memref<!tpu.dma_semaphore, #tpu.memory_space<semaphore_mem>>)
          %dma_wait3A = tpu.memref_slice %arg2[%add3A_62] : memref<320000xi32, #tpu.memory_space<hbm>> -> memref<80xi32, #tpu.memory_space<hbm>>
          %dma_wait3A_72 = tpu.memref_slice %arg2[%add3A_62] : memref<320000xi32, #tpu.memory_space<hbm>> -> memref<80xi32, #tpu.memory_space<hbm>>
          tpu.wait_dma2 semaphore(%run_scoped3A : memref<!tpu.dma_semaphore, #tpu.memory_space<semaphore_mem>>) src(%dma_wait3A_72 : memref<80xi32, #tpu.memory_space<hbm>>) dst(%arg7 : memref<80xi32, #tpu.memory_space<vmem>>)
          tpu.yield
        }) : () -> ()
        "tpu.region"() ({
          %run_scoped3A = tpu.sem_alloc : memref<!tpu.dma_semaphore, #tpu.memory_space<semaphore_mem>>
          %dma_start3A = tpu.memref_slice %arg3[%add3A_62] : memref<320000xi32, #tpu.memory_space<hbm>> -> memref<80xi32, #tpu.memory_space<hbm>>
          %dma_start3A_71 = tpu.memref_slice %arg3[%add3A_62] : memref<320000xi32, #tpu.memory_space<hbm>> -> memref<80xi32, #tpu.memory_space<hbm>>
          tpu.enqueue_dma source(%dma_start3A_71 : memref<80xi32, #tpu.memory_space<hbm>>) target(%arg8 : memref<80xi32, #tpu.memory_space<vmem>>) target_semaphore(%run_scoped3A : memref<!tpu.dma_semaphore, #tpu.memory_space<semaphore_mem>>)
          %dma_wait3A = tpu.memref_slice %arg3[%add3A_62] : memref<320000xi32, #tpu.memory_space<hbm>> -> memref<80xi32, #tpu.memory_space<hbm>>
          %dma_wait3A_72 = tpu.memref_slice %arg3[%add3A_62] : memref<320000xi32, #tpu.memory_space<hbm>> -> memref<80xi32, #tpu.memory_space<hbm>>
          tpu.wait_dma2 semaphore(%run_scoped3A : memref<!tpu.dma_semaphore, #tpu.memory_space<semaphore_mem>>) src(%dma_wait3A_72 : memref<80xi32, #tpu.memory_space<hbm>>) dst(%arg8 : memref<80xi32, #tpu.memory_space<vmem>>)
          tpu.yield
        }) : () -> ()
        "tpu.region"() ({
          %run_scoped3A = tpu.sem_alloc : memref<!tpu.dma_semaphore, #tpu.memory_space<semaphore_mem>>
          %dma_start3A = tpu.memref_slice %arg4[%add3A_62] : memref<320000xi32, #tpu.memory_space<hbm>> -> memref<80xi32, #tpu.memory_space<hbm>>
          %dma_start3A_71 = tpu.memref_slice %arg4[%add3A_62] : memref<320000xi32, #tpu.memory_space<hbm>> -> memref<80xi32, #tpu.memory_space<hbm>>
          tpu.enqueue_dma source(%dma_start3A_71 : memref<80xi32, #tpu.memory_space<hbm>>) target(%arg9 : memref<80xi32, #tpu.memory_space<vmem>>) target_semaphore(%run_scoped3A : memref<!tpu.dma_semaphore, #tpu.memory_space<semaphore_mem>>)
          %dma_wait3A = tpu.memref_slice %arg4[%add3A_62] : memref<320000xi32, #tpu.memory_space<hbm>> -> memref<80xi32, #tpu.memory_space<hbm>>
          %dma_wait3A_72 = tpu.memref_slice %arg4[%add3A_62] : memref<320000xi32, #tpu.memory_space<hbm>> -> memref<80xi32, #tpu.memory_space<hbm>>
          tpu.wait_dma2 semaphore(%run_scoped3A : memref<!tpu.dma_semaphore, #tpu.memory_space<semaphore_mem>>) src(%dma_wait3A_72 : memref<80xi32, #tpu.memory_space<hbm>>) dst(%arg9 : memref<80xi32, #tpu.memory_space<vmem>>)
          tpu.yield
        }) : () -> ()
        %scan3A_63 = arith.constant 0 : i32
        %scan3A_64 = arith.constant 0 : i32
        %scan3A_65 = arith.constant 5 : i32
        %scan3A_66 = arith.addi %scan3A_64, %scan3A_65 : i32
        %scan3A_67 = arith.constant 1 : i32
        %scan3A_68 = scf.for %scan3A_71 = %scan3A_64 to %scan3A_66 step %scan3A_67 iter_args(%scan3A_72 = %scan3A_63) -> (i32)  : i32 {
          %mul3A_73 = arith.constant 16 : i32
          %mul3A_74 = arith.muli %scan3A_71, %mul3A_73 : i32
          %get3A = arith.index_cast %mul3A_74 : i32 to index
          %get3A_75 = tpu.vector_load %arg7[%get3A] {strides = array<i32>} : memref<80xi32, #tpu.memory_space<vmem>>, vector<16xi32>,
          %get3A_76 = vector.shape_cast %get3A_75 : vector<16xi32> to vector<16xi32>
          %mul3A_77 = arith.constant 10000 : i32
          %mul3A_78 = vector.broadcast %mul3A_77 : i32 to vector<16xi32>
          %mul3A_79 = arith.muli %get3A_76, %mul3A_78 : vector<16xi32>
          %get3A_80 = arith.index_cast %mul3A_74 : i32 to index
          %get3A_81 = tpu.vector_load %arg8[%get3A_80] {strides = array<i32>} : memref<80xi32, #tpu.memory_space<vmem>>, vector<16xi32>,
          %get3A_82 = vector.shape_cast %get3A_81 : vector<16xi32> to vector<16xi32>
          %add3A_83 = arith.addi %mul3A_79, %get3A_82 : vector<16xi32>
          %swap3A = arith.index_cast %mul3A_74 : i32 to index
          %swap3A_84 = tpu.vector_load %arg10[%swap3A] {strides = array<i32>} : memref<80xi32, #tpu.memory_space<vmem>>, vector<16xi32>,
          %swap3A_85 = vector.shape_cast %swap3A_84 : vector<16xi32> to vector<16xi32>
          %swap3A_86 = vector.shape_cast %add3A_83 : vector<16xi32> to vector<16xi32>
          tpu.vector_store %arg10[%swap3A], %swap3A_86 {strides = array<i32>} : memref<80xi32, #tpu.memory_space<vmem>>, vector<16xi32>,
          %get3A_87 = arith.index_cast %mul3A_74 : i32 to index
          %get3A_88 = tpu.vector_load %arg9[%get3A_87] {strides = array<i32>} : memref<80xi32, #tpu.memory_space<vmem>>, vector<16xi32>,
          %get3A_89 = vector.shape_cast %get3A_88 : vector<16xi32> to vector<16xi32>
          %add3A_90 = arith.addi %mul3A_79, %get3A_89 : vector<16xi32>
          %swap3A_91 = arith.index_cast %mul3A_74 : i32 to index
          %swap3A_92 = tpu.vector_load %arg11[%swap3A_91] {strides = array<i32>} : memref<80xi32, #tpu.memory_space<vmem>>, vector<16xi32>,
          %swap3A_93 = vector.shape_cast %swap3A_92 : vector<16xi32> to vector<16xi32>
          %swap3A_94 = vector.shape_cast %add3A_90 : vector<16xi32> to vector<16xi32>
          tpu.vector_store %arg11[%swap3A_91], %swap3A_94 {strides = array<i32>} : memref<80xi32, #tpu.memory_space<vmem>>, vector<16xi32>,
          %scan3A_95 = arith.constant 0 : i32
          scf.yield %scan3A_95 : i32
        }
        %scan3A_69 = arith.constant 5 : i32
        "tpu.region"() ({
          %run_scoped3A = tpu.sem_alloc : memref<!tpu.dma_semaphore, #tpu.memory_space<semaphore_mem>>
          %dma_start3A = tpu.memref_slice %arg5[%add3A_62] : memref<320000xi32, #tpu.memory_space<hbm>> -> memref<80xi32, #tpu.memory_space<hbm>>
          %dma_start3A_71 = tpu.memref_slice %arg5[%add3A_62] : memref<320000xi32, #tpu.memory_space<hbm>> -> memref<80xi32, #tpu.memory_space<hbm>>
          tpu.enqueue_dma source(%arg10 : memref<80xi32, #tpu.memory_space<vmem>>) target(%dma_start3A_71 : memref<80xi32, #tpu.memory_space<hbm>>) target_semaphore(%run_scoped3A : memref<!tpu.dma_semaphore, #tpu.memory_space<semaphore_mem>>)
          %dma_wait3A = tpu.memref_slice %arg5[%add3A_62] : memref<320000xi32, #tpu.memory_space<hbm>> -> memref<80xi32, #tpu.memory_space<hbm>>
          %dma_wait3A_72 = tpu.memref_slice %arg5[%add3A_62] : memref<320000xi32, #tpu.memory_space<hbm>> -> memref<80xi32, #tpu.memory_space<hbm>>
          tpu.wait_dma2 semaphore(%run_scoped3A : memref<!tpu.dma_semaphore, #tpu.memory_space<semaphore_mem>>) src(%arg10 : memref<80xi32, #tpu.memory_space<vmem>>) dst(%dma_wait3A_72 : memref<80xi32, #tpu.memory_space<hbm>>)
          tpu.yield
        }) : () -> ()
        "tpu.region"() ({
          %run_scoped3A = tpu.sem_alloc : memref<!tpu.dma_semaphore, #tpu.memory_space<semaphore_mem>>
          %dma_start3A = arith.constant 0 : i32
          %dma_start3A_71 = tpu.memref_slice %arg14[%dma_start3A] : memref<160000xf32, #tpu.memory_space<vmem_shared>> -> memref<160000xf32, #tpu.memory_space<vmem_shared>>
          tpu.enqueue_indirect_dma source(%arg12 : memref<80xf32, #tpu.memory_space<vmem>>) target(%dma_start3A_71 : memref<160000xf32, #tpu.memory_space<vmem_shared>>) offsets(%arg11 : memref<80xi32, #tpu.memory_space<vmem>>) semaphore(%run_scoped3A : memref<!tpu.dma_semaphore, #tpu.memory_space<semaphore_mem>>) {add = true}
          %dma_wait3A = arith.constant 0 : i32
          %dma_wait3A_72 = tpu.memref_slice %arg14[%dma_wait3A] : memref<160000xf32, #tpu.memory_space<vmem_shared>> -> memref<160000xf32, #tpu.memory_space<vmem_shared>>
          tpu.wait_indirect_dma semaphore(%run_scoped3A : memref<!tpu.dma_semaphore, #tpu.memory_space<semaphore_mem>>) src(%arg12 : memref<80xf32, #tpu.memory_space<vmem>>) dst(%dma_wait3A_72 : memref<160000xf32, #tpu.memory_space<vmem_shared>>)
          tpu.yield
        }) : () -> ()
        %scan3A_70 = arith.constant 0 : i32
        scf.yield %scan3A_70 : i32
      }
      %scan3A_39 = arith.constant 250 : i32
      %barrier3A_40 = arith.constant 0 : index
      tpu.barrier barrier_id(%barrier3A_40)
      %scan3A_41 = arith.constant 0 : i32
      %scan3A_42 = arith.constant 0 : i32
      %scan3A_43 = arith.constant 5 : i32
      %scan3A_44 = arith.addi %scan3A_42, %scan3A_43 : i32
      %scan3A_45 = arith.constant 1 : i32
      %scan3A_46 = scf.for %scan3A_56 = %scan3A_42 to %scan3A_44 step %scan3A_45 iter_args(%scan3A_57 = %scan3A_41) -> (i32)  : i32 {
        %mul3A_58 = arith.constant 10000 : i32
        %mul3A_59 = arith.muli %arg1, %mul3A_58 : i32
        %mul3A_60 = arith.constant 2000 : i32
        %mul3A_61 = arith.muli %scan3A_56, %mul3A_60 : i32
        %add3A_62 = arith.addi %mul3A_59, %mul3A_61 : i32
        "tpu.region"() ({
          %run_scoped3A = tpu.sem_alloc : memref<!tpu.dma_semaphore, #tpu.memory_space<semaphore_mem>>
          %dma_start3A = tpu.memref_slice %arg14[%add3A_62] : memref<160000xf32, #tpu.memory_space<vmem_shared>> -> memref<2000xf32, #tpu.memory_space<vmem_shared>>
          %dma_start3A_71 = tpu.memref_slice %arg14[%add3A_62] : memref<160000xf32, #tpu.memory_space<vmem_shared>> -> memref<2000xf32, #tpu.memory_space<vmem_shared>>
          tpu.enqueue_dma source(%dma_start3A_71 : memref<2000xf32, #tpu.memory_space<vmem_shared>>) target(%arg13 : memref<2000xf32, #tpu.memory_space<vmem>>) target_semaphore(%run_scoped3A : memref<!tpu.dma_semaphore, #tpu.memory_space<semaphore_mem>>)
          %dma_wait3A = tpu.memref_slice %arg14[%add3A_62] : memref<160000xf32, #tpu.memory_space<vmem_shared>> -> memref<2000xf32, #tpu.memory_space<vmem_shared>>
          %dma_wait3A_72 = tpu.memref_slice %arg14[%add3A_62] : memref<160000xf32, #tpu.memory_space<vmem_shared>> -> memref<2000xf32, #tpu.memory_space<vmem_shared>>
          tpu.wait_dma2 semaphore(%run_scoped3A : memref<!tpu.dma_semaphore, #tpu.memory_space<semaphore_mem>>) src(%dma_wait3A_72 : memref<2000xf32, #tpu.memory_space<vmem_shared>>) dst(%arg13 : memref<2000xf32, #tpu.memory_space<vmem>>)
          tpu.yield
        }) : () -> ()
        %scan3A_63 = arith.constant 0 : i32
        %scan3A_64 = arith.constant 0 : i32
        %scan3A_65 = arith.constant 125 : i32
        %scan3A_66 = arith.addi %scan3A_64, %scan3A_65 : i32
        %scan3A_67 = arith.constant 1 : i32
        %scan3A_68 = scf.for %scan3A_71 = %scan3A_64 to %scan3A_66 step %scan3A_67 iter_args(%scan3A_72 = %scan3A_63) -> (i32)  : i32 {
          %mul3A_73 = arith.constant 16 : i32
          %mul3A_74 = arith.muli %scan3A_71, %mul3A_73 : i32
          %get3A = arith.index_cast %mul3A_74 : i32 to index
          %get3A_75 = tpu.vector_load %arg13[%get3A] {strides = array<i32>} : memref<2000xf32, #tpu.memory_space<vmem>>, vector<16xf32>,
          %get3A_76 = vector.shape_cast %get3A_75 : vector<16xf32> to vector<16xf32>
          %max3A = arith.constant 1.000000e+00 : f32
          %max3A_77 = vector.broadcast %max3A : f32 to vector<16xf32>
          %max3A_78 = arith.maximumf %get3A_76, %max3A_77 : vector<16xf32>
          %div3A = arith.constant 1.000000e+00 : f32
          %div3A_79 = vector.broadcast %div3A : f32 to vector<16xf32>
          %div3A_80 = arith.divf %div3A_79, %max3A_78 : vector<16xf32>
          %swap3A = arith.index_cast %mul3A_74 : i32 to index
          %swap3A_81 = tpu.vector_load %arg13[%swap3A] {strides = array<i32>} : memref<2000xf32, #tpu.memory_space<vmem>>, vector<16xf32>,
          %swap3A_82 = vector.shape_cast %swap3A_81 : vector<16xf32> to vector<16xf32>
          %swap3A_83 = vector.shape_cast %div3A_80 : vector<16xf32> to vector<16xf32>
          tpu.vector_store %arg13[%swap3A], %swap3A_83 {strides = array<i32>} : memref<2000xf32, #tpu.memory_space<vmem>>, vector<16xf32>,
          %scan3A_84 = arith.constant 0 : i32
          scf.yield %scan3A_84 : i32
        }
        %scan3A_69 = arith.constant 125 : i32
        "tpu.region"() ({
          %run_scoped3A = tpu.sem_alloc : memref<!tpu.dma_semaphore, #tpu.memory_space<semaphore_mem>>
          %dma_start3A = tpu.memref_slice %arg14[%add3A_62] : memref<160000xf32, #tpu.memory_space<vmem_shared>> -> memref<2000xf32, #tpu.memory_space<vmem_shared>>
          %dma_start3A_71 = tpu.memref_slice %arg14[%add3A_62] : memref<160000xf32, #tpu.memory_space<vmem_shared>> -> memref<2000xf32, #tpu.memory_space<vmem_shared>>
          tpu.enqueue_dma source(%arg13 : memref<2000xf32, #tpu.memory_space<vmem>>) target(%dma_start3A_71 : memref<2000xf32, #tpu.memory_space<vmem_shared>>) target_semaphore(%run_scoped3A : memref<!tpu.dma_semaphore, #tpu.memory_space<semaphore_mem>>)
          %dma_wait3A = tpu.memref_slice %arg14[%add3A_62] : memref<160000xf32, #tpu.memory_space<vmem_shared>> -> memref<2000xf32, #tpu.memory_space<vmem_shared>>
          %dma_wait3A_72 = tpu.memref_slice %arg14[%add3A_62] : memref<160000xf32, #tpu.memory_space<vmem_shared>> -> memref<2000xf32, #tpu.memory_space<vmem_shared>>
          tpu.wait_dma2 semaphore(%run_scoped3A : memref<!tpu.dma_semaphore, #tpu.memory_space<semaphore_mem>>) src(%arg13 : memref<2000xf32, #tpu.memory_space<vmem>>) dst(%dma_wait3A_72 : memref<2000xf32, #tpu.memory_space<vmem_shared>>)
          tpu.yield
        }) : () -> ()
        %scan3A_70 = arith.constant 0 : i32
        scf.yield %scan3A_70 : i32
      }
      %scan3A_47 = arith.constant 5 : i32
      %barrier3A_48 = arith.constant 0 : index
      tpu.barrier barrier_id(%barrier3A_48)
      %scan3A_49 = arith.constant 0 : i32
      %scan3A_50 = arith.constant 0 : i32
      %scan3A_51 = arith.constant 250 : i32
      %scan3A_52 = arith.addi %scan3A_50, %scan3A_51 : i32
      %scan3A_53 = arith.constant 1 : i32
      %scan3A_54 = scf.for %scan3A_56 = %scan3A_50 to %scan3A_52 step %scan3A_53 iter_args(%scan3A_57 = %scan3A_49) -> (i32)  : i32 {
        %mul3A_58 = arith.constant 20000 : i32
        %mul3A_59 = arith.muli %arg1, %mul3A_58 : i32
        %mul3A_60 = arith.constant 80 : i32
        %mul3A_61 = arith.muli %scan3A_56, %mul3A_60 : i32
        %add3A_62 = arith.addi %mul3A_59, %mul3A_61 : i32
        "tpu.region"() ({
          %run_scoped3A = tpu.sem_alloc : memref<!tpu.dma_semaphore, #tpu.memory_space<semaphore_mem>>
          %dma_start3A = tpu.memref_slice %arg2[%add3A_62] : memref<320000xi32, #tpu.memory_space<hbm>> -> memref<80xi32, #tpu.memory_space<hbm>>
          %dma_start3A_71 = tpu.memref_slice %arg2[%add3A_62] : memref<320000xi32, #tpu.memory_space<hbm>> -> memref<80xi32, #tpu.memory_space<hbm>>
          tpu.enqueue_dma source(%dma_start3A_71 : memref<80xi32, #tpu.memory_space<hbm>>) target(%arg7 : memref<80xi32, #tpu.memory_space<vmem>>) target_semaphore(%run_scoped3A : memref<!tpu.dma_semaphore, #tpu.memory_space<semaphore_mem>>)
          %dma_wait3A = tpu.memref_slice %arg2[%add3A_62] : memref<320000xi32, #tpu.memory_space<hbm>> -> memref<80xi32, #tpu.memory_space<hbm>>
          %dma_wait3A_72 = tpu.memref_slice %arg2[%add3A_62] : memref<320000xi32, #tpu.memory_space<hbm>> -> memref<80xi32, #tpu.memory_space<hbm>>
          tpu.wait_dma2 semaphore(%run_scoped3A : memref<!tpu.dma_semaphore, #tpu.memory_space<semaphore_mem>>) src(%dma_wait3A_72 : memref<80xi32, #tpu.memory_space<hbm>>) dst(%arg7 : memref<80xi32, #tpu.memory_space<vmem>>)
          tpu.yield
        }) : () -> ()
        "tpu.region"() ({
          %run_scoped3A = tpu.sem_alloc : memref<!tpu.dma_semaphore, #tpu.memory_space<semaphore_mem>>
          %dma_start3A = tpu.memref_slice %arg4[%add3A_62] : memref<320000xi32, #tpu.memory_space<hbm>> -> memref<80xi32, #tpu.memory_space<hbm>>
          %dma_start3A_71 = tpu.memref_slice %arg4[%add3A_62] : memref<320000xi32, #tpu.memory_space<hbm>> -> memref<80xi32, #tpu.memory_space<hbm>>
          tpu.enqueue_dma source(%dma_start3A_71 : memref<80xi32, #tpu.memory_space<hbm>>) target(%arg9 : memref<80xi32, #tpu.memory_space<vmem>>) target_semaphore(%run_scoped3A : memref<!tpu.dma_semaphore, #tpu.memory_space<semaphore_mem>>)
          %dma_wait3A = tpu.memref_slice %arg4[%add3A_62] : memref<320000xi32, #tpu.memory_space<hbm>> -> memref<80xi32, #tpu.memory_space<hbm>>
          %dma_wait3A_72 = tpu.memref_slice %arg4[%add3A_62] : memref<320000xi32, #tpu.memory_space<hbm>> -> memref<80xi32, #tpu.memory_space<hbm>>
          tpu.wait_dma2 semaphore(%run_scoped3A : memref<!tpu.dma_semaphore, #tpu.memory_space<semaphore_mem>>) src(%dma_wait3A_72 : memref<80xi32, #tpu.memory_space<hbm>>) dst(%arg9 : memref<80xi32, #tpu.memory_space<vmem>>)
          tpu.yield
        }) : () -> ()
        %scan3A_63 = arith.constant 0 : i32
        %scan3A_64 = arith.constant 0 : i32
        %scan3A_65 = arith.constant 5 : i32
        %scan3A_66 = arith.addi %scan3A_64, %scan3A_65 : i32
        %scan3A_67 = arith.constant 1 : i32
        %scan3A_68 = scf.for %scan3A_71 = %scan3A_64 to %scan3A_66 step %scan3A_67 iter_args(%scan3A_72 = %scan3A_63) -> (i32)  : i32 {
          %mul3A_73 = arith.constant 16 : i32
          %mul3A_74 = arith.muli %scan3A_71, %mul3A_73 : i32
          %get3A = arith.index_cast %mul3A_74 : i32 to index
          %get3A_75 = tpu.vector_load %arg7[%get3A] {strides = array<i32>} : memref<80xi32, #tpu.memory_space<vmem>>, vector<16xi32>,
          %get3A_76 = vector.shape_cast %get3A_75 : vector<16xi32> to vector<16xi32>
          %mul3A_77 = arith.constant 10000 : i32
          %mul3A_78 = vector.broadcast %mul3A_77 : i32 to vector<16xi32>
          %mul3A_79 = arith.muli %get3A_76, %mul3A_78 : vector<16xi32>
          %get3A_80 = arith.index_cast %mul3A_74 : i32 to index
          %get3A_81 = tpu.vector_load %arg9[%get3A_80] {strides = array<i32>} : memref<80xi32, #tpu.memory_space<vmem>>, vector<16xi32>,
          %get3A_82 = vector.shape_cast %get3A_81 : vector<16xi32> to vector<16xi32>
          %add3A_83 = arith.addi %mul3A_79, %get3A_82 : vector<16xi32>
          %swap3A = arith.index_cast %mul3A_74 : i32 to index
          %swap3A_84 = tpu.vector_load %arg11[%swap3A] {strides = array<i32>} : memref<80xi32, #tpu.memory_space<vmem>>, vector<16xi32>,
          %swap3A_85 = vector.shape_cast %swap3A_84 : vector<16xi32> to vector<16xi32>
          %swap3A_86 = vector.shape_cast %add3A_83 : vector<16xi32> to vector<16xi32>
          tpu.vector_store %arg11[%swap3A], %swap3A_86 {strides = array<i32>} : memref<80xi32, #tpu.memory_space<vmem>>, vector<16xi32>,
          %scan3A_87 = arith.constant 0 : i32
          scf.yield %scan3A_87 : i32
        }
        %scan3A_69 = arith.constant 5 : i32
        "tpu.region"() ({
          %run_scoped3A = tpu.sem_alloc : memref<!tpu.dma_semaphore, #tpu.memory_space<semaphore_mem>>
          %dma_start3A = arith.constant 0 : i32
          %dma_start3A_71 = tpu.memref_slice %arg14[%dma_start3A] : memref<160000xf32, #tpu.memory_space<vmem_shared>> -> memref<160000xf32, #tpu.memory_space<vmem_shared>>
          tpu.enqueue_indirect_dma source(%dma_start3A_71 : memref<160000xf32, #tpu.memory_space<vmem_shared>>) target(%arg12 : memref<80xf32, #tpu.memory_space<vmem>>) offsets(%arg11 : memref<80xi32, #tpu.memory_space<vmem>>) semaphore(%run_scoped3A : memref<!tpu.dma_semaphore, #tpu.memory_space<semaphore_mem>>)
          %dma_wait3A = arith.constant 0 : i32
          %dma_wait3A_72 = tpu.memref_slice %arg14[%dma_wait3A] : memref<160000xf32, #tpu.memory_space<vmem_shared>> -> memref<160000xf32, #tpu.memory_space<vmem_shared>>
          tpu.wait_indirect_dma semaphore(%run_scoped3A : memref<!tpu.dma_semaphore, #tpu.memory_space<semaphore_mem>>) src(%dma_wait3A_72 : memref<160000xf32, #tpu.memory_space<vmem_shared>>) dst(%arg12 : memref<80xf32, #tpu.memory_space<vmem>>)
          tpu.yield
        }) : () -> ()
        "tpu.region"() ({
          %run_scoped3A = tpu.sem_alloc : memref<!tpu.dma_semaphore, #tpu.memory_space<semaphore_mem>>
          %dma_start3A = tpu.memref_slice %arg6[%add3A_62] : memref<320000xf32, #tpu.memory_space<hbm>> -> memref<80xf32, #tpu.memory_space<hbm>>
          %dma_start3A_71 = tpu.memref_slice %arg6[%add3A_62] : memref<320000xf32, #tpu.memory_space<hbm>> -> memref<80xf32, #tpu.memory_space<hbm>>
          tpu.enqueue_dma source(%arg12 : memref<80xf32, #tpu.memory_space<vmem>>) target(%dma_start3A_71 : memref<80xf32, #tpu.memory_space<hbm>>) target_semaphore(%run_scoped3A : memref<!tpu.dma_semaphore, #tpu.memory_space<semaphore_mem>>)
          %dma_wait3A = tpu.memref_slice %arg6[%add3A_62] : memref<320000xf32, #tpu.memory_space<hbm>> -> memref<80xf32, #tpu.memory_space<hbm>>
          %dma_wait3A_72 = tpu.memref_slice %arg6[%add3A_62] : memref<320000xf32, #tpu.memory_space<hbm>> -> memref<80xf32, #tpu.memory_space<hbm>>
          tpu.wait_dma2 semaphore(%run_scoped3A : memref<!tpu.dma_semaphore, #tpu.memory_space<semaphore_mem>>) src(%arg12 : memref<80xf32, #tpu.memory_space<vmem>>) dst(%dma_wait3A_72 : memref<80xf32, #tpu.memory_space<hbm>>)
          tpu.yield
        }) : () -> ()
        %scan3A_70 = arith.constant 0 : i32
        scf.yield %scan3A_70 : i32
      }
      %scan3A_55 = arith.constant 250 : i32
    } else {
    }
    return
  }
}

module attributes {stable_mosaic.version = 14 : i64} {
  func.func @body(%arg0: i32, %arg1: i32, %arg2: memref<2000x128xf32, #tpu.memory_space<vmem>>, %arg3: memref<2000x1xi32, #tpu.memory_space<vmem>>, %arg4: memref<8x128xf32, #tpu.memory_space<vmem>>, %arg5: memref<1x128x128xf32, #tpu.memory_space<vmem>>, %arg6: memref<128x128xf32, #tpu.memory_space<vmem>>, %arg7: memref<1x128xf32, #tpu.memory_space<vmem>>, %arg8: memref<1x2000x128xf32, #tpu.memory_space<vmem>>, %arg9: memref<2000x128xf32, #tpu.memory_space<vmem>>) attributes {dimension_semantics = [#tpu.dimension_semantics<arbitrary>, #tpu.dimension_semantics<arbitrary>], iteration_bounds = array<i64: 5, 16>, scalar_prefetch = 0 : i64, scratch_operands = 0 : i64, tpu.core_type = #tpu.core_type<tc>, window_params = [{transform_indices = @transform_0, window_bounds = array<i64: 2000, 128>}, {transform_indices = @transform_1, window_bounds = array<i64: 2000, 1>}, {pipeline_mode = #tpu.pipeline_mode<synchronous>, transform_indices = @transform_2, window_bounds = array<i64: 8, 128>}, {transform_indices = @transform_3, window_bounds = array<i64: 1, 128, 128>}, {pipeline_mode = #tpu.pipeline_mode<synchronous>, transform_indices = @transform_4, window_bounds = array<i64: 128, 128>}, {pipeline_mode = #tpu.pipeline_mode<synchronous>, transform_indices = @transform_5, window_bounds = array<i64: 1, 128>}, {transform_indices = @transform_6, window_bounds = array<i64: 1, 2000, 128>}, {transform_indices = @transform_7, window_bounds = array<i64: 2000, 128>}]} {
    %get3A = arith.constant 0 : index
    %get3A_0 = arith.constant 0 : index
    %get3A_1 = vector.load %arg3[%get3A, %get3A_0] : memref<2000x1xi32, #tpu.memory_space<vmem>>, vector<2000x1xi32>
    %iota3A = tpu.iota {dimensions = array<i32: 1>} : vector<2000x8xi32>
    %eq3A = vector.broadcast %get3A_1 : vector<2000x1xi32> to vector<2000x8xi32>
    %eq3A_2 = arith.cmpi eq, %eq3A, %iota3A : vector<2000x8xi32>
    %convert_element_type3A = arith.extui %eq3A_2 : vector<2000x8xi1> to vector<2000x8xi32>
    %convert_element_type3A_3 = arith.sitofp %convert_element_type3A : vector<2000x8xi32> to vector<2000x8xf32>
    %get3A_4 = arith.constant 0 : index
    %get3A_5 = arith.constant 0 : index
    %get3A_6 = vector.load %arg2[%get3A_4, %get3A_5] : memref<2000x128xf32, #tpu.memory_space<vmem>>, vector<2000x128xf32>
    %get3A_7 = arith.constant 0 : index
    %get3A_8 = arith.constant 0 : index
    %get3A_9 = vector.load %arg4[%get3A_7, %get3A_8] : memref<8x128xf32, #tpu.memory_space<vmem>>, vector<8x128xf32>
    %dot_general3A = arith.constant dense<0.000000e+00> : vector<2000x128xf32>
    %dot_general3A_10 = tpu.matmul %convert_element_type3A_3, %get3A_9, %dot_general3A {dimension_numbers = #tpu.dot_dimension_numbers<[1], [0], [0], [1], [0, 0, 1, 1], [], []>, transpose_lhs_hint = false} : vector<2000x8xf32>, vector<8x128xf32>, vector<2000x128xf32> -> vector<2000x128xf32>
    %add3A = arith.addf %get3A_6, %dot_general3A_10 : vector<2000x128xf32>
    %get3A_11 = arith.constant 0 : index
    %get3A_12 = arith.constant 0 : index
    %get3A_13 = arith.constant 0 : index
    %get3A_14 = vector.load %arg5[%get3A_11, %get3A_12, %get3A_13] : memref<1x128x128xf32, #tpu.memory_space<vmem>>, vector<1x128x128xf32>
    %get3A_15 = vector.shape_cast %get3A_14 : vector<1x128x128xf32> to vector<128x128xf32>
    %dot_general3A_16 = arith.constant dense<0.000000e+00> : vector<2000x128xf32>
    %dot_general3A_17 = tpu.matmul %add3A, %get3A_15, %dot_general3A_16 {dimension_numbers = #tpu.dot_dimension_numbers<[1], [0], [0], [1], [0, 0, 1, 1], [], []>, transpose_lhs_hint = false} : vector<2000x128xf32>, vector<128x128xf32>, vector<2000x128xf32> -> vector<2000x128xf32>
    %swap3A = arith.constant 0 : index
    %swap3A_18 = arith.constant 0 : index
    %swap3A_19 = arith.constant 0 : index
    %swap3A_20 = vector.load %arg8[%swap3A, %swap3A_18, %swap3A_19] : memref<1x2000x128xf32, #tpu.memory_space<vmem>>, vector<1x2000x128xf32>
    %swap3A_21 = vector.shape_cast %swap3A_20 : vector<1x2000x128xf32> to vector<2000x128xf32>
    %swap3A_22 = vector.shape_cast %dot_general3A_17 : vector<2000x128xf32> to vector<1x2000x128xf32>
    tpu.vector_store %arg8[%swap3A, %swap3A_18, %swap3A_19], %swap3A_22 {strides = array<i32>} : memref<1x2000x128xf32, #tpu.memory_space<vmem>>, vector<1x2000x128xf32>,
    %eq3A_23 = arith.constant 0 : i32
    %eq3A_24 = arith.cmpi eq, %arg1, %eq3A_23 : i32
    %convert_element_type3A_25 = arith.extui %eq3A_24 : i1 to i32
    %cond3A = arith.constant 0 : i32
    %cond3A_26 = arith.cmpi ne, %convert_element_type3A_25, %cond3A : i32
    scf.if %cond3A_26 {
      %get3A_27 = arith.constant 0 : index
      %get3A_28 = arith.constant 0 : index
      %get3A_29 = vector.load %arg6[%get3A_27, %get3A_28] : memref<128x128xf32, #tpu.memory_space<vmem>>, vector<128x128xf32>
      %dot_general3A_30 = arith.constant dense<0.000000e+00> : vector<2000x128xf32>
      %dot_general3A_31 = tpu.matmul %add3A, %get3A_29, %dot_general3A_30 {dimension_numbers = #tpu.dot_dimension_numbers<[1], [0], [0], [1], [0, 0, 1, 1], [], []>, transpose_lhs_hint = false} : vector<2000x128xf32>, vector<128x128xf32>, vector<2000x128xf32> -> vector<2000x128xf32>
      %get3A_32 = arith.constant 0 : index
      %get3A_33 = arith.constant 0 : index
      %get3A_34 = vector.load %arg7[%get3A_32, %get3A_33] : memref<1x128xf32, #tpu.memory_space<vmem>>, vector<1x128xf32>
      %add3A_35 = vector.broadcast %get3A_34 : vector<1x128xf32> to vector<2000x128xf32>
      %add3A_36 = arith.addf %dot_general3A_31, %add3A_35 : vector<2000x128xf32>
      %swap3A_37 = arith.constant 0 : index
      %swap3A_38 = arith.constant 0 : index
      %swap3A_39 = vector.load %arg9[%swap3A_37, %swap3A_38] : memref<2000x128xf32, #tpu.memory_space<vmem>>, vector<2000x128xf32>
      tpu.vector_store %arg9[%swap3A_37, %swap3A_38], %add3A_36 {strides = array<i32>} : memref<2000x128xf32, #tpu.memory_space<vmem>>, vector<2000x128xf32>,
    } else {
    }
    return
  }
  func.func @transform_0(%arg0: i32, %arg1: i32) -> (i32, i32) {
    %c0_i32 = arith.constant 0 : i32
    %c0_i32_0 = arith.constant 0 : i32
    return %arg0, %c0_i32 : i32, i32
  }
  func.func @transform_1(%arg0: i32, %arg1: i32) -> (i32, i32) {
    %c0_i32 = arith.constant 0 : i32
    %c0_i32_0 = arith.constant 0 : i32
    return %arg0, %c0_i32 : i32, i32
  }
  func.func @transform_2(%arg0: i32, %arg1: i32) -> (i32, i32) {
    %c0_i32 = arith.constant 0 : i32
    %c0_i32_0 = arith.constant 0 : i32
    %c0_i32_1 = arith.constant 0 : i32
    return %c0_i32, %c0_i32_0 : i32, i32
  }
  func.func @transform_3(%arg0: i32, %arg1: i32) -> (i32, i32, i32) {
    %c0_i32 = arith.constant 0 : i32
    %c0_i32_0 = arith.constant 0 : i32
    %c0_i32_1 = arith.constant 0 : i32
    return %arg1, %c0_i32, %c0_i32_0 : i32, i32, i32
  }
  func.func @transform_4(%arg0: i32, %arg1: i32) -> (i32, i32) {
    %c0_i32 = arith.constant 0 : i32
    %c0_i32_0 = arith.constant 0 : i32
    %c0_i32_1 = arith.constant 0 : i32
    return %c0_i32, %c0_i32_0 : i32, i32
  }
  func.func @transform_5(%arg0: i32, %arg1: i32) -> (i32, i32) {
    %c0_i32 = arith.constant 0 : i32
    %c0_i32_0 = arith.constant 0 : i32
    %c0_i32_1 = arith.constant 0 : i32
    return %c0_i32, %c0_i32_0 : i32, i32
  }
  func.func @transform_6(%arg0: i32, %arg1: i32) -> (i32, i32, i32) {
    %c0_i32 = arith.constant 0 : i32
    %c0_i32_0 = arith.constant 0 : i32
    return %arg1, %arg0, %c0_i32 : i32, i32, i32
  }
  func.func @transform_7(%arg0: i32, %arg1: i32) -> (i32, i32) {
    %c0_i32 = arith.constant 0 : i32
    %c0_i32_0 = arith.constant 0 : i32
    return %arg0, %c0_i32 : i32, i32
  }
}

module attributes {stable_mosaic.version = 14 : i64} {
  func.func @body(%arg0: i32, %arg1: i32, %arg2: memref<2000x128xf32, #tpu.memory_space<vmem>>, %arg3: memref<2x2000x128xf32, #tpu.memory_space<vmem>>, %arg4: memref<1x128xf32, #tpu.memory_space<vmem>>, %arg5: memref<1x128xf32, #tpu.memory_space<vmem>>, %arg6: memref<1x128x128xf32, #tpu.memory_space<vmem>>, %arg7: memref<128x128xf32, #tpu.memory_space<vmem>>, %arg8: memref<1x128xf32, #tpu.memory_space<vmem>>, %arg9: memref<1x2000x128xf32, #tpu.memory_space<vmem>>, %arg10: memref<2000x128xf32, #tpu.memory_space<vmem>>) attributes {dimension_semantics = [#tpu.dimension_semantics<arbitrary>, #tpu.dimension_semantics<arbitrary>], iteration_bounds = array<i64: 5, 16>, scalar_prefetch = 0 : i64, scratch_operands = 0 : i64, tpu.core_type = #tpu.core_type<tc>, window_params = [{transform_indices = @transform_0, window_bounds = array<i64: 2000, 128>}, {transform_indices = @transform_1, window_bounds = array<i64: 2, 2000, 128>}, {pipeline_mode = #tpu.pipeline_mode<synchronous>, transform_indices = @transform_2, window_bounds = array<i64: 1, 128>}, {pipeline_mode = #tpu.pipeline_mode<synchronous>, transform_indices = @transform_3, window_bounds = array<i64: 1, 128>}, {transform_indices = @transform_4, window_bounds = array<i64: 1, 128, 128>}, {pipeline_mode = #tpu.pipeline_mode<synchronous>, transform_indices = @transform_5, window_bounds = array<i64: 128, 128>}, {pipeline_mode = #tpu.pipeline_mode<synchronous>, transform_indices = @transform_6, window_bounds = array<i64: 1, 128>}, {transform_indices = @transform_7, window_bounds = array<i64: 1, 2000, 128>}, {transform_indices = @transform_8, window_bounds = array<i64: 2000, 128>}]} {
    %get3A = arith.constant 0 : index
    %get3A_0 = arith.constant 0 : index
    %get3A_1 = vector.load %arg2[%get3A, %get3A_0] : memref<2000x128xf32, #tpu.memory_space<vmem>>, vector<2000x128xf32>
    %get3A_2 = arith.constant 0 : index
    %get3A_3 = arith.constant 0 : index
    %get3A_4 = arith.constant 0 : index
    %get3A_5 = vector.load %arg3[%get3A_2, %get3A_3, %get3A_4] : memref<2x2000x128xf32, #tpu.memory_space<vmem>>, vector<1x2000x128xf32>
    %get3A_6 = vector.shape_cast %get3A_5 : vector<1x2000x128xf32> to vector<2000x128xf32>
    %add3A = arith.addf %get3A_1, %get3A_6 : vector<2000x128xf32>
    %get3A_7 = arith.constant 1 : index
    %get3A_8 = arith.constant 0 : index
    %get3A_9 = arith.constant 0 : index
    %get3A_10 = vector.load %arg3[%get3A_7, %get3A_8, %get3A_9] : memref<2x2000x128xf32, #tpu.memory_space<vmem>>, vector<1x2000x128xf32>
    %get3A_11 = vector.shape_cast %get3A_10 : vector<1x2000x128xf32> to vector<2000x128xf32>
    %add3A_12 = arith.addf %add3A, %get3A_11 : vector<2000x128xf32>
    %get3A_13 = arith.constant 0 : index
    %get3A_14 = arith.constant 0 : index
    %get3A_15 = vector.load %arg4[%get3A_13, %get3A_14] : memref<1x128xf32, #tpu.memory_space<vmem>>, vector<1x128xf32>
    %get3A_16 = arith.constant 0 : index
    %get3A_17 = arith.constant 0 : index
    %get3A_18 = vector.load %arg5[%get3A_16, %get3A_17] : memref<1x128xf32, #tpu.memory_space<vmem>>, vector<1x128xf32>
    %reduce_sum3A = arith.constant dense<0.000000e+00> : vector<2000xf32>
    %reduce_sum3A_19 = vector.multi_reduction <add>, %add3A_12, %reduce_sum3A [1] : vector<2000x128xf32> to vector<2000xf32>
    %broadcast_in_dim3A = vector.shape_cast %reduce_sum3A_19 : vector<2000xf32> to vector<2000x1xf32>
    %div3A = arith.constant 1.280000e+02 : f32
    %div3A_20 = vector.broadcast %div3A : f32 to vector<2000x1xf32>
    %div3A_21 = arith.divf %broadcast_in_dim3A, %div3A_20 : vector<2000x1xf32>
    %sub3A = vector.broadcast %div3A_21 : vector<2000x1xf32> to vector<2000x128xf32>
    %sub3A_22 = arith.subf %add3A_12, %sub3A : vector<2000x128xf32>
    %integer_pow3A = arith.mulf %sub3A_22, %sub3A_22 : vector<2000x128xf32>
    %reduce_sum3A_23 = arith.constant dense<0.000000e+00> : vector<2000xf32>
    %reduce_sum3A_24 = vector.multi_reduction <add>, %integer_pow3A, %reduce_sum3A_23 [1] : vector<2000x128xf32> to vector<2000xf32>
    %broadcast_in_dim3A_25 = vector.shape_cast %reduce_sum3A_24 : vector<2000xf32> to vector<2000x1xf32>
    %div3A_26 = arith.constant 1.280000e+02 : f32
    %div3A_27 = vector.broadcast %div3A_26 : f32 to vector<2000x1xf32>
    %div3A_28 = arith.divf %broadcast_in_dim3A_25, %div3A_27 : vector<2000x1xf32>
    %sub3A_29 = vector.broadcast %div3A_21 : vector<2000x1xf32> to vector<2000x128xf32>
    %sub3A_30 = arith.subf %add3A_12, %sub3A_29 : vector<2000x128xf32>
    %add3A_31 = arith.constant 9.99999974E-6 : f32
    %add3A_32 = vector.broadcast %add3A_31 : f32 to vector<2000x1xf32>
    %add3A_33 = arith.addf %div3A_28, %add3A_32 : vector<2000x1xf32>
    %sqrt3A = math.sqrt %add3A_33 : vector<2000x1xf32>
    %div3A_34 = vector.broadcast %sqrt3A : vector<2000x1xf32> to vector<2000x128xf32>
    %div3A_35 = arith.divf %sub3A_30, %div3A_34 : vector<2000x128xf32>
    %mul3A = vector.broadcast %get3A_15 : vector<1x128xf32> to vector<2000x128xf32>
    %mul3A_36 = arith.mulf %div3A_35, %mul3A : vector<2000x128xf32>
    %add3A_37 = vector.broadcast %get3A_18 : vector<1x128xf32> to vector<2000x128xf32>
    %add3A_38 = arith.addf %mul3A_36, %add3A_37 : vector<2000x128xf32>
    %mul3A_39 = arith.constant 5.000000e-01 : f32
    %mul3A_40 = vector.broadcast %mul3A_39 : f32 to vector<2000x128xf32>
    %mul3A_41 = arith.mulf %mul3A_40, %add3A_38 : vector<2000x128xf32>
    %mul3A_42 = arith.constant 0.707106769 : f32
    %mul3A_43 = vector.broadcast %mul3A_42 : f32 to vector<2000x128xf32>
    %mul3A_44 = arith.mulf %add3A_38, %mul3A_43 : vector<2000x128xf32>
    %erf3A = math.erf %mul3A_44 : vector<2000x128xf32>
    %add3A_45 = arith.constant 1.000000e+00 : f32
    %add3A_46 = vector.broadcast %add3A_45 : f32 to vector<2000x128xf32>
    %add3A_47 = arith.addf %add3A_46, %erf3A : vector<2000x128xf32>
    %mul3A_48 = arith.mulf %mul3A_41, %add3A_47 : vector<2000x128xf32>
    %get3A_49 = arith.constant 0 : index
    %get3A_50 = arith.constant 0 : index
    %get3A_51 = arith.constant 0 : index
    %get3A_52 = vector.load %arg6[%get3A_49, %get3A_50, %get3A_51] : memref<1x128x128xf32, #tpu.memory_space<vmem>>, vector<1x128x128xf32>
    %get3A_53 = vector.shape_cast %get3A_52 : vector<1x128x128xf32> to vector<128x128xf32>
    %dot_general3A = arith.constant dense<0.000000e+00> : vector<2000x128xf32>
    %dot_general3A_54 = tpu.matmul %mul3A_48, %get3A_53, %dot_general3A {dimension_numbers = #tpu.dot_dimension_numbers<[1], [0], [0], [1], [0, 0, 1, 1], [], []>, transpose_lhs_hint = false} : vector<2000x128xf32>, vector<128x128xf32>, vector<2000x128xf32> -> vector<2000x128xf32>
    %swap3A = arith.constant 0 : index
    %swap3A_55 = arith.constant 0 : index
    %swap3A_56 = arith.constant 0 : index
    %swap3A_57 = vector.load %arg9[%swap3A, %swap3A_55, %swap3A_56] : memref<1x2000x128xf32, #tpu.memory_space<vmem>>, vector<1x2000x128xf32>
    %swap3A_58 = vector.shape_cast %swap3A_57 : vector<1x2000x128xf32> to vector<2000x128xf32>
    %swap3A_59 = vector.shape_cast %dot_general3A_54 : vector<2000x128xf32> to vector<1x2000x128xf32>
    tpu.vector_store %arg9[%swap3A, %swap3A_55, %swap3A_56], %swap3A_59 {strides = array<i32>} : memref<1x2000x128xf32, #tpu.memory_space<vmem>>, vector<1x2000x128xf32>,
    %eq3A = arith.constant 0 : i32
    %eq3A_60 = arith.cmpi eq, %arg1, %eq3A : i32
    %convert_element_type3A = arith.extui %eq3A_60 : i1 to i32
    %cond3A = arith.constant 0 : i32
    %cond3A_61 = arith.cmpi ne, %convert_element_type3A, %cond3A : i32
    scf.if %cond3A_61 {
      %get3A_62 = arith.constant 0 : index
      %get3A_63 = arith.constant 0 : index
      %get3A_64 = vector.load %arg7[%get3A_62, %get3A_63] : memref<128x128xf32, #tpu.memory_space<vmem>>, vector<128x128xf32>
      %dot_general3A_65 = arith.constant dense<0.000000e+00> : vector<2000x128xf32>
      %dot_general3A_66 = tpu.matmul %mul3A_48, %get3A_64, %dot_general3A_65 {dimension_numbers = #tpu.dot_dimension_numbers<[1], [0], [0], [1], [0, 0, 1, 1], [], []>, transpose_lhs_hint = false} : vector<2000x128xf32>, vector<128x128xf32>, vector<2000x128xf32> -> vector<2000x128xf32>
      %get3A_67 = arith.constant 0 : index
      %get3A_68 = arith.constant 0 : index
      %get3A_69 = vector.load %arg8[%get3A_67, %get3A_68] : memref<1x128xf32, #tpu.memory_space<vmem>>, vector<1x128xf32>
      %add3A_70 = vector.broadcast %get3A_69 : vector<1x128xf32> to vector<2000x128xf32>
      %add3A_71 = arith.addf %dot_general3A_66, %add3A_70 : vector<2000x128xf32>
      %swap3A_72 = arith.constant 0 : index
      %swap3A_73 = arith.constant 0 : index
      %swap3A_74 = vector.load %arg10[%swap3A_72, %swap3A_73] : memref<2000x128xf32, #tpu.memory_space<vmem>>, vector<2000x128xf32>
      tpu.vector_store %arg10[%swap3A_72, %swap3A_73], %add3A_71 {strides = array<i32>} : memref<2000x128xf32, #tpu.memory_space<vmem>>, vector<2000x128xf32>,
    } else {
    }
    return
  }
  func.func @transform_0(%arg0: i32, %arg1: i32) -> (i32, i32) {
    %c0_i32 = arith.constant 0 : i32
    %c0_i32_0 = arith.constant 0 : i32
    return %arg0, %c0_i32 : i32, i32
  }
  func.func @transform_1(%arg0: i32, %arg1: i32) -> (i32, i32, i32) {
    %c0_i32 = arith.constant 0 : i32
    %c0_i32_0 = arith.constant 0 : i32
    %c0_i32_1 = arith.constant 0 : i32
    return %c0_i32, %arg0, %c0_i32_0 : i32, i32, i32
  }
  func.func @transform_2(%arg0: i32, %arg1: i32) -> (i32, i32) {
    %c0_i32 = arith.constant 0 : i32
    %c0_i32_0 = arith.constant 0 : i32
    %c0_i32_1 = arith.constant 0 : i32
    return %c0_i32, %c0_i32_0 : i32, i32
  }
  func.func @transform_3(%arg0: i32, %arg1: i32) -> (i32, i32) {
    %c0_i32 = arith.constant 0 : i32
    %c0_i32_0 = arith.constant 0 : i32
    %c0_i32_1 = arith.constant 0 : i32
    return %c0_i32, %c0_i32_0 : i32, i32
  }
  func.func @transform_4(%arg0: i32, %arg1: i32) -> (i32, i32, i32) {
    %c0_i32 = arith.constant 0 : i32
    %c0_i32_0 = arith.constant 0 : i32
    %c0_i32_1 = arith.constant 0 : i32
    return %arg1, %c0_i32, %c0_i32_0 : i32, i32, i32
  }
  func.func @transform_5(%arg0: i32, %arg1: i32) -> (i32, i32) {
    %c0_i32 = arith.constant 0 : i32
    %c0_i32_0 = arith.constant 0 : i32
    %c0_i32_1 = arith.constant 0 : i32
    return %c0_i32, %c0_i32_0 : i32, i32
  }
  func.func @transform_6(%arg0: i32, %arg1: i32) -> (i32, i32) {
    %c0_i32 = arith.constant 0 : i32
    %c0_i32_0 = arith.constant 0 : i32
    %c0_i32_1 = arith.constant 0 : i32
    return %c0_i32, %c0_i32_0 : i32, i32
  }
  func.func @transform_7(%arg0: i32, %arg1: i32) -> (i32, i32, i32) {
    %c0_i32 = arith.constant 0 : i32
    %c0_i32_0 = arith.constant 0 : i32
    return %arg1, %arg0, %c0_i32 : i32, i32, i32
  }
  func.func @transform_8(%arg0: i32, %arg1: i32) -> (i32, i32) {
    %c0_i32 = arith.constant 0 : i32
    %c0_i32_0 = arith.constant 0 : i32
    return %arg0, %c0_i32 : i32, i32
  }
}

module attributes {stable_mosaic.version = 14 : i64} {
  func.func @body(%arg0: i32, %arg1: memref<2000x128xf32, #tpu.memory_space<vmem>>, %arg2: memref<2000x128xf32, #tpu.memory_space<vmem>>, %arg3: memref<2x2000x128xf32, #tpu.memory_space<vmem>>, %arg4: memref<1x128xf32, #tpu.memory_space<vmem>>, %arg5: memref<1x128xf32, #tpu.memory_space<vmem>>, %arg6: memref<2000x128xf32, #tpu.memory_space<vmem>>) attributes {dimension_semantics = [#tpu.dimension_semantics<arbitrary>], iteration_bounds = array<i64: 5>, scalar_prefetch = 0 : i64, scratch_operands = 0 : i64, tpu.core_type = #tpu.core_type<tc>, window_params = [{transform_indices = @transform_0, window_bounds = array<i64: 2000, 128>}, {transform_indices = @transform_1, window_bounds = array<i64: 2000, 128>}, {transform_indices = @transform_2, window_bounds = array<i64: 2, 2000, 128>}, {pipeline_mode = #tpu.pipeline_mode<synchronous>, transform_indices = @transform_3, window_bounds = array<i64: 1, 128>}, {pipeline_mode = #tpu.pipeline_mode<synchronous>, transform_indices = @transform_4, window_bounds = array<i64: 1, 128>}, {transform_indices = @transform_5, window_bounds = array<i64: 2000, 128>}]} {
    %get3A = arith.constant 0 : index
    %get3A_0 = arith.constant 0 : index
    %get3A_1 = vector.load %arg2[%get3A, %get3A_0] : memref<2000x128xf32, #tpu.memory_space<vmem>>, vector<2000x128xf32>
    %get3A_2 = arith.constant 0 : index
    %get3A_3 = arith.constant 0 : index
    %get3A_4 = arith.constant 0 : index
    %get3A_5 = vector.load %arg3[%get3A_2, %get3A_3, %get3A_4] : memref<2x2000x128xf32, #tpu.memory_space<vmem>>, vector<1x2000x128xf32>
    %get3A_6 = vector.shape_cast %get3A_5 : vector<1x2000x128xf32> to vector<2000x128xf32>
    %add3A = arith.addf %get3A_1, %get3A_6 : vector<2000x128xf32>
    %get3A_7 = arith.constant 1 : index
    %get3A_8 = arith.constant 0 : index
    %get3A_9 = arith.constant 0 : index
    %get3A_10 = vector.load %arg3[%get3A_7, %get3A_8, %get3A_9] : memref<2x2000x128xf32, #tpu.memory_space<vmem>>, vector<1x2000x128xf32>
    %get3A_11 = vector.shape_cast %get3A_10 : vector<1x2000x128xf32> to vector<2000x128xf32>
    %add3A_12 = arith.addf %add3A, %get3A_11 : vector<2000x128xf32>
    %get3A_13 = arith.constant 0 : index
    %get3A_14 = arith.constant 0 : index
    %get3A_15 = vector.load %arg4[%get3A_13, %get3A_14] : memref<1x128xf32, #tpu.memory_space<vmem>>, vector<1x128xf32>
    %get3A_16 = arith.constant 0 : index
    %get3A_17 = arith.constant 0 : index
    %get3A_18 = vector.load %arg5[%get3A_16, %get3A_17] : memref<1x128xf32, #tpu.memory_space<vmem>>, vector<1x128xf32>
    %reduce_sum3A = arith.constant dense<0.000000e+00> : vector<2000xf32>
    %reduce_sum3A_19 = vector.multi_reduction <add>, %add3A_12, %reduce_sum3A [1] : vector<2000x128xf32> to vector<2000xf32>
    %broadcast_in_dim3A = vector.shape_cast %reduce_sum3A_19 : vector<2000xf32> to vector<2000x1xf32>
    %div3A = arith.constant 1.280000e+02 : f32
    %div3A_20 = vector.broadcast %div3A : f32 to vector<2000x1xf32>
    %div3A_21 = arith.divf %broadcast_in_dim3A, %div3A_20 : vector<2000x1xf32>
    %sub3A = vector.broadcast %div3A_21 : vector<2000x1xf32> to vector<2000x128xf32>
    %sub3A_22 = arith.subf %add3A_12, %sub3A : vector<2000x128xf32>
    %integer_pow3A = arith.mulf %sub3A_22, %sub3A_22 : vector<2000x128xf32>
    %reduce_sum3A_23 = arith.constant dense<0.000000e+00> : vector<2000xf32>
    %reduce_sum3A_24 = vector.multi_reduction <add>, %integer_pow3A, %reduce_sum3A_23 [1] : vector<2000x128xf32> to vector<2000xf32>
    %broadcast_in_dim3A_25 = vector.shape_cast %reduce_sum3A_24 : vector<2000xf32> to vector<2000x1xf32>
    %div3A_26 = arith.constant 1.280000e+02 : f32
    %div3A_27 = vector.broadcast %div3A_26 : f32 to vector<2000x1xf32>
    %div3A_28 = arith.divf %broadcast_in_dim3A_25, %div3A_27 : vector<2000x1xf32>
    %sub3A_29 = vector.broadcast %div3A_21 : vector<2000x1xf32> to vector<2000x128xf32>
    %sub3A_30 = arith.subf %add3A_12, %sub3A_29 : vector<2000x128xf32>
    %add3A_31 = arith.constant 9.99999974E-6 : f32
    %add3A_32 = vector.broadcast %add3A_31 : f32 to vector<2000x1xf32>
    %add3A_33 = arith.addf %div3A_28, %add3A_32 : vector<2000x1xf32>
    %sqrt3A = math.sqrt %add3A_33 : vector<2000x1xf32>
    %div3A_34 = vector.broadcast %sqrt3A : vector<2000x1xf32> to vector<2000x128xf32>
    %div3A_35 = arith.divf %sub3A_30, %div3A_34 : vector<2000x128xf32>
    %mul3A = vector.broadcast %get3A_15 : vector<1x128xf32> to vector<2000x128xf32>
    %mul3A_36 = arith.mulf %div3A_35, %mul3A : vector<2000x128xf32>
    %add3A_37 = vector.broadcast %get3A_18 : vector<1x128xf32> to vector<2000x128xf32>
    %add3A_38 = arith.addf %mul3A_36, %add3A_37 : vector<2000x128xf32>
    %get3A_39 = arith.constant 0 : index
    %get3A_40 = arith.constant 0 : index
    %get3A_41 = vector.load %arg1[%get3A_39, %get3A_40] : memref<2000x128xf32, #tpu.memory_space<vmem>>, vector<2000x128xf32>
    %add3A_42 = arith.addf %get3A_41, %add3A_38 : vector<2000x128xf32>
    %mul3A_43 = arith.mulf %add3A_42, %add3A_42 : vector<2000x128xf32>
    %reduce_sum3A_44 = arith.constant dense<0.000000e+00> : vector<2000xf32>
    %reduce_sum3A_45 = vector.multi_reduction <add>, %mul3A_43, %reduce_sum3A_44 [1] : vector<2000x128xf32> to vector<2000xf32>
    %broadcast_in_dim3A_46 = vector.shape_cast %reduce_sum3A_45 : vector<2000xf32> to vector<2000x1xf32>
    %sqrt3A_47 = math.sqrt %broadcast_in_dim3A_46 : vector<2000x1xf32>
    %max3A = arith.constant 9.99999996E-13 : f32
    %max3A_48 = vector.broadcast %max3A : f32 to vector<2000x1xf32>
    %max3A_49 = arith.maximumf %sqrt3A_47, %max3A_48 : vector<2000x1xf32>
    %div3A_50 = vector.broadcast %max3A_49 : vector<2000x1xf32> to vector<2000x128xf32>
    %div3A_51 = arith.divf %add3A_42, %div3A_50 : vector<2000x128xf32>
    %swap3A = arith.constant 0 : index
    %swap3A_52 = arith.constant 0 : index
    %swap3A_53 = vector.load %arg6[%swap3A, %swap3A_52] : memref<2000x128xf32, #tpu.memory_space<vmem>>, vector<2000x128xf32>
    tpu.vector_store %arg6[%swap3A, %swap3A_52], %div3A_51 {strides = array<i32>} : memref<2000x128xf32, #tpu.memory_space<vmem>>, vector<2000x128xf32>,
    return
  }
  func.func @transform_0(%arg0: i32) -> (i32, i32) {
    %c0_i32 = arith.constant 0 : i32
    %c0_i32_0 = arith.constant 0 : i32
    return %arg0, %c0_i32 : i32, i32
  }
  func.func @transform_1(%arg0: i32) -> (i32, i32) {
    %c0_i32 = arith.constant 0 : i32
    %c0_i32_0 = arith.constant 0 : i32
    return %arg0, %c0_i32 : i32, i32
  }
  func.func @transform_2(%arg0: i32) -> (i32, i32, i32) {
    %c0_i32 = arith.constant 0 : i32
    %c0_i32_0 = arith.constant 0 : i32
    %c0_i32_1 = arith.constant 0 : i32
    return %c0_i32, %arg0, %c0_i32_0 : i32, i32, i32
  }
  func.func @transform_3(%arg0: i32) -> (i32, i32) {
    %c0_i32 = arith.constant 0 : i32
    %c0_i32_0 = arith.constant 0 : i32
    %c0_i32_1 = arith.constant 0 : i32
    return %c0_i32, %c0_i32_0 : i32, i32
  }
  func.func @transform_4(%arg0: i32) -> (i32, i32) {
    %c0_i32 = arith.constant 0 : i32
    %c0_i32_0 = arith.constant 0 : i32
    %c0_i32_1 = arith.constant 0 : i32
    return %c0_i32, %c0_i32_0 : i32, i32
  }
  func.func @transform_5(%arg0: i32) -> (i32, i32) {
    %c0_i32 = arith.constant 0 : i32
    %c0_i32_0 = arith.constant 0 : i32
    return %arg0, %c0_i32 : i32, i32
  }
}

</mosaic_0001>

<sc_bundles>
// kernel: kernel.11.cloned.1.call-start
scs
__scs_entry_jumppad:
0x0: {  	(pc) =	sbr.rel $0x88, $3  }
0x1: {  	(tag) =	ssettag $0x0;
	lr =	simm.s32 $0x1  }
0x2: {  	[smem:$0x3F92] =	sst lr;
	_ =	strace $0xD0000000  }
0x3: {  	_ = 	snop  }
0x4: {  	_ = 	snop  }
0x5: {  	_ = 	snop  }
0x6: {  	_ = 	snop  }
0x7: {  	_ = 	snop  }
__scs_overlays_trampoline_lowered:
0x8: {  	[smem:$0x3FA1] =	sst s0  }
0x9: {  	[smem:$0x3FA2] =	sst s1  }
0xa: {  	[smem:$0x3FA3] =	sst s2  }
0xb: {  	[smem:$0x3FA4] =	sst s3  }
0xc: {  	[smem:$0x3FA5] =	sst s4  }
0xd: {  	[smem:$0x3FA6] =	sst s5  }
0xe: {  	[smem:$0x3FA7] =	sst s6  }
0xf: {  	[smem:$0x3FA8] =	sst s7  }
0x10: {  	[smem:$0x3FA9] =	sst s8  }
0x11: {  	[smem:$0x3FAA] =	sst s9;
	s0 =	simm.s32 @!p0 $0x0  }
0x12: {  	s1 =	sld [smem:$0x3F90];
	s0 =	simm.s32 @p0 $0x1  }
0x13: {  	[smem:$0x3FAB] =	sst s0;
	s0 =	simm.s32 @!p1 $0x0  }
0x14: {  	s2 =	sld [smem:$0x3F8F];
	s0 =	simm.s32 @p1 $0x1  }
0x15: {  	[smem:$0x3FAC] =	sst s0;
	s0 =	simm.s32 @!p2 $0x0  }
0x16: {  	s3 =	sld [smem:$0x3FDB];
	s0 =	simm.s32 @p2 $0x1  }
0x17: {  	s4 =	simm.s32 $0x1BF5;
	[smem:$0x3FAE] =	sst s0  }
0x18: {  	s0 =	sld [smem:$0x3F91];
	_ =	swait.ge [sflag:s4], $0x0  }
0x19: {  	s7 =	sld [smem:$0x3F92]  }
0x1a: {  	s8 =	sadd.s32 $0xFFFFE003, lr  }
0x1b: {  	s9 =	sadd.s32 $0xFFFFFEF7, lr;
	s5 =	simm.s32 $0xFFFFFFFF;
	p2 =	slt.u32 s8, $0xFFFFF086  }
0x1c: {  	p1 =	slt.u32 s9, $0xF7A;
	s5 =	simm.s32 @!p2 $0x0  }
0x1d: {  	s5 =	simm.s32 @p1 $0x1;
	p0 =	seq.s32 s7, s2  }
0x1e: {  	s7 =	smul.u32 @!p0 $0xF7A, s2;
	p2 =	seq.s32 @!p0 s5, $0x0  }
0x1f: {  	s9 =	smul.u32 $0xF7A, s1;
	s8 =	simm.s32 @!p0 $0x1BF5;
	p2 =	por !p2, p0  }
0x20: {  	[sflag:s8] =	ssyncset.s32 @!p0 $0xFFFFF086;
	s6 =	sadd.s32 @!p0 s3, s7;
	s7 =	simm.s32 @!p0 $0x108  }
0x21: {  	s3 =	sadd.s32 s3, s9;
	s6 =	sadd.s32 @!p0 $0x88, s6;
	s7 =	simm.s32 @p2 $0x1082  }
0x22: {  	[simem:s7], [sflag:s8] =	dma.local @!p0 [hbm:s6], $0xF7A  }
0x23: {  	s9 =	sor.u32 $0xD0000000, s2;
	s6 =	simm.s32 $0x108;
	_ =	swait.ge @!p0 [sflag:s8], $0x0  }
0x24: {  	s3 =	sadd.s32 $0x88, s3;
	s6 =	simm.s32 @!p1 $0x1082;
	[sflag:s4] =	ssyncset.s32 $0xFFFFF086  }
0x25: {  	[simem:s6], [sflag:s4] =	dma.local [hbm:s3], $0xF7A  }
0x26: {  	[smem:$0x3F92] =	sst s1;
	(tag) =	ssettag s2;
	_ =	strace s9  }
0x27: {  	s1 =	sld [smem:$0x3FA2]  }
0x28: {  	s2 =	sld [smem:$0x3FA3]  }
0x29: {  	s4 =	sld [smem:$0x3FA5]  }
0x2a: {  	p0 =	seq.s32 s5, $0x0;
	s5 =	sld [smem:$0x3FA6]  }
0x2b: {  	s6 =	sld [smem:$0x3FA7]  }
0x2c: {  	s7 =	sld [smem:$0x3FA8]  }
0x2d: {  	s3 =	simm.s32 $0x108;
	s8 =	sld [smem:$0x3FA9]  }
0x2e: {  	s3 =	simm.s32 @!p0 $0x1082;
	s9 =	sld [smem:$0x3FAA]  }
0x2f: {  	lr =	sadd.s32 s0, s3;
	s0 =	sld [smem:$0x3FA1]  }
0x30: {  	s3 =	sld [smem:$0x3FA4]  }
0x31: {  	[smem:$0x3FAD] =	sst s10  }
0x32: {  	s10 =	sld [smem:$0x3FAB];
	_ =	sdelay $0x3  }
0x33: {  	p0 =	seq.s32 s10, $0x1;
	s10 =	sld [smem:$0x3FAD];
	_ =	sdelay $0x3  }
0x34: {  	[smem:$0x3FAD] =	sst s10  }
0x35: {  	s10 =	sld [smem:$0x3FAC];
	_ =	sdelay $0x3  }
0x36: {  	p1 =	seq.s32 s10, $0x1;
	s10 =	sld [smem:$0x3FAD];
	_ =	sdelay $0x3  }
0x37: {  	[smem:$0x3FAD] =	sst s10  }
0x38: {  	s10 =	sld [smem:$0x3FAE]  }
0x39: {  	_ = 	snop;
	(pc) =	sbr.ind lr, $3  }
0x3a: {  	_ = 	snop  }
0x3b: {  	_ = 	snop  }
0x3c: {  	p2 =	seq.s32 s10, $0x1;
	s10 =	sld [smem:$0x3FAD]  }
0x3d: {  	_ =	shalt  }
0x3e: {  	_ =	shalt  }
0x3f: {  	_ =	shalt  }
0x40: {  	_ =	shalt  }
0x41: {  	_ =	shalt  }
0x42: {  	_ =	shalt  }
0x43: {  	_ =	shalt  }
0x44: {  	_ =	shalt  }
0x45: {  	_ =	shalt  }
0x46: {  	_ =	shalt  }
0x47: {  	_ =	shalt  }
0x48: {  	_ =	shalt  }
0x49: {  	_ =	shalt  }
0x4a: {  	_ =	shalt  }
0x4b: {  	_ =	shalt  }
0x4c: {  	_ =	shalt  }
0x4d: {  	_ =	shalt  }
0x4e: {  	_ =	shalt  }
0x4f: {  	_ =	shalt  }
0x50: {  	_ =	shalt  }
0x51: {  	_ =	shalt  }
0x52: {  	_ =	shalt  }
0x53: {  	_ =	shalt  }
0x54: {  	_ =	shalt  }
0x55: {  	_ =	shalt  }
0x56: {  	_ =	shalt  }
0x57: {  	_ =	shalt  }
0x58: {  	_ =	shalt  }
0x59: {  	_ =	shalt  }
0x5a: {  	_ =	shalt  }
0x5b: {  	_ =	shalt  }
0x5c: {  	_ =	shalt  }
0x5d: {  	_ =	shalt  }
0x5e: {  	_ =	shalt  }
0x5f: {  	_ =	shalt  }
0x60: {  	_ =	shalt  }
0x61: {  	_ =	shalt  }
0x62: {  	_ =	shalt  }
0x63: {  	_ =	shalt  }
0x64: {  	_ =	shalt  }
0x65: {  	_ =	shalt  }
0x66: {  	_ =	shalt  }
0x67: {  	_ =	shalt  }
0x68: {  	_ =	shalt  }
0x69: {  	_ =	shalt  }
0x6a: {  	_ =	shalt  }
0x6b: {  	_ =	shalt  }
0x6c: {  	_ =	shalt  }
0x6d: {  	_ =	shalt  }
0x6e: {  	_ =	shalt  }
0x6f: {  	_ =	shalt  }
0x70: {  	_ =	shalt  }
0x71: {  	_ =	shalt  }
0x72: {  	_ =	shalt  }
0x73: {  	_ =	shalt  }
0x74: {  	_ =	shalt  }
0x75: {  	_ =	shalt  }
0x76: {  	_ =	shalt  }
0x77: {  	_ =	shalt  }
0x78: {  	_ =	shalt  }
0x79: {  	_ =	shalt  }
0x7a: {  	_ =	shalt  }
0x7b: {  	_ =	shalt  }
0x7c: {  	_ =	shalt  }
0x7d: {  	_ =	shalt  }
0x7e: {  	_ =	shalt  }
0x7f: {  	_ =	shalt  }
0x80: {  	_ =	shalt  }
0x81: {  	_ =	shalt  }
0x82: {  	_ =	shalt  }
0x83: {  	_ =	shalt  }
0x84: {  	_ =	shalt  }
0x85: {  	_ =	shalt  }
0x86: {  	_ =	shalt  }
0x87: {  	_ =	shalt  }
.Lfunc_end0:
.L_simem_size_0:
called_computation.1_lowered:
.L_overlay_start_0:
0x88: {  	s2 =	sld [smem:$0x3FD9]  }
0x89: {  	s3 =	sld [smem:$0x3FFE];
	_ =	sdelay $0x1  }
0x8a: {  	s1 =	srdreg.scid  }
0x8b: {  	s0 =	sand.u32 $0x1, s1  }
0x8c: {  	s17 =	sshll.u32 s0, $0xA;
	s2 =	sadd.s32 s3, s2  }
0x8d: {  	s2 =	sadd.s32 s2, s17  }
0x8e: {  	[smem:$0x3FB9] =	sst s2  }
0x8f: {  	_ = 	snop  }
0x90: {  	s2 =	sld [smem:$0x3FD0];
	(tm) =	ssettm $0x1  }
0x91: {  	s18 =	sld [smem:$0x3FFB];
	_ =	sdelay $0x3  }
0x92: {  	_ =	strace s18  }
0x93: {  	s3 =	sld [smem:$0x3FFC];
	_ =	sdelay $0x3  }
0x94: {  	_ =	strace s3  }
0x95: {  	s3 =	sld [smem:$0x3FFD];
	_ =	sdelay $0x3  }
0x96: {  	_ =	strace s3  }
0x97: {  	_ =	strace $0x8FFFFFFF  }
0x98: {  	s19 =	sld [smem:$0x3FDB];
	_ =	sdelay $0x1  }
0x99: {  	s4 =	simm.s32 $_scs_section_size  }
0x9a: {  	s5 =	simm.s32 $_size__tile_overlayer_lowered;
	s6 =	simm.s32 $_tile_overlayer_lowered  }
0x9b: {  	s22 =	simm.s32 $0x1BFF;
	s21 =	sshll.u32 s6, $0x1;
	s3 =	sadd.s32 s4, s19  }
0x9c: {  	s7 =	simm.s32 $0x0;
	s20 =	sshll.u32 s5, $0x1;
	s5 =	sadd.s32 s21, s3  }
0x9d: {  	[timem:s7], [sflag:s22] =	dma.local [hbm:s5], s20  }
0x9e: {  	_ =	swait.ge [sflag:s22], s20  }
0x9f: {  	s4 =	ssub.s32 $0x0, s20;
	[sflag:s22] =	ssyncset.done $0x0  }
0xa0: {  	[sflag:s22] =	ssyncadd.s32 s4;
	_ =	sdelay $0x1  }
0xa1: {  	s23 =	simm.s32 $0x1B8B  }
0xa2: {  	_ =	swait.ge [sflag:s23], $0x1  }
0xa3: {  	[sflag:s23] =	ssyncset.done $0x0  }
0xa4: {  	s25 =	simm.s32 $0x1B8E;
	s24 =	sld [smem:$0x3FFE];
	[sflag:s23] =	ssyncadd.s32 $0xFFFFFFFF  }
0xa5: {  	s26 =	simm.s32 $execute0_lowered;
	[smem:$0x3FD2] =	sst s25  }
0xa6: {  	s5 =	sshll.u32 s26, $0x1;
	_ =	strace $0x80000049;
	[dreg:$0x1] =	wrdreg $0xFFFFFFFF  }
0xa7: {  	s28 =	simm.s32 $_size_execute0_lowered;
	s3 =	sadd.s32 s3, s5;
	[dreg:$0x0] =	wrdreg $0x0  }
0xa8: {  	s5 =	sshll.u32 s28, $0x1;
	[dreg:$0x2] =	wrdreg s3  }
0xa9: {  	[dreg:$0x3] =	wrdreg s5  }
0xaa: {  	[dreg:$0x4] =	wrdreg $0xC0  }
0xab: {  	_ =	task [dreg:s7], $0x5FFFF  }
0xac: {  	[dreg:$0x1] =	wrdreg $0xFFFFFFFF  }
0xad: {  	[dreg:$0x0] =	wrdreg $0x60  }
0xae: {  	[dreg:$0x2] =	wrdreg s24  }
0xaf: {  	[dreg:$0x3] =	wrdreg s2  }
0xb0: {  	[dreg:$0x4] =	wrdreg $0x8D800  }
0xb1: {  	[dreg:$0x5] =	wrdreg $0x9  }
0xb2: {  	_ =	task.clear_ibuf [dreg:s7], $0x6FFFF;
	_ =	strace $0x90000049  }
0xb3: {  	s29 =	simm.s32 $0x9;
	_ =	strace $0x8000004B  }
0xb4: {  	_ =	swait.ge [sflag:s29], $0x1  }
0xb5: {  	[sflag:s29] =	ssyncadd.s32 $0xFFFFFFFF  }
0xb6: {  	_ =	strace $0x9000004B  }
0xb7: {  	_ =	sfence  }
0xb8: {  	s30 =	sld [smem:$0x0];
	_ =	sdelay $0x2  }
0xb9: {  	s31 =	sshll.u32 s1, $0xD;
	s1 =	sshrl.u32 s1, $0x2  }
0xba: {  	s3 =	sand.u32 $0x4000, s31;
	s1 =	sadd.s32 s1, s30  }
0xbb: {  	s0 =	sor.u32 s3, s0;
	s1 =	sshll.u32 s1, $0x11  }
0xbc: {  	s0 =	sor.u32 s1, s0  }
0xbd: {  	s0 =	sadd.s32 $0x8F2B, s0  }
0xbe: {  	[sflag:s0] =	ssyncadd.remote.s32 $0x1  }
0xbf: {  	_ =	sfence.sel $0xFFFF  }
0xc0: {  	[dreg:$0x0] =	wrdreg $0xFFFFFFFF;
	(pc) =	sbr.abs _section_cstart, $3  }
0xc1: {  	[dreg:$0x1] =	wrdreg $0xFFFFFFFF  }
0xc2: {  	_ =	task.clear_ibuf [dreg:s7], $0x2FFFF;
	_ =	strace $0x9FFFFFFF  }
0xc3: {  	(tm) =	ssettm $0x7FFFFFFF  }
tec
execute0_lowered:
.L_overlay_start_1:
0x0: {  	(tag) =	ssettag $0x1  }
0x1: {  	s8 =	rddreg [dreg:$0x0]  }
0x2: {  	s1 =	rddreg [dreg:$0x1]  }
0x3: {  	s2 =	rddreg [dreg:$0x2]  }
0x4: {  	s0 =	rddreg [dreg:$0x3];
	s3 =	simm.s32 $0x0;
	s4 =	srdreg.scid  }
0x5: {  	[smem:$0x7FF] =	sst s3;
	s9 =	sand.u32 $0x1, s4  }
0x6: {  	s19 =	simm.s32 $0x180;
	s4 =	stileid.u32;
	s10 =	smul.u32 $0x27100, s9  }
0x7: {  	s5 =	sadd.s32 $0x21200, s8;
	s6 =	sadd.s32 $0xD600, s8;
	s24 =	smul.u32 $0x19000, s4  }
0x8: {  	s7 =	sadd.s32 $0x17400, s8;
	s11 =	sor.u32 $0x10, s4;
	s20 =	smul.u32 $0xC80, s4  }
0x9: {  	_ =	strace $0x8000004A;
	s14 =	sor.u32 $0x20, s4;
	s12 =	smul.u32 $0x19000, s11  }
0xa: {  	s25 =	ssub.s32 $0x2, s9;
	s17 =	sor.u32 $0x30, s4;
	s16 =	smul.u32 $0x19000, s14  }
0xb: {  	s15 =	sshll.u32 s4, $0x1;
	p0 =	sgt.u32 s4, $0x1;
	s26 =	smul.u32 $0x19000, s17  }
0xc: {  	s18 =	sshrl.u32 s25, $0x1;
	s9 =	sor.u32 s9, s15;
	s21 =	smul.u32 $0xC80, s11  }
0xd: {  	s22 =	smul.u32 $0xC80, s14;
	s14 =	simm.s32 $0x2980;
	s15 =	simm.s32 $0x1  }
0xe: {  	s13 =	sadd.s32 s10, s8;
	s18 =	ssub.s32 s25, s18;
	s8 =	smul.u32 $0x2710, s9  }
0xf: {  	s28 =	sshrl.u32 s24, $0x2;
	s24 =	smul.u32 $0xC80, s17;
	s17 =	simm.s32 $0x100  }
0x10: {  	s9 =	sadd.s32 s28, s2;
	s29 =	sshrl.u32 s12, $0x2;
	s30 =	sshrl.u32 s16, $0x2  }
0x11: {  	s31 =	sshrl.u32 s26, $0x2;
	s23 =	sadd.s32 $0x292200, s13;
	s13 =	smax.u32 s18, $0x1  }
0x12: {  	s16 =	simm.s32 $0x80;
	s18 =	simm.s32 $0x50;
	s10 =	sadd.s32 s29, s2  }
0x13: {  	s11 =	sadd.s32 s30, s2;
	s12 =	sadd.s32 s31, s2;
	s20 =	sadd.s32 s20, s23  }
0x14: {  	v0 =	vimm.f32 $0.0e+00;
	s21 =	sadd.s32 s21, s23;
	s22 =	sadd.s32 s22, s23;
	s23 =	sadd.s32 @!p0 s24, s23  }
.LBB2_1:
0x15: {  	s24 =	simm.s32 $0x0;
	s25 =	simm.s32 $0x200  }
.LBB2_2:
0x16: {  	p1 =	sne.s32 s25, $0x18E00;
	[tilespmem:s24+$0x29F0] =	vst v0  }
0x17: {  	[tilespmem:s24+$0x2980] =	vst v0  }
0x18: {  	[tilespmem:s24+$0x2990] =	vst v0  }
.Ltmp0:
0x19: {  	[tilespmem:s24+$0x29A0] =	vst v0;
	(pc) =	sbr.rel @p1 .LBB2_2-.Ltmp0, $4  }
0x1a: {  	[tilespmem:s24+$0x29B0] =	vst v0  }
0x1b: {  	[tilespmem:s24+$0x29C0] =	vst v0  }
0x1c: {  	[tilespmem:s24+$0x29D0] =	vst v0  }
0x1d: {  	[tilespmem:s24+$0x29E0] =	vst v0;
	s24 =	sshra.s32 s25, $0x2;
	s25 =	sadd.s32 $0x200, s25  }
0x1e: {  	[tilespmem:s24+$0x29F0] =	vst v0  }
0x1f: {  	[tilespmem:s24+$0x2980] =	vst v0  }
0x20: {  	[tilespmem:s24+$0x2990] =	vst v0  }
0x21: {  	[tilespmem:s24+$0x29A0] =	vst v0  }
0x22: {  	[tilespmem:s24+$0x29B0] =	vst v0  }
0x23: {  	[tilespmem:s24+$0x29C0] =	vst v0  }
0x24: {  	[tilespmem:s24+$0x29D0] =	vst v0  }
0x25: {  	[tilespmem:s24+$0x29E0] =	vst v0  }
0x26: {  	[spmem:s9] =	stream.linear.scatter [tilespmem:s14], [sflag:$0x1], $0x6400, $0x38;
	[tilespmem:$0x1C600] =	vst v63  }
0x27: {  	_ =	swait.ge [sflag:s15], $0x6400  }
0x28: {  	[sflag:s15] =	ssyncset.done $0x0  }
0x29: {  	[sflag:s15] =	ssyncadd.s32 $0xFFFF9C00  }
0x2a: {  	[spmem:s10] =	stream.linear.scatter [tilespmem:s14], [sflag:$0x1], $0x6400, $0x38;
	[tilespmem:$0x1C600] =	vst v63  }
0x2b: {  	_ =	swait.ge [sflag:s15], $0x6400  }
0x2c: {  	[sflag:s15] =	ssyncset.done $0x0  }
0x2d: {  	[sflag:s15] =	ssyncadd.s32 $0xFFFF9C00  }
0x2e: {  	[spmem:s11] =	stream.linear.scatter [tilespmem:s14], [sflag:$0x1], $0x6400, $0x38;
	[tilespmem:$0x1C600] =	vst v63  }
0x2f: {  	_ =	swait.ge [sflag:s15], $0x6400  }
0x30: {  	[sflag:s15] =	ssyncset.done $0x0  }
0x31: {  	s24 =	simm.s32 @!p0 $0x2980;
	[sflag:s15] =	ssyncadd.s32 $0xFFFF9C00  }
0x32: {  	[spmem:s12] =	stream.linear.scatter @!p0 [tilespmem:s24], [sflag:$0x1], $0x6400, $0x38;
	[tilespmem:$0x1C600] =	vst v63  }
0x33: {  	s24 =	simm.s32 @!p0 $0x1  }
0x34: {  	_ =	swait.ge @!p0 [sflag:s24], $0x6400  }
0x35: {  	[sflag:s24] =	ssyncset.done @!p0 $0x0  }
0x36: {  	[sflag:s24] =	ssyncadd.s32 @!p0 $0xFFFF9C00  }
0x37: {  	s25 =	simm.s32 $0x0;
	s24 =	simm.s32 $0x0;
	[bflag:$0x0] =	sbarrier.arrive $0xFFFF  }
.LBB2_4:
0x38: {  	s26 =	smul.u32 $0x50, s25;
	_ =	sdelay $0x1  }
0x39: {  	s26 =	sadd.s32 s8, s26  }
0x3a: {  	s26 =	sshrl.u32 s26, $0x3  }
0x3b: {  	s28 =	sadd.s32 s6, s26  }
0x3c: {  	[tilespmem:s24], [sflag:$0x1] =	stream.linear.gather [hbm4b:s28+s24], $0x50, $0x38;
	[tilespmem:$0x1C600] =	vst v63  }
0x3d: {  	_ =	swait.ge [sflag:s15], $0x50  }
0x3e: {  	[sflag:s15] =	ssyncset.done $0x0  }
0x3f: {  	s31 =	sadd.s32 s1, s26;
	[sflag:s15] =	ssyncadd.s32 $0xFFFFFFB0  }
0x40: {  	[tilespmem:s16], [sflag:$0x1] =	stream.linear.gather [hbm4b:s31+s24], $0x50, $0x38;
	[tilespmem:$0x1C600] =	vst v63  }
0x41: {  	_ =	swait.ge [sflag:s15], $0x50  }
0x42: {  	[sflag:s15] =	ssyncset.done $0x0  }
0x43: {  	s26 =	sadd.s32 s7, s26;
	[sflag:s15] =	ssyncadd.s32 $0xFFFFFFB0  }
0x44: {  	[tilespmem:s17], [sflag:$0x1] =	stream.linear.gather [hbm4b:s26+s24], $0x50, $0x38;
	[tilespmem:$0x1C600] =	vst v63  }
0x45: {  	_ =	swait.ge [sflag:s15], $0x50  }
0x46: {  	[sflag:s15] =	ssyncset.done $0x0  }
0x47: {  	[sflag:s15] =	ssyncadd.s32 $0xFFFFFFB0  }
0x48: {  	[tilespmem:s19], [sflag:$0x1] =	stream.indirect.gather [hbm4b:s5+s18], $0x80, s24, s18, $0xb8;
	[tilespmem:$0x1C600] =	vst v63  }
0x49: {  	_ =	swait.ge [sflag:s15], $0x2800  }
0x4a: {  	[sflag:s15] =	ssyncset.done $0x0  }
0x4b: {  	s26 =	simm.s32 $0x0;
	[sflag:s15] =	ssyncadd.s32 $0xFFFFD800  }
.LBB2_5:
0x4c: {  	s28 =	sshll.u32 s26, $0x4  }
0x4d: {  	s28 =	sand.u32 $0x3FFFFFF0, s28  }
0x4e: {  	s31 =	sshll.u32 s26, $0xB;
	v1 =	vld [tilespmem:s28+$0x100]  }
0x4f: {  	s28 =	sand.u32 $0x3FFFF800, s31  }
0x50: {  	v2 =	vld [tilespmem:s28+$0x180]  }
0x51: {  	v3 =	vld [tilespmem:s28+$0x190]  }
0x52: {  	v4 =	vld [tilespmem:s28+$0x1A0]  }
0x53: {  	v6 =	vld [tilespmem:s28+$0x1B0];
	v5 =	vbroadcast v1, $0x0  }
0x54: {  	v7 =	vld [tilespmem:s28+$0x1C0]  }
0x55: {  	v8 =	vld [tilespmem:s28+$0x1D0];
	v2 =	vmul.f32 v5, v2  }
0x56: {  	v9 =	vld [tilespmem:s28+$0x1E0];
	v3 =	vmul.f32 v3, v5  }
0x57: {  	v34 =	vld [tilespmem:s28+$0x1F0];
	[tilespmem:s28+$0x180] =	vst v2;
	v2 =	vmul.f32 v4, v5  }
0x58: {  	v35 =	vld [tilespmem:s28+$0x200];
	[tilespmem:s28+$0x190] =	vst v3;
	v3 =	vmul.f32 v6, v5  }
0x59: {  	v36 =	vld [tilespmem:s28+$0x210];
	[tilespmem:s28+$0x1A0] =	vst v2;
	v2 =	vmul.f32 v7, v5  }
0x5a: {  	v37 =	vld [tilespmem:s28+$0x220];
	[tilespmem:s28+$0x1B0] =	vst v3;
	v3 =	vmul.f32 v8, v5  }
0x5b: {  	v10 =	vld [tilespmem:s28+$0x230];
	v38 =	vbroadcast v1, $0x1;
	[tilespmem:s28+$0x1C0] =	vst v2;
	v2 =	vmul.f32 v9, v5  }
0x5c: {  	v39 =	vld [tilespmem:s28+$0x240];
	[tilespmem:s28+$0x1D0] =	vst v3;
	v3 =	vmul.f32 v34, v5  }
0x5d: {  	v40 =	vld [tilespmem:s28+$0x250];
	[tilespmem:s28+$0x1E0] =	vst v2;
	v2 =	vmul.f32 v35, v38  }
0x5e: {  	v41 =	vld [tilespmem:s28+$0x260];
	[tilespmem:s28+$0x1F0] =	vst v3;
	v3 =	vmul.f32 v36, v38  }
0x5f: {  	v42 =	vld [tilespmem:s28+$0x270];
	[tilespmem:s28+$0x200] =	vst v2;
	v2 =	vmul.f32 v37, v38  }
0x60: {  	v43 =	vld [tilespmem:s28+$0x280];
	[tilespmem:s28+$0x210] =	vst v3;
	v3 =	vmul.f32 v10, v38  }
0x61: {  	v44 =	vld [tilespmem:s28+$0x290];
	[tilespmem:s28+$0x220] =	vst v2;
	v2 =	vmul.f32 v39, v38  }
0x62: {  	v45 =	vld [tilespmem:s28+$0x2A0];
	[tilespmem:s28+$0x230] =	vst v3;
	v3 =	vmul.f32 v40, v38  }
0x63: {  	v47 =	vld [tilespmem:s28+$0x2B0];
	v46 =	vbroadcast v1, $0x2;
	[tilespmem:s28+$0x240] =	vst v2;
	v2 =	vmul.f32 v41, v38  }
0x64: {  	v48 =	vld [tilespmem:s28+$0x2C0];
	[tilespmem:s28+$0x250] =	vst v3;
	v3 =	vmul.f32 v42, v38  }
0x65: {  	v49 =	vld [tilespmem:s28+$0x2D0];
	[tilespmem:s28+$0x260] =	vst v2;
	v2 =	vmul.f32 v43, v46  }
0x66: {  	v50 =	vld [tilespmem:s28+$0x2E0];
	[tilespmem:s28+$0x270] =	vst v3;
	v3 =	vmul.f32 v44, v46  }
0x67: {  	v51 =	vld [tilespmem:s28+$0x2F0];
	[tilespmem:s28+$0x280] =	vst v2;
	v2 =	vmul.f32 v45, v46  }
0x68: {  	v52 =	vld [tilespmem:s28+$0x300];
	[tilespmem:s28+$0x290] =	vst v3;
	v3 =	vmul.f32 v47, v46  }
0x69: {  	v53 =	vld [tilespmem:s28+$0x310];
	[tilespmem:s28+$0x2A0] =	vst v2;
	v2 =	vmul.f32 v48, v46  }
0x6a: {  	v54 =	vld [tilespmem:s28+$0x320];
	[tilespmem:s28+$0x2B0] =	vst v3;
	v3 =	vmul.f32 v49, v46  }
0x6b: {  	v56 =	vld [tilespmem:s28+$0x330];
	v55 =	vbroadcast v1, $0x3;
	[tilespmem:s28+$0x2C0] =	vst v2;
	v2 =	vmul.f32 v50, v46  }
0x6c: {  	v57 =	vld [tilespmem:s28+$0x340];
	[tilespmem:s28+$0x2D0] =	vst v3;
	v3 =	vmul.f32 v51, v46  }
0x6d: {  	v58 =	vld [tilespmem:s28+$0x350];
	[tilespmem:s28+$0x2E0] =	vst v2;
	v2 =	vmul.f32 v52, v55  }
0x6e: {  	v59 =	vld [tilespmem:s28+$0x360];
	[tilespmem:s28+$0x2F0] =	vst v3;
	v3 =	vmul.f32 v53, v55  }
0x6f: {  	v60 =	vld [tilespmem:s28+$0x370];
	[tilespmem:s28+$0x300] =	vst v2;
	v2 =	vmul.f32 v54, v55  }
0x70: {  	v61 =	vld [tilespmem:s28+$0x380];
	[tilespmem:s28+$0x310] =	vst v3;
	v3 =	vmul.f32 v56, v55  }
0x71: {  	v62 =	vld [tilespmem:s28+$0x390];
	[tilespmem:s28+$0x320] =	vst v2;
	v2 =	vmul.f32 v57, v55  }
0x72: {  	v63 =	vld [tilespmem:s28+$0x3A0];
	[tilespmem:s28+$0x330] =	vst v3;
	v3 =	vmul.f32 v58, v55  }
0x73: {  	v13 =	vld [tilespmem:s28+$0x3B0];
	v12 =	vbroadcast v1, $0x4;
	[tilespmem:s28+$0x340] =	vst v2;
	v2 =	vmul.f32 v59, v55  }
0x74: {  	v14 =	vld [tilespmem:s28+$0x3C0];
	[tilespmem:s28+$0x350] =	vst v3;
	v3 =	vmul.f32 v60, v55  }
0x75: {  	v15 =	vld [tilespmem:s28+$0x3D0];
	[tilespmem:s28+$0x360] =	vst v2;
	v2 =	vmul.f32 v61, v12  }
0x76: {  	v16 =	vld [tilespmem:s28+$0x3E0];
	[tilespmem:s28+$0x370] =	vst v3;
	v3 =	vmul.f32 v62, v12  }
0x77: {  	v17 =	vld [tilespmem:s28+$0x3F0];
	[tilespmem:s28+$0x380] =	vst v2;
	v2 =	vmul.f32 v63, v12  }
0x78: {  	v18 =	vld [tilespmem:s28+$0x400];
	[tilespmem:s28+$0x390] =	vst v3;
	v3 =	vmul.f32 v13, v12  }
0x79: {  	v19 =	vld [tilespmem:s28+$0x410];
	[tilespmem:s28+$0x3A0] =	vst v2;
	v2 =	vmul.f32 v14, v12  }
0x7a: {  	v20 =	vld [tilespmem:s28+$0x420];
	[tilespmem:s28+$0x3B0] =	vst v3;
	v3 =	vmul.f32 v15, v12  }
0x7b: {  	v22 =	vld [tilespmem:s28+$0x430];
	v21 =	vbroadcast v1, $0x5;
	[tilespmem:s28+$0x3C0] =	vst v2;
	v2 =	vmul.f32 v16, v12  }
0x7c: {  	v23 =	vld [tilespmem:s28+$0x440];
	[tilespmem:s28+$0x3D0] =	vst v3;
	v3 =	vmul.f32 v17, v12  }
0x7d: {  	v24 =	vld [tilespmem:s28+$0x450];
	[tilespmem:s28+$0x3E0] =	vst v2;
	v2 =	vmul.f32 v18, v21  }
0x7e: {  	v25 =	vld [tilespmem:s28+$0x460];
	[tilespmem:s28+$0x3F0] =	vst v3;
	v3 =	vmul.f32 v19, v21  }
0x7f: {  	v26 =	vld [tilespmem:s28+$0x470];
	[tilespmem:s28+$0x400] =	vst v2;
	v2 =	vmul.f32 v20, v21  }
0x80: {  	v27 =	vld [tilespmem:s28+$0x480];
	[tilespmem:s28+$0x410] =	vst v3;
	v3 =	vmul.f32 v22, v21  }
0x81: {  	v28 =	vld [tilespmem:s28+$0x490];
	[tilespmem:s28+$0x420] =	vst v2;
	v2 =	vmul.f32 v23, v21  }
0x82: {  	v29 =	vld [tilespmem:s28+$0x4A0];
	[tilespmem:s28+$0x430] =	vst v3;
	v3 =	vmul.f32 v24, v21  }
0x83: {  	v31 =	vld [tilespmem:s28+$0x4B0];
	v30 =	vbroadcast v1, $0x6;
	[tilespmem:s28+$0x440] =	vst v2;
	v2 =	vmul.f32 v25, v21  }
0x84: {  	v32 =	vld [tilespmem:s28+$0x4C0];
	[tilespmem:s28+$0x450] =	vst v3;
	v3 =	vmul.f32 v26, v21  }
0x85: {  	v33 =	vld [tilespmem:s28+$0x4D0];
	[tilespmem:s28+$0x460] =	vst v2;
	v2 =	vmul.f32 v27, v30  }
0x86: {  	v34 =	vld [tilespmem:s28+$0x4E0];
	[tilespmem:s28+$0x470] =	vst v3;
	v3 =	vmul.f32 v28, v30  }
0x87: {  	v35 =	vld [tilespmem:s28+$0x4F0];
	[tilespmem:s28+$0x480] =	vst v2;
	v2 =	vmul.f32 v29, v30  }
0x88: {  	v36 =	vld [tilespmem:s28+$0x500];
	[tilespmem:s28+$0x490] =	vst v3;
	v3 =	vmul.f32 v31, v30  }
0x89: {  	v37 =	vld [tilespmem:s28+$0x510];
	[tilespmem:s28+$0x4A0] =	vst v2;
	v2 =	vmul.f32 v32, v30  }
0x8a: {  	v38 =	vld [tilespmem:s28+$0x520];
	[tilespmem:s28+$0x4B0] =	vst v3;
	v3 =	vmul.f32 v33, v30  }
0x8b: {  	v39 =	vbroadcast v1, $0x7;
	v40 =	vld [tilespmem:s28+$0x530];
	[tilespmem:s28+$0x4C0] =	vst v2;
	v2 =	vmul.f32 v34, v30  }
0x8c: {  	v41 =	vld [tilespmem:s28+$0x540];
	[tilespmem:s28+$0x4D0] =	vst v3;
	v3 =	vmul.f32 v35, v30  }
0x8d: {  	v42 =	vld [tilespmem:s28+$0x550];
	[tilespmem:s28+$0x4E0] =	vst v2;
	v2 =	vmul.f32 v36, v39  }
0x8e: {  	v43 =	vld [tilespmem:s28+$0x560];
	[tilespmem:s28+$0x4F0] =	vst v3;
	v3 =	vmul.f32 v37, v39  }
0x8f: {  	v44 =	vld [tilespmem:s28+$0x570];
	[tilespmem:s28+$0x500] =	vst v2;
	v2 =	vmul.f32 v38, v39  }
0x90: {  	v45 =	vld [tilespmem:s28+$0x580];
	[tilespmem:s28+$0x510] =	vst v3;
	v3 =	vmul.f32 v40, v39  }
0x91: {  	v46 =	vld [tilespmem:s28+$0x590];
	[tilespmem:s28+$0x520] =	vst v2;
	v2 =	vmul.f32 v41, v39  }
0x92: {  	v47 =	vld [tilespmem:s28+$0x5A0];
	[tilespmem:s28+$0x530] =	vst v3;
	v3 =	vmul.f32 v42, v39  }
0x93: {  	v48 =	vbroadcast v1, $0x8;
	v49 =	vld [tilespmem:s28+$0x5B0];
	[tilespmem:s28+$0x540] =	vst v2;
	v2 =	vmul.f32 v43, v39  }
0x94: {  	v50 =	vld [tilespmem:s28+$0x5C0];
	[tilespmem:s28+$0x550] =	vst v3;
	v3 =	vmul.f32 v44, v39  }
0x95: {  	v51 =	vld [tilespmem:s28+$0x5D0];
	[tilespmem:s28+$0x560] =	vst v2;
	v2 =	vmul.f32 v45, v48  }
0x96: {  	v52 =	vld [tilespmem:s28+$0x5E0];
	[tilespmem:s28+$0x570] =	vst v3;
	v3 =	vmul.f32 v46, v48  }
0x97: {  	v53 =	vld [tilespmem:s28+$0x5F0];
	[tilespmem:s28+$0x580] =	vst v2;
	v2 =	vmul.f32 v47, v48  }
0x98: {  	v54 =	vld [tilespmem:s28+$0x600];
	[tilespmem:s28+$0x590] =	vst v3;
	v3 =	vmul.f32 v49, v48  }
0x99: {  	v55 =	vld [tilespmem:s28+$0x610];
	[tilespmem:s28+$0x5A0] =	vst v2;
	v2 =	vmul.f32 v50, v48  }
0x9a: {  	v56 =	vld [tilespmem:s28+$0x620];
	[tilespmem:s28+$0x5B0] =	vst v3;
	v3 =	vmul.f32 v51, v48  }
0x9b: {  	v57 =	vbroadcast v1, $0x9;
	v58 =	vld [tilespmem:s28+$0x630];
	[tilespmem:s28+$0x5C0] =	vst v2;
	v2 =	vmul.f32 v52, v48  }
0x9c: {  	v59 =	vld [tilespmem:s28+$0x640];
	[tilespmem:s28+$0x5D0] =	vst v3;
	v3 =	vmul.f32 v53, v48  }
0x9d: {  	v60 =	vld [tilespmem:s28+$0x650];
	[tilespmem:s28+$0x5E0] =	vst v2;
	v2 =	vmul.f32 v54, v57  }
0x9e: {  	v61 =	vld [tilespmem:s28+$0x660];
	[tilespmem:s28+$0x5F0] =	vst v3;
	v3 =	vmul.f32 v55, v57  }
0x9f: {  	v62 =	vld [tilespmem:s28+$0x670];
	[tilespmem:s28+$0x600] =	vst v2;
	v2 =	vmul.f32 v56, v57  }
0xa0: {  	v63 =	vld [tilespmem:s28+$0x680];
	[tilespmem:s28+$0x610] =	vst v3;
	v3 =	vmul.f32 v58, v57  }
0xa1: {  	v12 =	vld [tilespmem:s28+$0x690];
	[tilespmem:s28+$0x620] =	vst v2;
	v2 =	vmul.f32 v59, v57  }
0xa2: {  	v13 =	vld [tilespmem:s28+$0x6A0];
	[tilespmem:s28+$0x630] =	vst v3;
	v3 =	vmul.f32 v60, v57  }
0xa3: {  	v14 =	vbroadcast v1, $0xA;
	v15 =	vld [tilespmem:s28+$0x6B0];
	[tilespmem:s28+$0x640] =	vst v2;
	v2 =	vmul.f32 v61, v57  }
0xa4: {  	v16 =	vld [tilespmem:s28+$0x6C0];
	[tilespmem:s28+$0x650] =	vst v3;
	v3 =	vmul.f32 v62, v57  }
0xa5: {  	v17 =	vld [tilespmem:s28+$0x6D0];
	[tilespmem:s28+$0x660] =	vst v2;
	v2 =	vmul.f32 v63, v14  }
0xa6: {  	v18 =	vld [tilespmem:s28+$0x6E0];
	[tilespmem:s28+$0x670] =	vst v3;
	v3 =	vmul.f32 v12, v14  }
0xa7: {  	v19 =	vld [tilespmem:s28+$0x6F0];
	[tilespmem:s28+$0x680] =	vst v2;
	v2 =	vmul.f32 v13, v14  }
0xa8: {  	v20 =	vld [tilespmem:s28+$0x700];
	[tilespmem:s28+$0x690] =	vst v3;
	v3 =	vmul.f32 v15, v14  }
0xa9: {  	v21 =	vld [tilespmem:s28+$0x710];
	[tilespmem:s28+$0x6A0] =	vst v2;
	v2 =	vmul.f32 v16, v14  }
0xaa: {  	v22 =	vld [tilespmem:s28+$0x720];
	[tilespmem:s28+$0x6B0] =	vst v3;
	v3 =	vmul.f32 v17, v14  }
0xab: {  	v23 =	vbroadcast v1, $0xB;
	v24 =	vld [tilespmem:s28+$0x730];
	[tilespmem:s28+$0x6C0] =	vst v2;
	v2 =	vmul.f32 v18, v14  }
0xac: {  	v25 =	vld [tilespmem:s28+$0x740];
	[tilespmem:s28+$0x6D0] =	vst v3;
	v3 =	vmul.f32 v19, v14  }
0xad: {  	v26 =	vld [tilespmem:s28+$0x750];
	[tilespmem:s28+$0x6E0] =	vst v2;
	v2 =	vmul.f32 v20, v23  }
0xae: {  	v27 =	vld [tilespmem:s28+$0x760];
	[tilespmem:s28+$0x6F0] =	vst v3;
	v3 =	vmul.f32 v21, v23  }
0xaf: {  	v28 =	vld [tilespmem:s28+$0x770];
	[tilespmem:s28+$0x700] =	vst v2;
	v2 =	vmul.f32 v22, v23  }
0xb0: {  	v29 =	vld [tilespmem:s28+$0x780];
	[tilespmem:s28+$0x710] =	vst v3;
	v3 =	vmul.f32 v24, v23  }
0xb1: {  	v30 =	vld [tilespmem:s28+$0x790];
	[tilespmem:s28+$0x720] =	vst v2;
	v2 =	vmul.f32 v25, v23  }
0xb2: {  	v31 =	vld [tilespmem:s28+$0x7A0];
	[tilespmem:s28+$0x730] =	vst v3;
	v3 =	vmul.f32 v26, v23  }
0xb3: {  	v32 =	vbroadcast v1, $0xC;
	v33 =	vld [tilespmem:s28+$0x7B0];
	[tilespmem:s28+$0x740] =	vst v2;
	v2 =	vmul.f32 v27, v23  }
0xb4: {  	v34 =	vld [tilespmem:s28+$0x7C0];
	[tilespmem:s28+$0x750] =	vst v3;
	v3 =	vmul.f32 v28, v23  }
0xb5: {  	v35 =	vld [tilespmem:s28+$0x7D0];
	[tilespmem:s28+$0x760] =	vst v2;
	v2 =	vmul.f32 v29, v32  }
0xb6: {  	v36 =	vld [tilespmem:s28+$0x7E0];
	[tilespmem:s28+$0x770] =	vst v3;
	v3 =	vmul.f32 v30, v32  }
0xb7: {  	v37 =	vld [tilespmem:s28+$0x7F0];
	[tilespmem:s28+$0x780] =	vst v2;
	v2 =	vmul.f32 v31, v32  }
0xb8: {  	v38 =	vld [tilespmem:s28+$0x800];
	[tilespmem:s28+$0x790] =	vst v3;
	v3 =	vmul.f32 v33, v32  }
0xb9: {  	v39 =	vld [tilespmem:s28+$0x810];
	[tilespmem:s28+$0x7A0] =	vst v2;
	v2 =	vmul.f32 v34, v32  }
0xba: {  	v40 =	vld [tilespmem:s28+$0x820];
	[tilespmem:s28+$0x7B0] =	vst v3;
	v3 =	vmul.f32 v35, v32  }
0xbb: {  	v41 =	vbroadcast v1, $0xD;
	v42 =	vld [tilespmem:s28+$0x830];
	[tilespmem:s28+$0x7C0] =	vst v2;
	v2 =	vmul.f32 v36, v32  }
0xbc: {  	v43 =	vld [tilespmem:s28+$0x840];
	[tilespmem:s28+$0x7D0] =	vst v3;
	v3 =	vmul.f32 v37, v32  }
0xbd: {  	v44 =	vld [tilespmem:s28+$0x850];
	[tilespmem:s28+$0x7E0] =	vst v2;
	v2 =	vmul.f32 v38, v41  }
0xbe: {  	v45 =	vld [tilespmem:s28+$0x860];
	[tilespmem:s28+$0x7F0] =	vst v3;
	v3 =	vmul.f32 v39, v41  }
0xbf: {  	v46 =	vld [tilespmem:s28+$0x870];
	[tilespmem:s28+$0x800] =	vst v2;
	v2 =	vmul.f32 v40, v41  }
0xc0: {  	v47 =	vld [tilespmem:s28+$0x880];
	[tilespmem:s28+$0x810] =	vst v3;
	v3 =	vmul.f32 v42, v41  }
0xc1: {  	v48 =	vld [tilespmem:s28+$0x890];
	[tilespmem:s28+$0x820] =	vst v2;
	v2 =	vmul.f32 v43, v41  }
0xc2: {  	v49 =	vld [tilespmem:s28+$0x8A0];
	[tilespmem:s28+$0x830] =	vst v3;
	v3 =	vmul.f32 v44, v41  }
0xc3: {  	v50 =	vbroadcast v1, $0xE;
	v51 =	vld [tilespmem:s28+$0x8B0];
	[tilespmem:s28+$0x840] =	vst v2;
	v2 =	vmul.f32 v45, v41  }
0xc4: {  	v52 =	vld [tilespmem:s28+$0x8C0];
	[tilespmem:s28+$0x850] =	vst v3;
	v3 =	vmul.f32 v46, v41  }
0xc5: {  	v53 =	vld [tilespmem:s28+$0x8D0];
	[tilespmem:s28+$0x860] =	vst v2;
	v2 =	vmul.f32 v47, v50  }
0xc6: {  	v54 =	vld [tilespmem:s28+$0x8E0];
	[tilespmem:s28+$0x870] =	vst v3;
	v3 =	vmul.f32 v48, v50  }
0xc7: {  	v55 =	vld [tilespmem:s28+$0x8F0];
	[tilespmem:s28+$0x880] =	vst v2;
	v2 =	vmul.f32 v49, v50  }
0xc8: {  	v56 =	vld [tilespmem:s28+$0x900];
	[tilespmem:s28+$0x890] =	vst v3;
	v3 =	vmul.f32 v51, v50  }
0xc9: {  	v57 =	vld [tilespmem:s28+$0x910];
	[tilespmem:s28+$0x8A0] =	vst v2;
	v2 =	vmul.f32 v52, v50  }
0xca: {  	v58 =	vld [tilespmem:s28+$0x920];
	[tilespmem:s28+$0x8B0] =	vst v3;
	v3 =	vmul.f32 v53, v50  }
0xcb: {  	v1 =	vbroadcast v1, $0xF;
	v59 =	vld [tilespmem:s28+$0x930];
	[tilespmem:s28+$0x8C0] =	vst v2;
	v2 =	vmul.f32 v54, v50  }
0xcc: {  	v60 =	vld [tilespmem:s28+$0x940];
	[tilespmem:s28+$0x8D0] =	vst v3;
	v3 =	vmul.f32 v55, v50  }
0xcd: {  	v61 =	vld [tilespmem:s28+$0x950];
	[tilespmem:s28+$0x8E0] =	vst v2;
	v2 =	vmul.f32 v56, v1  }
0xce: {  	v62 =	vld [tilespmem:s28+$0x960];
	[tilespmem:s28+$0x8F0] =	vst v3;
	v3 =	vmul.f32 v57, v1  }
0xcf: {  	v63 =	vld [tilespmem:s28+$0x970];
	[tilespmem:s28+$0x900] =	vst v2;
	v2 =	vmul.f32 v58, v1  }
0xd0: {  	[tilespmem:s28+$0x910] =	vst v3;
	v3 =	vmul.f32 v59, v1  }
0xd1: {  	p1 =	sne.s32 s26, $0x4;
	[tilespmem:s28+$0x920] =	vst v2;
	v2 =	vmul.f32 v60, v1  }
.Ltmp1:
0xd2: {  	[tilespmem:s28+$0x930] =	vst v3;
	v3 =	vmul.f32 v61, v1;
	(pc) =	sbr.rel @p1 .LBB2_5-.Ltmp1, $4  }
0xd3: {  	[tilespmem:s28+$0x940] =	vst v2;
	v2 =	vmul.f32 v62, v1  }
0xd4: {  	[tilespmem:s28+$0x950] =	vst v3;
	v1 =	vmul.f32 v63, v1  }
0xd5: {  	[tilespmem:s28+$0x960] =	vst v2  }
0xd6: {  	s26 =	sadd.s32 $0x1, s26;
	[tilespmem:s28+$0x970] =	vst v1  }
0xd7: {  	s25 =	sadd.s32 $0x1, s25  }
0xd8: {  	p1 =	sne.s32 s25, $0x7D  }
.Ltmp2:
0xd9: {  	_ = 	snop;
	(pc) =	sbr.rel @p1 .LBB2_4-.Ltmp2, $4  }
0xda: {  	[spmem:s2] =	stream.indirect.scatter.add.f32 [tilespmem:s19], [sflag:$0x1], $0x80, s16, s18, $0xb8;
	[tilespmem:$0x1C600] =	vst v63  }
0xdb: {  	_ =	swait.ge [sflag:s15], $0x2800  }
0xdc: {  	[sflag:s15] =	ssyncset.done $0x0  }
0xdd: {  	[sflag:s15] =	ssyncadd.s32 $0xFFFFD800  }
0xde: {  	s24 =	sshll.u32 s4, $0x6  }
0xdf: {  	[bflag:$0x0] =	sbarrier.arrive $0xFFFF;
	s25 =	sshrl.u32 s9, $0x3;
	s24 =	sor.u32 $0x1C01, s24  }
0xe0: {  	[hbm:s20], [sflag:s24] =	dma.local [spmem:s25], $0xC80  }
0xe1: {  	_ =	swait.ge [sflag:s15], $0xC80  }
0xe2: {  	[sflag:s15] =	ssyncset.done $0x0  }
0xe3: {  	s30 =	sshrl.u32 s10, $0x3;
	[sflag:s15] =	ssyncadd.s32 $0xFFFFF380  }
0xe4: {  	[hbm:s21], [sflag:s24] =	dma.local [spmem:s30], $0xC80  }
0xe5: {  	_ =	swait.ge [sflag:s15], $0xC80  }
0xe6: {  	[sflag:s15] =	ssyncset.done $0x0  }
0xe7: {  	s31 =	sshrl.u32 s11, $0x3;
	[sflag:s15] =	ssyncadd.s32 $0xFFFFF380  }
0xe8: {  	[hbm:s22], [sflag:s24] =	dma.local [spmem:s31], $0xC80  }
0xe9: {  	_ =	swait.ge [sflag:s15], $0xC80  }
0xea: {  	s3 =	sadd.s32 $0x1, s3;
	[sflag:s15] =	ssyncset.done $0x0  }
0xeb: {  	p1 =	sne.s32 s3, s13;
	s25 =	sshrl.u32 @!p0 s12, $0x3;
	[sflag:s15] =	ssyncadd.s32 $0xFFFFF380  }
0xec: {  	[hbm:s23], [sflag:s24] =	dma.local @!p0 [spmem:s25], $0xC80  }
.Ltmp3:
0xed: {  	_ = 	snop;
	(pc) =	sbr.rel @p1 .LBB2_1-.Ltmp3, $4  }
0xee: {  	s24 =	simm.s32 @!p0 $0x1  }
0xef: {  	_ =	swait.ge @!p0 [sflag:s24], $0xC80  }
0xf0: {  	[sflag:s24] =	ssyncset.done @!p0 $0x0  }
0xf1: {  	[sflag:s24] =	ssyncadd.s32 @!p0 $0xFFFFF380  }
0xf2: {  	_ =	sfence.sel $0x180000  }
0xf3: {  	[bflag:$0x0] =	sbarrier.arrive $0xFFFF  }
0xf4: {  	p0 =	sne.s32 s4, $0x0;
	_ =	strace $0x9000004A  }
0xf5: {  	s0 =	sadd.s32 @!p0 $0x100000, s0;
	[bflag:$0x2] =	sbarrier.arrive $0xFFFF  }
0xf6: {  	[sflag:s0] =	ssyncadd.tile.s32 @!p0 $0x1;
	_ =	shalt  }
.Lfunc_end2:
_tile_overlayer_lowered:
.L_overlay_start_2:
0xf7: {  	(tag) =	ssettag $0x2  }
0xf8: {  	s0 =	rddreg [dreg:$0x0];
	s2 =	stileid.u32  }
0xf9: {  	s1 =	rddreg [dreg:$0x1];
	p0 =	sne.s32 s2, $0x0  }
0xfa: {  	s3 =	rddreg [dreg:$0x2];
	[bflag:$0x3] =	sbarrier.arrive $0xFFFF;
	s2 =	simm.s32 @!p0 $0x1C01  }
0xfb: {  	[timem:s3], [sflag:s2] =	dma.local @!p0 [hbm:s0], s1  }
0xfc: {  	s0 =	simm.s32 @!p0 $0x1  }
0xfd: {  	_ =	swait.ge @!p0 [sflag:s0], s1  }
0xfe: {  	s1 =	ssub.s32 @!p0 $0x0, s1;
	[sflag:s0] =	ssyncset.done @!p0 $0x0  }
0xff: {  	[sflag:s0] =	ssyncadd.s32 @!p0 s1  }
0x100: {  	[bflag:$0x3] =	sbarrier.arrive $0xFFFF  }
0x101: {  	_ =	shalt  }

// kernel: kernel.14.cloned.1.call-start
scs
__scs_entry_jumppad:
0x0: {  	(pc) =	sbr.rel $0x88, $3  }
0x1: {  	(tag) =	ssettag $0x0;
	lr =	simm.s32 $0x1  }
0x2: {  	[smem:$0x3F92] =	sst lr;
	_ =	strace $0xD0000000  }
0x3: {  	_ = 	snop  }
0x4: {  	_ = 	snop  }
0x5: {  	_ = 	snop  }
0x6: {  	_ = 	snop  }
0x7: {  	_ = 	snop  }
__scs_overlays_trampoline_lowered:
0x8: {  	[smem:$0x3FA1] =	sst s0  }
0x9: {  	[smem:$0x3FA2] =	sst s1  }
0xa: {  	[smem:$0x3FA3] =	sst s2  }
0xb: {  	[smem:$0x3FA4] =	sst s3  }
0xc: {  	[smem:$0x3FA5] =	sst s4  }
0xd: {  	[smem:$0x3FA6] =	sst s5  }
0xe: {  	[smem:$0x3FA7] =	sst s6  }
0xf: {  	[smem:$0x3FA8] =	sst s7  }
0x10: {  	[smem:$0x3FA9] =	sst s8  }
0x11: {  	[smem:$0x3FAA] =	sst s9;
	s0 =	simm.s32 @!p0 $0x0  }
0x12: {  	s1 =	sld [smem:$0x3F90];
	s0 =	simm.s32 @p0 $0x1  }
0x13: {  	[smem:$0x3FAB] =	sst s0;
	s0 =	simm.s32 @!p1 $0x0  }
0x14: {  	s2 =	sld [smem:$0x3F8F];
	s0 =	simm.s32 @p1 $0x1  }
0x15: {  	[smem:$0x3FAC] =	sst s0;
	s0 =	simm.s32 @!p2 $0x0  }
0x16: {  	s3 =	sld [smem:$0x3FDB];
	s0 =	simm.s32 @p2 $0x1  }
0x17: {  	s4 =	simm.s32 $0x1BF5;
	[smem:$0x3FAE] =	sst s0  }
0x18: {  	s0 =	sld [smem:$0x3F91];
	_ =	swait.ge [sflag:s4], $0x0  }
0x19: {  	s7 =	sld [smem:$0x3F92]  }
0x1a: {  	s8 =	sadd.s32 $0xFFFFE003, lr  }
0x1b: {  	s9 =	sadd.s32 $0xFFFFFEF7, lr;
	s5 =	simm.s32 $0xFFFFFFFF;
	p2 =	slt.u32 s8, $0xFFFFF086  }
0x1c: {  	p1 =	slt.u32 s9, $0xF7A;
	s5 =	simm.s32 @!p2 $0x0  }
0x1d: {  	s5 =	simm.s32 @p1 $0x1;
	p0 =	seq.s32 s7, s2  }
0x1e: {  	s7 =	smul.u32 @!p0 $0xF7A, s2;
	p2 =	seq.s32 @!p0 s5, $0x0  }
0x1f: {  	s9 =	smul.u32 $0xF7A, s1;
	s8 =	simm.s32 @!p0 $0x1BF5;
	p2 =	por !p2, p0  }
0x20: {  	[sflag:s8] =	ssyncset.s32 @!p0 $0xFFFFF086;
	s6 =	sadd.s32 @!p0 s3, s7;
	s7 =	simm.s32 @!p0 $0x108  }
0x21: {  	s3 =	sadd.s32 s3, s9;
	s6 =	sadd.s32 @!p0 $0x88, s6;
	s7 =	simm.s32 @p2 $0x1082  }
0x22: {  	[simem:s7], [sflag:s8] =	dma.local @!p0 [hbm:s6], $0xF7A  }
0x23: {  	s9 =	sor.u32 $0xD0000000, s2;
	s6 =	simm.s32 $0x108;
	_ =	swait.ge @!p0 [sflag:s8], $0x0  }
0x24: {  	s3 =	sadd.s32 $0x88, s3;
	s6 =	simm.s32 @!p1 $0x1082;
	[sflag:s4] =	ssyncset.s32 $0xFFFFF086  }
0x25: {  	[simem:s6], [sflag:s4] =	dma.local [hbm:s3], $0xF7A  }
0x26: {  	[smem:$0x3F92] =	sst s1;
	(tag) =	ssettag s2;
	_ =	strace s9  }
0x27: {  	s1 =	sld [smem:$0x3FA2]  }
0x28: {  	s2 =	sld [smem:$0x3FA3]  }
0x29: {  	s4 =	sld [smem:$0x3FA5]  }
0x2a: {  	p0 =	seq.s32 s5, $0x0;
	s5 =	sld [smem:$0x3FA6]  }
0x2b: {  	s6 =	sld [smem:$0x3FA7]  }
0x2c: {  	s7 =	sld [smem:$0x3FA8]  }
0x2d: {  	s3 =	simm.s32 $0x108;
	s8 =	sld [smem:$0x3FA9]  }
0x2e: {  	s3 =	simm.s32 @!p0 $0x1082;
	s9 =	sld [smem:$0x3FAA]  }
0x2f: {  	lr =	sadd.s32 s0, s3;
	s0 =	sld [smem:$0x3FA1]  }
0x30: {  	s3 =	sld [smem:$0x3FA4]  }
0x31: {  	[smem:$0x3FAD] =	sst s10  }
0x32: {  	s10 =	sld [smem:$0x3FAB];
	_ =	sdelay $0x3  }
0x33: {  	p0 =	seq.s32 s10, $0x1;
	s10 =	sld [smem:$0x3FAD];
	_ =	sdelay $0x3  }
0x34: {  	[smem:$0x3FAD] =	sst s10  }
0x35: {  	s10 =	sld [smem:$0x3FAC];
	_ =	sdelay $0x3  }
0x36: {  	p1 =	seq.s32 s10, $0x1;
	s10 =	sld [smem:$0x3FAD];
	_ =	sdelay $0x3  }
0x37: {  	[smem:$0x3FAD] =	sst s10  }
0x38: {  	s10 =	sld [smem:$0x3FAE]  }
0x39: {  	_ = 	snop;
	(pc) =	sbr.ind lr, $3  }
0x3a: {  	_ = 	snop  }
0x3b: {  	_ = 	snop  }
0x3c: {  	p2 =	seq.s32 s10, $0x1;
	s10 =	sld [smem:$0x3FAD]  }
0x3d: {  	_ =	shalt  }
0x3e: {  	_ =	shalt  }
0x3f: {  	_ =	shalt  }
0x40: {  	_ =	shalt  }
0x41: {  	_ =	shalt  }
0x42: {  	_ =	shalt  }
0x43: {  	_ =	shalt  }
0x44: {  	_ =	shalt  }
0x45: {  	_ =	shalt  }
0x46: {  	_ =	shalt  }
0x47: {  	_ =	shalt  }
0x48: {  	_ =	shalt  }
0x49: {  	_ =	shalt  }
0x4a: {  	_ =	shalt  }
0x4b: {  	_ =	shalt  }
0x4c: {  	_ =	shalt  }
0x4d: {  	_ =	shalt  }
0x4e: {  	_ =	shalt  }
0x4f: {  	_ =	shalt  }
0x50: {  	_ =	shalt  }
0x51: {  	_ =	shalt  }
0x52: {  	_ =	shalt  }
0x53: {  	_ =	shalt  }
0x54: {  	_ =	shalt  }
0x55: {  	_ =	shalt  }
0x56: {  	_ =	shalt  }
0x57: {  	_ =	shalt  }
0x58: {  	_ =	shalt  }
0x59: {  	_ =	shalt  }
0x5a: {  	_ =	shalt  }
0x5b: {  	_ =	shalt  }
0x5c: {  	_ =	shalt  }
0x5d: {  	_ =	shalt  }
0x5e: {  	_ =	shalt  }
0x5f: {  	_ =	shalt  }
0x60: {  	_ =	shalt  }
0x61: {  	_ =	shalt  }
0x62: {  	_ =	shalt  }
0x63: {  	_ =	shalt  }
0x64: {  	_ =	shalt  }
0x65: {  	_ =	shalt  }
0x66: {  	_ =	shalt  }
0x67: {  	_ =	shalt  }
0x68: {  	_ =	shalt  }
0x69: {  	_ =	shalt  }
0x6a: {  	_ =	shalt  }
0x6b: {  	_ =	shalt  }
0x6c: {  	_ =	shalt  }
0x6d: {  	_ =	shalt  }
0x6e: {  	_ =	shalt  }
0x6f: {  	_ =	shalt  }
0x70: {  	_ =	shalt  }
0x71: {  	_ =	shalt  }
0x72: {  	_ =	shalt  }
0x73: {  	_ =	shalt  }
0x74: {  	_ =	shalt  }
0x75: {  	_ =	shalt  }
0x76: {  	_ =	shalt  }
0x77: {  	_ =	shalt  }
0x78: {  	_ =	shalt  }
0x79: {  	_ =	shalt  }
0x7a: {  	_ =	shalt  }
0x7b: {  	_ =	shalt  }
0x7c: {  	_ =	shalt  }
0x7d: {  	_ =	shalt  }
0x7e: {  	_ =	shalt  }
0x7f: {  	_ =	shalt  }
0x80: {  	_ =	shalt  }
0x81: {  	_ =	shalt  }
0x82: {  	_ =	shalt  }
0x83: {  	_ =	shalt  }
0x84: {  	_ =	shalt  }
0x85: {  	_ =	shalt  }
0x86: {  	_ =	shalt  }
0x87: {  	_ =	shalt  }
.Lfunc_end0:
.L_simem_size_0:
called_computation.2_lowered:
.L_overlay_start_0:
0x88: {  	s2 =	sld [smem:$0x3FD9]  }
0x89: {  	s3 =	sld [smem:$0x3FFE];
	_ =	sdelay $0x1  }
0x8a: {  	s1 =	srdreg.scid  }
0x8b: {  	s0 =	sand.u32 $0x1, s1  }
0x8c: {  	s17 =	sshll.u32 s0, $0xA;
	s2 =	sadd.s32 s3, s2  }
0x8d: {  	s2 =	sadd.s32 s2, s17  }
0x8e: {  	[smem:$0x3FB9] =	sst s2  }
0x8f: {  	_ = 	snop  }
0x90: {  	s2 =	sld [smem:$0x3FD0];
	(tm) =	ssettm $0x1  }
0x91: {  	s18 =	sld [smem:$0x3FFB];
	_ =	sdelay $0x3  }
0x92: {  	_ =	strace s18  }
0x93: {  	s3 =	sld [smem:$0x3FFC];
	_ =	sdelay $0x3  }
0x94: {  	_ =	strace s3  }
0x95: {  	s3 =	sld [smem:$0x3FFD];
	_ =	sdelay $0x3  }
0x96: {  	_ =	strace s3  }
0x97: {  	_ =	strace $0x8FFFFFFF  }
0x98: {  	s19 =	sld [smem:$0x3FDB];
	_ =	sdelay $0x1  }
0x99: {  	s4 =	simm.s32 $_scs_section_size  }
0x9a: {  	s5 =	simm.s32 $_size__tile_overlayer_lowered;
	s6 =	simm.s32 $_tile_overlayer_lowered  }
0x9b: {  	s22 =	simm.s32 $0x1BFF;
	s21 =	sshll.u32 s6, $0x1;
	s3 =	sadd.s32 s4, s19  }
0x9c: {  	s7 =	simm.s32 $0x0;
	s20 =	sshll.u32 s5, $0x1;
	s5 =	sadd.s32 s21, s3  }
0x9d: {  	[timem:s7], [sflag:s22] =	dma.local [hbm:s5], s20  }
0x9e: {  	_ =	swait.ge [sflag:s22], s20  }
0x9f: {  	s4 =	ssub.s32 $0x0, s20;
	[sflag:s22] =	ssyncset.done $0x0  }
0xa0: {  	[sflag:s22] =	ssyncadd.s32 s4;
	_ =	sdelay $0x1  }
0xa1: {  	s23 =	simm.s32 $0x1B8B  }
0xa2: {  	_ =	swait.ge [sflag:s23], $0x1  }
0xa3: {  	[sflag:s23] =	ssyncset.done $0x0  }
0xa4: {  	s25 =	simm.s32 $0x1B8E;
	s24 =	sld [smem:$0x3FFE];
	[sflag:s23] =	ssyncadd.s32 $0xFFFFFFFF  }
0xa5: {  	s26 =	simm.s32 $execute0_lowered;
	[smem:$0x3FD2] =	sst s25  }
0xa6: {  	s5 =	sshll.u32 s26, $0x1;
	_ =	strace $0x8000004C;
	[dreg:$0x1] =	wrdreg $0xFFFFFFFF  }
0xa7: {  	s28 =	simm.s32 $_size_execute0_lowered;
	s3 =	sadd.s32 s3, s5;
	[dreg:$0x0] =	wrdreg $0x0  }
0xa8: {  	s5 =	sshll.u32 s28, $0x1;
	[dreg:$0x2] =	wrdreg s3  }
0xa9: {  	[dreg:$0x3] =	wrdreg s5  }
0xaa: {  	[dreg:$0x4] =	wrdreg $0xC0  }
0xab: {  	_ =	task [dreg:s7], $0x5FFFF  }
0xac: {  	[dreg:$0x1] =	wrdreg $0xFFFFFFFF  }
0xad: {  	[dreg:$0x0] =	wrdreg $0x60  }
0xae: {  	[dreg:$0x2] =	wrdreg s24  }
0xaf: {  	[dreg:$0x3] =	wrdreg s2  }
0xb0: {  	[dreg:$0x4] =	wrdreg $0x8D800  }
0xb1: {  	[dreg:$0x5] =	wrdreg $0x9  }
0xb2: {  	_ =	task.clear_ibuf [dreg:s7], $0x6FFFF;
	_ =	strace $0x9000004C  }
0xb3: {  	s29 =	simm.s32 $0x9;
	_ =	strace $0x8000004E  }
0xb4: {  	_ =	swait.ge [sflag:s29], $0x1  }
0xb5: {  	[sflag:s29] =	ssyncadd.s32 $0xFFFFFFFF  }
0xb6: {  	_ =	strace $0x9000004E  }
0xb7: {  	_ =	sfence  }
0xb8: {  	s30 =	sld [smem:$0x0];
	_ =	sdelay $0x2  }
0xb9: {  	s31 =	sshll.u32 s1, $0xD;
	s1 =	sshrl.u32 s1, $0x2  }
0xba: {  	s3 =	sand.u32 $0x4000, s31;
	s1 =	sadd.s32 s1, s30  }
0xbb: {  	s0 =	sor.u32 s3, s0;
	s1 =	sshll.u32 s1, $0x11  }
0xbc: {  	s0 =	sor.u32 s1, s0  }
0xbd: {  	s0 =	sadd.s32 $0x8F2B, s0  }
0xbe: {  	[sflag:s0] =	ssyncadd.remote.s32 $0x1  }
0xbf: {  	_ =	sfence.sel $0xFFFF  }
0xc0: {  	[dreg:$0x0] =	wrdreg $0xFFFFFFFF;
	(pc) =	sbr.abs _section_cstart, $3  }
0xc1: {  	[dreg:$0x1] =	wrdreg $0xFFFFFFFF  }
0xc2: {  	_ =	task.clear_ibuf [dreg:s7], $0x2FFFF;
	_ =	strace $0x9FFFFFFF  }
0xc3: {  	(tm) =	ssettm $0x7FFFFFFF  }
tec
execute0_lowered:
.L_overlay_start_1:
0x0: {  	(tag) =	ssettag $0x1  }
0x1: {  	s8 =	rddreg [dreg:$0x0]  }
0x2: {  	s1 =	rddreg [dreg:$0x1]  }
0x3: {  	s2 =	rddreg [dreg:$0x2]  }
0x4: {  	s0 =	rddreg [dreg:$0x3];
	s3 =	simm.s32 $0x0;
	s4 =	srdreg.scid  }
0x5: {  	[smem:$0x7FF] =	sst s3;
	s9 =	sand.u32 $0x1, s4  }
0x6: {  	s19 =	simm.s32 $0x180;
	s4 =	stileid.u32;
	s10 =	smul.u32 $0x27100, s9  }
0x7: {  	s5 =	sadd.s32 $0x21200, s8;
	s6 =	sadd.s32 $0xD600, s8;
	s24 =	smul.u32 $0x19000, s4  }
0x8: {  	s7 =	sadd.s32 $0x17400, s8;
	s11 =	sor.u32 $0x10, s4;
	s20 =	smul.u32 $0xC80, s4  }
0x9: {  	_ =	strace $0x8000004D;
	s14 =	sor.u32 $0x20, s4;
	s12 =	smul.u32 $0x19000, s11  }
0xa: {  	s25 =	ssub.s32 $0x2, s9;
	s17 =	sor.u32 $0x30, s4;
	s16 =	smul.u32 $0x19000, s14  }
0xb: {  	s15 =	sshll.u32 s4, $0x1;
	p0 =	sgt.u32 s4, $0x1;
	s26 =	smul.u32 $0x19000, s17  }
0xc: {  	s18 =	sshrl.u32 s25, $0x1;
	s9 =	sor.u32 s9, s15;
	s21 =	smul.u32 $0xC80, s11  }
0xd: {  	s22 =	smul.u32 $0xC80, s14;
	s14 =	simm.s32 $0x2980;
	s15 =	simm.s32 $0x1  }
0xe: {  	s13 =	sadd.s32 s10, s8;
	s18 =	ssub.s32 s25, s18;
	s8 =	smul.u32 $0x2710, s9  }
0xf: {  	s28 =	sshrl.u32 s24, $0x2;
	s24 =	smul.u32 $0xC80, s17;
	s17 =	simm.s32 $0x100  }
0x10: {  	s9 =	sadd.s32 s28, s2;
	s29 =	sshrl.u32 s12, $0x2;
	s30 =	sshrl.u32 s16, $0x2  }
0x11: {  	s31 =	sshrl.u32 s26, $0x2;
	s23 =	sadd.s32 $0x292200, s13;
	s13 =	smax.u32 s18, $0x1  }
0x12: {  	s16 =	simm.s32 $0x80;
	s18 =	simm.s32 $0x50;
	s10 =	sadd.s32 s29, s2  }
0x13: {  	s11 =	sadd.s32 s30, s2;
	s12 =	sadd.s32 s31, s2;
	s20 =	sadd.s32 s20, s23  }
0x14: {  	v0 =	vimm.f32 $0.0e+00;
	s21 =	sadd.s32 s21, s23;
	s22 =	sadd.s32 s22, s23;
	s23 =	sadd.s32 @!p0 s24, s23  }
.LBB2_1:
0x15: {  	s24 =	simm.s32 $0x0;
	s25 =	simm.s32 $0x200  }
.LBB2_2:
0x16: {  	p1 =	sne.s32 s25, $0x18E00;
	[tilespmem:s24+$0x29F0] =	vst v0  }
0x17: {  	[tilespmem:s24+$0x2980] =	vst v0  }
0x18: {  	[tilespmem:s24+$0x2990] =	vst v0  }
.Ltmp0:
0x19: {  	[tilespmem:s24+$0x29A0] =	vst v0;
	(pc) =	sbr.rel @p1 .LBB2_2-.Ltmp0, $4  }
0x1a: {  	[tilespmem:s24+$0x29B0] =	vst v0  }
0x1b: {  	[tilespmem:s24+$0x29C0] =	vst v0  }
0x1c: {  	[tilespmem:s24+$0x29D0] =	vst v0  }
0x1d: {  	[tilespmem:s24+$0x29E0] =	vst v0;
	s24 =	sshra.s32 s25, $0x2;
	s25 =	sadd.s32 $0x200, s25  }
0x1e: {  	[tilespmem:s24+$0x29F0] =	vst v0  }
0x1f: {  	[tilespmem:s24+$0x2980] =	vst v0  }
0x20: {  	[tilespmem:s24+$0x2990] =	vst v0  }
0x21: {  	[tilespmem:s24+$0x29A0] =	vst v0  }
0x22: {  	[tilespmem:s24+$0x29B0] =	vst v0  }
0x23: {  	[tilespmem:s24+$0x29C0] =	vst v0  }
0x24: {  	[tilespmem:s24+$0x29D0] =	vst v0  }
0x25: {  	[tilespmem:s24+$0x29E0] =	vst v0  }
0x26: {  	[spmem:s9] =	stream.linear.scatter [tilespmem:s14], [sflag:$0x1], $0x6400, $0x38;
	[tilespmem:$0x1C600] =	vst v63  }
0x27: {  	_ =	swait.ge [sflag:s15], $0x6400  }
0x28: {  	[sflag:s15] =	ssyncset.done $0x0  }
0x29: {  	[sflag:s15] =	ssyncadd.s32 $0xFFFF9C00  }
0x2a: {  	[spmem:s10] =	stream.linear.scatter [tilespmem:s14], [sflag:$0x1], $0x6400, $0x38;
	[tilespmem:$0x1C600] =	vst v63  }
0x2b: {  	_ =	swait.ge [sflag:s15], $0x6400  }
0x2c: {  	[sflag:s15] =	ssyncset.done $0x0  }
0x2d: {  	[sflag:s15] =	ssyncadd.s32 $0xFFFF9C00  }
0x2e: {  	[spmem:s11] =	stream.linear.scatter [tilespmem:s14], [sflag:$0x1], $0x6400, $0x38;
	[tilespmem:$0x1C600] =	vst v63  }
0x2f: {  	_ =	swait.ge [sflag:s15], $0x6400  }
0x30: {  	[sflag:s15] =	ssyncset.done $0x0  }
0x31: {  	s24 =	simm.s32 @!p0 $0x2980;
	[sflag:s15] =	ssyncadd.s32 $0xFFFF9C00  }
0x32: {  	[spmem:s12] =	stream.linear.scatter @!p0 [tilespmem:s24], [sflag:$0x1], $0x6400, $0x38;
	[tilespmem:$0x1C600] =	vst v63  }
0x33: {  	s24 =	simm.s32 @!p0 $0x1  }
0x34: {  	_ =	swait.ge @!p0 [sflag:s24], $0x6400  }
0x35: {  	[sflag:s24] =	ssyncset.done @!p0 $0x0  }
0x36: {  	[sflag:s24] =	ssyncadd.s32 @!p0 $0xFFFF9C00  }
0x37: {  	s25 =	simm.s32 $0x0;
	s24 =	simm.s32 $0x0;
	[bflag:$0x0] =	sbarrier.arrive $0xFFFF  }
.LBB2_4:
0x38: {  	s26 =	smul.u32 $0x50, s25;
	_ =	sdelay $0x1  }
0x39: {  	s26 =	sadd.s32 s8, s26  }
0x3a: {  	s26 =	sshrl.u32 s26, $0x3  }
0x3b: {  	s28 =	sadd.s32 s6, s26  }
0x3c: {  	[tilespmem:s24], [sflag:$0x1] =	stream.linear.gather [hbm4b:s28+s24], $0x50, $0x38;
	[tilespmem:$0x1C600] =	vst v63  }
0x3d: {  	_ =	swait.ge [sflag:s15], $0x50  }
0x3e: {  	[sflag:s15] =	ssyncset.done $0x0  }
0x3f: {  	s31 =	sadd.s32 s1, s26;
	[sflag:s15] =	ssyncadd.s32 $0xFFFFFFB0  }
0x40: {  	[tilespmem:s16], [sflag:$0x1] =	stream.linear.gather [hbm4b:s31+s24], $0x50, $0x38;
	[tilespmem:$0x1C600] =	vst v63  }
0x41: {  	_ =	swait.ge [sflag:s15], $0x50  }
0x42: {  	[sflag:s15] =	ssyncset.done $0x0  }
0x43: {  	s26 =	sadd.s32 s7, s26;
	[sflag:s15] =	ssyncadd.s32 $0xFFFFFFB0  }
0x44: {  	[tilespmem:s17], [sflag:$0x1] =	stream.linear.gather [hbm4b:s26+s24], $0x50, $0x38;
	[tilespmem:$0x1C600] =	vst v63  }
0x45: {  	_ =	swait.ge [sflag:s15], $0x50  }
0x46: {  	[sflag:s15] =	ssyncset.done $0x0  }
0x47: {  	[sflag:s15] =	ssyncadd.s32 $0xFFFFFFB0  }
0x48: {  	[tilespmem:s19], [sflag:$0x1] =	stream.indirect.gather [hbm4b:s5+s18], $0x80, s24, s18, $0xb8;
	[tilespmem:$0x1C600] =	vst v63  }
0x49: {  	_ =	swait.ge [sflag:s15], $0x2800  }
0x4a: {  	[sflag:s15] =	ssyncset.done $0x0  }
0x4b: {  	s26 =	simm.s32 $0x0;
	[sflag:s15] =	ssyncadd.s32 $0xFFFFD800  }
.LBB2_5:
0x4c: {  	s28 =	sshll.u32 s26, $0x4  }
0x4d: {  	s28 =	sand.u32 $0x3FFFFFF0, s28  }
0x4e: {  	s31 =	sshll.u32 s26, $0xB;
	v1 =	vld [tilespmem:s28+$0x100]  }
0x4f: {  	s28 =	sand.u32 $0x3FFFF800, s31  }
0x50: {  	v2 =	vld [tilespmem:s28+$0x180]  }
0x51: {  	v3 =	vld [tilespmem:s28+$0x190]  }
0x52: {  	v4 =	vld [tilespmem:s28+$0x1A0]  }
0x53: {  	v6 =	vld [tilespmem:s28+$0x1B0];
	v5 =	vbroadcast v1, $0x0  }
0x54: {  	v7 =	vld [tilespmem:s28+$0x1C0]  }
0x55: {  	v8 =	vld [tilespmem:s28+$0x1D0];
	v2 =	vmul.f32 v5, v2  }
0x56: {  	v9 =	vld [tilespmem:s28+$0x1E0];
	v3 =	vmul.f32 v3, v5  }
0x57: {  	v34 =	vld [tilespmem:s28+$0x1F0];
	[tilespmem:s28+$0x180] =	vst v2;
	v2 =	vmul.f32 v4, v5  }
0x58: {  	v35 =	vld [tilespmem:s28+$0x200];
	[tilespmem:s28+$0x190] =	vst v3;
	v3 =	vmul.f32 v6, v5  }
0x59: {  	v36 =	vld [tilespmem:s28+$0x210];
	[tilespmem:s28+$0x1A0] =	vst v2;
	v2 =	vmul.f32 v7, v5  }
0x5a: {  	v37 =	vld [tilespmem:s28+$0x220];
	[tilespmem:s28+$0x1B0] =	vst v3;
	v3 =	vmul.f32 v8, v5  }
0x5b: {  	v10 =	vld [tilespmem:s28+$0x230];
	v38 =	vbroadcast v1, $0x1;
	[tilespmem:s28+$0x1C0] =	vst v2;
	v2 =	vmul.f32 v9, v5  }
0x5c: {  	v39 =	vld [tilespmem:s28+$0x240];
	[tilespmem:s28+$0x1D0] =	vst v3;
	v3 =	vmul.f32 v34, v5  }
0x5d: {  	v40 =	vld [tilespmem:s28+$0x250];
	[tilespmem:s28+$0x1E0] =	vst v2;
	v2 =	vmul.f32 v35, v38  }
0x5e: {  	v41 =	vld [tilespmem:s28+$0x260];
	[tilespmem:s28+$0x1F0] =	vst v3;
	v3 =	vmul.f32 v36, v38  }
0x5f: {  	v42 =	vld [tilespmem:s28+$0x270];
	[tilespmem:s28+$0x200] =	vst v2;
	v2 =	vmul.f32 v37, v38  }
0x60: {  	v43 =	vld [tilespmem:s28+$0x280];
	[tilespmem:s28+$0x210] =	vst v3;
	v3 =	vmul.f32 v10, v38  }
0x61: {  	v44 =	vld [tilespmem:s28+$0x290];
	[tilespmem:s28+$0x220] =	vst v2;
	v2 =	vmul.f32 v39, v38  }
0x62: {  	v45 =	vld [tilespmem:s28+$0x2A0];
	[tilespmem:s28+$0x230] =	vst v3;
	v3 =	vmul.f32 v40, v38  }
0x63: {  	v47 =	vld [tilespmem:s28+$0x2B0];
	v46 =	vbroadcast v1, $0x2;
	[tilespmem:s28+$0x240] =	vst v2;
	v2 =	vmul.f32 v41, v38  }
0x64: {  	v48 =	vld [tilespmem:s28+$0x2C0];
	[tilespmem:s28+$0x250] =	vst v3;
	v3 =	vmul.f32 v42, v38  }
0x65: {  	v49 =	vld [tilespmem:s28+$0x2D0];
	[tilespmem:s28+$0x260] =	vst v2;
	v2 =	vmul.f32 v43, v46  }
0x66: {  	v50 =	vld [tilespmem:s28+$0x2E0];
	[tilespmem:s28+$0x270] =	vst v3;
	v3 =	vmul.f32 v44, v46  }
0x67: {  	v51 =	vld [tilespmem:s28+$0x2F0];
	[tilespmem:s28+$0x280] =	vst v2;
	v2 =	vmul.f32 v45, v46  }
0x68: {  	v52 =	vld [tilespmem:s28+$0x300];
	[tilespmem:s28+$0x290] =	vst v3;
	v3 =	vmul.f32 v47, v46  }
0x69: {  	v53 =	vld [tilespmem:s28+$0x310];
	[tilespmem:s28+$0x2A0] =	vst v2;
	v2 =	vmul.f32 v48, v46  }
0x6a: {  	v54 =	vld [tilespmem:s28+$0x320];
	[tilespmem:s28+$0x2B0] =	vst v3;
	v3 =	vmul.f32 v49, v46  }
0x6b: {  	v56 =	vld [tilespmem:s28+$0x330];
	v55 =	vbroadcast v1, $0x3;
	[tilespmem:s28+$0x2C0] =	vst v2;
	v2 =	vmul.f32 v50, v46  }
0x6c: {  	v57 =	vld [tilespmem:s28+$0x340];
	[tilespmem:s28+$0x2D0] =	vst v3;
	v3 =	vmul.f32 v51, v46  }
0x6d: {  	v58 =	vld [tilespmem:s28+$0x350];
	[tilespmem:s28+$0x2E0] =	vst v2;
	v2 =	vmul.f32 v52, v55  }
0x6e: {  	v59 =	vld [tilespmem:s28+$0x360];
	[tilespmem:s28+$0x2F0] =	vst v3;
	v3 =	vmul.f32 v53, v55  }
0x6f: {  	v60 =	vld [tilespmem:s28+$0x370];
	[tilespmem:s28+$0x300] =	vst v2;
	v2 =	vmul.f32 v54, v55  }
0x70: {  	v61 =	vld [tilespmem:s28+$0x380];
	[tilespmem:s28+$0x310] =	vst v3;
	v3 =	vmul.f32 v56, v55  }
0x71: {  	v62 =	vld [tilespmem:s28+$0x390];
	[tilespmem:s28+$0x320] =	vst v2;
	v2 =	vmul.f32 v57, v55  }
0x72: {  	v63 =	vld [tilespmem:s28+$0x3A0];
	[tilespmem:s28+$0x330] =	vst v3;
	v3 =	vmul.f32 v58, v55  }
0x73: {  	v13 =	vld [tilespmem:s28+$0x3B0];
	v12 =	vbroadcast v1, $0x4;
	[tilespmem:s28+$0x340] =	vst v2;
	v2 =	vmul.f32 v59, v55  }
0x74: {  	v14 =	vld [tilespmem:s28+$0x3C0];
	[tilespmem:s28+$0x350] =	vst v3;
	v3 =	vmul.f32 v60, v55  }
0x75: {  	v15 =	vld [tilespmem:s28+$0x3D0];
	[tilespmem:s28+$0x360] =	vst v2;
	v2 =	vmul.f32 v61, v12  }
0x76: {  	v16 =	vld [tilespmem:s28+$0x3E0];
	[tilespmem:s28+$0x370] =	vst v3;
	v3 =	vmul.f32 v62, v12  }
0x77: {  	v17 =	vld [tilespmem:s28+$0x3F0];
	[tilespmem:s28+$0x380] =	vst v2;
	v2 =	vmul.f32 v63, v12  }
0x78: {  	v18 =	vld [tilespmem:s28+$0x400];
	[tilespmem:s28+$0x390] =	vst v3;
	v3 =	vmul.f32 v13, v12  }
0x79: {  	v19 =	vld [tilespmem:s28+$0x410];
	[tilespmem:s28+$0x3A0] =	vst v2;
	v2 =	vmul.f32 v14, v12  }
0x7a: {  	v20 =	vld [tilespmem:s28+$0x420];
	[tilespmem:s28+$0x3B0] =	vst v3;
	v3 =	vmul.f32 v15, v12  }
0x7b: {  	v22 =	vld [tilespmem:s28+$0x430];
	v21 =	vbroadcast v1, $0x5;
	[tilespmem:s28+$0x3C0] =	vst v2;
	v2 =	vmul.f32 v16, v12  }
0x7c: {  	v23 =	vld [tilespmem:s28+$0x440];
	[tilespmem:s28+$0x3D0] =	vst v3;
	v3 =	vmul.f32 v17, v12  }
0x7d: {  	v24 =	vld [tilespmem:s28+$0x450];
	[tilespmem:s28+$0x3E0] =	vst v2;
	v2 =	vmul.f32 v18, v21  }
0x7e: {  	v25 =	vld [tilespmem:s28+$0x460];
	[tilespmem:s28+$0x3F0] =	vst v3;
	v3 =	vmul.f32 v19, v21  }
0x7f: {  	v26 =	vld [tilespmem:s28+$0x470];
	[tilespmem:s28+$0x400] =	vst v2;
	v2 =	vmul.f32 v20, v21  }
0x80: {  	v27 =	vld [tilespmem:s28+$0x480];
	[tilespmem:s28+$0x410] =	vst v3;
	v3 =	vmul.f32 v22, v21  }
0x81: {  	v28 =	vld [tilespmem:s28+$0x490];
	[tilespmem:s28+$0x420] =	vst v2;
	v2 =	vmul.f32 v23, v21  }
0x82: {  	v29 =	vld [tilespmem:s28+$0x4A0];
	[tilespmem:s28+$0x430] =	vst v3;
	v3 =	vmul.f32 v24, v21  }
0x83: {  	v31 =	vld [tilespmem:s28+$0x4B0];
	v30 =	vbroadcast v1, $0x6;
	[tilespmem:s28+$0x440] =	vst v2;
	v2 =	vmul.f32 v25, v21  }
0x84: {  	v32 =	vld [tilespmem:s28+$0x4C0];
	[tilespmem:s28+$0x450] =	vst v3;
	v3 =	vmul.f32 v26, v21  }
0x85: {  	v33 =	vld [tilespmem:s28+$0x4D0];
	[tilespmem:s28+$0x460] =	vst v2;
	v2 =	vmul.f32 v27, v30  }
0x86: {  	v34 =	vld [tilespmem:s28+$0x4E0];
	[tilespmem:s28+$0x470] =	vst v3;
	v3 =	vmul.f32 v28, v30  }
0x87: {  	v35 =	vld [tilespmem:s28+$0x4F0];
	[tilespmem:s28+$0x480] =	vst v2;
	v2 =	vmul.f32 v29, v30  }
0x88: {  	v36 =	vld [tilespmem:s28+$0x500];
	[tilespmem:s28+$0x490] =	vst v3;
	v3 =	vmul.f32 v31, v30  }
0x89: {  	v37 =	vld [tilespmem:s28+$0x510];
	[tilespmem:s28+$0x4A0] =	vst v2;
	v2 =	vmul.f32 v32, v30  }
0x8a: {  	v38 =	vld [tilespmem:s28+$0x520];
	[tilespmem:s28+$0x4B0] =	vst v3;
	v3 =	vmul.f32 v33, v30  }
0x8b: {  	v39 =	vbroadcast v1, $0x7;
	v40 =	vld [tilespmem:s28+$0x530];
	[tilespmem:s28+$0x4C0] =	vst v2;
	v2 =	vmul.f32 v34, v30  }
0x8c: {  	v41 =	vld [tilespmem:s28+$0x540];
	[tilespmem:s28+$0x4D0] =	vst v3;
	v3 =	vmul.f32 v35, v30  }
0x8d: {  	v42 =	vld [tilespmem:s28+$0x550];
	[tilespmem:s28+$0x4E0] =	vst v2;
	v2 =	vmul.f32 v36, v39  }
0x8e: {  	v43 =	vld [tilespmem:s28+$0x560];
	[tilespmem:s28+$0x4F0] =	vst v3;
	v3 =	vmul.f32 v37, v39  }
0x8f: {  	v44 =	vld [tilespmem:s28+$0x570];
	[tilespmem:s28+$0x500] =	vst v2;
	v2 =	vmul.f32 v38, v39  }
0x90: {  	v45 =	vld [tilespmem:s28+$0x580];
	[tilespmem:s28+$0x510] =	vst v3;
	v3 =	vmul.f32 v40, v39  }
0x91: {  	v46 =	vld [tilespmem:s28+$0x590];
	[tilespmem:s28+$0x520] =	vst v2;
	v2 =	vmul.f32 v41, v39  }
0x92: {  	v47 =	vld [tilespmem:s28+$0x5A0];
	[tilespmem:s28+$0x530] =	vst v3;
	v3 =	vmul.f32 v42, v39  }
0x93: {  	v48 =	vbroadcast v1, $0x8;
	v49 =	vld [tilespmem:s28+$0x5B0];
	[tilespmem:s28+$0x540] =	vst v2;
	v2 =	vmul.f32 v43, v39  }
0x94: {  	v50 =	vld [tilespmem:s28+$0x5C0];
	[tilespmem:s28+$0x550] =	vst v3;
	v3 =	vmul.f32 v44, v39  }
0x95: {  	v51 =	vld [tilespmem:s28+$0x5D0];
	[tilespmem:s28+$0x560] =	vst v2;
	v2 =	vmul.f32 v45, v48  }
0x96: {  	v52 =	vld [tilespmem:s28+$0x5E0];
	[tilespmem:s28+$0x570] =	vst v3;
	v3 =	vmul.f32 v46, v48  }
0x97: {  	v53 =	vld [tilespmem:s28+$0x5F0];
	[tilespmem:s28+$0x580] =	vst v2;
	v2 =	vmul.f32 v47, v48  }
0x98: {  	v54 =	vld [tilespmem:s28+$0x600];
	[tilespmem:s28+$0x590] =	vst v3;
	v3 =	vmul.f32 v49, v48  }
0x99: {  	v55 =	vld [tilespmem:s28+$0x610];
	[tilespmem:s28+$0x5A0] =	vst v2;
	v2 =	vmul.f32 v50, v48  }
0x9a: {  	v56 =	vld [tilespmem:s28+$0x620];
	[tilespmem:s28+$0x5B0] =	vst v3;
	v3 =	vmul.f32 v51, v48  }
0x9b: {  	v57 =	vbroadcast v1, $0x9;
	v58 =	vld [tilespmem:s28+$0x630];
	[tilespmem:s28+$0x5C0] =	vst v2;
	v2 =	vmul.f32 v52, v48  }
0x9c: {  	v59 =	vld [tilespmem:s28+$0x640];
	[tilespmem:s28+$0x5D0] =	vst v3;
	v3 =	vmul.f32 v53, v48  }
0x9d: {  	v60 =	vld [tilespmem:s28+$0x650];
	[tilespmem:s28+$0x5E0] =	vst v2;
	v2 =	vmul.f32 v54, v57  }
0x9e: {  	v61 =	vld [tilespmem:s28+$0x660];
	[tilespmem:s28+$0x5F0] =	vst v3;
	v3 =	vmul.f32 v55, v57  }
0x9f: {  	v62 =	vld [tilespmem:s28+$0x670];
	[tilespmem:s28+$0x600] =	vst v2;
	v2 =	vmul.f32 v56, v57  }
0xa0: {  	v63 =	vld [tilespmem:s28+$0x680];
	[tilespmem:s28+$0x610] =	vst v3;
	v3 =	vmul.f32 v58, v57  }
0xa1: {  	v12 =	vld [tilespmem:s28+$0x690];
	[tilespmem:s28+$0x620] =	vst v2;
	v2 =	vmul.f32 v59, v57  }
0xa2: {  	v13 =	vld [tilespmem:s28+$0x6A0];
	[tilespmem:s28+$0x630] =	vst v3;
	v3 =	vmul.f32 v60, v57  }
0xa3: {  	v14 =	vbroadcast v1, $0xA;
	v15 =	vld [tilespmem:s28+$0x6B0];
	[tilespmem:s28+$0x640] =	vst v2;
	v2 =	vmul.f32 v61, v57  }
0xa4: {  	v16 =	vld [tilespmem:s28+$0x6C0];
	[tilespmem:s28+$0x650] =	vst v3;
	v3 =	vmul.f32 v62, v57  }
0xa5: {  	v17 =	vld [tilespmem:s28+$0x6D0];
	[tilespmem:s28+$0x660] =	vst v2;
	v2 =	vmul.f32 v63, v14  }
0xa6: {  	v18 =	vld [tilespmem:s28+$0x6E0];
	[tilespmem:s28+$0x670] =	vst v3;
	v3 =	vmul.f32 v12, v14  }
0xa7: {  	v19 =	vld [tilespmem:s28+$0x6F0];
	[tilespmem:s28+$0x680] =	vst v2;
	v2 =	vmul.f32 v13, v14  }
0xa8: {  	v20 =	vld [tilespmem:s28+$0x700];
	[tilespmem:s28+$0x690] =	vst v3;
	v3 =	vmul.f32 v15, v14  }
0xa9: {  	v21 =	vld [tilespmem:s28+$0x710];
	[tilespmem:s28+$0x6A0] =	vst v2;
	v2 =	vmul.f32 v16, v14  }
0xaa: {  	v22 =	vld [tilespmem:s28+$0x720];
	[tilespmem:s28+$0x6B0] =	vst v3;
	v3 =	vmul.f32 v17, v14  }
0xab: {  	v23 =	vbroadcast v1, $0xB;
	v24 =	vld [tilespmem:s28+$0x730];
	[tilespmem:s28+$0x6C0] =	vst v2;
	v2 =	vmul.f32 v18, v14  }
0xac: {  	v25 =	vld [tilespmem:s28+$0x740];
	[tilespmem:s28+$0x6D0] =	vst v3;
	v3 =	vmul.f32 v19, v14  }
0xad: {  	v26 =	vld [tilespmem:s28+$0x750];
	[tilespmem:s28+$0x6E0] =	vst v2;
	v2 =	vmul.f32 v20, v23  }
0xae: {  	v27 =	vld [tilespmem:s28+$0x760];
	[tilespmem:s28+$0x6F0] =	vst v3;
	v3 =	vmul.f32 v21, v23  }
0xaf: {  	v28 =	vld [tilespmem:s28+$0x770];
	[tilespmem:s28+$0x700] =	vst v2;
	v2 =	vmul.f32 v22, v23  }
0xb0: {  	v29 =	vld [tilespmem:s28+$0x780];
	[tilespmem:s28+$0x710] =	vst v3;
	v3 =	vmul.f32 v24, v23  }
0xb1: {  	v30 =	vld [tilespmem:s28+$0x790];
	[tilespmem:s28+$0x720] =	vst v2;
	v2 =	vmul.f32 v25, v23  }
0xb2: {  	v31 =	vld [tilespmem:s28+$0x7A0];
	[tilespmem:s28+$0x730] =	vst v3;
	v3 =	vmul.f32 v26, v23  }
0xb3: {  	v32 =	vbroadcast v1, $0xC;
	v33 =	vld [tilespmem:s28+$0x7B0];
	[tilespmem:s28+$0x740] =	vst v2;
	v2 =	vmul.f32 v27, v23  }
0xb4: {  	v34 =	vld [tilespmem:s28+$0x7C0];
	[tilespmem:s28+$0x750] =	vst v3;
	v3 =	vmul.f32 v28, v23  }
0xb5: {  	v35 =	vld [tilespmem:s28+$0x7D0];
	[tilespmem:s28+$0x760] =	vst v2;
	v2 =	vmul.f32 v29, v32  }
0xb6: {  	v36 =	vld [tilespmem:s28+$0x7E0];
	[tilespmem:s28+$0x770] =	vst v3;
	v3 =	vmul.f32 v30, v32  }
0xb7: {  	v37 =	vld [tilespmem:s28+$0x7F0];
	[tilespmem:s28+$0x780] =	vst v2;
	v2 =	vmul.f32 v31, v32  }
0xb8: {  	v38 =	vld [tilespmem:s28+$0x800];
	[tilespmem:s28+$0x790] =	vst v3;
	v3 =	vmul.f32 v33, v32  }
0xb9: {  	v39 =	vld [tilespmem:s28+$0x810];
	[tilespmem:s28+$0x7A0] =	vst v2;
	v2 =	vmul.f32 v34, v32  }
0xba: {  	v40 =	vld [tilespmem:s28+$0x820];
	[tilespmem:s28+$0x7B0] =	vst v3;
	v3 =	vmul.f32 v35, v32  }
0xbb: {  	v41 =	vbroadcast v1, $0xD;
	v42 =	vld [tilespmem:s28+$0x830];
	[tilespmem:s28+$0x7C0] =	vst v2;
	v2 =	vmul.f32 v36, v32  }
0xbc: {  	v43 =	vld [tilespmem:s28+$0x840];
	[tilespmem:s28+$0x7D0] =	vst v3;
	v3 =	vmul.f32 v37, v32  }
0xbd: {  	v44 =	vld [tilespmem:s28+$0x850];
	[tilespmem:s28+$0x7E0] =	vst v2;
	v2 =	vmul.f32 v38, v41  }
0xbe: {  	v45 =	vld [tilespmem:s28+$0x860];
	[tilespmem:s28+$0x7F0] =	vst v3;
	v3 =	vmul.f32 v39, v41  }
0xbf: {  	v46 =	vld [tilespmem:s28+$0x870];
	[tilespmem:s28+$0x800] =	vst v2;
	v2 =	vmul.f32 v40, v41  }
0xc0: {  	v47 =	vld [tilespmem:s28+$0x880];
	[tilespmem:s28+$0x810] =	vst v3;
	v3 =	vmul.f32 v42, v41  }
0xc1: {  	v48 =	vld [tilespmem:s28+$0x890];
	[tilespmem:s28+$0x820] =	vst v2;
	v2 =	vmul.f32 v43, v41  }
0xc2: {  	v49 =	vld [tilespmem:s28+$0x8A0];
	[tilespmem:s28+$0x830] =	vst v3;
	v3 =	vmul.f32 v44, v41  }
0xc3: {  	v50 =	vbroadcast v1, $0xE;
	v51 =	vld [tilespmem:s28+$0x8B0];
	[tilespmem:s28+$0x840] =	vst v2;
	v2 =	vmul.f32 v45, v41  }
0xc4: {  	v52 =	vld [tilespmem:s28+$0x8C0];
	[tilespmem:s28+$0x850] =	vst v3;
	v3 =	vmul.f32 v46, v41  }
0xc5: {  	v53 =	vld [tilespmem:s28+$0x8D0];
	[tilespmem:s28+$0x860] =	vst v2;
	v2 =	vmul.f32 v47, v50  }
0xc6: {  	v54 =	vld [tilespmem:s28+$0x8E0];
	[tilespmem:s28+$0x870] =	vst v3;
	v3 =	vmul.f32 v48, v50  }
0xc7: {  	v55 =	vld [tilespmem:s28+$0x8F0];
	[tilespmem:s28+$0x880] =	vst v2;
	v2 =	vmul.f32 v49, v50  }
0xc8: {  	v56 =	vld [tilespmem:s28+$0x900];
	[tilespmem:s28+$0x890] =	vst v3;
	v3 =	vmul.f32 v51, v50  }
0xc9: {  	v57 =	vld [tilespmem:s28+$0x910];
	[tilespmem:s28+$0x8A0] =	vst v2;
	v2 =	vmul.f32 v52, v50  }
0xca: {  	v58 =	vld [tilespmem:s28+$0x920];
	[tilespmem:s28+$0x8B0] =	vst v3;
	v3 =	vmul.f32 v53, v50  }
0xcb: {  	v1 =	vbroadcast v1, $0xF;
	v59 =	vld [tilespmem:s28+$0x930];
	[tilespmem:s28+$0x8C0] =	vst v2;
	v2 =	vmul.f32 v54, v50  }
0xcc: {  	v60 =	vld [tilespmem:s28+$0x940];
	[tilespmem:s28+$0x8D0] =	vst v3;
	v3 =	vmul.f32 v55, v50  }
0xcd: {  	v61 =	vld [tilespmem:s28+$0x950];
	[tilespmem:s28+$0x8E0] =	vst v2;
	v2 =	vmul.f32 v56, v1  }
0xce: {  	v62 =	vld [tilespmem:s28+$0x960];
	[tilespmem:s28+$0x8F0] =	vst v3;
	v3 =	vmul.f32 v57, v1  }
0xcf: {  	v63 =	vld [tilespmem:s28+$0x970];
	[tilespmem:s28+$0x900] =	vst v2;
	v2 =	vmul.f32 v58, v1  }
0xd0: {  	[tilespmem:s28+$0x910] =	vst v3;
	v3 =	vmul.f32 v59, v1  }
0xd1: {  	p1 =	sne.s32 s26, $0x4;
	[tilespmem:s28+$0x920] =	vst v2;
	v2 =	vmul.f32 v60, v1  }
.Ltmp1:
0xd2: {  	[tilespmem:s28+$0x930] =	vst v3;
	v3 =	vmul.f32 v61, v1;
	(pc) =	sbr.rel @p1 .LBB2_5-.Ltmp1, $4  }
0xd3: {  	[tilespmem:s28+$0x940] =	vst v2;
	v2 =	vmul.f32 v62, v1  }
0xd4: {  	[tilespmem:s28+$0x950] =	vst v3;
	v1 =	vmul.f32 v63, v1  }
0xd5: {  	[tilespmem:s28+$0x960] =	vst v2  }
0xd6: {  	s26 =	sadd.s32 $0x1, s26;
	[tilespmem:s28+$0x970] =	vst v1  }
0xd7: {  	s25 =	sadd.s32 $0x1, s25  }
0xd8: {  	p1 =	sne.s32 s25, $0x7D  }
.Ltmp2:
0xd9: {  	_ = 	snop;
	(pc) =	sbr.rel @p1 .LBB2_4-.Ltmp2, $4  }
0xda: {  	[spmem:s2] =	stream.indirect.scatter.add.f32 [tilespmem:s19], [sflag:$0x1], $0x80, s16, s18, $0xb8;
	[tilespmem:$0x1C600] =	vst v63  }
0xdb: {  	_ =	swait.ge [sflag:s15], $0x2800  }
0xdc: {  	[sflag:s15] =	ssyncset.done $0x0  }
0xdd: {  	[sflag:s15] =	ssyncadd.s32 $0xFFFFD800  }
0xde: {  	s24 =	sshll.u32 s4, $0x6  }
0xdf: {  	[bflag:$0x0] =	sbarrier.arrive $0xFFFF;
	s25 =	sshrl.u32 s9, $0x3;
	s24 =	sor.u32 $0x1C01, s24  }
0xe0: {  	[hbm:s20], [sflag:s24] =	dma.local [spmem:s25], $0xC80  }
0xe1: {  	_ =	swait.ge [sflag:s15], $0xC80  }
0xe2: {  	[sflag:s15] =	ssyncset.done $0x0  }
0xe3: {  	s30 =	sshrl.u32 s10, $0x3;
	[sflag:s15] =	ssyncadd.s32 $0xFFFFF380  }
0xe4: {  	[hbm:s21], [sflag:s24] =	dma.local [spmem:s30], $0xC80  }
0xe5: {  	_ =	swait.ge [sflag:s15], $0xC80  }
0xe6: {  	[sflag:s15] =	ssyncset.done $0x0  }
0xe7: {  	s31 =	sshrl.u32 s11, $0x3;
	[sflag:s15] =	ssyncadd.s32 $0xFFFFF380  }
0xe8: {  	[hbm:s22], [sflag:s24] =	dma.local [spmem:s31], $0xC80  }
0xe9: {  	_ =	swait.ge [sflag:s15], $0xC80  }
0xea: {  	s3 =	sadd.s32 $0x1, s3;
	[sflag:s15] =	ssyncset.done $0x0  }
0xeb: {  	p1 =	sne.s32 s3, s13;
	s25 =	sshrl.u32 @!p0 s12, $0x3;
	[sflag:s15] =	ssyncadd.s32 $0xFFFFF380  }
0xec: {  	[hbm:s23], [sflag:s24] =	dma.local @!p0 [spmem:s25], $0xC80  }
.Ltmp3:
0xed: {  	_ = 	snop;
	(pc) =	sbr.rel @p1 .LBB2_1-.Ltmp3, $4  }
0xee: {  	s24 =	simm.s32 @!p0 $0x1  }
0xef: {  	_ =	swait.ge @!p0 [sflag:s24], $0xC80  }
0xf0: {  	[sflag:s24] =	ssyncset.done @!p0 $0x0  }
0xf1: {  	[sflag:s24] =	ssyncadd.s32 @!p0 $0xFFFFF380  }
0xf2: {  	_ =	sfence.sel $0x180000  }
0xf3: {  	[bflag:$0x0] =	sbarrier.arrive $0xFFFF  }
0xf4: {  	p0 =	sne.s32 s4, $0x0;
	_ =	strace $0x9000004D  }
0xf5: {  	s0 =	sadd.s32 @!p0 $0x100000, s0;
	[bflag:$0x2] =	sbarrier.arrive $0xFFFF  }
0xf6: {  	[sflag:s0] =	ssyncadd.tile.s32 @!p0 $0x1;
	_ =	shalt  }
.Lfunc_end2:
_tile_overlayer_lowered:
.L_overlay_start_2:
0xf7: {  	(tag) =	ssettag $0x2  }
0xf8: {  	s0 =	rddreg [dreg:$0x0];
	s2 =	stileid.u32  }
0xf9: {  	s1 =	rddreg [dreg:$0x1];
	p0 =	sne.s32 s2, $0x0  }
0xfa: {  	s3 =	rddreg [dreg:$0x2];
	[bflag:$0x3] =	sbarrier.arrive $0xFFFF;
	s2 =	simm.s32 @!p0 $0x1C01  }
0xfb: {  	[timem:s3], [sflag:s2] =	dma.local @!p0 [hbm:s0], s1  }
0xfc: {  	s0 =	simm.s32 @!p0 $0x1  }
0xfd: {  	_ =	swait.ge @!p0 [sflag:s0], s1  }
0xfe: {  	s1 =	ssub.s32 @!p0 $0x0, s1;
	[sflag:s0] =	ssyncset.done @!p0 $0x0  }
0xff: {  	[sflag:s0] =	ssyncadd.s32 @!p0 s1  }
0x100: {  	[bflag:$0x3] =	sbarrier.arrive $0xFFFF  }
0x101: {  	_ =	shalt  }

// kernel: kernel.8.cloned.1.call-start
scs
__scs_entry_jumppad:
0x0: {  	(pc) =	sbr.rel $0x88, $3  }
0x1: {  	(tag) =	ssettag $0x0;
	lr =	simm.s32 $0x1  }
0x2: {  	[smem:$0x3F92] =	sst lr;
	_ =	strace $0xD0000000  }
0x3: {  	_ = 	snop  }
0x4: {  	_ = 	snop  }
0x5: {  	_ = 	snop  }
0x6: {  	_ = 	snop  }
0x7: {  	_ = 	snop  }
__scs_overlays_trampoline_lowered:
0x8: {  	[smem:$0x3FA1] =	sst s0  }
0x9: {  	[smem:$0x3FA2] =	sst s1  }
0xa: {  	[smem:$0x3FA3] =	sst s2  }
0xb: {  	[smem:$0x3FA4] =	sst s3  }
0xc: {  	[smem:$0x3FA5] =	sst s4  }
0xd: {  	[smem:$0x3FA6] =	sst s5  }
0xe: {  	[smem:$0x3FA7] =	sst s6  }
0xf: {  	[smem:$0x3FA8] =	sst s7  }
0x10: {  	[smem:$0x3FA9] =	sst s8  }
0x11: {  	[smem:$0x3FAA] =	sst s9;
	s0 =	simm.s32 @!p0 $0x0  }
0x12: {  	s1 =	sld [smem:$0x3F90];
	s0 =	simm.s32 @p0 $0x1  }
0x13: {  	[smem:$0x3FAB] =	sst s0;
	s0 =	simm.s32 @!p1 $0x0  }
0x14: {  	s2 =	sld [smem:$0x3F8F];
	s0 =	simm.s32 @p1 $0x1  }
0x15: {  	[smem:$0x3FAC] =	sst s0;
	s0 =	simm.s32 @!p2 $0x0  }
0x16: {  	s3 =	sld [smem:$0x3FDB];
	s0 =	simm.s32 @p2 $0x1  }
0x17: {  	s4 =	simm.s32 $0x1BF5;
	[smem:$0x3FAE] =	sst s0  }
0x18: {  	s0 =	sld [smem:$0x3F91];
	_ =	swait.ge [sflag:s4], $0x0  }
0x19: {  	s7 =	sld [smem:$0x3F92]  }
0x1a: {  	s8 =	sadd.s32 $0xFFFFE003, lr  }
0x1b: {  	s9 =	sadd.s32 $0xFFFFFEF7, lr;
	s5 =	simm.s32 $0xFFFFFFFF;
	p2 =	slt.u32 s8, $0xFFFFF086  }
0x1c: {  	p1 =	slt.u32 s9, $0xF7A;
	s5 =	simm.s32 @!p2 $0x0  }
0x1d: {  	s5 =	simm.s32 @p1 $0x1;
	p0 =	seq.s32 s7, s2  }
0x1e: {  	s7 =	smul.u32 @!p0 $0xF7A, s2;
	p2 =	seq.s32 @!p0 s5, $0x0  }
0x1f: {  	s9 =	smul.u32 $0xF7A, s1;
	s8 =	simm.s32 @!p0 $0x1BF5;
	p2 =	por !p2, p0  }
0x20: {  	[sflag:s8] =	ssyncset.s32 @!p0 $0xFFFFF086;
	s6 =	sadd.s32 @!p0 s3, s7;
	s7 =	simm.s32 @!p0 $0x108  }
0x21: {  	s3 =	sadd.s32 s3, s9;
	s6 =	sadd.s32 @!p0 $0x88, s6;
	s7 =	simm.s32 @p2 $0x1082  }
0x22: {  	[simem:s7], [sflag:s8] =	dma.local @!p0 [hbm:s6], $0xF7A  }
0x23: {  	s9 =	sor.u32 $0xD0000000, s2;
	s6 =	simm.s32 $0x108;
	_ =	swait.ge @!p0 [sflag:s8], $0x0  }
0x24: {  	s3 =	sadd.s32 $0x88, s3;
	s6 =	simm.s32 @!p1 $0x1082;
	[sflag:s4] =	ssyncset.s32 $0xFFFFF086  }
0x25: {  	[simem:s6], [sflag:s4] =	dma.local [hbm:s3], $0xF7A  }
0x26: {  	[smem:$0x3F92] =	sst s1;
	(tag) =	ssettag s2;
	_ =	strace s9  }
0x27: {  	s1 =	sld [smem:$0x3FA2]  }
0x28: {  	s2 =	sld [smem:$0x3FA3]  }
0x29: {  	s4 =	sld [smem:$0x3FA5]  }
0x2a: {  	p0 =	seq.s32 s5, $0x0;
	s5 =	sld [smem:$0x3FA6]  }
0x2b: {  	s6 =	sld [smem:$0x3FA7]  }
0x2c: {  	s7 =	sld [smem:$0x3FA8]  }
0x2d: {  	s3 =	simm.s32 $0x108;
	s8 =	sld [smem:$0x3FA9]  }
0x2e: {  	s3 =	simm.s32 @!p0 $0x1082;
	s9 =	sld [smem:$0x3FAA]  }
0x2f: {  	lr =	sadd.s32 s0, s3;
	s0 =	sld [smem:$0x3FA1]  }
0x30: {  	s3 =	sld [smem:$0x3FA4]  }
0x31: {  	[smem:$0x3FAD] =	sst s10  }
0x32: {  	s10 =	sld [smem:$0x3FAB];
	_ =	sdelay $0x3  }
0x33: {  	p0 =	seq.s32 s10, $0x1;
	s10 =	sld [smem:$0x3FAD];
	_ =	sdelay $0x3  }
0x34: {  	[smem:$0x3FAD] =	sst s10  }
0x35: {  	s10 =	sld [smem:$0x3FAC];
	_ =	sdelay $0x3  }
0x36: {  	p1 =	seq.s32 s10, $0x1;
	s10 =	sld [smem:$0x3FAD];
	_ =	sdelay $0x3  }
0x37: {  	[smem:$0x3FAD] =	sst s10  }
0x38: {  	s10 =	sld [smem:$0x3FAE]  }
0x39: {  	_ = 	snop;
	(pc) =	sbr.ind lr, $3  }
0x3a: {  	_ = 	snop  }
0x3b: {  	_ = 	snop  }
0x3c: {  	p2 =	seq.s32 s10, $0x1;
	s10 =	sld [smem:$0x3FAD]  }
0x3d: {  	_ =	shalt  }
0x3e: {  	_ =	shalt  }
0x3f: {  	_ =	shalt  }
0x40: {  	_ =	shalt  }
0x41: {  	_ =	shalt  }
0x42: {  	_ =	shalt  }
0x43: {  	_ =	shalt  }
0x44: {  	_ =	shalt  }
0x45: {  	_ =	shalt  }
0x46: {  	_ =	shalt  }
0x47: {  	_ =	shalt  }
0x48: {  	_ =	shalt  }
0x49: {  	_ =	shalt  }
0x4a: {  	_ =	shalt  }
0x4b: {  	_ =	shalt  }
0x4c: {  	_ =	shalt  }
0x4d: {  	_ =	shalt  }
0x4e: {  	_ =	shalt  }
0x4f: {  	_ =	shalt  }
0x50: {  	_ =	shalt  }
0x51: {  	_ =	shalt  }
0x52: {  	_ =	shalt  }
0x53: {  	_ =	shalt  }
0x54: {  	_ =	shalt  }
0x55: {  	_ =	shalt  }
0x56: {  	_ =	shalt  }
0x57: {  	_ =	shalt  }
0x58: {  	_ =	shalt  }
0x59: {  	_ =	shalt  }
0x5a: {  	_ =	shalt  }
0x5b: {  	_ =	shalt  }
0x5c: {  	_ =	shalt  }
0x5d: {  	_ =	shalt  }
0x5e: {  	_ =	shalt  }
0x5f: {  	_ =	shalt  }
0x60: {  	_ =	shalt  }
0x61: {  	_ =	shalt  }
0x62: {  	_ =	shalt  }
0x63: {  	_ =	shalt  }
0x64: {  	_ =	shalt  }
0x65: {  	_ =	shalt  }
0x66: {  	_ =	shalt  }
0x67: {  	_ =	shalt  }
0x68: {  	_ =	shalt  }
0x69: {  	_ =	shalt  }
0x6a: {  	_ =	shalt  }
0x6b: {  	_ =	shalt  }
0x6c: {  	_ =	shalt  }
0x6d: {  	_ =	shalt  }
0x6e: {  	_ =	shalt  }
0x6f: {  	_ =	shalt  }
0x70: {  	_ =	shalt  }
0x71: {  	_ =	shalt  }
0x72: {  	_ =	shalt  }
0x73: {  	_ =	shalt  }
0x74: {  	_ =	shalt  }
0x75: {  	_ =	shalt  }
0x76: {  	_ =	shalt  }
0x77: {  	_ =	shalt  }
0x78: {  	_ =	shalt  }
0x79: {  	_ =	shalt  }
0x7a: {  	_ =	shalt  }
0x7b: {  	_ =	shalt  }
0x7c: {  	_ =	shalt  }
0x7d: {  	_ =	shalt  }
0x7e: {  	_ =	shalt  }
0x7f: {  	_ =	shalt  }
0x80: {  	_ =	shalt  }
0x81: {  	_ =	shalt  }
0x82: {  	_ =	shalt  }
0x83: {  	_ =	shalt  }
0x84: {  	_ =	shalt  }
0x85: {  	_ =	shalt  }
0x86: {  	_ =	shalt  }
0x87: {  	_ =	shalt  }
.Lfunc_end0:
.L_simem_size_0:
called_computation_lowered:
.L_overlay_start_0:
0x88: {  	s2 =	sld [smem:$0x3FD9]  }
0x89: {  	s3 =	sld [smem:$0x3FFE];
	_ =	sdelay $0x1  }
0x8a: {  	s1 =	srdreg.scid  }
0x8b: {  	s0 =	sand.u32 $0x1, s1  }
0x8c: {  	s17 =	sshll.u32 s0, $0xA;
	s2 =	sadd.s32 s3, s2  }
0x8d: {  	s2 =	sadd.s32 s2, s17  }
0x8e: {  	[smem:$0x3FB9] =	sst s2  }
0x8f: {  	_ = 	snop  }
0x90: {  	s2 =	sld [smem:$0x3FC7]  }
0x91: {  	s18 =	sld [smem:$0x3FD0];
	(tm) =	ssettm $0x1  }
0x92: {  	s4 =	sld [smem:$0x3FFB];
	_ =	sdelay $0x3  }
0x93: {  	_ =	strace s4  }
0x94: {  	s4 =	sld [smem:$0x3FFC];
	_ =	sdelay $0x3  }
0x95: {  	_ =	strace s4  }
0x96: {  	s4 =	sld [smem:$0x3FFD];
	_ =	sdelay $0x3  }
0x97: {  	_ =	strace s4  }
0x98: {  	_ =	strace $0x8FFFFFFF  }
0x99: {  	s19 =	sld [smem:$0x3FDB];
	_ =	sdelay $0x1  }
0x9a: {  	s5 =	simm.s32 $_scs_section_size  }
0x9b: {  	s6 =	simm.s32 $_size__tile_overlayer_lowered;
	s7 =	simm.s32 $_tile_overlayer_lowered  }
0x9c: {  	s22 =	simm.s32 $0x1BFF;
	s21 =	sshll.u32 s7, $0x1;
	s4 =	sadd.s32 s5, s19  }
0x9d: {  	s8 =	simm.s32 $0x0;
	s20 =	sshll.u32 s6, $0x1;
	s6 =	sadd.s32 s21, s4  }
0x9e: {  	[timem:s8], [sflag:s22] =	dma.local [hbm:s6], s20  }
0x9f: {  	_ =	swait.ge [sflag:s22], s20  }
0xa0: {  	s5 =	ssub.s32 $0x0, s20;
	[sflag:s22] =	ssyncset.done $0x0  }
0xa1: {  	[sflag:s22] =	ssyncadd.s32 s5;
	_ =	sdelay $0x1  }
0xa2: {  	s23 =	simm.s32 $0x1B8B  }
0xa3: {  	_ =	swait.ge [sflag:s23], $0x1  }
0xa4: {  	[sflag:s23] =	ssyncset.done $0x0  }
0xa5: {  	s25 =	simm.s32 $0x1B8E;
	s24 =	sld [smem:$0x3FFE];
	[sflag:s23] =	ssyncadd.s32 $0xFFFFFFFF  }
0xa6: {  	s26 =	simm.s32 $execute0_lowered;
	[smem:$0x3FD2] =	sst s25  }
0xa7: {  	s6 =	sshll.u32 s26, $0x1;
	_ =	strace $0x80000046;
	[dreg:$0x1] =	wrdreg $0xFFFFFFFF  }
0xa8: {  	s28 =	simm.s32 $_size_execute0_lowered;
	s4 =	sadd.s32 s4, s6;
	[dreg:$0x0] =	wrdreg $0x0  }
0xa9: {  	s6 =	sshll.u32 s28, $0x1;
	[dreg:$0x2] =	wrdreg s4  }
0xaa: {  	[dreg:$0x3] =	wrdreg s6  }
0xab: {  	[dreg:$0x4] =	wrdreg $0xC0  }
0xac: {  	_ =	task [dreg:s8], $0x5FFFF  }
0xad: {  	[dreg:$0x1] =	wrdreg $0xFFFFFFFF  }
0xae: {  	[dreg:$0x0] =	wrdreg $0x60  }
0xaf: {  	[dreg:$0x2] =	wrdreg s2  }
0xb0: {  	[dreg:$0x3] =	wrdreg s24  }
0xb1: {  	[dreg:$0x4] =	wrdreg s18  }
0xb2: {  	[dreg:$0x5] =	wrdreg $0xB000  }
0xb3: {  	[dreg:$0x6] =	wrdreg $0x9  }
0xb4: {  	_ =	task.clear_ibuf [dreg:s8], $0x7FFFF;
	_ =	strace $0x90000046  }
0xb5: {  	s29 =	simm.s32 $0x9;
	_ =	strace $0x80000048  }
0xb6: {  	_ =	swait.ge [sflag:s29], $0x1  }
0xb7: {  	[sflag:s29] =	ssyncadd.s32 $0xFFFFFFFF  }
0xb8: {  	_ =	strace $0x90000048  }
0xb9: {  	_ =	sfence  }
0xba: {  	s30 =	sld [smem:$0x0];
	_ =	sdelay $0x2  }
0xbb: {  	s31 =	sshll.u32 s1, $0xD;
	s1 =	sshrl.u32 s1, $0x2  }
0xbc: {  	s3 =	sand.u32 $0x4000, s31;
	s1 =	sadd.s32 s1, s30  }
0xbd: {  	s0 =	sor.u32 s3, s0;
	s1 =	sshll.u32 s1, $0x11  }
0xbe: {  	s0 =	sor.u32 s1, s0  }
0xbf: {  	s0 =	sadd.s32 $0x8F2B, s0  }
0xc0: {  	[sflag:s0] =	ssyncadd.remote.s32 $0x1  }
0xc1: {  	_ =	sfence.sel $0xFFFF  }
0xc2: {  	[dreg:$0x0] =	wrdreg $0xFFFFFFFF;
	(pc) =	sbr.abs _section_cstart, $3  }
0xc3: {  	[dreg:$0x1] =	wrdreg $0xFFFFFFFF  }
0xc4: {  	_ =	task.clear_ibuf [dreg:s8], $0x2FFFF;
	_ =	strace $0x9FFFFFFF  }
0xc5: {  	(tm) =	ssettm $0x7FFFFFFF  }
tec
execute0_lowered:
.L_overlay_start_1:
0x0: {  	(tag) =	ssettag $0x1  }
0x1: {  	s1 =	srdreg.scid  }
0x2: {  	s1 =	sand.u32 $0x1, s1  }
0x3: {  	s3 =	rddreg [dreg:$0x0];
	p0 =	seq.s32 s1, $0x1  }
.Ltmp0:
0x4: {  	s5 =	rddreg [dreg:$0x1];
	(pc) =	sbr.rel @p0 .LBB2_18-.Ltmp0, $4  }
0x5: {  	s4 =	rddreg [dreg:$0x2]  }
0x6: {  	s2 =	rddreg [dreg:$0x3];
	s6 =	simm.s32 $0x0  }
0x7: {  	[smem:$0x7FF] =	sst s6  }
0x8: {  	s0 =	rddreg [dreg:$0x4];
	_ =	strace $0x80000047;
	s1 =	stileid.u32  }
0x9: {  	s6 =	smul.u32 $0x9C40, s1;
	_ =	sdelay $0x1  }
0xa: {  	s15 =	sadd.s32 $0x3800, s5;
	s6 =	sshrl.u32 s6, $0x2  }
0xb: {  	s14 =	sadd.s32 $0xD600, s5;
	s5 =	sadd.s32 $0x17400, s5;
	s11 =	sadd.s32 s6, s2  }
0xc: {  	s7 =	simm.s32 $0x40;
	s12 =	simm.s32 $0x0;
	s10 =	sadd.s32 $0x7D0, s11  }
0xd: {  	v0 =	vimm.f32 $0.0e+00;
	s9 =	sadd.s32 $0xFA0, s11;
	s8 =	sadd.s32 $0x1770, s11;
	s6 =	sadd.s32 $0x1F40, s11  }
.LBB2_2:
0xe: {  	p0 =	sne.s32 s7, $0x1F00;
	[tilespmem:s12+$0x300] =	vst v0;
	s12 =	smov.u32 s7;
	s7 =	sadd.s32 $0x40, s7  }
.Ltmp1:
0xf: {  	(pc) =	sbr.rel @p0 .LBB2_2-.Ltmp1, $2  }
0x10: {  	_ =	sdelay $0x2  }
0x11: {  	s12 =	sshra.s32 s12, $0x2  }
0x12: {  	[tilespmem:s12+$0x300] =	vst v0;
	s7 =	simm.s32 $0x300;
	s12 =	simm.s32 $0x1  }
0x13: {  	[spmem:s11] =	stream.linear.scatter [tilespmem:s7], [sflag:$0x1], $0x7D0, $0x38;
	[tilespmem:$0x3210] =	vst v63  }
0x14: {  	_ =	swait.ge [sflag:s12], $0x7D0  }
0x15: {  	[sflag:s12] =	ssyncset.done $0x0  }
0x16: {  	[sflag:s12] =	ssyncadd.s32 $0xFFFFF830  }
0x17: {  	[spmem:s10] =	stream.linear.scatter [tilespmem:s7], [sflag:$0x1], $0x7D0, $0x38;
	[tilespmem:$0x3210] =	vst v63  }
0x18: {  	_ =	swait.ge [sflag:s12], $0x7D0  }
0x19: {  	[sflag:s12] =	ssyncset.done $0x0  }
0x1a: {  	[sflag:s12] =	ssyncadd.s32 $0xFFFFF830  }
0x1b: {  	[spmem:s9] =	stream.linear.scatter [tilespmem:s7], [sflag:$0x1], $0x7D0, $0x38;
	[tilespmem:$0x3210] =	vst v63  }
0x1c: {  	_ =	swait.ge [sflag:s12], $0x7D0  }
0x1d: {  	[sflag:s12] =	ssyncset.done $0x0  }
0x1e: {  	[sflag:s12] =	ssyncadd.s32 $0xFFFFF830  }
0x1f: {  	[spmem:s8] =	stream.linear.scatter [tilespmem:s7], [sflag:$0x1], $0x7D0, $0x38;
	[tilespmem:$0x3210] =	vst v63  }
0x20: {  	_ =	swait.ge [sflag:s12], $0x7D0  }
0x21: {  	[sflag:s12] =	ssyncset.done $0x0  }
0x22: {  	[sflag:s12] =	ssyncadd.s32 $0xFFFFF830  }
0x23: {  	[spmem:s6] =	stream.linear.scatter [tilespmem:s7], [sflag:$0x1], $0x7D0, $0x38;
	[tilespmem:$0x3210] =	vst v63  }
0x24: {  	_ =	swait.ge [sflag:s12], $0x7D0  }
0x25: {  	[sflag:s12] =	ssyncset.done $0x0  }
0x26: {  	v0 =	vimm.f32 $1.000000000e+00;
	[sflag:s12] =	ssyncadd.s32 $0xFFFFF830  }
0x27: {  	[tilespmem:$0x280] =	vst v0  }
0x28: {  	[tilespmem:$0x290] =	vst v0  }
0x29: {  	s7 =	smul.u32 $0x9C4, s1;
	[tilespmem:$0x2A0] =	vst v0  }
0x2a: {  	[tilespmem:$0x2B0] =	vst v0  }
0x2b: {  	s3 =	sadd.s32 s7, s3;
	[tilespmem:$0x2C0] =	vst v0  }
0x2c: {  	s13 =	simm.s32 $0x0;
	s16 =	sadd.s32 $0x0, s3;
	[bflag:$0x0] =	sbarrier.arrive $0xFFFF  }
0x2d: {  	[tilespmem:s13], [sflag:$0x1] =	stream.linear.gather [hbm4b:s16+s13], $0x50, $0x38;
	[tilespmem:$0x3210] =	vst v63  }
0x2e: {  	_ =	swait.ge [sflag:s12], $0x50  }
0x2f: {  	s19 =	sadd.s32 s7, s15;
	[sflag:s12] =	ssyncset.done $0x0  }
0x30: {  	s20 =	simm.s32 $0x80;
	s15 =	sadd.s32 $0x0, s19;
	[sflag:s12] =	ssyncadd.s32 $0xFFFFFFB0  }
0x31: {  	[tilespmem:s20], [sflag:$0x1] =	stream.linear.gather [hbm4b:s15+s13], $0x50, $0x38;
	[tilespmem:$0x3210] =	vst v63  }
0x32: {  	_ =	swait.ge [sflag:s12], $0x50  }
0x33: {  	s4 =	sadd.s32 s7, s4;
	[sflag:s12] =	ssyncset.done $0x0  }
0x34: {  	s21 =	simm.s32 $0x100;
	s31 =	sadd.s32 $0x0, s4;
	[sflag:s12] =	ssyncadd.s32 $0xFFFFFFB0  }
0x35: {  	[tilespmem:s21], [sflag:$0x1] =	stream.linear.gather [hbm4b:s31+s13], $0x50, $0x38;
	[tilespmem:$0x3210] =	vst v63  }
0x36: {  	_ =	swait.ge [sflag:s12], $0x50  }
0x37: {  	[sflag:s12] =	ssyncset.done $0x0  }
0x38: {  	[sflag:s12] =	ssyncadd.s32 $0xFFFFFFB0  }
0x39: {  	v0 =	vld [tilespmem:$0x130]  }
0x3a: {  	v8 =	vld [tilespmem:$0xC0]  }
0x3b: {  	v9 =	vld [tilespmem:$0x140]  }
0x3c: {  	v2 =	vld [tilespmem:$0x40]  }
0x3d: {  	v5 =	vld [tilespmem:$0x0]  }
0x3e: {  	v3 =	vld [tilespmem:$0x30]  }
0x3f: {  	v1 =	vld [tilespmem:$0x20]  }
0x40: {  	v6 =	vld [tilespmem:$0x10]  }
0x41: {  	s17 =	simm.s32 $0x180;
	v4 =	vld [tilespmem:$0x110];
	v10 =	vmul.u32 $0x2710, v2  }
0x42: {  	s18 =	simm.s32 $0x280;
	s23 =	simm.s32 $0xA;
	s22 =	simm.s32 $0x0;
	v7 =	vld [tilespmem:$0x90]  }
0x43: {  	s16 =	sadd.s32 s7, s14;
	s14 =	simm.s32 $0x50;
	s15 =	simm.s32 $0x200;
	v2 =	vmul.u32 $0x2710, v5;
	v5 =	vld [tilespmem:$0xB0];
	v8 =	vadd.s32 v8, v10;
	v9 =	vadd.s32 v10, v9  }
.LBB2_4:
0x44: {  	p0 =	sne.s32 s23, $0x9BA;
	v10 =	vld [tilespmem:$0x120];
	s24 =	smov.u32 s23;
	s23 =	sadd.s32 $0xA, s23  }
0x45: {  	v11 =	vld [tilespmem:$0x100];
	v6 =	vmul.u32 $0x2710, v6  }
0x46: {  	v3 =	vmul.u32 $0x2710, v3;
	v12 =	vld [tilespmem:$0x80];
	[tilespmem:$0x240] =	vst v9  }
0x47: {  	v7 =	vadd.s32 v7, v6;
	v4 =	vadd.s32 v6, v4;
	v6 =	vld [tilespmem:$0xA0];
	[tilespmem:$0x1C0] =	vst v8  }
0x48: {  	v0 =	vadd.s32 v3, v0;
	[tilespmem:$0x190] =	vst v7;
	v5 =	vadd.s32 v5, v3  }
0x49: {  	[tilespmem:$0x210] =	vst v4  }
0x4a: {  	v1 =	vmul.u32 $0x2710, v1;
	[tilespmem:$0x1B0] =	vst v5  }
0x4b: {  	v3 =	vadd.s32 v12, v2;
	v2 =	vadd.s32 v2, v11;
	[tilespmem:$0x230] =	vst v0  }
0x4c: {  	[tilespmem:$0x200] =	vst v2;
	v0 =	vadd.s32 v6, v1;
	v1 =	vadd.s32 v1, v10  }
0x4d: {  	[tilespmem:$0x220] =	vst v1  }
0x4e: {  	s25 =	sadd.s32 s22, s16;
	s22 =	smov.u32 s24;
	[tilespmem:$0x180] =	vst v3  }
0x4f: {  	[tilespmem:$0x1A0] =	vst v0  }
0x50: {  	[hbm4b:s25+s13] =	stream.linear.scatter [tilespmem:s17], [sflag:$0x1], $0x50, $0x38;
	[tilespmem:$0x3210] =	vst v63  }
0x51: {  	_ =	swait.ge [sflag:s12], $0x50  }
0x52: {  	[sflag:s12] =	ssyncset.done $0x0  }
0x53: {  	[sflag:s12] =	ssyncadd.s32 $0xFFFFFFB0  }
0x54: {  	[spmem:s2] =	stream.indirect.scatter.add.f32 [tilespmem:s18], [sflag:$0x1], $0x1, s15, s14, $0xb8;
	[tilespmem:$0x3210] =	vst v63  }
0x55: {  	_ =	swait.ge [sflag:s12], $0x50  }
0x56: {  	[sflag:s12] =	ssyncset.done $0x0  }
0x57: {  	s24 =	sadd.s32 s22, s3;
	[sflag:s12] =	ssyncadd.s32 $0xFFFFFFB0  }
0x58: {  	[tilespmem:s13], [sflag:$0x1] =	stream.linear.gather [hbm4b:s24+s13], $0x50, $0x38;
	[tilespmem:$0x3210] =	vst v63  }
0x59: {  	_ =	swait.ge [sflag:s12], $0x50  }
0x5a: {  	[sflag:s12] =	ssyncset.done $0x0  }
0x5b: {  	s24 =	sadd.s32 s22, s19;
	[sflag:s12] =	ssyncadd.s32 $0xFFFFFFB0  }
0x5c: {  	[tilespmem:s20], [sflag:$0x1] =	stream.linear.gather [hbm4b:s24+s13], $0x50, $0x38;
	[tilespmem:$0x3210] =	vst v63  }
0x5d: {  	_ =	swait.ge [sflag:s12], $0x50  }
0x5e: {  	[sflag:s12] =	ssyncset.done $0x0  }
0x5f: {  	s24 =	sadd.s32 s22, s4;
	[sflag:s12] =	ssyncadd.s32 $0xFFFFFFB0  }
0x60: {  	[tilespmem:s21], [sflag:$0x1] =	stream.linear.gather [hbm4b:s24+s13], $0x50, $0x38;
	[tilespmem:$0x3210] =	vst v63  }
0x61: {  	_ =	swait.ge [sflag:s12], $0x50  }
0x62: {  	[sflag:s12] =	ssyncset.done $0x0  }
0x63: {  	[sflag:s12] =	ssyncadd.s32 $0xFFFFFFB0  }
0x64: {  	v0 =	vld [tilespmem:$0x130]  }
0x65: {  	v8 =	vld [tilespmem:$0xC0]  }
0x66: {  	v9 =	vld [tilespmem:$0x140]  }
0x67: {  	v2 =	vld [tilespmem:$0x40]  }
0x68: {  	v5 =	vld [tilespmem:$0x0]  }
0x69: {  	v3 =	vld [tilespmem:$0x30]  }
.Ltmp2:
0x6a: {  	v1 =	vld [tilespmem:$0x20];
	(pc) =	sbr.rel @p0 .LBB2_4-.Ltmp2, $4  }
0x6b: {  	v6 =	vld [tilespmem:$0x10]  }
0x6c: {  	v4 =	vld [tilespmem:$0x110];
	v10 =	vmul.u32 $0x2710, v2  }
0x6d: {  	v2 =	vmul.u32 $0x2710, v5;
	v7 =	vld [tilespmem:$0x90]  }
0x6e: {  	v5 =	vld [tilespmem:$0xB0];
	v8 =	vadd.s32 v8, v10;
	v9 =	vadd.s32 v10, v9  }
0x6f: {  	v3 =	vmul.u32 $0x2710, v3  }
0x70: {  	v10 =	vld [tilespmem:$0x100];
	[tilespmem:$0x240] =	vst v9;
	v6 =	vmul.u32 $0x2710, v6  }
0x71: {  	v57 =	vld [tilespmem:$0x120];
	[tilespmem:$0x1C0] =	vst v8;
	v0 =	vadd.s32 v3, v0  }
0x72: {  	v58 =	vld [tilespmem:$0x80];
	v7 =	vadd.s32 v7, v6;
	[tilespmem:$0x230] =	vst v0  }
0x73: {  	v59 =	vld [tilespmem:$0xA0];
	v4 =	vadd.s32 v6, v4;
	[tilespmem:$0x190] =	vst v7  }
0x74: {  	v1 =	vmul.u32 $0x2710, v1;
	v5 =	vadd.s32 v5, v3;
	[tilespmem:$0x210] =	vst v4  }
0x75: {  	[tilespmem:$0x1B0] =	vst v5;
	v60 =	vadd.s32 v2, v10  }
0x76: {  	v61 =	vadd.s32 v1, v57;
	[tilespmem:$0x200] =	vst v60  }
0x77: {  	v62 =	vadd.s32 v58, v2;
	[tilespmem:$0x220] =	vst v61  }
0x78: {  	v63 =	vadd.s32 v59, v1;
	[tilespmem:$0x180] =	vst v62  }
0x79: {  	s16 =	sadd.s32 s22, s16;
	[tilespmem:$0x1A0] =	vst v63  }
0x7a: {  	[hbm4b:s16+s13] =	stream.linear.scatter [tilespmem:s17], [sflag:$0x1], $0x50, $0x38;
	[tilespmem:$0x3210] =	vst v63  }
0x7b: {  	_ =	swait.ge [sflag:s12], $0x50  }
0x7c: {  	[sflag:s12] =	ssyncset.done $0x0  }
0x7d: {  	[sflag:s12] =	ssyncadd.s32 $0xFFFFFFB0  }
0x7e: {  	[spmem:s2] =	stream.indirect.scatter.add.f32 [tilespmem:s18], [sflag:$0x1], $0x1, s15, s14, $0xb8;
	[tilespmem:$0x3210] =	vst v63  }
0x7f: {  	_ =	swait.ge [sflag:s12], $0x50  }
0x80: {  	[sflag:s12] =	ssyncset.done $0x0  }
0x81: {  	[sflag:s12] =	ssyncadd.s32 $0xFFFFFFB0  }
0x82: {  	s30 =	simm.s32 $0x300;
	s31 =	simm.s32 $0x1;
	[bflag:$0x0] =	sbarrier.arrive $0xFFFF  }
0x83: {  	[tilespmem:s30], [sflag:$0x1] =	stream.linear.gather [spmem:s11], $0x7D0, $0x38;
	[tilespmem:$0x3210] =	vst v63  }
0x84: {  	_ =	swait.ge [sflag:s31], $0x7D0  }
0x85: {  	[sflag:s31] =	ssyncset.done $0x0  }
0x86: {  	s13 =	simm.s32 $0x40;
	s12 =	simm.s32 $0x0;
	[sflag:s31] =	ssyncadd.s32 $0xFFFFF830  }
.LBB2_6:
0x87: {  	p0 =	sne.s32 s13, $0x1F00;
	v0 =	vld [tilespmem:s12+$0x300];
	_ =	sdelay $0x4  }
0x88: {  	v0 =	vmax.f32 v0, $1.000000000e+00  }
0x89: {  	(erf) = vrcp.f32 v0;
	_ =	sdelay $0x5  }
.Ltmp3:
0x8a: {  	(pc) =	sbr.rel @p0 .LBB2_6-.Ltmp3, $3  }
0x8b: {  	_ =	sdelay $0x1  }
0x8c: {  	v0 =	vpop (erf)  }
0x8d: {  	[tilespmem:s12+$0x300] =	vst v0;
	s12 =	sshra.s32 s13, $0x2;
	s13 =	sadd.s32 $0x40, s13  }
0x8e: {  	v0 =	vld [tilespmem:s12+$0x300];
	_ =	sdelay $0x4  }
0x8f: {  	v0 =	vmax.f32 v0, $1.000000000e+00  }
0x90: {  	(erf) = vrcp.f32 v0;
	_ =	sdelay $0x8  }
0x91: {  	v0 =	vpop (erf)  }
0x92: {  	s30 =	simm.s32 $0x300;
	s31 =	simm.s32 $0x1;
	[tilespmem:s12+$0x300] =	vst v0  }
0x93: {  	[spmem:s11] =	stream.linear.scatter [tilespmem:s30], [sflag:$0x1], $0x7D0, $0x38;
	[tilespmem:$0x3210] =	vst v63  }
0x94: {  	_ =	swait.ge [sflag:s31], $0x7D0  }
0x95: {  	[sflag:s31] =	ssyncset.done $0x0  }
0x96: {  	[sflag:s31] =	ssyncadd.s32 $0xFFFFF830  }
0x97: {  	[tilespmem:s30], [sflag:$0x1] =	stream.linear.gather [spmem:s10], $0x7D0, $0x38;
	[tilespmem:$0x3210] =	vst v63  }
0x98: {  	_ =	swait.ge [sflag:s31], $0x7D0  }
0x99: {  	[sflag:s31] =	ssyncset.done $0x0  }
0x9a: {  	s12 =	simm.s32 $0x40;
	s11 =	simm.s32 $0x0;
	[sflag:s31] =	ssyncadd.s32 $0xFFFFF830  }
.LBB2_8:
0x9b: {  	p0 =	sne.s32 s12, $0x1F00;
	v0 =	vld [tilespmem:s11+$0x300];
	_ =	sdelay $0x4  }
0x9c: {  	v0 =	vmax.f32 v0, $1.000000000e+00  }
0x9d: {  	(erf) = vrcp.f32 v0;
	_ =	sdelay $0x5  }
.Ltmp4:
0x9e: {  	(pc) =	sbr.rel @p0 .LBB2_8-.Ltmp4, $3  }
0x9f: {  	_ =	sdelay $0x1  }
0xa0: {  	v0 =	vpop (erf)  }
0xa1: {  	[tilespmem:s11+$0x300] =	vst v0;
	s11 =	sshra.s32 s12, $0x2;
	s12 =	sadd.s32 $0x40, s12  }
0xa2: {  	v0 =	vld [tilespmem:s11+$0x300];
	_ =	sdelay $0x4  }
0xa3: {  	v0 =	vmax.f32 v0, $1.000000000e+00  }
0xa4: {  	(erf) = vrcp.f32 v0;
	_ =	sdelay $0x8  }
0xa5: {  	v0 =	vpop (erf)  }
0xa6: {  	s30 =	simm.s32 $0x300;
	s31 =	simm.s32 $0x1;
	[tilespmem:s11+$0x300] =	vst v0  }
0xa7: {  	[spmem:s10] =	stream.linear.scatter [tilespmem:s30], [sflag:$0x1], $0x7D0, $0x38;
	[tilespmem:$0x3210] =	vst v63  }
0xa8: {  	_ =	swait.ge [sflag:s31], $0x7D0  }
0xa9: {  	[sflag:s31] =	ssyncset.done $0x0  }
0xaa: {  	[sflag:s31] =	ssyncadd.s32 $0xFFFFF830  }
0xab: {  	[tilespmem:s30], [sflag:$0x1] =	stream.linear.gather [spmem:s9], $0x7D0, $0x38;
	[tilespmem:$0x3210] =	vst v63  }
0xac: {  	_ =	swait.ge [sflag:s31], $0x7D0  }
0xad: {  	[sflag:s31] =	ssyncset.done $0x0  }
0xae: {  	s11 =	simm.s32 $0x40;
	s10 =	simm.s32 $0x0;
	[sflag:s31] =	ssyncadd.s32 $0xFFFFF830  }
.LBB2_10:
0xaf: {  	p0 =	sne.s32 s11, $0x1F00;
	v0 =	vld [tilespmem:s10+$0x300];
	_ =	sdelay $0x4  }
0xb0: {  	v0 =	vmax.f32 v0, $1.000000000e+00  }
0xb1: {  	(erf) = vrcp.f32 v0;
	_ =	sdelay $0x5  }
.Ltmp5:
0xb2: {  	(pc) =	sbr.rel @p0 .LBB2_10-.Ltmp5, $3  }
0xb3: {  	_ =	sdelay $0x1  }
0xb4: {  	v0 =	vpop (erf)  }
0xb5: {  	[tilespmem:s10+$0x300] =	vst v0;
	s10 =	sshra.s32 s11, $0x2;
	s11 =	sadd.s32 $0x40, s11  }
0xb6: {  	v0 =	vld [tilespmem:s10+$0x300];
	_ =	sdelay $0x4  }
0xb7: {  	v0 =	vmax.f32 v0, $1.000000000e+00  }
0xb8: {  	(erf) = vrcp.f32 v0;
	_ =	sdelay $0x8  }
0xb9: {  	v0 =	vpop (erf)  }
0xba: {  	s30 =	simm.s32 $0x300;
	s31 =	simm.s32 $0x1;
	[tilespmem:s10+$0x300] =	vst v0  }
0xbb: {  	[spmem:s9] =	stream.linear.scatter [tilespmem:s30], [sflag:$0x1], $0x7D0, $0x38;
	[tilespmem:$0x3210] =	vst v63  }
0xbc: {  	_ =	swait.ge [sflag:s31], $0x7D0  }
0xbd: {  	[sflag:s31] =	ssyncset.done $0x0  }
0xbe: {  	[sflag:s31] =	ssyncadd.s32 $0xFFFFF830  }
0xbf: {  	[tilespmem:s30], [sflag:$0x1] =	stream.linear.gather [spmem:s8], $0x7D0, $0x38;
	[tilespmem:$0x3210] =	vst v63  }
0xc0: {  	_ =	swait.ge [sflag:s31], $0x7D0  }
0xc1: {  	[sflag:s31] =	ssyncset.done $0x0  }
0xc2: {  	s10 =	simm.s32 $0x40;
	s9 =	simm.s32 $0x0;
	[sflag:s31] =	ssyncadd.s32 $0xFFFFF830  }
.LBB2_12:
0xc3: {  	p0 =	sne.s32 s10, $0x1F00;
	v0 =	vld [tilespmem:s9+$0x300];
	_ =	sdelay $0x4  }
0xc4: {  	v0 =	vmax.f32 v0, $1.000000000e+00  }
0xc5: {  	(erf) = vrcp.f32 v0;
	_ =	sdelay $0x5  }
.Ltmp6:
0xc6: {  	(pc) =	sbr.rel @p0 .LBB2_12-.Ltmp6, $3  }
0xc7: {  	_ =	sdelay $0x1  }
0xc8: {  	v0 =	vpop (erf)  }
0xc9: {  	[tilespmem:s9+$0x300] =	vst v0;
	s9 =	sshra.s32 s10, $0x2;
	s10 =	sadd.s32 $0x40, s10  }
0xca: {  	v0 =	vld [tilespmem:s9+$0x300];
	_ =	sdelay $0x4  }
0xcb: {  	v0 =	vmax.f32 v0, $1.000000000e+00  }
0xcc: {  	(erf) = vrcp.f32 v0;
	_ =	sdelay $0x8  }
0xcd: {  	v0 =	vpop (erf)  }
0xce: {  	s30 =	simm.s32 $0x300;
	s31 =	simm.s32 $0x1;
	[tilespmem:s9+$0x300] =	vst v0  }
0xcf: {  	[spmem:s8] =	stream.linear.scatter [tilespmem:s30], [sflag:$0x1], $0x7D0, $0x38;
	[tilespmem:$0x3210] =	vst v63  }
0xd0: {  	_ =	swait.ge [sflag:s31], $0x7D0  }
0xd1: {  	[sflag:s31] =	ssyncset.done $0x0  }
0xd2: {  	[sflag:s31] =	ssyncadd.s32 $0xFFFFF830  }
0xd3: {  	[tilespmem:s30], [sflag:$0x1] =	stream.linear.gather [spmem:s6], $0x7D0, $0x38;
	[tilespmem:$0x3210] =	vst v63  }
0xd4: {  	_ =	swait.ge [sflag:s31], $0x7D0  }
0xd5: {  	[sflag:s31] =	ssyncset.done $0x0  }
0xd6: {  	s9 =	simm.s32 $0x40;
	s8 =	simm.s32 $0x0;
	[sflag:s31] =	ssyncadd.s32 $0xFFFFF830  }
.LBB2_14:
0xd7: {  	p0 =	sne.s32 s9, $0x1F00;
	v0 =	vld [tilespmem:s8+$0x300];
	_ =	sdelay $0x4  }
0xd8: {  	v0 =	vmax.f32 v0, $1.000000000e+00  }
0xd9: {  	(erf) = vrcp.f32 v0;
	_ =	sdelay $0x5  }
.Ltmp7:
0xda: {  	(pc) =	sbr.rel @p0 .LBB2_14-.Ltmp7, $3  }
0xdb: {  	_ =	sdelay $0x1  }
0xdc: {  	v0 =	vpop (erf)  }
0xdd: {  	[tilespmem:s8+$0x300] =	vst v0;
	s8 =	sshra.s32 s9, $0x2;
	s9 =	sadd.s32 $0x40, s9  }
0xde: {  	v0 =	vld [tilespmem:s8+$0x300];
	_ =	sdelay $0x4  }
0xdf: {  	v0 =	vmax.f32 v0, $1.000000000e+00  }
0xe0: {  	(erf) = vrcp.f32 v0;
	_ =	sdelay $0x8  }
0xe1: {  	v0 =	vpop (erf)  }
0xe2: {  	s31 =	simm.s32 $0x300;
	[tilespmem:s8+$0x300] =	vst v0  }
0xe3: {  	[spmem:s6] =	stream.linear.scatter [tilespmem:s31], [sflag:$0x1], $0x7D0, $0x38;
	[tilespmem:$0x3210] =	vst v63  }
0xe4: {  	s6 =	simm.s32 $0x1  }
0xe5: {  	_ =	swait.ge [sflag:s6], $0x7D0  }
0xe6: {  	[sflag:s6] =	ssyncset.done $0x0  }
0xe7: {  	[sflag:s6] =	ssyncadd.s32 $0xFFFFF830  }
0xe8: {  	s9 =	sadd.s32 $0x0, s3;
	s8 =	simm.s32 $0x0;
	[bflag:$0x0] =	sbarrier.arrive $0xFFFF  }
0xe9: {  	[tilespmem:s8], [sflag:$0x1] =	stream.linear.gather [hbm4b:s9+s8], $0x50, $0x38;
	[tilespmem:$0x3210] =	vst v63  }
0xea: {  	_ =	swait.ge [sflag:s6], $0x50  }
0xeb: {  	[sflag:s6] =	ssyncset.done $0x0  }
0xec: {  	s10 =	sadd.s32 $0x0, s4;
	s9 =	simm.s32 $0x100;
	[sflag:s6] =	ssyncadd.s32 $0xFFFFFFB0  }
0xed: {  	[tilespmem:s9], [sflag:$0x1] =	stream.linear.gather [hbm4b:s10+s8], $0x50, $0x38;
	[tilespmem:$0x3210] =	vst v63  }
0xee: {  	_ =	swait.ge [sflag:s6], $0x50  }
0xef: {  	[sflag:s6] =	ssyncset.done $0x0  }
0xf0: {  	[sflag:s6] =	ssyncadd.s32 $0xFFFFFFB0  }
0xf1: {  	v0 =	vld [tilespmem:$0x140]  }
0xf2: {  	v3 =	vld [tilespmem:$0x40]  }
0xf3: {  	v1 =	vld [tilespmem:$0x110]  }
0xf4: {  	v2 =	vld [tilespmem:$0x130]  }
0xf5: {  	v4 =	vld [tilespmem:$0x30]  }
0xf6: {  	v5 =	vld [tilespmem:$0x10]  }
0xf7: {  	v6 =	vld [tilespmem:$0x20];
	v3 =	vmul.u32 $0x2710, v3  }
0xf8: {  	v7 =	vld [tilespmem:$0x0]  }
0xf9: {  	v8 =	vld [tilespmem:$0x120];
	v0 =	vadd.s32 v0, v3  }
0xfa: {  	v4 =	vmul.u32 $0x2710, v4;
	[tilespmem:$0x240] =	vst v0;
	v0 =	vld [tilespmem:$0x100]  }
0xfb: {  	v5 =	vmul.u32 $0x2710, v5  }
0xfc: {  	v3 =	vmul.u32 $0x2710, v6;
	v2 =	vadd.s32 v2, v4  }
0xfd: {  	s5 =	sadd.s32 s7, s5;
	s11 =	simm.s32 $0x200;
	s7 =	simm.s32 $0x280;
	v63 =	vadd.s32 v1, v5;
	v1 =	vmul.u32 $0x2710, v7;
	[tilespmem:$0x230] =	vst v2  }
0xfe: {  	s13 =	simm.s32 $0xA;
	s12 =	simm.s32 $0x0;
	s10 =	simm.s32 $0x50;
	[tilespmem:$0x210] =	vst v63;
	v2 =	vadd.s32 v8, v3  }
.LBB2_16:
0xff: {  	p0 =	sne.s32 s13, $0x9BA;
	v0 =	vadd.s32 v0, v1;
	[tilespmem:$0x220] =	vst v2;
	s14 =	smov.u32 s13;
	s13 =	sadd.s32 $0xA, s13  }
0x100: {  	[tilespmem:$0x200] =	vst v0  }
0x101: {  	[tilespmem:s7], [sflag:$0x1] =	stream.indirect.gather [spmem:s2], $0x1, s11, s10, $0xb8;
	[tilespmem:$0x3210] =	vst v63  }
0x102: {  	_ =	swait.ge [sflag:s6], $0x50  }
0x103: {  	[sflag:s6] =	ssyncset.done $0x0  }
0x104: {  	s15 =	sadd.s32 s12, s5;
	s12 =	smov.u32 s14;
	[sflag:s6] =	ssyncadd.s32 $0xFFFFFFB0  }
0x105: {  	[hbm4b:s15+s8] =	stream.linear.scatter [tilespmem:s7], [sflag:$0x1], $0x50, $0x38;
	[tilespmem:$0x3210] =	vst v63  }
0x106: {  	s14 =	sadd.s32 s12, s3;
	_ =	swait.ge [sflag:s6], $0x50  }
0x107: {  	[sflag:s6] =	ssyncset.done $0x0  }
0x108: {  	[sflag:s6] =	ssyncadd.s32 $0xFFFFFFB0  }
0x109: {  	[tilespmem:s8], [sflag:$0x1] =	stream.linear.gather [hbm4b:s14+s8], $0x50, $0x38;
	[tilespmem:$0x3210] =	vst v63  }
0x10a: {  	_ =	swait.ge [sflag:s6], $0x50  }
0x10b: {  	[sflag:s6] =	ssyncset.done $0x0  }
0x10c: {  	s14 =	sadd.s32 s12, s4;
	[sflag:s6] =	ssyncadd.s32 $0xFFFFFFB0  }
0x10d: {  	[tilespmem:s9], [sflag:$0x1] =	stream.linear.gather [hbm4b:s14+s8], $0x50, $0x38;
	[tilespmem:$0x3210] =	vst v63  }
0x10e: {  	_ =	swait.ge [sflag:s6], $0x50  }
0x10f: {  	[sflag:s6] =	ssyncset.done $0x0  }
0x110: {  	[sflag:s6] =	ssyncadd.s32 $0xFFFFFFB0  }
0x111: {  	v1 =	vld [tilespmem:$0x140]  }
0x112: {  	v2 =	vld [tilespmem:$0x110]  }
0x113: {  	v3 =	vld [tilespmem:$0x130]  }
0x114: {  	v0 =	vld [tilespmem:$0x40]  }
0x115: {  	v4 =	vld [tilespmem:$0x30]  }
0x116: {  	v5 =	vld [tilespmem:$0x10]  }
0x117: {  	v6 =	vld [tilespmem:$0x20]  }
0x118: {  	v7 =	vld [tilespmem:$0x0]  }
0x119: {  	v8 =	vld [tilespmem:$0x120];
	v9 =	vmul.u32 $0x2710, v0  }
.Ltmp8:
0x11a: {  	v0 =	vld [tilespmem:$0x100];
	v4 =	vmul.u32 $0x2710, v4;
	(pc) =	sbr.rel @p0 .LBB2_16-.Ltmp8, $4  }
0x11b: {  	v5 =	vmul.u32 $0x2710, v5;
	v1 =	vadd.s32 v1, v9  }
0x11c: {  	v6 =	vmul.u32 $0x2710, v6;
	v3 =	vadd.s32 v3, v4;
	[tilespmem:$0x240] =	vst v1  }
0x11d: {  	v1 =	vmul.u32 $0x2710, v7;
	v2 =	vadd.s32 v2, v5;
	[tilespmem:$0x230] =	vst v3  }
0x11e: {  	[tilespmem:$0x210] =	vst v2;
	v2 =	vadd.s32 v8, v6  }
0x11f: {  	v0 =	vadd.s32 v0, v1;
	[tilespmem:$0x220] =	vst v2  }
0x120: {  	[tilespmem:$0x200] =	vst v0  }
0x121: {  	[tilespmem:s7], [sflag:$0x1] =	stream.indirect.gather [spmem:s2], $0x1, s11, s10, $0xb8;
	[tilespmem:$0x3210] =	vst v63  }
0x122: {  	_ =	swait.ge [sflag:s6], $0x50  }
0x123: {  	[sflag:s6] =	ssyncset.done $0x0  }
0x124: {  	s31 =	sadd.s32 s12, s5;
	[sflag:s6] =	ssyncadd.s32 $0xFFFFFFB0  }
0x125: {  	[hbm4b:s31+s8] =	stream.linear.scatter [tilespmem:s7], [sflag:$0x1], $0x50, $0x38;
	[tilespmem:$0x3210] =	vst v63  }
0x126: {  	_ =	swait.ge [sflag:s6], $0x50  }
0x127: {  	[sflag:s6] =	ssyncset.done $0x0  }
0x128: {  	[sflag:s6] =	ssyncadd.s32 $0xFFFFFFB0  }
.LBB2_18:
0x129: {  	_ =	sfence.sel $0x180000  }
0x12a: {  	[bflag:$0x0] =	sbarrier.arrive $0xFFFF  }
0x12b: {  	p0 =	sne.s32 s1, $0x0;
	_ =	strace $0x90000047  }
0x12c: {  	s0 =	sadd.s32 @!p0 $0x100000, s0;
	[bflag:$0x2] =	sbarrier.arrive $0xFFFF  }
0x12d: {  	[sflag:s0] =	ssyncadd.tile.s32 @!p0 $0x1;
	_ =	shalt  }
.Lfunc_end2:
_tile_overlayer_lowered:
.L_overlay_start_2:
0x12e: {  	(tag) =	ssettag $0x2  }
0x12f: {  	s0 =	rddreg [dreg:$0x0];
	s2 =	stileid.u32  }
0x130: {  	s1 =	rddreg [dreg:$0x1];
	p0 =	sne.s32 s2, $0x0  }
0x131: {  	s3 =	rddreg [dreg:$0x2];
	[bflag:$0x3] =	sbarrier.arrive $0xFFFF;
	s2 =	simm.s32 @!p0 $0x1C01  }
0x132: {  	[timem:s3], [sflag:s2] =	dma.local @!p0 [hbm:s0], s1  }
0x133: {  	s0 =	simm.s32 @!p0 $0x1  }
0x134: {  	_ =	swait.ge @!p0 [sflag:s0], s1  }
0x135: {  	s1 =	ssub.s32 @!p0 $0x0, s1;
	[sflag:s0] =	ssyncset.done @!p0 $0x0  }
0x136: {  	[sflag:s0] =	ssyncadd.s32 @!p0 s1  }
0x137: {  	[bflag:$0x3] =	sbarrier.arrive $0xFFFF  }
0x138: {  	_ =	shalt  }

</sc_bundles>
